<compile_context>
chip_gen: v7x
topology: tpu7x:2x2x1
jax: 0.10.2.dev20260603
libtpu: 0.0.44.dev20260713+nightly
codegen_flags: <defaults>
</compile_context>

<pallas_src>
import jax
import jax.numpy as jnp
from jax import lax
from jax.experimental import pallas as pl
from jax.experimental.pallas import tpu as pltpu
from jax.experimental.pallas import tpu_sc as plsc

VOCAB = 1000000
D = 64
PID_BASE = VOCAB - 3
NC, NS, L = 2, 16, 16
NW = NC * NS

BATCH = 4096
SEQ = 200
BL = 128
BT = BATCH // BL
LT, LI = SEQ // 8, 8
DT, DI = D // 8, 8
TROW = 129


def _sc_body(idx_hbm, pp_hbm, table_hbm, out_hbm,
             idx_v, rows_v, trans_v, pp_v, pos_v, off_v,
             sem0, sem1, osem0, osem1):
    wid = lax.axis_index("s") * NC + lax.axis_index("c")
    sems = (sem0, sem1)
    osems = (osem0, osem1)

    pltpu.sync_copy(pp_hbm, pp_v)
    for lt in range(LT):
        pltpu.sync_copy(idx_hbm.at[lt, wid], idx_v.at[lt])

    lanes = lax.iota(jnp.int32, L)

    def fire(blk, buf):
        pltpu.async_copy(table_hbm.at[idx_v.at[blk // LI, blk % LI]],
                         rows_v.at[buf], sems[buf])

    def finish(blk, buf):
        pltpu.make_async_copy(table_hbm.at[idx_v.at[blk // LI, blk % LI]],
                              rows_v.at[buf], sems[buf]).wait()

        cnt = jnp.int32(0)
        for k in range(BL // L):
            v = idx_v[blk // LI, blk % LI, pl.ds(k * L, L)]
            m = v >= PID_BASE
            loc = lanes + k * L
            plsc.store_compressed(pos_v.at[pl.ds(cnt, L)], loc, mask=m)
            plsc.store_compressed(off_v.at[pl.ds(cnt, L)], v - PID_BASE,
                                  mask=m)
            cnt = cnt + jnp.sum(m.astype(jnp.int32))

        def fix(i, c):
            p = pos_v[pl.ds(i, L)][0]
            o = off_v[pl.ds(i, L)][0]
            for kk in range(D // L):
                sl = pl.ds(kk * L, L)
                rows_v[buf, p, sl] = pp_v[o, sl]
            return c

        lax.fori_loop(0, cnt, fix, 0)

        @pl.when(blk >= 2)
        def _():
            for dt in range(DT):
                pltpu.make_async_copy(
                    trans_v.at[buf, pl.ds(dt * DI, DI), pl.ds(0, BL)],
                    out_hbm.at[blk - 2, dt, wid], osems[buf]).wait()

        @plsc.parallel_loop(0, BL, unroll=8)
        def _(r):
            cvec = jnp.broadcast_to(r, (L,)).astype(jnp.int32)
            for g4 in range(D // L):
                dvec = lanes + g4 * L
                vals = rows_v[buf, r, pl.ds(g4 * L, L)]
                plsc.store_scatter(trans_v.at[buf], [dvec, cvec], vals)

        for dt in range(DT):
            pltpu.async_copy(trans_v.at[buf, pl.ds(dt * DI, DI), pl.ds(0, BL)],
                             out_hbm.at[blk, dt, wid], osems[buf])

    fire(0, 0)

    def loop_body(t, carry):
        blk0 = 2 * t
        fire(blk0 + 1, 1)
        finish(blk0, 0)

        @pl.when(blk0 + 2 < SEQ)
        def _():
            fire(blk0 + 2, 0)

        finish(blk0 + 1, 1)
        return carry

    lax.fori_loop(0, SEQ // 2, loop_body, 0)

    for blk, buf in ((SEQ - 2, 0), (SEQ - 1, 1)):
        for dt in range(DT):
            pltpu.make_async_copy(
                trans_v.at[buf, pl.ds(dt * DI, DI), pl.ds(0, BL)],
                out_hbm.at[blk, dt, wid], osems[buf]).wait()


@jax.jit
def _run(idx5, prompt_params, table):
    mesh = plsc.VectorSubcoreMesh(core_axis_name="c", subcore_axis_name="s",
                                  num_cores=NC, num_subcores=NS)
    f = pl.kernel(
        _sc_body,
        out_type=jax.ShapeDtypeStruct((SEQ, DT, BT, DI, BL), jnp.float32),
        mesh=mesh,
        scratch_types=[
            pltpu.VMEM((LT, LI, BL), jnp.int32),
            pltpu.VMEM((2, BL, 2 * D), jnp.float32),
            pltpu.VMEM((2, D, TROW), jnp.float32),
            pltpu.VMEM((4, D), jnp.float32),
            pltpu.VMEM((BL + L,), jnp.int32),
            pltpu.VMEM((BL + L,), jnp.int32),
            pltpu.SemaphoreType.DMA,
            pltpu.SemaphoreType.DMA,
            pltpu.SemaphoreType.DMA,
            pltpu.SemaphoreType.DMA,
        ],
        compiler_params=pltpu.CompilerParams(needs_layout_passes=False,
                                             use_tc_tiling_on_sc=False),
    )
    return f(idx5, prompt_params, table)


def kernel(input, table, prompt_params):
    idx = input.astype(jnp.int32)
    table = jnp.pad(table.astype(jnp.float32), ((0, 0), (0, D)))
    idx5 = idx.T.reshape(LT, LI, BT, BL).transpose(0, 2, 1, 3)
    pp = jnp.concatenate(
        [prompt_params.astype(jnp.float32),
         jnp.zeros((1, D), jnp.float32)], axis=0)
    out5 = _run(idx5, pp, table)
    return out5.transpose(2, 4, 0, 1, 3).reshape(BATCH, SEQ, D)

# --- scband reference (transcript-rebuilt; emitter-appended) ---
"""Pipeline reference for scband-arp-injector-32315333935146 (READ-ONLY COPY).

The authoritative reference and input builder live on the scoring server;
editing this copy changes nothing except your own understanding.
"""

import jax, jax.numpy as jnp
import numpy as np

VOCAB = 1000000
EMBED_DIM = 64
PROMPT_IDS = (999997, 999998, 999999)


def setup_inputs(seed: int = 0) -> dict:
    key = jax.random.key(seed)
    k1, k2, k3 = jax.random.split(key, 3)
    input_ids = jax.random.randint(k1, (4096, 200), 0, VOCAB, dtype=jnp.int64)
    # ensure prompt tokens actually appear so the overwrite path is exercised
    input_ids = input_ids.at[:, 0].set(PROMPT_IDS[0])
    input_ids = input_ids.at[:, 1].set(PROMPT_IDS[1])
    input_ids = input_ids.at[:, 2].set(PROMPT_IDS[2])
    table = jax.random.normal(k2, (VOCAB, EMBED_DIM), dtype=jnp.float32) * 0.02
    prompt_params = jax.random.normal(k3, (len(PROMPT_IDS), EMBED_DIM), dtype=jnp.float32)
    return {"input": input_ids, "table": table, "prompt_params": prompt_params}


def reference(input, table, prompt_params):
    # embeddings = self.embedder(input)
    embeddings = jnp.take(table, input, axis=0)  # [B, L, D]
    # for each prompt id, overwrite matching positions with its learned parameter
    for i, pid in enumerate(PROMPT_IDS):
        mask = (input == pid)[..., None]  # [B, L, 1]
        embeddings = jnp.where(mask, prompt_params[i][None, None, :], embeddings)
    return embeddings

if __name__ == "__main__":
    import jax
    _d = setup_inputs()
    print(jax.jit(kernel)(*tuple(_d.values())))

</pallas_src>

<mosaic_0001>
#map = affine_map<(d0, d1) -> (0, 0, 0, 0)>
#map1 = affine_map<(d0, d1) -> (0, 0)>
#map2 = affine_map<(d0, d1) -> (0, 0, 0, 0, 0)>
module attributes {stable_mosaic.version = 14 : i64} {
  func.func @_sc_body(%arg0: i32, %arg1: i32, %arg2: memref<25x32x8x128xi32, #tpu.memory_space<hbm>>, %arg3: memref<4x64xf32, #tpu.memory_space<hbm>>, %arg4: memref<1000000x128xf32, #tpu.memory_space<hbm>>, %arg5: memref<200x8x32x8x128xf32, #tpu.memory_space<hbm>>, %arg6: memref<25x8x128xi32, #tpu.memory_space<vmem>>, %arg7: memref<2x128x128xf32, #tpu.memory_space<vmem>>, %arg8: memref<2x64x129xf32, #tpu.memory_space<vmem>>, %arg9: memref<4x64xf32, #tpu.memory_space<vmem>>, %arg10: memref<144xi32, #tpu.memory_space<vmem>>, %arg11: memref<144xi32, #tpu.memory_space<vmem>>, %arg12: memref<!tpu.dma_semaphore, #tpu.memory_space<semaphore_mem>>, %arg13: memref<!tpu.dma_semaphore, #tpu.memory_space<semaphore_mem>>, %arg14: memref<!tpu.dma_semaphore, #tpu.memory_space<semaphore_mem>>, %arg15: memref<!tpu.dma_semaphore, #tpu.memory_space<semaphore_mem>>) attributes {dimension_semantics = [#tpu.dimension_semantics<core_parallel>, #tpu.dimension_semantics<subcore_parallel>], iteration_bounds = array<i64: 2, 16>, scalar_prefetch = 0 : i64, scratch_operands = 10 : i64, tpu.core_type = #tpu.core_type<sc_vector_subcore>, window_params = [{transform_indices = #map}, {transform_indices = #map1}, {transform_indices = #map1}, {transform_indices = #map2}]} {
    %mul3A = arith.constant 2 : i32
    %mul3A_0 = arith.muli %arg1, %mul3A : i32
    %add3A = arith.addi %mul3A_0, %arg0 : i32
    "tpu.region"() ({
      %run_scoped3A_370 = tpu.sem_alloc : memref<!tpu.dma_semaphore, #tpu.memory_space<semaphore_mem>>
      tpu.enqueue_dma source(%arg3 : memref<4x64xf32, #tpu.memory_space<hbm>>) target(%arg9 : memref<4x64xf32, #tpu.memory_space<vmem>>) target_semaphore(%run_scoped3A_370 : memref<!tpu.dma_semaphore, #tpu.memory_space<semaphore_mem>>)
      tpu.wait_dma2 semaphore(%run_scoped3A_370 : memref<!tpu.dma_semaphore, #tpu.memory_space<semaphore_mem>>) src(%arg3 : memref<4x64xf32, #tpu.memory_space<hbm>>) dst(%arg9 : memref<4x64xf32, #tpu.memory_space<vmem>>)
      tpu.yield
    }) : () -> ()
    %run_scoped3A = arith.constant 0 : i32
    %run_scoped3A_1 = arith.constant 0 : i32
    "tpu.region"() ({
      %run_scoped3A_370 = tpu.sem_alloc : memref<!tpu.dma_semaphore, #tpu.memory_space<semaphore_mem>>
      %dma_start3A_371 = arith.constant 0 : i32
      %dma_start3A_372 = arith.constant 0 : i32
      %dma_start3A_373 = tpu.memref_slice %arg6[%run_scoped3A_1, %dma_start3A_371, %dma_start3A_372] : memref<25x8x128xi32, #tpu.memory_space<vmem>> -> memref<1x8x128xi32, #tpu.memory_space<vmem>>
      %dma_start3A_374 = tpu.memref_squeeze %dma_start3A_373 : memref<1x8x128xi32, #tpu.memory_space<vmem>> -> memref<8x128xi32, #tpu.memory_space<vmem>>
      %dma_start3A_375 = arith.constant 0 : i32
      %dma_start3A_376 = arith.constant 0 : i32
      %dma_start3A_377 = tpu.memref_slice %arg2[%run_scoped3A, %add3A, %dma_start3A_375, %dma_start3A_376] : memref<25x32x8x128xi32, #tpu.memory_space<hbm>> -> memref<1x1x8x128xi32, #tpu.memory_space<hbm>>
      %dma_start3A_378 = tpu.memref_squeeze %dma_start3A_377 : memref<1x1x8x128xi32, #tpu.memory_space<hbm>> -> memref<8x128xi32, #tpu.memory_space<hbm>>
      %dma_start3A_379 = arith.constant 0 : i32
      %dma_start3A_380 = arith.constant 0 : i32
      %dma_start3A_381 = tpu.memref_slice %arg6[%run_scoped3A_1, %dma_start3A_379, %dma_start3A_380] : memref<25x8x128xi32, #tpu.memory_space<vmem>> -> memref<1x8x128xi32, #tpu.memory_space<vmem>>
      %dma_start3A_382 = tpu.memref_squeeze %dma_start3A_381 : memref<1x8x128xi32, #tpu.memory_space<vmem>> -> memref<8x128xi32, #tpu.memory_space<vmem>>
      %dma_start3A_383 = arith.constant 0 : i32
      %dma_start3A_384 = arith.constant 0 : i32
      %dma_start3A_385 = tpu.memref_slice %arg2[%run_scoped3A, %add3A, %dma_start3A_383, %dma_start3A_384] : memref<25x32x8x128xi32, #tpu.memory_space<hbm>> -> memref<1x1x8x128xi32, #tpu.memory_space<hbm>>
      %dma_start3A_386 = tpu.memref_squeeze %dma_start3A_385 : memref<1x1x8x128xi32, #tpu.memory_space<hbm>> -> memref<8x128xi32, #tpu.memory_space<hbm>>
      tpu.enqueue_dma source(%dma_start3A_386 : memref<8x128xi32, #tpu.memory_space<hbm>>) target(%dma_start3A_382 : memref<8x128xi32, #tpu.memory_space<vmem>>) target_semaphore(%run_scoped3A_370 : memref<!tpu.dma_semaphore, #tpu.memory_space<semaphore_mem>>)
      %dma_wait3A_387 = arith.constant 0 : i32
      %dma_wait3A_388 = arith.constant 0 : i32
      %dma_wait3A_389 = tpu.memref_slice %arg6[%run_scoped3A_1, %dma_wait3A_387, %dma_wait3A_388] : memref<25x8x128xi32, #tpu.memory_space<vmem>> -> memref<1x8x128xi32, #tpu.memory_space<vmem>>
      %dma_wait3A_390 = tpu.memref_squeeze %dma_wait3A_389 : memref<1x8x128xi32, #tpu.memory_space<vmem>> -> memref<8x128xi32, #tpu.memory_space<vmem>>
      %dma_wait3A_391 = arith.constant 0 : i32
      %dma_wait3A_392 = arith.constant 0 : i32
      %dma_wait3A_393 = tpu.memref_slice %arg2[%run_scoped3A, %add3A, %dma_wait3A_391, %dma_wait3A_392] : memref<25x32x8x128xi32, #tpu.memory_space<hbm>> -> memref<1x1x8x128xi32, #tpu.memory_space<hbm>>
      %dma_wait3A_394 = tpu.memref_squeeze %dma_wait3A_393 : memref<1x1x8x128xi32, #tpu.memory_space<hbm>> -> memref<8x128xi32, #tpu.memory_space<hbm>>
      %dma_wait3A_395 = arith.constant 0 : i32
      %dma_wait3A_396 = arith.constant 0 : i32
      %dma_wait3A_397 = tpu.memref_slice %arg6[%run_scoped3A_1, %dma_wait3A_395, %dma_wait3A_396] : memref<25x8x128xi32, #tpu.memory_space<vmem>> -> memref<1x8x128xi32, #tpu.memory_space<vmem>>
      %dma_wait3A_398 = tpu.memref_squeeze %dma_wait3A_397 : memref<1x8x128xi32, #tpu.memory_space<vmem>> -> memref<8x128xi32, #tpu.memory_space<vmem>>
      %dma_wait3A_399 = arith.constant 0 : i32
      %dma_wait3A_400 = arith.constant 0 : i32
      %dma_wait3A_401 = tpu.memref_slice %arg2[%run_scoped3A, %add3A, %dma_wait3A_399, %dma_wait3A_400] : memref<25x32x8x128xi32, #tpu.memory_space<hbm>> -> memref<1x1x8x128xi32, #tpu.memory_space<hbm>>
      %dma_wait3A_402 = tpu.memref_squeeze %dma_wait3A_401 : memref<1x1x8x128xi32, #tpu.memory_space<hbm>> -> memref<8x128xi32, #tpu.memory_space<hbm>>
      tpu.wait_dma2 semaphore(%run_scoped3A_370 : memref<!tpu.dma_semaphore, #tpu.memory_space<semaphore_mem>>) src(%dma_wait3A_402 : memref<8x128xi32, #tpu.memory_space<hbm>>) dst(%dma_wait3A_398 : memref<8x128xi32, #tpu.memory_space<vmem>>)
      tpu.yield
    }) : () -> ()
    %run_scoped3A_2 = arith.constant 1 : i32
    %run_scoped3A_3 = arith.constant 1 : i32
    "tpu.region"() ({
      %run_scoped3A_370 = tpu.sem_alloc : memref<!tpu.dma_semaphore, #tpu.memory_space<semaphore_mem>>
      %dma_start3A_371 = arith.constant 0 : i32
      %dma_start3A_372 = arith.constant 0 : i32
      %dma_start3A_373 = tpu.memref_slice %arg6[%run_scoped3A_3, %dma_start3A_371, %dma_start3A_372] : memref<25x8x128xi32, #tpu.memory_space<vmem>> -> memref<1x8x128xi32, #tpu.memory_space<vmem>>
      %dma_start3A_374 = tpu.memref_squeeze %dma_start3A_373 : memref<1x8x128xi32, #tpu.memory_space<vmem>> -> memref<8x128xi32, #tpu.memory_space<vmem>>
      %dma_start3A_375 = arith.constant 0 : i32
      %dma_start3A_376 = arith.constant 0 : i32
      %dma_start3A_377 = tpu.memref_slice %arg2[%run_scoped3A_2, %add3A, %dma_start3A_375, %dma_start3A_376] : memref<25x32x8x128xi32, #tpu.memory_space<hbm>> -> memref<1x1x8x128xi32, #tpu.memory_space<hbm>>
      %dma_start3A_378 = tpu.memref_squeeze %dma_start3A_377 : memref<1x1x8x128xi32, #tpu.memory_space<hbm>> -> memref<8x128xi32, #tpu.memory_space<hbm>>
      %dma_start3A_379 = arith.constant 0 : i32
      %dma_start3A_380 = arith.constant 0 : i32
      %dma_start3A_381 = tpu.memref_slice %arg6[%run_scoped3A_3, %dma_start3A_379, %dma_start3A_380] : memref<25x8x128xi32, #tpu.memory_space<vmem>> -> memref<1x8x128xi32, #tpu.memory_space<vmem>>
      %dma_start3A_382 = tpu.memref_squeeze %dma_start3A_381 : memref<1x8x128xi32, #tpu.memory_space<vmem>> -> memref<8x128xi32, #tpu.memory_space<vmem>>
      %dma_start3A_383 = arith.constant 0 : i32
      %dma_start3A_384 = arith.constant 0 : i32
      %dma_start3A_385 = tpu.memref_slice %arg2[%run_scoped3A_2, %add3A, %dma_start3A_383, %dma_start3A_384] : memref<25x32x8x128xi32, #tpu.memory_space<hbm>> -> memref<1x1x8x128xi32, #tpu.memory_space<hbm>>
      %dma_start3A_386 = tpu.memref_squeeze %dma_start3A_385 : memref<1x1x8x128xi32, #tpu.memory_space<hbm>> -> memref<8x128xi32, #tpu.memory_space<hbm>>
      tpu.enqueue_dma source(%dma_start3A_386 : memref<8x128xi32, #tpu.memory_space<hbm>>) target(%dma_start3A_382 : memref<8x128xi32, #tpu.memory_space<vmem>>) target_semaphore(%run_scoped3A_370 : memref<!tpu.dma_semaphore, #tpu.memory_space<semaphore_mem>>)
      %dma_wait3A_387 = arith.constant 0 : i32
      %dma_wait3A_388 = arith.constant 0 : i32
      %dma_wait3A_389 = tpu.memref_slice %arg6[%run_scoped3A_3, %dma_wait3A_387, %dma_wait3A_388] : memref<25x8x128xi32, #tpu.memory_space<vmem>> -> memref<1x8x128xi32, #tpu.memory_space<vmem>>
      %dma_wait3A_390 = tpu.memref_squeeze %dma_wait3A_389 : memref<1x8x128xi32, #tpu.memory_space<vmem>> -> memref<8x128xi32, #tpu.memory_space<vmem>>
      %dma_wait3A_391 = arith.constant 0 : i32
      %dma_wait3A_392 = arith.constant 0 : i32
      %dma_wait3A_393 = tpu.memref_slice %arg2[%run_scoped3A_2, %add3A, %dma_wait3A_391, %dma_wait3A_392] : memref<25x32x8x128xi32, #tpu.memory_space<hbm>> -> memref<1x1x8x128xi32, #tpu.memory_space<hbm>>
      %dma_wait3A_394 = tpu.memref_squeeze %dma_wait3A_393 : memref<1x1x8x128xi32, #tpu.memory_space<hbm>> -> memref<8x128xi32, #tpu.memory_space<hbm>>
      %dma_wait3A_395 = arith.constant 0 : i32
      %dma_wait3A_396 = arith.constant 0 : i32
      %dma_wait3A_397 = tpu.memref_slice %arg6[%run_scoped3A_3, %dma_wait3A_395, %dma_wait3A_396] : memref<25x8x128xi32, #tpu.memory_space<vmem>> -> memref<1x8x128xi32, #tpu.memory_space<vmem>>
      %dma_wait3A_398 = tpu.memref_squeeze %dma_wait3A_397 : memref<1x8x128xi32, #tpu.memory_space<vmem>> -> memref<8x128xi32, #tpu.memory_space<vmem>>
      %dma_wait3A_399 = arith.constant 0 : i32
      %dma_wait3A_400 = arith.constant 0 : i32
      %dma_wait3A_401 = tpu.memref_slice %arg2[%run_scoped3A_2, %add3A, %dma_wait3A_399, %dma_wait3A_400] : memref<25x32x8x128xi32, #tpu.memory_space<hbm>> -> memref<1x1x8x128xi32, #tpu.memory_space<hbm>>
      %dma_wait3A_402 = tpu.memref_squeeze %dma_wait3A_401 : memref<1x1x8x128xi32, #tpu.memory_space<hbm>> -> memref<8x128xi32, #tpu.memory_space<hbm>>
      tpu.wait_dma2 semaphore(%run_scoped3A_370 : memref<!tpu.dma_semaphore, #tpu.memory_space<semaphore_mem>>) src(%dma_wait3A_402 : memref<8x128xi32, #tpu.memory_space<hbm>>) dst(%dma_wait3A_398 : memref<8x128xi32, #tpu.memory_space<vmem>>)
      tpu.yield
    }) : () -> ()
    %run_scoped3A_4 = arith.constant 2 : i32
    %run_scoped3A_5 = arith.constant 2 : i32
    "tpu.region"() ({
      %run_scoped3A_370 = tpu.sem_alloc : memref<!tpu.dma_semaphore, #tpu.memory_space<semaphore_mem>>
      %dma_start3A_371 = arith.constant 0 : i32
      %dma_start3A_372 = arith.constant 0 : i32
      %dma_start3A_373 = tpu.memref_slice %arg6[%run_scoped3A_5, %dma_start3A_371, %dma_start3A_372] : memref<25x8x128xi32, #tpu.memory_space<vmem>> -> memref<1x8x128xi32, #tpu.memory_space<vmem>>
      %dma_start3A_374 = tpu.memref_squeeze %dma_start3A_373 : memref<1x8x128xi32, #tpu.memory_space<vmem>> -> memref<8x128xi32, #tpu.memory_space<vmem>>
      %dma_start3A_375 = arith.constant 0 : i32
      %dma_start3A_376 = arith.constant 0 : i32
      %dma_start3A_377 = tpu.memref_slice %arg2[%run_scoped3A_4, %add3A, %dma_start3A_375, %dma_start3A_376] : memref<25x32x8x128xi32, #tpu.memory_space<hbm>> -> memref<1x1x8x128xi32, #tpu.memory_space<hbm>>
      %dma_start3A_378 = tpu.memref_squeeze %dma_start3A_377 : memref<1x1x8x128xi32, #tpu.memory_space<hbm>> -> memref<8x128xi32, #tpu.memory_space<hbm>>
      %dma_start3A_379 = arith.constant 0 : i32
      %dma_start3A_380 = arith.constant 0 : i32
      %dma_start3A_381 = tpu.memref_slice %arg6[%run_scoped3A_5, %dma_start3A_379, %dma_start3A_380] : memref<25x8x128xi32, #tpu.memory_space<vmem>> -> memref<1x8x128xi32, #tpu.memory_space<vmem>>
      %dma_start3A_382 = tpu.memref_squeeze %dma_start3A_381 : memref<1x8x128xi32, #tpu.memory_space<vmem>> -> memref<8x128xi32, #tpu.memory_space<vmem>>
      %dma_start3A_383 = arith.constant 0 : i32
      %dma_start3A_384 = arith.constant 0 : i32
      %dma_start3A_385 = tpu.memref_slice %arg2[%run_scoped3A_4, %add3A, %dma_start3A_383, %dma_start3A_384] : memref<25x32x8x128xi32, #tpu.memory_space<hbm>> -> memref<1x1x8x128xi32, #tpu.memory_space<hbm>>
      %dma_start3A_386 = tpu.memref_squeeze %dma_start3A_385 : memref<1x1x8x128xi32, #tpu.memory_space<hbm>> -> memref<8x128xi32, #tpu.memory_space<hbm>>
      tpu.enqueue_dma source(%dma_start3A_386 : memref<8x128xi32, #tpu.memory_space<hbm>>) target(%dma_start3A_382 : memref<8x128xi32, #tpu.memory_space<vmem>>) target_semaphore(%run_scoped3A_370 : memref<!tpu.dma_semaphore, #tpu.memory_space<semaphore_mem>>)
      %dma_wait3A_387 = arith.constant 0 : i32
      %dma_wait3A_388 = arith.constant 0 : i32
      %dma_wait3A_389 = tpu.memref_slice %arg6[%run_scoped3A_5, %dma_wait3A_387, %dma_wait3A_388] : memref<25x8x128xi32, #tpu.memory_space<vmem>> -> memref<1x8x128xi32, #tpu.memory_space<vmem>>
      %dma_wait3A_390 = tpu.memref_squeeze %dma_wait3A_389 : memref<1x8x128xi32, #tpu.memory_space<vmem>> -> memref<8x128xi32, #tpu.memory_space<vmem>>
      %dma_wait3A_391 = arith.constant 0 : i32
      %dma_wait3A_392 = arith.constant 0 : i32
      %dma_wait3A_393 = tpu.memref_slice %arg2[%run_scoped3A_4, %add3A, %dma_wait3A_391, %dma_wait3A_392] : memref<25x32x8x128xi32, #tpu.memory_space<hbm>> -> memref<1x1x8x128xi32, #tpu.memory_space<hbm>>
      %dma_wait3A_394 = tpu.memref_squeeze %dma_wait3A_393 : memref<1x1x8x128xi32, #tpu.memory_space<hbm>> -> memref<8x128xi32, #tpu.memory_space<hbm>>
      %dma_wait3A_395 = arith.constant 0 : i32
      %dma_wait3A_396 = arith.constant 0 : i32
      %dma_wait3A_397 = tpu.memref_slice %arg6[%run_scoped3A_5, %dma_wait3A_395, %dma_wait3A_396] : memref<25x8x128xi32, #tpu.memory_space<vmem>> -> memref<1x8x128xi32, #tpu.memory_space<vmem>>
      %dma_wait3A_398 = tpu.memref_squeeze %dma_wait3A_397 : memref<1x8x128xi32, #tpu.memory_space<vmem>> -> memref<8x128xi32, #tpu.memory_space<vmem>>
      %dma_wait3A_399 = arith.constant 0 : i32
      %dma_wait3A_400 = arith.constant 0 : i32
      %dma_wait3A_401 = tpu.memref_slice %arg2[%run_scoped3A_4, %add3A, %dma_wait3A_399, %dma_wait3A_400] : memref<25x32x8x128xi32, #tpu.memory_space<hbm>> -> memref<1x1x8x128xi32, #tpu.memory_space<hbm>>
      %dma_wait3A_402 = tpu.memref_squeeze %dma_wait3A_401 : memref<1x1x8x128xi32, #tpu.memory_space<hbm>> -> memref<8x128xi32, #tpu.memory_space<hbm>>
      tpu.wait_dma2 semaphore(%run_scoped3A_370 : memref<!tpu.dma_semaphore, #tpu.memory_space<semaphore_mem>>) src(%dma_wait3A_402 : memref<8x128xi32, #tpu.memory_space<hbm>>) dst(%dma_wait3A_398 : memref<8x128xi32, #tpu.memory_space<vmem>>)
      tpu.yield
    }) : () -> ()
    %run_scoped3A_6 = arith.constant 3 : i32
    %run_scoped3A_7 = arith.constant 3 : i32
    "tpu.region"() ({
      %run_scoped3A_370 = tpu.sem_alloc : memref<!tpu.dma_semaphore, #tpu.memory_space<semaphore_mem>>
      %dma_start3A_371 = arith.constant 0 : i32
      %dma_start3A_372 = arith.constant 0 : i32
      %dma_start3A_373 = tpu.memref_slice %arg6[%run_scoped3A_7, %dma_start3A_371, %dma_start3A_372] : memref<25x8x128xi32, #tpu.memory_space<vmem>> -> memref<1x8x128xi32, #tpu.memory_space<vmem>>
      %dma_start3A_374 = tpu.memref_squeeze %dma_start3A_373 : memref<1x8x128xi32, #tpu.memory_space<vmem>> -> memref<8x128xi32, #tpu.memory_space<vmem>>
      %dma_start3A_375 = arith.constant 0 : i32
      %dma_start3A_376 = arith.constant 0 : i32
      %dma_start3A_377 = tpu.memref_slice %arg2[%run_scoped3A_6, %add3A, %dma_start3A_375, %dma_start3A_376] : memref<25x32x8x128xi32, #tpu.memory_space<hbm>> -> memref<1x1x8x128xi32, #tpu.memory_space<hbm>>
      %dma_start3A_378 = tpu.memref_squeeze %dma_start3A_377 : memref<1x1x8x128xi32, #tpu.memory_space<hbm>> -> memref<8x128xi32, #tpu.memory_space<hbm>>
      %dma_start3A_379 = arith.constant 0 : i32
      %dma_start3A_380 = arith.constant 0 : i32
      %dma_start3A_381 = tpu.memref_slice %arg6[%run_scoped3A_7, %dma_start3A_379, %dma_start3A_380] : memref<25x8x128xi32, #tpu.memory_space<vmem>> -> memref<1x8x128xi32, #tpu.memory_space<vmem>>
      %dma_start3A_382 = tpu.memref_squeeze %dma_start3A_381 : memref<1x8x128xi32, #tpu.memory_space<vmem>> -> memref<8x128xi32, #tpu.memory_space<vmem>>
      %dma_start3A_383 = arith.constant 0 : i32
      %dma_start3A_384 = arith.constant 0 : i32
      %dma_start3A_385 = tpu.memref_slice %arg2[%run_scoped3A_6, %add3A, %dma_start3A_383, %dma_start3A_384] : memref<25x32x8x128xi32, #tpu.memory_space<hbm>> -> memref<1x1x8x128xi32, #tpu.memory_space<hbm>>
      %dma_start3A_386 = tpu.memref_squeeze %dma_start3A_385 : memref<1x1x8x128xi32, #tpu.memory_space<hbm>> -> memref<8x128xi32, #tpu.memory_space<hbm>>
      tpu.enqueue_dma source(%dma_start3A_386 : memref<8x128xi32, #tpu.memory_space<hbm>>) target(%dma_start3A_382 : memref<8x128xi32, #tpu.memory_space<vmem>>) target_semaphore(%run_scoped3A_370 : memref<!tpu.dma_semaphore, #tpu.memory_space<semaphore_mem>>)
      %dma_wait3A_387 = arith.constant 0 : i32
      %dma_wait3A_388 = arith.constant 0 : i32
      %dma_wait3A_389 = tpu.memref_slice %arg6[%run_scoped3A_7, %dma_wait3A_387, %dma_wait3A_388] : memref<25x8x128xi32, #tpu.memory_space<vmem>> -> memref<1x8x128xi32, #tpu.memory_space<vmem>>
      %dma_wait3A_390 = tpu.memref_squeeze %dma_wait3A_389 : memref<1x8x128xi32, #tpu.memory_space<vmem>> -> memref<8x128xi32, #tpu.memory_space<vmem>>
      %dma_wait3A_391 = arith.constant 0 : i32
      %dma_wait3A_392 = arith.constant 0 : i32
      %dma_wait3A_393 = tpu.memref_slice %arg2[%run_scoped3A_6, %add3A, %dma_wait3A_391, %dma_wait3A_392] : memref<25x32x8x128xi32, #tpu.memory_space<hbm>> -> memref<1x1x8x128xi32, #tpu.memory_space<hbm>>
      %dma_wait3A_394 = tpu.memref_squeeze %dma_wait3A_393 : memref<1x1x8x128xi32, #tpu.memory_space<hbm>> -> memref<8x128xi32, #tpu.memory_space<hbm>>
      %dma_wait3A_395 = arith.constant 0 : i32
      %dma_wait3A_396 = arith.constant 0 : i32
      %dma_wait3A_397 = tpu.memref_slice %arg6[%run_scoped3A_7, %dma_wait3A_395, %dma_wait3A_396] : memref<25x8x128xi32, #tpu.memory_space<vmem>> -> memref<1x8x128xi32, #tpu.memory_space<vmem>>
      %dma_wait3A_398 = tpu.memref_squeeze %dma_wait3A_397 : memref<1x8x128xi32, #tpu.memory_space<vmem>> -> memref<8x128xi32, #tpu.memory_space<vmem>>
      %dma_wait3A_399 = arith.constant 0 : i32
      %dma_wait3A_400 = arith.constant 0 : i32
      %dma_wait3A_401 = tpu.memref_slice %arg2[%run_scoped3A_6, %add3A, %dma_wait3A_399, %dma_wait3A_400] : memref<25x32x8x128xi32, #tpu.memory_space<hbm>> -> memref<1x1x8x128xi32, #tpu.memory_space<hbm>>
      %dma_wait3A_402 = tpu.memref_squeeze %dma_wait3A_401 : memref<1x1x8x128xi32, #tpu.memory_space<hbm>> -> memref<8x128xi32, #tpu.memory_space<hbm>>
      tpu.wait_dma2 semaphore(%run_scoped3A_370 : memref<!tpu.dma_semaphore, #tpu.memory_space<semaphore_mem>>) src(%dma_wait3A_402 : memref<8x128xi32, #tpu.memory_space<hbm>>) dst(%dma_wait3A_398 : memref<8x128xi32, #tpu.memory_space<vmem>>)
      tpu.yield
    }) : () -> ()
    %run_scoped3A_8 = arith.constant 4 : i32
    %run_scoped3A_9 = arith.constant 4 : i32
    "tpu.region"() ({
      %run_scoped3A_370 = tpu.sem_alloc : memref<!tpu.dma_semaphore, #tpu.memory_space<semaphore_mem>>
      %dma_start3A_371 = arith.constant 0 : i32
      %dma_start3A_372 = arith.constant 0 : i32
      %dma_start3A_373 = tpu.memref_slice %arg6[%run_scoped3A_9, %dma_start3A_371, %dma_start3A_372] : memref<25x8x128xi32, #tpu.memory_space<vmem>> -> memref<1x8x128xi32, #tpu.memory_space<vmem>>
      %dma_start3A_374 = tpu.memref_squeeze %dma_start3A_373 : memref<1x8x128xi32, #tpu.memory_space<vmem>> -> memref<8x128xi32, #tpu.memory_space<vmem>>
      %dma_start3A_375 = arith.constant 0 : i32
      %dma_start3A_376 = arith.constant 0 : i32
      %dma_start3A_377 = tpu.memref_slice %arg2[%run_scoped3A_8, %add3A, %dma_start3A_375, %dma_start3A_376] : memref<25x32x8x128xi32, #tpu.memory_space<hbm>> -> memref<1x1x8x128xi32, #tpu.memory_space<hbm>>
      %dma_start3A_378 = tpu.memref_squeeze %dma_start3A_377 : memref<1x1x8x128xi32, #tpu.memory_space<hbm>> -> memref<8x128xi32, #tpu.memory_space<hbm>>
      %dma_start3A_379 = arith.constant 0 : i32
      %dma_start3A_380 = arith.constant 0 : i32
      %dma_start3A_381 = tpu.memref_slice %arg6[%run_scoped3A_9, %dma_start3A_379, %dma_start3A_380] : memref<25x8x128xi32, #tpu.memory_space<vmem>> -> memref<1x8x128xi32, #tpu.memory_space<vmem>>
      %dma_start3A_382 = tpu.memref_squeeze %dma_start3A_381 : memref<1x8x128xi32, #tpu.memory_space<vmem>> -> memref<8x128xi32, #tpu.memory_space<vmem>>
      %dma_start3A_383 = arith.constant 0 : i32
      %dma_start3A_384 = arith.constant 0 : i32
      %dma_start3A_385 = tpu.memref_slice %arg2[%run_scoped3A_8, %add3A, %dma_start3A_383, %dma_start3A_384] : memref<25x32x8x128xi32, #tpu.memory_space<hbm>> -> memref<1x1x8x128xi32, #tpu.memory_space<hbm>>
      %dma_start3A_386 = tpu.memref_squeeze %dma_start3A_385 : memref<1x1x8x128xi32, #tpu.memory_space<hbm>> -> memref<8x128xi32, #tpu.memory_space<hbm>>
      tpu.enqueue_dma source(%dma_start3A_386 : memref<8x128xi32, #tpu.memory_space<hbm>>) target(%dma_start3A_382 : memref<8x128xi32, #tpu.memory_space<vmem>>) target_semaphore(%run_scoped3A_370 : memref<!tpu.dma_semaphore, #tpu.memory_space<semaphore_mem>>)
      %dma_wait3A_387 = arith.constant 0 : i32
      %dma_wait3A_388 = arith.constant 0 : i32
      %dma_wait3A_389 = tpu.memref_slice %arg6[%run_scoped3A_9, %dma_wait3A_387, %dma_wait3A_388] : memref<25x8x128xi32, #tpu.memory_space<vmem>> -> memref<1x8x128xi32, #tpu.memory_space<vmem>>
      %dma_wait3A_390 = tpu.memref_squeeze %dma_wait3A_389 : memref<1x8x128xi32, #tpu.memory_space<vmem>> -> memref<8x128xi32, #tpu.memory_space<vmem>>
      %dma_wait3A_391 = arith.constant 0 : i32
      %dma_wait3A_392 = arith.constant 0 : i32
      %dma_wait3A_393 = tpu.memref_slice %arg2[%run_scoped3A_8, %add3A, %dma_wait3A_391, %dma_wait3A_392] : memref<25x32x8x128xi32, #tpu.memory_space<hbm>> -> memref<1x1x8x128xi32, #tpu.memory_space<hbm>>
      %dma_wait3A_394 = tpu.memref_squeeze %dma_wait3A_393 : memref<1x1x8x128xi32, #tpu.memory_space<hbm>> -> memref<8x128xi32, #tpu.memory_space<hbm>>
      %dma_wait3A_395 = arith.constant 0 : i32
      %dma_wait3A_396 = arith.constant 0 : i32
      %dma_wait3A_397 = tpu.memref_slice %arg6[%run_scoped3A_9, %dma_wait3A_395, %dma_wait3A_396] : memref<25x8x128xi32, #tpu.memory_space<vmem>> -> memref<1x8x128xi32, #tpu.memory_space<vmem>>
      %dma_wait3A_398 = tpu.memref_squeeze %dma_wait3A_397 : memref<1x8x128xi32, #tpu.memory_space<vmem>> -> memref<8x128xi32, #tpu.memory_space<vmem>>
      %dma_wait3A_399 = arith.constant 0 : i32
      %dma_wait3A_400 = arith.constant 0 : i32
      %dma_wait3A_401 = tpu.memref_slice %arg2[%run_scoped3A_8, %add3A, %dma_wait3A_399, %dma_wait3A_400] : memref<25x32x8x128xi32, #tpu.memory_space<hbm>> -> memref<1x1x8x128xi32, #tpu.memory_space<hbm>>
      %dma_wait3A_402 = tpu.memref_squeeze %dma_wait3A_401 : memref<1x1x8x128xi32, #tpu.memory_space<hbm>> -> memref<8x128xi32, #tpu.memory_space<hbm>>
      tpu.wait_dma2 semaphore(%run_scoped3A_370 : memref<!tpu.dma_semaphore, #tpu.memory_space<semaphore_mem>>) src(%dma_wait3A_402 : memref<8x128xi32, #tpu.memory_space<hbm>>) dst(%dma_wait3A_398 : memref<8x128xi32, #tpu.memory_space<vmem>>)
      tpu.yield
    }) : () -> ()
    %run_scoped3A_10 = arith.constant 5 : i32
    %run_scoped3A_11 = arith.constant 5 : i32
    "tpu.region"() ({
      %run_scoped3A_370 = tpu.sem_alloc : memref<!tpu.dma_semaphore, #tpu.memory_space<semaphore_mem>>
      %dma_start3A_371 = arith.constant 0 : i32
      %dma_start3A_372 = arith.constant 0 : i32
      %dma_start3A_373 = tpu.memref_slice %arg6[%run_scoped3A_11, %dma_start3A_371, %dma_start3A_372] : memref<25x8x128xi32, #tpu.memory_space<vmem>> -> memref<1x8x128xi32, #tpu.memory_space<vmem>>
      %dma_start3A_374 = tpu.memref_squeeze %dma_start3A_373 : memref<1x8x128xi32, #tpu.memory_space<vmem>> -> memref<8x128xi32, #tpu.memory_space<vmem>>
      %dma_start3A_375 = arith.constant 0 : i32
      %dma_start3A_376 = arith.constant 0 : i32
      %dma_start3A_377 = tpu.memref_slice %arg2[%run_scoped3A_10, %add3A, %dma_start3A_375, %dma_start3A_376] : memref<25x32x8x128xi32, #tpu.memory_space<hbm>> -> memref<1x1x8x128xi32, #tpu.memory_space<hbm>>
      %dma_start3A_378 = tpu.memref_squeeze %dma_start3A_377 : memref<1x1x8x128xi32, #tpu.memory_space<hbm>> -> memref<8x128xi32, #tpu.memory_space<hbm>>
      %dma_start3A_379 = arith.constant 0 : i32
      %dma_start3A_380 = arith.constant 0 : i32
      %dma_start3A_381 = tpu.memref_slice %arg6[%run_scoped3A_11, %dma_start3A_379, %dma_start3A_380] : memref<25x8x128xi32, #tpu.memory_space<vmem>> -> memref<1x8x128xi32, #tpu.memory_space<vmem>>
      %dma_start3A_382 = tpu.memref_squeeze %dma_start3A_381 : memref<1x8x128xi32, #tpu.memory_space<vmem>> -> memref<8x128xi32, #tpu.memory_space<vmem>>
      %dma_start3A_383 = arith.constant 0 : i32
      %dma_start3A_384 = arith.constant 0 : i32
      %dma_start3A_385 = tpu.memref_slice %arg2[%run_scoped3A_10, %add3A, %dma_start3A_383, %dma_start3A_384] : memref<25x32x8x128xi32, #tpu.memory_space<hbm>> -> memref<1x1x8x128xi32, #tpu.memory_space<hbm>>
      %dma_start3A_386 = tpu.memref_squeeze %dma_start3A_385 : memref<1x1x8x128xi32, #tpu.memory_space<hbm>> -> memref<8x128xi32, #tpu.memory_space<hbm>>
      tpu.enqueue_dma source(%dma_start3A_386 : memref<8x128xi32, #tpu.memory_space<hbm>>) target(%dma_start3A_382 : memref<8x128xi32, #tpu.memory_space<vmem>>) target_semaphore(%run_scoped3A_370 : memref<!tpu.dma_semaphore, #tpu.memory_space<semaphore_mem>>)
      %dma_wait3A_387 = arith.constant 0 : i32
      %dma_wait3A_388 = arith.constant 0 : i32
      %dma_wait3A_389 = tpu.memref_slice %arg6[%run_scoped3A_11, %dma_wait3A_387, %dma_wait3A_388] : memref<25x8x128xi32, #tpu.memory_space<vmem>> -> memref<1x8x128xi32, #tpu.memory_space<vmem>>
      %dma_wait3A_390 = tpu.memref_squeeze %dma_wait3A_389 : memref<1x8x128xi32, #tpu.memory_space<vmem>> -> memref<8x128xi32, #tpu.memory_space<vmem>>
      %dma_wait3A_391 = arith.constant 0 : i32
      %dma_wait3A_392 = arith.constant 0 : i32
      %dma_wait3A_393 = tpu.memref_slice %arg2[%run_scoped3A_10, %add3A, %dma_wait3A_391, %dma_wait3A_392] : memref<25x32x8x128xi32, #tpu.memory_space<hbm>> -> memref<1x1x8x128xi32, #tpu.memory_space<hbm>>
      %dma_wait3A_394 = tpu.memref_squeeze %dma_wait3A_393 : memref<1x1x8x128xi32, #tpu.memory_space<hbm>> -> memref<8x128xi32, #tpu.memory_space<hbm>>
      %dma_wait3A_395 = arith.constant 0 : i32
      %dma_wait3A_396 = arith.constant 0 : i32
      %dma_wait3A_397 = tpu.memref_slice %arg6[%run_scoped3A_11, %dma_wait3A_395, %dma_wait3A_396] : memref<25x8x128xi32, #tpu.memory_space<vmem>> -> memref<1x8x128xi32, #tpu.memory_space<vmem>>
      %dma_wait3A_398 = tpu.memref_squeeze %dma_wait3A_397 : memref<1x8x128xi32, #tpu.memory_space<vmem>> -> memref<8x128xi32, #tpu.memory_space<vmem>>
      %dma_wait3A_399 = arith.constant 0 : i32
      %dma_wait3A_400 = arith.constant 0 : i32
      %dma_wait3A_401 = tpu.memref_slice %arg2[%run_scoped3A_10, %add3A, %dma_wait3A_399, %dma_wait3A_400] : memref<25x32x8x128xi32, #tpu.memory_space<hbm>> -> memref<1x1x8x128xi32, #tpu.memory_space<hbm>>
      %dma_wait3A_402 = tpu.memref_squeeze %dma_wait3A_401 : memref<1x1x8x128xi32, #tpu.memory_space<hbm>> -> memref<8x128xi32, #tpu.memory_space<hbm>>
      tpu.wait_dma2 semaphore(%run_scoped3A_370 : memref<!tpu.dma_semaphore, #tpu.memory_space<semaphore_mem>>) src(%dma_wait3A_402 : memref<8x128xi32, #tpu.memory_space<hbm>>) dst(%dma_wait3A_398 : memref<8x128xi32, #tpu.memory_space<vmem>>)
      tpu.yield
    }) : () -> ()
    %run_scoped3A_12 = arith.constant 6 : i32
    %run_scoped3A_13 = arith.constant 6 : i32
    "tpu.region"() ({
      %run_scoped3A_370 = tpu.sem_alloc : memref<!tpu.dma_semaphore, #tpu.memory_space<semaphore_mem>>
      %dma_start3A_371 = arith.constant 0 : i32
      %dma_start3A_372 = arith.constant 0 : i32
      %dma_start3A_373 = tpu.memref_slice %arg6[%run_scoped3A_13, %dma_start3A_371, %dma_start3A_372] : memref<25x8x128xi32, #tpu.memory_space<vmem>> -> memref<1x8x128xi32, #tpu.memory_space<vmem>>
      %dma_start3A_374 = tpu.memref_squeeze %dma_start3A_373 : memref<1x8x128xi32, #tpu.memory_space<vmem>> -> memref<8x128xi32, #tpu.memory_space<vmem>>
      %dma_start3A_375 = arith.constant 0 : i32
      %dma_start3A_376 = arith.constant 0 : i32
      %dma_start3A_377 = tpu.memref_slice %arg2[%run_scoped3A_12, %add3A, %dma_start3A_375, %dma_start3A_376] : memref<25x32x8x128xi32, #tpu.memory_space<hbm>> -> memref<1x1x8x128xi32, #tpu.memory_space<hbm>>
      %dma_start3A_378 = tpu.memref_squeeze %dma_start3A_377 : memref<1x1x8x128xi32, #tpu.memory_space<hbm>> -> memref<8x128xi32, #tpu.memory_space<hbm>>
      %dma_start3A_379 = arith.constant 0 : i32
      %dma_start3A_380 = arith.constant 0 : i32
      %dma_start3A_381 = tpu.memref_slice %arg6[%run_scoped3A_13, %dma_start3A_379, %dma_start3A_380] : memref<25x8x128xi32, #tpu.memory_space<vmem>> -> memref<1x8x128xi32, #tpu.memory_space<vmem>>
      %dma_start3A_382 = tpu.memref_squeeze %dma_start3A_381 : memref<1x8x128xi32, #tpu.memory_space<vmem>> -> memref<8x128xi32, #tpu.memory_space<vmem>>
      %dma_start3A_383 = arith.constant 0 : i32
      %dma_start3A_384 = arith.constant 0 : i32
      %dma_start3A_385 = tpu.memref_slice %arg2[%run_scoped3A_12, %add3A, %dma_start3A_383, %dma_start3A_384] : memref<25x32x8x128xi32, #tpu.memory_space<hbm>> -> memref<1x1x8x128xi32, #tpu.memory_space<hbm>>
      %dma_start3A_386 = tpu.memref_squeeze %dma_start3A_385 : memref<1x1x8x128xi32, #tpu.memory_space<hbm>> -> memref<8x128xi32, #tpu.memory_space<hbm>>
      tpu.enqueue_dma source(%dma_start3A_386 : memref<8x128xi32, #tpu.memory_space<hbm>>) target(%dma_start3A_382 : memref<8x128xi32, #tpu.memory_space<vmem>>) target_semaphore(%run_scoped3A_370 : memref<!tpu.dma_semaphore, #tpu.memory_space<semaphore_mem>>)
      %dma_wait3A_387 = arith.constant 0 : i32
      %dma_wait3A_388 = arith.constant 0 : i32
      %dma_wait3A_389 = tpu.memref_slice %arg6[%run_scoped3A_13, %dma_wait3A_387, %dma_wait3A_388] : memref<25x8x128xi32, #tpu.memory_space<vmem>> -> memref<1x8x128xi32, #tpu.memory_space<vmem>>
      %dma_wait3A_390 = tpu.memref_squeeze %dma_wait3A_389 : memref<1x8x128xi32, #tpu.memory_space<vmem>> -> memref<8x128xi32, #tpu.memory_space<vmem>>
      %dma_wait3A_391 = arith.constant 0 : i32
      %dma_wait3A_392 = arith.constant 0 : i32
      %dma_wait3A_393 = tpu.memref_slice %arg2[%run_scoped3A_12, %add3A, %dma_wait3A_391, %dma_wait3A_392] : memref<25x32x8x128xi32, #tpu.memory_space<hbm>> -> memref<1x1x8x128xi32, #tpu.memory_space<hbm>>
      %dma_wait3A_394 = tpu.memref_squeeze %dma_wait3A_393 : memref<1x1x8x128xi32, #tpu.memory_space<hbm>> -> memref<8x128xi32, #tpu.memory_space<hbm>>
      %dma_wait3A_395 = arith.constant 0 : i32
      %dma_wait3A_396 = arith.constant 0 : i32
      %dma_wait3A_397 = tpu.memref_slice %arg6[%run_scoped3A_13, %dma_wait3A_395, %dma_wait3A_396] : memref<25x8x128xi32, #tpu.memory_space<vmem>> -> memref<1x8x128xi32, #tpu.memory_space<vmem>>
      %dma_wait3A_398 = tpu.memref_squeeze %dma_wait3A_397 : memref<1x8x128xi32, #tpu.memory_space<vmem>> -> memref<8x128xi32, #tpu.memory_space<vmem>>
      %dma_wait3A_399 = arith.constant 0 : i32
      %dma_wait3A_400 = arith.constant 0 : i32
      %dma_wait3A_401 = tpu.memref_slice %arg2[%run_scoped3A_12, %add3A, %dma_wait3A_399, %dma_wait3A_400] : memref<25x32x8x128xi32, #tpu.memory_space<hbm>> -> memref<1x1x8x128xi32, #tpu.memory_space<hbm>>
      %dma_wait3A_402 = tpu.memref_squeeze %dma_wait3A_401 : memref<1x1x8x128xi32, #tpu.memory_space<hbm>> -> memref<8x128xi32, #tpu.memory_space<hbm>>
      tpu.wait_dma2 semaphore(%run_scoped3A_370 : memref<!tpu.dma_semaphore, #tpu.memory_space<semaphore_mem>>) src(%dma_wait3A_402 : memref<8x128xi32, #tpu.memory_space<hbm>>) dst(%dma_wait3A_398 : memref<8x128xi32, #tpu.memory_space<vmem>>)
      tpu.yield
    }) : () -> ()
    %run_scoped3A_14 = arith.constant 7 : i32
    %run_scoped3A_15 = arith.constant 7 : i32
    "tpu.region"() ({
      %run_scoped3A_370 = tpu.sem_alloc : memref<!tpu.dma_semaphore, #tpu.memory_space<semaphore_mem>>
      %dma_start3A_371 = arith.constant 0 : i32
      %dma_start3A_372 = arith.constant 0 : i32
      %dma_start3A_373 = tpu.memref_slice %arg6[%run_scoped3A_15, %dma_start3A_371, %dma_start3A_372] : memref<25x8x128xi32, #tpu.memory_space<vmem>> -> memref<1x8x128xi32, #tpu.memory_space<vmem>>
      %dma_start3A_374 = tpu.memref_squeeze %dma_start3A_373 : memref<1x8x128xi32, #tpu.memory_space<vmem>> -> memref<8x128xi32, #tpu.memory_space<vmem>>
      %dma_start3A_375 = arith.constant 0 : i32
      %dma_start3A_376 = arith.constant 0 : i32
      %dma_start3A_377 = tpu.memref_slice %arg2[%run_scoped3A_14, %add3A, %dma_start3A_375, %dma_start3A_376] : memref<25x32x8x128xi32, #tpu.memory_space<hbm>> -> memref<1x1x8x128xi32, #tpu.memory_space<hbm>>
      %dma_start3A_378 = tpu.memref_squeeze %dma_start3A_377 : memref<1x1x8x128xi32, #tpu.memory_space<hbm>> -> memref<8x128xi32, #tpu.memory_space<hbm>>
      %dma_start3A_379 = arith.constant 0 : i32
      %dma_start3A_380 = arith.constant 0 : i32
      %dma_start3A_381 = tpu.memref_slice %arg6[%run_scoped3A_15, %dma_start3A_379, %dma_start3A_380] : memref<25x8x128xi32, #tpu.memory_space<vmem>> -> memref<1x8x128xi32, #tpu.memory_space<vmem>>
      %dma_start3A_382 = tpu.memref_squeeze %dma_start3A_381 : memref<1x8x128xi32, #tpu.memory_space<vmem>> -> memref<8x128xi32, #tpu.memory_space<vmem>>
      %dma_start3A_383 = arith.constant 0 : i32
      %dma_start3A_384 = arith.constant 0 : i32
      %dma_start3A_385 = tpu.memref_slice %arg2[%run_scoped3A_14, %add3A, %dma_start3A_383, %dma_start3A_384] : memref<25x32x8x128xi32, #tpu.memory_space<hbm>> -> memref<1x1x8x128xi32, #tpu.memory_space<hbm>>
      %dma_start3A_386 = tpu.memref_squeeze %dma_start3A_385 : memref<1x1x8x128xi32, #tpu.memory_space<hbm>> -> memref<8x128xi32, #tpu.memory_space<hbm>>
      tpu.enqueue_dma source(%dma_start3A_386 : memref<8x128xi32, #tpu.memory_space<hbm>>) target(%dma_start3A_382 : memref<8x128xi32, #tpu.memory_space<vmem>>) target_semaphore(%run_scoped3A_370 : memref<!tpu.dma_semaphore, #tpu.memory_space<semaphore_mem>>)
      %dma_wait3A_387 = arith.constant 0 : i32
      %dma_wait3A_388 = arith.constant 0 : i32
      %dma_wait3A_389 = tpu.memref_slice %arg6[%run_scoped3A_15, %dma_wait3A_387, %dma_wait3A_388] : memref<25x8x128xi32, #tpu.memory_space<vmem>> -> memref<1x8x128xi32, #tpu.memory_space<vmem>>
      %dma_wait3A_390 = tpu.memref_squeeze %dma_wait3A_389 : memref<1x8x128xi32, #tpu.memory_space<vmem>> -> memref<8x128xi32, #tpu.memory_space<vmem>>
      %dma_wait3A_391 = arith.constant 0 : i32
      %dma_wait3A_392 = arith.constant 0 : i32
      %dma_wait3A_393 = tpu.memref_slice %arg2[%run_scoped3A_14, %add3A, %dma_wait3A_391, %dma_wait3A_392] : memref<25x32x8x128xi32, #tpu.memory_space<hbm>> -> memref<1x1x8x128xi32, #tpu.memory_space<hbm>>
      %dma_wait3A_394 = tpu.memref_squeeze %dma_wait3A_393 : memref<1x1x8x128xi32, #tpu.memory_space<hbm>> -> memref<8x128xi32, #tpu.memory_space<hbm>>
      %dma_wait3A_395 = arith.constant 0 : i32
      %dma_wait3A_396 = arith.constant 0 : i32
      %dma_wait3A_397 = tpu.memref_slice %arg6[%run_scoped3A_15, %dma_wait3A_395, %dma_wait3A_396] : memref<25x8x128xi32, #tpu.memory_space<vmem>> -> memref<1x8x128xi32, #tpu.memory_space<vmem>>
      %dma_wait3A_398 = tpu.memref_squeeze %dma_wait3A_397 : memref<1x8x128xi32, #tpu.memory_space<vmem>> -> memref<8x128xi32, #tpu.memory_space<vmem>>
      %dma_wait3A_399 = arith.constant 0 : i32
      %dma_wait3A_400 = arith.constant 0 : i32
      %dma_wait3A_401 = tpu.memref_slice %arg2[%run_scoped3A_14, %add3A, %dma_wait3A_399, %dma_wait3A_400] : memref<25x32x8x128xi32, #tpu.memory_space<hbm>> -> memref<1x1x8x128xi32, #tpu.memory_space<hbm>>
      %dma_wait3A_402 = tpu.memref_squeeze %dma_wait3A_401 : memref<1x1x8x128xi32, #tpu.memory_space<hbm>> -> memref<8x128xi32, #tpu.memory_space<hbm>>
      tpu.wait_dma2 semaphore(%run_scoped3A_370 : memref<!tpu.dma_semaphore, #tpu.memory_space<semaphore_mem>>) src(%dma_wait3A_402 : memref<8x128xi32, #tpu.memory_space<hbm>>) dst(%dma_wait3A_398 : memref<8x128xi32, #tpu.memory_space<vmem>>)
      tpu.yield
    }) : () -> ()
    %run_scoped3A_16 = arith.constant 8 : i32
    %run_scoped3A_17 = arith.constant 8 : i32
    "tpu.region"() ({
      %run_scoped3A_370 = tpu.sem_alloc : memref<!tpu.dma_semaphore, #tpu.memory_space<semaphore_mem>>
      %dma_start3A_371 = arith.constant 0 : i32
      %dma_start3A_372 = arith.constant 0 : i32
      %dma_start3A_373 = tpu.memref_slice %arg6[%run_scoped3A_17, %dma_start3A_371, %dma_start3A_372] : memref<25x8x128xi32, #tpu.memory_space<vmem>> -> memref<1x8x128xi32, #tpu.memory_space<vmem>>
      %dma_start3A_374 = tpu.memref_squeeze %dma_start3A_373 : memref<1x8x128xi32, #tpu.memory_space<vmem>> -> memref<8x128xi32, #tpu.memory_space<vmem>>
      %dma_start3A_375 = arith.constant 0 : i32
      %dma_start3A_376 = arith.constant 0 : i32
      %dma_start3A_377 = tpu.memref_slice %arg2[%run_scoped3A_16, %add3A, %dma_start3A_375, %dma_start3A_376] : memref<25x32x8x128xi32, #tpu.memory_space<hbm>> -> memref<1x1x8x128xi32, #tpu.memory_space<hbm>>
      %dma_start3A_378 = tpu.memref_squeeze %dma_start3A_377 : memref<1x1x8x128xi32, #tpu.memory_space<hbm>> -> memref<8x128xi32, #tpu.memory_space<hbm>>
      %dma_start3A_379 = arith.constant 0 : i32
      %dma_start3A_380 = arith.constant 0 : i32
      %dma_start3A_381 = tpu.memref_slice %arg6[%run_scoped3A_17, %dma_start3A_379, %dma_start3A_380] : memref<25x8x128xi32, #tpu.memory_space<vmem>> -> memref<1x8x128xi32, #tpu.memory_space<vmem>>
      %dma_start3A_382 = tpu.memref_squeeze %dma_start3A_381 : memref<1x8x128xi32, #tpu.memory_space<vmem>> -> memref<8x128xi32, #tpu.memory_space<vmem>>
      %dma_start3A_383 = arith.constant 0 : i32
      %dma_start3A_384 = arith.constant 0 : i32
      %dma_start3A_385 = tpu.memref_slice %arg2[%run_scoped3A_16, %add3A, %dma_start3A_383, %dma_start3A_384] : memref<25x32x8x128xi32, #tpu.memory_space<hbm>> -> memref<1x1x8x128xi32, #tpu.memory_space<hbm>>
      %dma_start3A_386 = tpu.memref_squeeze %dma_start3A_385 : memref<1x1x8x128xi32, #tpu.memory_space<hbm>> -> memref<8x128xi32, #tpu.memory_space<hbm>>
      tpu.enqueue_dma source(%dma_start3A_386 : memref<8x128xi32, #tpu.memory_space<hbm>>) target(%dma_start3A_382 : memref<8x128xi32, #tpu.memory_space<vmem>>) target_semaphore(%run_scoped3A_370 : memref<!tpu.dma_semaphore, #tpu.memory_space<semaphore_mem>>)
      %dma_wait3A_387 = arith.constant 0 : i32
      %dma_wait3A_388 = arith.constant 0 : i32
      %dma_wait3A_389 = tpu.memref_slice %arg6[%run_scoped3A_17, %dma_wait3A_387, %dma_wait3A_388] : memref<25x8x128xi32, #tpu.memory_space<vmem>> -> memref<1x8x128xi32, #tpu.memory_space<vmem>>
      %dma_wait3A_390 = tpu.memref_squeeze %dma_wait3A_389 : memref<1x8x128xi32, #tpu.memory_space<vmem>> -> memref<8x128xi32, #tpu.memory_space<vmem>>
      %dma_wait3A_391 = arith.constant 0 : i32
      %dma_wait3A_392 = arith.constant 0 : i32
      %dma_wait3A_393 = tpu.memref_slice %arg2[%run_scoped3A_16, %add3A, %dma_wait3A_391, %dma_wait3A_392] : memref<25x32x8x128xi32, #tpu.memory_space<hbm>> -> memref<1x1x8x128xi32, #tpu.memory_space<hbm>>
      %dma_wait3A_394 = tpu.memref_squeeze %dma_wait3A_393 : memref<1x1x8x128xi32, #tpu.memory_space<hbm>> -> memref<8x128xi32, #tpu.memory_space<hbm>>
      %dma_wait3A_395 = arith.constant 0 : i32
      %dma_wait3A_396 = arith.constant 0 : i32
      %dma_wait3A_397 = tpu.memref_slice %arg6[%run_scoped3A_17, %dma_wait3A_395, %dma_wait3A_396] : memref<25x8x128xi32, #tpu.memory_space<vmem>> -> memref<1x8x128xi32, #tpu.memory_space<vmem>>
      %dma_wait3A_398 = tpu.memref_squeeze %dma_wait3A_397 : memref<1x8x128xi32, #tpu.memory_space<vmem>> -> memref<8x128xi32, #tpu.memory_space<vmem>>
      %dma_wait3A_399 = arith.constant 0 : i32
      %dma_wait3A_400 = arith.constant 0 : i32
      %dma_wait3A_401 = tpu.memref_slice %arg2[%run_scoped3A_16, %add3A, %dma_wait3A_399, %dma_wait3A_400] : memref<25x32x8x128xi32, #tpu.memory_space<hbm>> -> memref<1x1x8x128xi32, #tpu.memory_space<hbm>>
      %dma_wait3A_402 = tpu.memref_squeeze %dma_wait3A_401 : memref<1x1x8x128xi32, #tpu.memory_space<hbm>> -> memref<8x128xi32, #tpu.memory_space<hbm>>
      tpu.wait_dma2 semaphore(%run_scoped3A_370 : memref<!tpu.dma_semaphore, #tpu.memory_space<semaphore_mem>>) src(%dma_wait3A_402 : memref<8x128xi32, #tpu.memory_space<hbm>>) dst(%dma_wait3A_398 : memref<8x128xi32, #tpu.memory_space<vmem>>)
      tpu.yield
    }) : () -> ()
    %run_scoped3A_18 = arith.constant 9 : i32
    %run_scoped3A_19 = arith.constant 9 : i32
    "tpu.region"() ({
      %run_scoped3A_370 = tpu.sem_alloc : memref<!tpu.dma_semaphore, #tpu.memory_space<semaphore_mem>>
      %dma_start3A_371 = arith.constant 0 : i32
      %dma_start3A_372 = arith.constant 0 : i32
      %dma_start3A_373 = tpu.memref_slice %arg6[%run_scoped3A_19, %dma_start3A_371, %dma_start3A_372] : memref<25x8x128xi32, #tpu.memory_space<vmem>> -> memref<1x8x128xi32, #tpu.memory_space<vmem>>
      %dma_start3A_374 = tpu.memref_squeeze %dma_start3A_373 : memref<1x8x128xi32, #tpu.memory_space<vmem>> -> memref<8x128xi32, #tpu.memory_space<vmem>>
      %dma_start3A_375 = arith.constant 0 : i32
      %dma_start3A_376 = arith.constant 0 : i32
      %dma_start3A_377 = tpu.memref_slice %arg2[%run_scoped3A_18, %add3A, %dma_start3A_375, %dma_start3A_376] : memref<25x32x8x128xi32, #tpu.memory_space<hbm>> -> memref<1x1x8x128xi32, #tpu.memory_space<hbm>>
      %dma_start3A_378 = tpu.memref_squeeze %dma_start3A_377 : memref<1x1x8x128xi32, #tpu.memory_space<hbm>> -> memref<8x128xi32, #tpu.memory_space<hbm>>
      %dma_start3A_379 = arith.constant 0 : i32
      %dma_start3A_380 = arith.constant 0 : i32
      %dma_start3A_381 = tpu.memref_slice %arg6[%run_scoped3A_19, %dma_start3A_379, %dma_start3A_380] : memref<25x8x128xi32, #tpu.memory_space<vmem>> -> memref<1x8x128xi32, #tpu.memory_space<vmem>>
      %dma_start3A_382 = tpu.memref_squeeze %dma_start3A_381 : memref<1x8x128xi32, #tpu.memory_space<vmem>> -> memref<8x128xi32, #tpu.memory_space<vmem>>
      %dma_start3A_383 = arith.constant 0 : i32
      %dma_start3A_384 = arith.constant 0 : i32
      %dma_start3A_385 = tpu.memref_slice %arg2[%run_scoped3A_18, %add3A, %dma_start3A_383, %dma_start3A_384] : memref<25x32x8x128xi32, #tpu.memory_space<hbm>> -> memref<1x1x8x128xi32, #tpu.memory_space<hbm>>
      %dma_start3A_386 = tpu.memref_squeeze %dma_start3A_385 : memref<1x1x8x128xi32, #tpu.memory_space<hbm>> -> memref<8x128xi32, #tpu.memory_space<hbm>>
      tpu.enqueue_dma source(%dma_start3A_386 : memref<8x128xi32, #tpu.memory_space<hbm>>) target(%dma_start3A_382 : memref<8x128xi32, #tpu.memory_space<vmem>>) target_semaphore(%run_scoped3A_370 : memref<!tpu.dma_semaphore, #tpu.memory_space<semaphore_mem>>)
      %dma_wait3A_387 = arith.constant 0 : i32
      %dma_wait3A_388 = arith.constant 0 : i32
      %dma_wait3A_389 = tpu.memref_slice %arg6[%run_scoped3A_19, %dma_wait3A_387, %dma_wait3A_388] : memref<25x8x128xi32, #tpu.memory_space<vmem>> -> memref<1x8x128xi32, #tpu.memory_space<vmem>>
      %dma_wait3A_390 = tpu.memref_squeeze %dma_wait3A_389 : memref<1x8x128xi32, #tpu.memory_space<vmem>> -> memref<8x128xi32, #tpu.memory_space<vmem>>
      %dma_wait3A_391 = arith.constant 0 : i32
      %dma_wait3A_392 = arith.constant 0 : i32
      %dma_wait3A_393 = tpu.memref_slice %arg2[%run_scoped3A_18, %add3A, %dma_wait3A_391, %dma_wait3A_392] : memref<25x32x8x128xi32, #tpu.memory_space<hbm>> -> memref<1x1x8x128xi32, #tpu.memory_space<hbm>>
      %dma_wait3A_394 = tpu.memref_squeeze %dma_wait3A_393 : memref<1x1x8x128xi32, #tpu.memory_space<hbm>> -> memref<8x128xi32, #tpu.memory_space<hbm>>
      %dma_wait3A_395 = arith.constant 0 : i32
      %dma_wait3A_396 = arith.constant 0 : i32
      %dma_wait3A_397 = tpu.memref_slice %arg6[%run_scoped3A_19, %dma_wait3A_395, %dma_wait3A_396] : memref<25x8x128xi32, #tpu.memory_space<vmem>> -> memref<1x8x128xi32, #tpu.memory_space<vmem>>
      %dma_wait3A_398 = tpu.memref_squeeze %dma_wait3A_397 : memref<1x8x128xi32, #tpu.memory_space<vmem>> -> memref<8x128xi32, #tpu.memory_space<vmem>>
      %dma_wait3A_399 = arith.constant 0 : i32
      %dma_wait3A_400 = arith.constant 0 : i32
      %dma_wait3A_401 = tpu.memref_slice %arg2[%run_scoped3A_18, %add3A, %dma_wait3A_399, %dma_wait3A_400] : memref<25x32x8x128xi32, #tpu.memory_space<hbm>> -> memref<1x1x8x128xi32, #tpu.memory_space<hbm>>
      %dma_wait3A_402 = tpu.memref_squeeze %dma_wait3A_401 : memref<1x1x8x128xi32, #tpu.memory_space<hbm>> -> memref<8x128xi32, #tpu.memory_space<hbm>>
      tpu.wait_dma2 semaphore(%run_scoped3A_370 : memref<!tpu.dma_semaphore, #tpu.memory_space<semaphore_mem>>) src(%dma_wait3A_402 : memref<8x128xi32, #tpu.memory_space<hbm>>) dst(%dma_wait3A_398 : memref<8x128xi32, #tpu.memory_space<vmem>>)
      tpu.yield
    }) : () -> ()
    %run_scoped3A_20 = arith.constant 10 : i32
    %run_scoped3A_21 = arith.constant 10 : i32
    "tpu.region"() ({
      %run_scoped3A_370 = tpu.sem_alloc : memref<!tpu.dma_semaphore, #tpu.memory_space<semaphore_mem>>
      %dma_start3A_371 = arith.constant 0 : i32
      %dma_start3A_372 = arith.constant 0 : i32
      %dma_start3A_373 = tpu.memref_slice %arg6[%run_scoped3A_21, %dma_start3A_371, %dma_start3A_372] : memref<25x8x128xi32, #tpu.memory_space<vmem>> -> memref<1x8x128xi32, #tpu.memory_space<vmem>>
      %dma_start3A_374 = tpu.memref_squeeze %dma_start3A_373 : memref<1x8x128xi32, #tpu.memory_space<vmem>> -> memref<8x128xi32, #tpu.memory_space<vmem>>
      %dma_start3A_375 = arith.constant 0 : i32
      %dma_start3A_376 = arith.constant 0 : i32
      %dma_start3A_377 = tpu.memref_slice %arg2[%run_scoped3A_20, %add3A, %dma_start3A_375, %dma_start3A_376] : memref<25x32x8x128xi32, #tpu.memory_space<hbm>> -> memref<1x1x8x128xi32, #tpu.memory_space<hbm>>
      %dma_start3A_378 = tpu.memref_squeeze %dma_start3A_377 : memref<1x1x8x128xi32, #tpu.memory_space<hbm>> -> memref<8x128xi32, #tpu.memory_space<hbm>>
      %dma_start3A_379 = arith.constant 0 : i32
      %dma_start3A_380 = arith.constant 0 : i32
      %dma_start3A_381 = tpu.memref_slice %arg6[%run_scoped3A_21, %dma_start3A_379, %dma_start3A_380] : memref<25x8x128xi32, #tpu.memory_space<vmem>> -> memref<1x8x128xi32, #tpu.memory_space<vmem>>
      %dma_start3A_382 = tpu.memref_squeeze %dma_start3A_381 : memref<1x8x128xi32, #tpu.memory_space<vmem>> -> memref<8x128xi32, #tpu.memory_space<vmem>>
      %dma_start3A_383 = arith.constant 0 : i32
      %dma_start3A_384 = arith.constant 0 : i32
      %dma_start3A_385 = tpu.memref_slice %arg2[%run_scoped3A_20, %add3A, %dma_start3A_383, %dma_start3A_384] : memref<25x32x8x128xi32, #tpu.memory_space<hbm>> -> memref<1x1x8x128xi32, #tpu.memory_space<hbm>>
      %dma_start3A_386 = tpu.memref_squeeze %dma_start3A_385 : memref<1x1x8x128xi32, #tpu.memory_space<hbm>> -> memref<8x128xi32, #tpu.memory_space<hbm>>
      tpu.enqueue_dma source(%dma_start3A_386 : memref<8x128xi32, #tpu.memory_space<hbm>>) target(%dma_start3A_382 : memref<8x128xi32, #tpu.memory_space<vmem>>) target_semaphore(%run_scoped3A_370 : memref<!tpu.dma_semaphore, #tpu.memory_space<semaphore_mem>>)
      %dma_wait3A_387 = arith.constant 0 : i32
      %dma_wait3A_388 = arith.constant 0 : i32
      %dma_wait3A_389 = tpu.memref_slice %arg6[%run_scoped3A_21, %dma_wait3A_387, %dma_wait3A_388] : memref<25x8x128xi32, #tpu.memory_space<vmem>> -> memref<1x8x128xi32, #tpu.memory_space<vmem>>
      %dma_wait3A_390 = tpu.memref_squeeze %dma_wait3A_389 : memref<1x8x128xi32, #tpu.memory_space<vmem>> -> memref<8x128xi32, #tpu.memory_space<vmem>>
      %dma_wait3A_391 = arith.constant 0 : i32
      %dma_wait3A_392 = arith.constant 0 : i32
      %dma_wait3A_393 = tpu.memref_slice %arg2[%run_scoped3A_20, %add3A, %dma_wait3A_391, %dma_wait3A_392] : memref<25x32x8x128xi32, #tpu.memory_space<hbm>> -> memref<1x1x8x128xi32, #tpu.memory_space<hbm>>
      %dma_wait3A_394 = tpu.memref_squeeze %dma_wait3A_393 : memref<1x1x8x128xi32, #tpu.memory_space<hbm>> -> memref<8x128xi32, #tpu.memory_space<hbm>>
      %dma_wait3A_395 = arith.constant 0 : i32
      %dma_wait3A_396 = arith.constant 0 : i32
      %dma_wait3A_397 = tpu.memref_slice %arg6[%run_scoped3A_21, %dma_wait3A_395, %dma_wait3A_396] : memref<25x8x128xi32, #tpu.memory_space<vmem>> -> memref<1x8x128xi32, #tpu.memory_space<vmem>>
      %dma_wait3A_398 = tpu.memref_squeeze %dma_wait3A_397 : memref<1x8x128xi32, #tpu.memory_space<vmem>> -> memref<8x128xi32, #tpu.memory_space<vmem>>
      %dma_wait3A_399 = arith.constant 0 : i32
      %dma_wait3A_400 = arith.constant 0 : i32
      %dma_wait3A_401 = tpu.memref_slice %arg2[%run_scoped3A_20, %add3A, %dma_wait3A_399, %dma_wait3A_400] : memref<25x32x8x128xi32, #tpu.memory_space<hbm>> -> memref<1x1x8x128xi32, #tpu.memory_space<hbm>>
      %dma_wait3A_402 = tpu.memref_squeeze %dma_wait3A_401 : memref<1x1x8x128xi32, #tpu.memory_space<hbm>> -> memref<8x128xi32, #tpu.memory_space<hbm>>
      tpu.wait_dma2 semaphore(%run_scoped3A_370 : memref<!tpu.dma_semaphore, #tpu.memory_space<semaphore_mem>>) src(%dma_wait3A_402 : memref<8x128xi32, #tpu.memory_space<hbm>>) dst(%dma_wait3A_398 : memref<8x128xi32, #tpu.memory_space<vmem>>)
      tpu.yield
    }) : () -> ()
    %run_scoped3A_22 = arith.constant 11 : i32
    %run_scoped3A_23 = arith.constant 11 : i32
    "tpu.region"() ({
      %run_scoped3A_370 = tpu.sem_alloc : memref<!tpu.dma_semaphore, #tpu.memory_space<semaphore_mem>>
      %dma_start3A_371 = arith.constant 0 : i32
      %dma_start3A_372 = arith.constant 0 : i32
      %dma_start3A_373 = tpu.memref_slice %arg6[%run_scoped3A_23, %dma_start3A_371, %dma_start3A_372] : memref<25x8x128xi32, #tpu.memory_space<vmem>> -> memref<1x8x128xi32, #tpu.memory_space<vmem>>
      %dma_start3A_374 = tpu.memref_squeeze %dma_start3A_373 : memref<1x8x128xi32, #tpu.memory_space<vmem>> -> memref<8x128xi32, #tpu.memory_space<vmem>>
      %dma_start3A_375 = arith.constant 0 : i32
      %dma_start3A_376 = arith.constant 0 : i32
      %dma_start3A_377 = tpu.memref_slice %arg2[%run_scoped3A_22, %add3A, %dma_start3A_375, %dma_start3A_376] : memref<25x32x8x128xi32, #tpu.memory_space<hbm>> -> memref<1x1x8x128xi32, #tpu.memory_space<hbm>>
      %dma_start3A_378 = tpu.memref_squeeze %dma_start3A_377 : memref<1x1x8x128xi32, #tpu.memory_space<hbm>> -> memref<8x128xi32, #tpu.memory_space<hbm>>
      %dma_start3A_379 = arith.constant 0 : i32
      %dma_start3A_380 = arith.constant 0 : i32
      %dma_start3A_381 = tpu.memref_slice %arg6[%run_scoped3A_23, %dma_start3A_379, %dma_start3A_380] : memref<25x8x128xi32, #tpu.memory_space<vmem>> -> memref<1x8x128xi32, #tpu.memory_space<vmem>>
      %dma_start3A_382 = tpu.memref_squeeze %dma_start3A_381 : memref<1x8x128xi32, #tpu.memory_space<vmem>> -> memref<8x128xi32, #tpu.memory_space<vmem>>
      %dma_start3A_383 = arith.constant 0 : i32
      %dma_start3A_384 = arith.constant 0 : i32
      %dma_start3A_385 = tpu.memref_slice %arg2[%run_scoped3A_22, %add3A, %dma_start3A_383, %dma_start3A_384] : memref<25x32x8x128xi32, #tpu.memory_space<hbm>> -> memref<1x1x8x128xi32, #tpu.memory_space<hbm>>
      %dma_start3A_386 = tpu.memref_squeeze %dma_start3A_385 : memref<1x1x8x128xi32, #tpu.memory_space<hbm>> -> memref<8x128xi32, #tpu.memory_space<hbm>>
      tpu.enqueue_dma source(%dma_start3A_386 : memref<8x128xi32, #tpu.memory_space<hbm>>) target(%dma_start3A_382 : memref<8x128xi32, #tpu.memory_space<vmem>>) target_semaphore(%run_scoped3A_370 : memref<!tpu.dma_semaphore, #tpu.memory_space<semaphore_mem>>)
      %dma_wait3A_387 = arith.constant 0 : i32
      %dma_wait3A_388 = arith.constant 0 : i32
      %dma_wait3A_389 = tpu.memref_slice %arg6[%run_scoped3A_23, %dma_wait3A_387, %dma_wait3A_388] : memref<25x8x128xi32, #tpu.memory_space<vmem>> -> memref<1x8x128xi32, #tpu.memory_space<vmem>>
      %dma_wait3A_390 = tpu.memref_squeeze %dma_wait3A_389 : memref<1x8x128xi32, #tpu.memory_space<vmem>> -> memref<8x128xi32, #tpu.memory_space<vmem>>
      %dma_wait3A_391 = arith.constant 0 : i32
      %dma_wait3A_392 = arith.constant 0 : i32
      %dma_wait3A_393 = tpu.memref_slice %arg2[%run_scoped3A_22, %add3A, %dma_wait3A_391, %dma_wait3A_392] : memref<25x32x8x128xi32, #tpu.memory_space<hbm>> -> memref<1x1x8x128xi32, #tpu.memory_space<hbm>>
      %dma_wait3A_394 = tpu.memref_squeeze %dma_wait3A_393 : memref<1x1x8x128xi32, #tpu.memory_space<hbm>> -> memref<8x128xi32, #tpu.memory_space<hbm>>
      %dma_wait3A_395 = arith.constant 0 : i32
      %dma_wait3A_396 = arith.constant 0 : i32
      %dma_wait3A_397 = tpu.memref_slice %arg6[%run_scoped3A_23, %dma_wait3A_395, %dma_wait3A_396] : memref<25x8x128xi32, #tpu.memory_space<vmem>> -> memref<1x8x128xi32, #tpu.memory_space<vmem>>
      %dma_wait3A_398 = tpu.memref_squeeze %dma_wait3A_397 : memref<1x8x128xi32, #tpu.memory_space<vmem>> -> memref<8x128xi32, #tpu.memory_space<vmem>>
      %dma_wait3A_399 = arith.constant 0 : i32
      %dma_wait3A_400 = arith.constant 0 : i32
      %dma_wait3A_401 = tpu.memref_slice %arg2[%run_scoped3A_22, %add3A, %dma_wait3A_399, %dma_wait3A_400] : memref<25x32x8x128xi32, #tpu.memory_space<hbm>> -> memref<1x1x8x128xi32, #tpu.memory_space<hbm>>
      %dma_wait3A_402 = tpu.memref_squeeze %dma_wait3A_401 : memref<1x1x8x128xi32, #tpu.memory_space<hbm>> -> memref<8x128xi32, #tpu.memory_space<hbm>>
      tpu.wait_dma2 semaphore(%run_scoped3A_370 : memref<!tpu.dma_semaphore, #tpu.memory_space<semaphore_mem>>) src(%dma_wait3A_402 : memref<8x128xi32, #tpu.memory_space<hbm>>) dst(%dma_wait3A_398 : memref<8x128xi32, #tpu.memory_space<vmem>>)
      tpu.yield
    }) : () -> ()
    %run_scoped3A_24 = arith.constant 12 : i32
    %run_scoped3A_25 = arith.constant 12 : i32
    "tpu.region"() ({
      %run_scoped3A_370 = tpu.sem_alloc : memref<!tpu.dma_semaphore, #tpu.memory_space<semaphore_mem>>
      %dma_start3A_371 = arith.constant 0 : i32
      %dma_start3A_372 = arith.constant 0 : i32
      %dma_start3A_373 = tpu.memref_slice %arg6[%run_scoped3A_25, %dma_start3A_371, %dma_start3A_372] : memref<25x8x128xi32, #tpu.memory_space<vmem>> -> memref<1x8x128xi32, #tpu.memory_space<vmem>>
      %dma_start3A_374 = tpu.memref_squeeze %dma_start3A_373 : memref<1x8x128xi32, #tpu.memory_space<vmem>> -> memref<8x128xi32, #tpu.memory_space<vmem>>
      %dma_start3A_375 = arith.constant 0 : i32
      %dma_start3A_376 = arith.constant 0 : i32
      %dma_start3A_377 = tpu.memref_slice %arg2[%run_scoped3A_24, %add3A, %dma_start3A_375, %dma_start3A_376] : memref<25x32x8x128xi32, #tpu.memory_space<hbm>> -> memref<1x1x8x128xi32, #tpu.memory_space<hbm>>
      %dma_start3A_378 = tpu.memref_squeeze %dma_start3A_377 : memref<1x1x8x128xi32, #tpu.memory_space<hbm>> -> memref<8x128xi32, #tpu.memory_space<hbm>>
      %dma_start3A_379 = arith.constant 0 : i32
      %dma_start3A_380 = arith.constant 0 : i32
      %dma_start3A_381 = tpu.memref_slice %arg6[%run_scoped3A_25, %dma_start3A_379, %dma_start3A_380] : memref<25x8x128xi32, #tpu.memory_space<vmem>> -> memref<1x8x128xi32, #tpu.memory_space<vmem>>
      %dma_start3A_382 = tpu.memref_squeeze %dma_start3A_381 : memref<1x8x128xi32, #tpu.memory_space<vmem>> -> memref<8x128xi32, #tpu.memory_space<vmem>>
      %dma_start3A_383 = arith.constant 0 : i32
      %dma_start3A_384 = arith.constant 0 : i32
      %dma_start3A_385 = tpu.memref_slice %arg2[%run_scoped3A_24, %add3A, %dma_start3A_383, %dma_start3A_384] : memref<25x32x8x128xi32, #tpu.memory_space<hbm>> -> memref<1x1x8x128xi32, #tpu.memory_space<hbm>>
      %dma_start3A_386 = tpu.memref_squeeze %dma_start3A_385 : memref<1x1x8x128xi32, #tpu.memory_space<hbm>> -> memref<8x128xi32, #tpu.memory_space<hbm>>
      tpu.enqueue_dma source(%dma_start3A_386 : memref<8x128xi32, #tpu.memory_space<hbm>>) target(%dma_start3A_382 : memref<8x128xi32, #tpu.memory_space<vmem>>) target_semaphore(%run_scoped3A_370 : memref<!tpu.dma_semaphore, #tpu.memory_space<semaphore_mem>>)
      %dma_wait3A_387 = arith.constant 0 : i32
      %dma_wait3A_388 = arith.constant 0 : i32
      %dma_wait3A_389 = tpu.memref_slice %arg6[%run_scoped3A_25, %dma_wait3A_387, %dma_wait3A_388] : memref<25x8x128xi32, #tpu.memory_space<vmem>> -> memref<1x8x128xi32, #tpu.memory_space<vmem>>
      %dma_wait3A_390 = tpu.memref_squeeze %dma_wait3A_389 : memref<1x8x128xi32, #tpu.memory_space<vmem>> -> memref<8x128xi32, #tpu.memory_space<vmem>>
      %dma_wait3A_391 = arith.constant 0 : i32
      %dma_wait3A_392 = arith.constant 0 : i32
      %dma_wait3A_393 = tpu.memref_slice %arg2[%run_scoped3A_24, %add3A, %dma_wait3A_391, %dma_wait3A_392] : memref<25x32x8x128xi32, #tpu.memory_space<hbm>> -> memref<1x1x8x128xi32, #tpu.memory_space<hbm>>
      %dma_wait3A_394 = tpu.memref_squeeze %dma_wait3A_393 : memref<1x1x8x128xi32, #tpu.memory_space<hbm>> -> memref<8x128xi32, #tpu.memory_space<hbm>>
      %dma_wait3A_395 = arith.constant 0 : i32
      %dma_wait3A_396 = arith.constant 0 : i32
      %dma_wait3A_397 = tpu.memref_slice %arg6[%run_scoped3A_25, %dma_wait3A_395, %dma_wait3A_396] : memref<25x8x128xi32, #tpu.memory_space<vmem>> -> memref<1x8x128xi32, #tpu.memory_space<vmem>>
      %dma_wait3A_398 = tpu.memref_squeeze %dma_wait3A_397 : memref<1x8x128xi32, #tpu.memory_space<vmem>> -> memref<8x128xi32, #tpu.memory_space<vmem>>
      %dma_wait3A_399 = arith.constant 0 : i32
      %dma_wait3A_400 = arith.constant 0 : i32
      %dma_wait3A_401 = tpu.memref_slice %arg2[%run_scoped3A_24, %add3A, %dma_wait3A_399, %dma_wait3A_400] : memref<25x32x8x128xi32, #tpu.memory_space<hbm>> -> memref<1x1x8x128xi32, #tpu.memory_space<hbm>>
      %dma_wait3A_402 = tpu.memref_squeeze %dma_wait3A_401 : memref<1x1x8x128xi32, #tpu.memory_space<hbm>> -> memref<8x128xi32, #tpu.memory_space<hbm>>
      tpu.wait_dma2 semaphore(%run_scoped3A_370 : memref<!tpu.dma_semaphore, #tpu.memory_space<semaphore_mem>>) src(%dma_wait3A_402 : memref<8x128xi32, #tpu.memory_space<hbm>>) dst(%dma_wait3A_398 : memref<8x128xi32, #tpu.memory_space<vmem>>)
      tpu.yield
    }) : () -> ()
    %run_scoped3A_26 = arith.constant 13 : i32
    %run_scoped3A_27 = arith.constant 13 : i32
    "tpu.region"() ({
      %run_scoped3A_370 = tpu.sem_alloc : memref<!tpu.dma_semaphore, #tpu.memory_space<semaphore_mem>>
      %dma_start3A_371 = arith.constant 0 : i32
      %dma_start3A_372 = arith.constant 0 : i32
      %dma_start3A_373 = tpu.memref_slice %arg6[%run_scoped3A_27, %dma_start3A_371, %dma_start3A_372] : memref<25x8x128xi32, #tpu.memory_space<vmem>> -> memref<1x8x128xi32, #tpu.memory_space<vmem>>
      %dma_start3A_374 = tpu.memref_squeeze %dma_start3A_373 : memref<1x8x128xi32, #tpu.memory_space<vmem>> -> memref<8x128xi32, #tpu.memory_space<vmem>>
      %dma_start3A_375 = arith.constant 0 : i32
      %dma_start3A_376 = arith.constant 0 : i32
      %dma_start3A_377 = tpu.memref_slice %arg2[%run_scoped3A_26, %add3A, %dma_start3A_375, %dma_start3A_376] : memref<25x32x8x128xi32, #tpu.memory_space<hbm>> -> memref<1x1x8x128xi32, #tpu.memory_space<hbm>>
      %dma_start3A_378 = tpu.memref_squeeze %dma_start3A_377 : memref<1x1x8x128xi32, #tpu.memory_space<hbm>> -> memref<8x128xi32, #tpu.memory_space<hbm>>
      %dma_start3A_379 = arith.constant 0 : i32
      %dma_start3A_380 = arith.constant 0 : i32
      %dma_start3A_381 = tpu.memref_slice %arg6[%run_scoped3A_27, %dma_start3A_379, %dma_start3A_380] : memref<25x8x128xi32, #tpu.memory_space<vmem>> -> memref<1x8x128xi32, #tpu.memory_space<vmem>>
      %dma_start3A_382 = tpu.memref_squeeze %dma_start3A_381 : memref<1x8x128xi32, #tpu.memory_space<vmem>> -> memref<8x128xi32, #tpu.memory_space<vmem>>
      %dma_start3A_383 = arith.constant 0 : i32
      %dma_start3A_384 = arith.constant 0 : i32
      %dma_start3A_385 = tpu.memref_slice %arg2[%run_scoped3A_26, %add3A, %dma_start3A_383, %dma_start3A_384] : memref<25x32x8x128xi32, #tpu.memory_space<hbm>> -> memref<1x1x8x128xi32, #tpu.memory_space<hbm>>
      %dma_start3A_386 = tpu.memref_squeeze %dma_start3A_385 : memref<1x1x8x128xi32, #tpu.memory_space<hbm>> -> memref<8x128xi32, #tpu.memory_space<hbm>>
      tpu.enqueue_dma source(%dma_start3A_386 : memref<8x128xi32, #tpu.memory_space<hbm>>) target(%dma_start3A_382 : memref<8x128xi32, #tpu.memory_space<vmem>>) target_semaphore(%run_scoped3A_370 : memref<!tpu.dma_semaphore, #tpu.memory_space<semaphore_mem>>)
      %dma_wait3A_387 = arith.constant 0 : i32
      %dma_wait3A_388 = arith.constant 0 : i32
      %dma_wait3A_389 = tpu.memref_slice %arg6[%run_scoped3A_27, %dma_wait3A_387, %dma_wait3A_388] : memref<25x8x128xi32, #tpu.memory_space<vmem>> -> memref<1x8x128xi32, #tpu.memory_space<vmem>>
      %dma_wait3A_390 = tpu.memref_squeeze %dma_wait3A_389 : memref<1x8x128xi32, #tpu.memory_space<vmem>> -> memref<8x128xi32, #tpu.memory_space<vmem>>
      %dma_wait3A_391 = arith.constant 0 : i32
      %dma_wait3A_392 = arith.constant 0 : i32
      %dma_wait3A_393 = tpu.memref_slice %arg2[%run_scoped3A_26, %add3A, %dma_wait3A_391, %dma_wait3A_392] : memref<25x32x8x128xi32, #tpu.memory_space<hbm>> -> memref<1x1x8x128xi32, #tpu.memory_space<hbm>>
      %dma_wait3A_394 = tpu.memref_squeeze %dma_wait3A_393 : memref<1x1x8x128xi32, #tpu.memory_space<hbm>> -> memref<8x128xi32, #tpu.memory_space<hbm>>
      %dma_wait3A_395 = arith.constant 0 : i32
      %dma_wait3A_396 = arith.constant 0 : i32
      %dma_wait3A_397 = tpu.memref_slice %arg6[%run_scoped3A_27, %dma_wait3A_395, %dma_wait3A_396] : memref<25x8x128xi32, #tpu.memory_space<vmem>> -> memref<1x8x128xi32, #tpu.memory_space<vmem>>
      %dma_wait3A_398 = tpu.memref_squeeze %dma_wait3A_397 : memref<1x8x128xi32, #tpu.memory_space<vmem>> -> memref<8x128xi32, #tpu.memory_space<vmem>>
      %dma_wait3A_399 = arith.constant 0 : i32
      %dma_wait3A_400 = arith.constant 0 : i32
      %dma_wait3A_401 = tpu.memref_slice %arg2[%run_scoped3A_26, %add3A, %dma_wait3A_399, %dma_wait3A_400] : memref<25x32x8x128xi32, #tpu.memory_space<hbm>> -> memref<1x1x8x128xi32, #tpu.memory_space<hbm>>
      %dma_wait3A_402 = tpu.memref_squeeze %dma_wait3A_401 : memref<1x1x8x128xi32, #tpu.memory_space<hbm>> -> memref<8x128xi32, #tpu.memory_space<hbm>>
      tpu.wait_dma2 semaphore(%run_scoped3A_370 : memref<!tpu.dma_semaphore, #tpu.memory_space<semaphore_mem>>) src(%dma_wait3A_402 : memref<8x128xi32, #tpu.memory_space<hbm>>) dst(%dma_wait3A_398 : memref<8x128xi32, #tpu.memory_space<vmem>>)
      tpu.yield
    }) : () -> ()
    %run_scoped3A_28 = arith.constant 14 : i32
    %run_scoped3A_29 = arith.constant 14 : i32
    "tpu.region"() ({
      %run_scoped3A_370 = tpu.sem_alloc : memref<!tpu.dma_semaphore, #tpu.memory_space<semaphore_mem>>
      %dma_start3A_371 = arith.constant 0 : i32
      %dma_start3A_372 = arith.constant 0 : i32
      %dma_start3A_373 = tpu.memref_slice %arg6[%run_scoped3A_29, %dma_start3A_371, %dma_start3A_372] : memref<25x8x128xi32, #tpu.memory_space<vmem>> -> memref<1x8x128xi32, #tpu.memory_space<vmem>>
      %dma_start3A_374 = tpu.memref_squeeze %dma_start3A_373 : memref<1x8x128xi32, #tpu.memory_space<vmem>> -> memref<8x128xi32, #tpu.memory_space<vmem>>
      %dma_start3A_375 = arith.constant 0 : i32
      %dma_start3A_376 = arith.constant 0 : i32
      %dma_start3A_377 = tpu.memref_slice %arg2[%run_scoped3A_28, %add3A, %dma_start3A_375, %dma_start3A_376] : memref<25x32x8x128xi32, #tpu.memory_space<hbm>> -> memref<1x1x8x128xi32, #tpu.memory_space<hbm>>
      %dma_start3A_378 = tpu.memref_squeeze %dma_start3A_377 : memref<1x1x8x128xi32, #tpu.memory_space<hbm>> -> memref<8x128xi32, #tpu.memory_space<hbm>>
      %dma_start3A_379 = arith.constant 0 : i32
      %dma_start3A_380 = arith.constant 0 : i32
      %dma_start3A_381 = tpu.memref_slice %arg6[%run_scoped3A_29, %dma_start3A_379, %dma_start3A_380] : memref<25x8x128xi32, #tpu.memory_space<vmem>> -> memref<1x8x128xi32, #tpu.memory_space<vmem>>
      %dma_start3A_382 = tpu.memref_squeeze %dma_start3A_381 : memref<1x8x128xi32, #tpu.memory_space<vmem>> -> memref<8x128xi32, #tpu.memory_space<vmem>>
      %dma_start3A_383 = arith.constant 0 : i32
      %dma_start3A_384 = arith.constant 0 : i32
      %dma_start3A_385 = tpu.memref_slice %arg2[%run_scoped3A_28, %add3A, %dma_start3A_383, %dma_start3A_384] : memref<25x32x8x128xi32, #tpu.memory_space<hbm>> -> memref<1x1x8x128xi32, #tpu.memory_space<hbm>>
      %dma_start3A_386 = tpu.memref_squeeze %dma_start3A_385 : memref<1x1x8x128xi32, #tpu.memory_space<hbm>> -> memref<8x128xi32, #tpu.memory_space<hbm>>
      tpu.enqueue_dma source(%dma_start3A_386 : memref<8x128xi32, #tpu.memory_space<hbm>>) target(%dma_start3A_382 : memref<8x128xi32, #tpu.memory_space<vmem>>) target_semaphore(%run_scoped3A_370 : memref<!tpu.dma_semaphore, #tpu.memory_space<semaphore_mem>>)
      %dma_wait3A_387 = arith.constant 0 : i32
      %dma_wait3A_388 = arith.constant 0 : i32
      %dma_wait3A_389 = tpu.memref_slice %arg6[%run_scoped3A_29, %dma_wait3A_387, %dma_wait3A_388] : memref<25x8x128xi32, #tpu.memory_space<vmem>> -> memref<1x8x128xi32, #tpu.memory_space<vmem>>
      %dma_wait3A_390 = tpu.memref_squeeze %dma_wait3A_389 : memref<1x8x128xi32, #tpu.memory_space<vmem>> -> memref<8x128xi32, #tpu.memory_space<vmem>>
      %dma_wait3A_391 = arith.constant 0 : i32
      %dma_wait3A_392 = arith.constant 0 : i32
      %dma_wait3A_393 = tpu.memref_slice %arg2[%run_scoped3A_28, %add3A, %dma_wait3A_391, %dma_wait3A_392] : memref<25x32x8x128xi32, #tpu.memory_space<hbm>> -> memref<1x1x8x128xi32, #tpu.memory_space<hbm>>
      %dma_wait3A_394 = tpu.memref_squeeze %dma_wait3A_393 : memref<1x1x8x128xi32, #tpu.memory_space<hbm>> -> memref<8x128xi32, #tpu.memory_space<hbm>>
      %dma_wait3A_395 = arith.constant 0 : i32
      %dma_wait3A_396 = arith.constant 0 : i32
      %dma_wait3A_397 = tpu.memref_slice %arg6[%run_scoped3A_29, %dma_wait3A_395, %dma_wait3A_396] : memref<25x8x128xi32, #tpu.memory_space<vmem>> -> memref<1x8x128xi32, #tpu.memory_space<vmem>>
      %dma_wait3A_398 = tpu.memref_squeeze %dma_wait3A_397 : memref<1x8x128xi32, #tpu.memory_space<vmem>> -> memref<8x128xi32, #tpu.memory_space<vmem>>
      %dma_wait3A_399 = arith.constant 0 : i32
      %dma_wait3A_400 = arith.constant 0 : i32
      %dma_wait3A_401 = tpu.memref_slice %arg2[%run_scoped3A_28, %add3A, %dma_wait3A_399, %dma_wait3A_400] : memref<25x32x8x128xi32, #tpu.memory_space<hbm>> -> memref<1x1x8x128xi32, #tpu.memory_space<hbm>>
      %dma_wait3A_402 = tpu.memref_squeeze %dma_wait3A_401 : memref<1x1x8x128xi32, #tpu.memory_space<hbm>> -> memref<8x128xi32, #tpu.memory_space<hbm>>
      tpu.wait_dma2 semaphore(%run_scoped3A_370 : memref<!tpu.dma_semaphore, #tpu.memory_space<semaphore_mem>>) src(%dma_wait3A_402 : memref<8x128xi32, #tpu.memory_space<hbm>>) dst(%dma_wait3A_398 : memref<8x128xi32, #tpu.memory_space<vmem>>)
      tpu.yield
    }) : () -> ()
    %run_scoped3A_30 = arith.constant 15 : i32
    %run_scoped3A_31 = arith.constant 15 : i32
    "tpu.region"() ({
      %run_scoped3A_370 = tpu.sem_alloc : memref<!tpu.dma_semaphore, #tpu.memory_space<semaphore_mem>>
      %dma_start3A_371 = arith.constant 0 : i32
      %dma_start3A_372 = arith.constant 0 : i32
      %dma_start3A_373 = tpu.memref_slice %arg6[%run_scoped3A_31, %dma_start3A_371, %dma_start3A_372] : memref<25x8x128xi32, #tpu.memory_space<vmem>> -> memref<1x8x128xi32, #tpu.memory_space<vmem>>
      %dma_start3A_374 = tpu.memref_squeeze %dma_start3A_373 : memref<1x8x128xi32, #tpu.memory_space<vmem>> -> memref<8x128xi32, #tpu.memory_space<vmem>>
      %dma_start3A_375 = arith.constant 0 : i32
      %dma_start3A_376 = arith.constant 0 : i32
      %dma_start3A_377 = tpu.memref_slice %arg2[%run_scoped3A_30, %add3A, %dma_start3A_375, %dma_start3A_376] : memref<25x32x8x128xi32, #tpu.memory_space<hbm>> -> memref<1x1x8x128xi32, #tpu.memory_space<hbm>>
      %dma_start3A_378 = tpu.memref_squeeze %dma_start3A_377 : memref<1x1x8x128xi32, #tpu.memory_space<hbm>> -> memref<8x128xi32, #tpu.memory_space<hbm>>
      %dma_start3A_379 = arith.constant 0 : i32
      %dma_start3A_380 = arith.constant 0 : i32
      %dma_start3A_381 = tpu.memref_slice %arg6[%run_scoped3A_31, %dma_start3A_379, %dma_start3A_380] : memref<25x8x128xi32, #tpu.memory_space<vmem>> -> memref<1x8x128xi32, #tpu.memory_space<vmem>>
      %dma_start3A_382 = tpu.memref_squeeze %dma_start3A_381 : memref<1x8x128xi32, #tpu.memory_space<vmem>> -> memref<8x128xi32, #tpu.memory_space<vmem>>
      %dma_start3A_383 = arith.constant 0 : i32
      %dma_start3A_384 = arith.constant 0 : i32
      %dma_start3A_385 = tpu.memref_slice %arg2[%run_scoped3A_30, %add3A, %dma_start3A_383, %dma_start3A_384] : memref<25x32x8x128xi32, #tpu.memory_space<hbm>> -> memref<1x1x8x128xi32, #tpu.memory_space<hbm>>
      %dma_start3A_386 = tpu.memref_squeeze %dma_start3A_385 : memref<1x1x8x128xi32, #tpu.memory_space<hbm>> -> memref<8x128xi32, #tpu.memory_space<hbm>>
      tpu.enqueue_dma source(%dma_start3A_386 : memref<8x128xi32, #tpu.memory_space<hbm>>) target(%dma_start3A_382 : memref<8x128xi32, #tpu.memory_space<vmem>>) target_semaphore(%run_scoped3A_370 : memref<!tpu.dma_semaphore, #tpu.memory_space<semaphore_mem>>)
      %dma_wait3A_387 = arith.constant 0 : i32
      %dma_wait3A_388 = arith.constant 0 : i32
      %dma_wait3A_389 = tpu.memref_slice %arg6[%run_scoped3A_31, %dma_wait3A_387, %dma_wait3A_388] : memref<25x8x128xi32, #tpu.memory_space<vmem>> -> memref<1x8x128xi32, #tpu.memory_space<vmem>>
      %dma_wait3A_390 = tpu.memref_squeeze %dma_wait3A_389 : memref<1x8x128xi32, #tpu.memory_space<vmem>> -> memref<8x128xi32, #tpu.memory_space<vmem>>
      %dma_wait3A_391 = arith.constant 0 : i32
      %dma_wait3A_392 = arith.constant 0 : i32
      %dma_wait3A_393 = tpu.memref_slice %arg2[%run_scoped3A_30, %add3A, %dma_wait3A_391, %dma_wait3A_392] : memref<25x32x8x128xi32, #tpu.memory_space<hbm>> -> memref<1x1x8x128xi32, #tpu.memory_space<hbm>>
      %dma_wait3A_394 = tpu.memref_squeeze %dma_wait3A_393 : memref<1x1x8x128xi32, #tpu.memory_space<hbm>> -> memref<8x128xi32, #tpu.memory_space<hbm>>
      %dma_wait3A_395 = arith.constant 0 : i32
      %dma_wait3A_396 = arith.constant 0 : i32
      %dma_wait3A_397 = tpu.memref_slice %arg6[%run_scoped3A_31, %dma_wait3A_395, %dma_wait3A_396] : memref<25x8x128xi32, #tpu.memory_space<vmem>> -> memref<1x8x128xi32, #tpu.memory_space<vmem>>
      %dma_wait3A_398 = tpu.memref_squeeze %dma_wait3A_397 : memref<1x8x128xi32, #tpu.memory_space<vmem>> -> memref<8x128xi32, #tpu.memory_space<vmem>>
      %dma_wait3A_399 = arith.constant 0 : i32
      %dma_wait3A_400 = arith.constant 0 : i32
      %dma_wait3A_401 = tpu.memref_slice %arg2[%run_scoped3A_30, %add3A, %dma_wait3A_399, %dma_wait3A_400] : memref<25x32x8x128xi32, #tpu.memory_space<hbm>> -> memref<1x1x8x128xi32, #tpu.memory_space<hbm>>
      %dma_wait3A_402 = tpu.memref_squeeze %dma_wait3A_401 : memref<1x1x8x128xi32, #tpu.memory_space<hbm>> -> memref<8x128xi32, #tpu.memory_space<hbm>>
      tpu.wait_dma2 semaphore(%run_scoped3A_370 : memref<!tpu.dma_semaphore, #tpu.memory_space<semaphore_mem>>) src(%dma_wait3A_402 : memref<8x128xi32, #tpu.memory_space<hbm>>) dst(%dma_wait3A_398 : memref<8x128xi32, #tpu.memory_space<vmem>>)
      tpu.yield
    }) : () -> ()
    %run_scoped3A_32 = arith.constant 16 : i32
    %run_scoped3A_33 = arith.constant 16 : i32
    "tpu.region"() ({
      %run_scoped3A_370 = tpu.sem_alloc : memref<!tpu.dma_semaphore, #tpu.memory_space<semaphore_mem>>
      %dma_start3A_371 = arith.constant 0 : i32
      %dma_start3A_372 = arith.constant 0 : i32
      %dma_start3A_373 = tpu.memref_slice %arg6[%run_scoped3A_33, %dma_start3A_371, %dma_start3A_372] : memref<25x8x128xi32, #tpu.memory_space<vmem>> -> memref<1x8x128xi32, #tpu.memory_space<vmem>>
      %dma_start3A_374 = tpu.memref_squeeze %dma_start3A_373 : memref<1x8x128xi32, #tpu.memory_space<vmem>> -> memref<8x128xi32, #tpu.memory_space<vmem>>
      %dma_start3A_375 = arith.constant 0 : i32
      %dma_start3A_376 = arith.constant 0 : i32
      %dma_start3A_377 = tpu.memref_slice %arg2[%run_scoped3A_32, %add3A, %dma_start3A_375, %dma_start3A_376] : memref<25x32x8x128xi32, #tpu.memory_space<hbm>> -> memref<1x1x8x128xi32, #tpu.memory_space<hbm>>
      %dma_start3A_378 = tpu.memref_squeeze %dma_start3A_377 : memref<1x1x8x128xi32, #tpu.memory_space<hbm>> -> memref<8x128xi32, #tpu.memory_space<hbm>>
      %dma_start3A_379 = arith.constant 0 : i32
      %dma_start3A_380 = arith.constant 0 : i32
      %dma_start3A_381 = tpu.memref_slice %arg6[%run_scoped3A_33, %dma_start3A_379, %dma_start3A_380] : memref<25x8x128xi32, #tpu.memory_space<vmem>> -> memref<1x8x128xi32, #tpu.memory_space<vmem>>
      %dma_start3A_382 = tpu.memref_squeeze %dma_start3A_381 : memref<1x8x128xi32, #tpu.memory_space<vmem>> -> memref<8x128xi32, #tpu.memory_space<vmem>>
      %dma_start3A_383 = arith.constant 0 : i32
      %dma_start3A_384 = arith.constant 0 : i32
      %dma_start3A_385 = tpu.memref_slice %arg2[%run_scoped3A_32, %add3A, %dma_start3A_383, %dma_start3A_384] : memref<25x32x8x128xi32, #tpu.memory_space<hbm>> -> memref<1x1x8x128xi32, #tpu.memory_space<hbm>>
      %dma_start3A_386 = tpu.memref_squeeze %dma_start3A_385 : memref<1x1x8x128xi32, #tpu.memory_space<hbm>> -> memref<8x128xi32, #tpu.memory_space<hbm>>
      tpu.enqueue_dma source(%dma_start3A_386 : memref<8x128xi32, #tpu.memory_space<hbm>>) target(%dma_start3A_382 : memref<8x128xi32, #tpu.memory_space<vmem>>) target_semaphore(%run_scoped3A_370 : memref<!tpu.dma_semaphore, #tpu.memory_space<semaphore_mem>>)
      %dma_wait3A_387 = arith.constant 0 : i32
      %dma_wait3A_388 = arith.constant 0 : i32
      %dma_wait3A_389 = tpu.memref_slice %arg6[%run_scoped3A_33, %dma_wait3A_387, %dma_wait3A_388] : memref<25x8x128xi32, #tpu.memory_space<vmem>> -> memref<1x8x128xi32, #tpu.memory_space<vmem>>
      %dma_wait3A_390 = tpu.memref_squeeze %dma_wait3A_389 : memref<1x8x128xi32, #tpu.memory_space<vmem>> -> memref<8x128xi32, #tpu.memory_space<vmem>>
      %dma_wait3A_391 = arith.constant 0 : i32
      %dma_wait3A_392 = arith.constant 0 : i32
      %dma_wait3A_393 = tpu.memref_slice %arg2[%run_scoped3A_32, %add3A, %dma_wait3A_391, %dma_wait3A_392] : memref<25x32x8x128xi32, #tpu.memory_space<hbm>> -> memref<1x1x8x128xi32, #tpu.memory_space<hbm>>
      %dma_wait3A_394 = tpu.memref_squeeze %dma_wait3A_393 : memref<1x1x8x128xi32, #tpu.memory_space<hbm>> -> memref<8x128xi32, #tpu.memory_space<hbm>>
      %dma_wait3A_395 = arith.constant 0 : i32
      %dma_wait3A_396 = arith.constant 0 : i32
      %dma_wait3A_397 = tpu.memref_slice %arg6[%run_scoped3A_33, %dma_wait3A_395, %dma_wait3A_396] : memref<25x8x128xi32, #tpu.memory_space<vmem>> -> memref<1x8x128xi32, #tpu.memory_space<vmem>>
      %dma_wait3A_398 = tpu.memref_squeeze %dma_wait3A_397 : memref<1x8x128xi32, #tpu.memory_space<vmem>> -> memref<8x128xi32, #tpu.memory_space<vmem>>
      %dma_wait3A_399 = arith.constant 0 : i32
      %dma_wait3A_400 = arith.constant 0 : i32
      %dma_wait3A_401 = tpu.memref_slice %arg2[%run_scoped3A_32, %add3A, %dma_wait3A_399, %dma_wait3A_400] : memref<25x32x8x128xi32, #tpu.memory_space<hbm>> -> memref<1x1x8x128xi32, #tpu.memory_space<hbm>>
      %dma_wait3A_402 = tpu.memref_squeeze %dma_wait3A_401 : memref<1x1x8x128xi32, #tpu.memory_space<hbm>> -> memref<8x128xi32, #tpu.memory_space<hbm>>
      tpu.wait_dma2 semaphore(%run_scoped3A_370 : memref<!tpu.dma_semaphore, #tpu.memory_space<semaphore_mem>>) src(%dma_wait3A_402 : memref<8x128xi32, #tpu.memory_space<hbm>>) dst(%dma_wait3A_398 : memref<8x128xi32, #tpu.memory_space<vmem>>)
      tpu.yield
    }) : () -> ()
    %run_scoped3A_34 = arith.constant 17 : i32
    %run_scoped3A_35 = arith.constant 17 : i32
    "tpu.region"() ({
      %run_scoped3A_370 = tpu.sem_alloc : memref<!tpu.dma_semaphore, #tpu.memory_space<semaphore_mem>>
      %dma_start3A_371 = arith.constant 0 : i32
      %dma_start3A_372 = arith.constant 0 : i32
      %dma_start3A_373 = tpu.memref_slice %arg6[%run_scoped3A_35, %dma_start3A_371, %dma_start3A_372] : memref<25x8x128xi32, #tpu.memory_space<vmem>> -> memref<1x8x128xi32, #tpu.memory_space<vmem>>
      %dma_start3A_374 = tpu.memref_squeeze %dma_start3A_373 : memref<1x8x128xi32, #tpu.memory_space<vmem>> -> memref<8x128xi32, #tpu.memory_space<vmem>>
      %dma_start3A_375 = arith.constant 0 : i32
      %dma_start3A_376 = arith.constant 0 : i32
      %dma_start3A_377 = tpu.memref_slice %arg2[%run_scoped3A_34, %add3A, %dma_start3A_375, %dma_start3A_376] : memref<25x32x8x128xi32, #tpu.memory_space<hbm>> -> memref<1x1x8x128xi32, #tpu.memory_space<hbm>>
      %dma_start3A_378 = tpu.memref_squeeze %dma_start3A_377 : memref<1x1x8x128xi32, #tpu.memory_space<hbm>> -> memref<8x128xi32, #tpu.memory_space<hbm>>
      %dma_start3A_379 = arith.constant 0 : i32
      %dma_start3A_380 = arith.constant 0 : i32
      %dma_start3A_381 = tpu.memref_slice %arg6[%run_scoped3A_35, %dma_start3A_379, %dma_start3A_380] : memref<25x8x128xi32, #tpu.memory_space<vmem>> -> memref<1x8x128xi32, #tpu.memory_space<vmem>>
      %dma_start3A_382 = tpu.memref_squeeze %dma_start3A_381 : memref<1x8x128xi32, #tpu.memory_space<vmem>> -> memref<8x128xi32, #tpu.memory_space<vmem>>
      %dma_start3A_383 = arith.constant 0 : i32
      %dma_start3A_384 = arith.constant 0 : i32
      %dma_start3A_385 = tpu.memref_slice %arg2[%run_scoped3A_34, %add3A, %dma_start3A_383, %dma_start3A_384] : memref<25x32x8x128xi32, #tpu.memory_space<hbm>> -> memref<1x1x8x128xi32, #tpu.memory_space<hbm>>
      %dma_start3A_386 = tpu.memref_squeeze %dma_start3A_385 : memref<1x1x8x128xi32, #tpu.memory_space<hbm>> -> memref<8x128xi32, #tpu.memory_space<hbm>>
      tpu.enqueue_dma source(%dma_start3A_386 : memref<8x128xi32, #tpu.memory_space<hbm>>) target(%dma_start3A_382 : memref<8x128xi32, #tpu.memory_space<vmem>>) target_semaphore(%run_scoped3A_370 : memref<!tpu.dma_semaphore, #tpu.memory_space<semaphore_mem>>)
      %dma_wait3A_387 = arith.constant 0 : i32
      %dma_wait3A_388 = arith.constant 0 : i32
      %dma_wait3A_389 = tpu.memref_slice %arg6[%run_scoped3A_35, %dma_wait3A_387, %dma_wait3A_388] : memref<25x8x128xi32, #tpu.memory_space<vmem>> -> memref<1x8x128xi32, #tpu.memory_space<vmem>>
      %dma_wait3A_390 = tpu.memref_squeeze %dma_wait3A_389 : memref<1x8x128xi32, #tpu.memory_space<vmem>> -> memref<8x128xi32, #tpu.memory_space<vmem>>
      %dma_wait3A_391 = arith.constant 0 : i32
      %dma_wait3A_392 = arith.constant 0 : i32
      %dma_wait3A_393 = tpu.memref_slice %arg2[%run_scoped3A_34, %add3A, %dma_wait3A_391, %dma_wait3A_392] : memref<25x32x8x128xi32, #tpu.memory_space<hbm>> -> memref<1x1x8x128xi32, #tpu.memory_space<hbm>>
      %dma_wait3A_394 = tpu.memref_squeeze %dma_wait3A_393 : memref<1x1x8x128xi32, #tpu.memory_space<hbm>> -> memref<8x128xi32, #tpu.memory_space<hbm>>
      %dma_wait3A_395 = arith.constant 0 : i32
      %dma_wait3A_396 = arith.constant 0 : i32
      %dma_wait3A_397 = tpu.memref_slice %arg6[%run_scoped3A_35, %dma_wait3A_395, %dma_wait3A_396] : memref<25x8x128xi32, #tpu.memory_space<vmem>> -> memref<1x8x128xi32, #tpu.memory_space<vmem>>
      %dma_wait3A_398 = tpu.memref_squeeze %dma_wait3A_397 : memref<1x8x128xi32, #tpu.memory_space<vmem>> -> memref<8x128xi32, #tpu.memory_space<vmem>>
      %dma_wait3A_399 = arith.constant 0 : i32
      %dma_wait3A_400 = arith.constant 0 : i32
      %dma_wait3A_401 = tpu.memref_slice %arg2[%run_scoped3A_34, %add3A, %dma_wait3A_399, %dma_wait3A_400] : memref<25x32x8x128xi32, #tpu.memory_space<hbm>> -> memref<1x1x8x128xi32, #tpu.memory_space<hbm>>
      %dma_wait3A_402 = tpu.memref_squeeze %dma_wait3A_401 : memref<1x1x8x128xi32, #tpu.memory_space<hbm>> -> memref<8x128xi32, #tpu.memory_space<hbm>>
      tpu.wait_dma2 semaphore(%run_scoped3A_370 : memref<!tpu.dma_semaphore, #tpu.memory_space<semaphore_mem>>) src(%dma_wait3A_402 : memref<8x128xi32, #tpu.memory_space<hbm>>) dst(%dma_wait3A_398 : memref<8x128xi32, #tpu.memory_space<vmem>>)
      tpu.yield
    }) : () -> ()
    %run_scoped3A_36 = arith.constant 18 : i32
    %run_scoped3A_37 = arith.constant 18 : i32
    "tpu.region"() ({
      %run_scoped3A_370 = tpu.sem_alloc : memref<!tpu.dma_semaphore, #tpu.memory_space<semaphore_mem>>
      %dma_start3A_371 = arith.constant 0 : i32
      %dma_start3A_372 = arith.constant 0 : i32
      %dma_start3A_373 = tpu.memref_slice %arg6[%run_scoped3A_37, %dma_start3A_371, %dma_start3A_372] : memref<25x8x128xi32, #tpu.memory_space<vmem>> -> memref<1x8x128xi32, #tpu.memory_space<vmem>>
      %dma_start3A_374 = tpu.memref_squeeze %dma_start3A_373 : memref<1x8x128xi32, #tpu.memory_space<vmem>> -> memref<8x128xi32, #tpu.memory_space<vmem>>
      %dma_start3A_375 = arith.constant 0 : i32
      %dma_start3A_376 = arith.constant 0 : i32
      %dma_start3A_377 = tpu.memref_slice %arg2[%run_scoped3A_36, %add3A, %dma_start3A_375, %dma_start3A_376] : memref<25x32x8x128xi32, #tpu.memory_space<hbm>> -> memref<1x1x8x128xi32, #tpu.memory_space<hbm>>
      %dma_start3A_378 = tpu.memref_squeeze %dma_start3A_377 : memref<1x1x8x128xi32, #tpu.memory_space<hbm>> -> memref<8x128xi32, #tpu.memory_space<hbm>>
      %dma_start3A_379 = arith.constant 0 : i32
      %dma_start3A_380 = arith.constant 0 : i32
      %dma_start3A_381 = tpu.memref_slice %arg6[%run_scoped3A_37, %dma_start3A_379, %dma_start3A_380] : memref<25x8x128xi32, #tpu.memory_space<vmem>> -> memref<1x8x128xi32, #tpu.memory_space<vmem>>
      %dma_start3A_382 = tpu.memref_squeeze %dma_start3A_381 : memref<1x8x128xi32, #tpu.memory_space<vmem>> -> memref<8x128xi32, #tpu.memory_space<vmem>>
      %dma_start3A_383 = arith.constant 0 : i32
      %dma_start3A_384 = arith.constant 0 : i32
      %dma_start3A_385 = tpu.memref_slice %arg2[%run_scoped3A_36, %add3A, %dma_start3A_383, %dma_start3A_384] : memref<25x32x8x128xi32, #tpu.memory_space<hbm>> -> memref<1x1x8x128xi32, #tpu.memory_space<hbm>>
      %dma_start3A_386 = tpu.memref_squeeze %dma_start3A_385 : memref<1x1x8x128xi32, #tpu.memory_space<hbm>> -> memref<8x128xi32, #tpu.memory_space<hbm>>
      tpu.enqueue_dma source(%dma_start3A_386 : memref<8x128xi32, #tpu.memory_space<hbm>>) target(%dma_start3A_382 : memref<8x128xi32, #tpu.memory_space<vmem>>) target_semaphore(%run_scoped3A_370 : memref<!tpu.dma_semaphore, #tpu.memory_space<semaphore_mem>>)
      %dma_wait3A_387 = arith.constant 0 : i32
      %dma_wait3A_388 = arith.constant 0 : i32
      %dma_wait3A_389 = tpu.memref_slice %arg6[%run_scoped3A_37, %dma_wait3A_387, %dma_wait3A_388] : memref<25x8x128xi32, #tpu.memory_space<vmem>> -> memref<1x8x128xi32, #tpu.memory_space<vmem>>
      %dma_wait3A_390 = tpu.memref_squeeze %dma_wait3A_389 : memref<1x8x128xi32, #tpu.memory_space<vmem>> -> memref<8x128xi32, #tpu.memory_space<vmem>>
      %dma_wait3A_391 = arith.constant 0 : i32
      %dma_wait3A_392 = arith.constant 0 : i32
      %dma_wait3A_393 = tpu.memref_slice %arg2[%run_scoped3A_36, %add3A, %dma_wait3A_391, %dma_wait3A_392] : memref<25x32x8x128xi32, #tpu.memory_space<hbm>> -> memref<1x1x8x128xi32, #tpu.memory_space<hbm>>
      %dma_wait3A_394 = tpu.memref_squeeze %dma_wait3A_393 : memref<1x1x8x128xi32, #tpu.memory_space<hbm>> -> memref<8x128xi32, #tpu.memory_space<hbm>>
      %dma_wait3A_395 = arith.constant 0 : i32
      %dma_wait3A_396 = arith.constant 0 : i32
      %dma_wait3A_397 = tpu.memref_slice %arg6[%run_scoped3A_37, %dma_wait3A_395, %dma_wait3A_396] : memref<25x8x128xi32, #tpu.memory_space<vmem>> -> memref<1x8x128xi32, #tpu.memory_space<vmem>>
      %dma_wait3A_398 = tpu.memref_squeeze %dma_wait3A_397 : memref<1x8x128xi32, #tpu.memory_space<vmem>> -> memref<8x128xi32, #tpu.memory_space<vmem>>
      %dma_wait3A_399 = arith.constant 0 : i32
      %dma_wait3A_400 = arith.constant 0 : i32
      %dma_wait3A_401 = tpu.memref_slice %arg2[%run_scoped3A_36, %add3A, %dma_wait3A_399, %dma_wait3A_400] : memref<25x32x8x128xi32, #tpu.memory_space<hbm>> -> memref<1x1x8x128xi32, #tpu.memory_space<hbm>>
      %dma_wait3A_402 = tpu.memref_squeeze %dma_wait3A_401 : memref<1x1x8x128xi32, #tpu.memory_space<hbm>> -> memref<8x128xi32, #tpu.memory_space<hbm>>
      tpu.wait_dma2 semaphore(%run_scoped3A_370 : memref<!tpu.dma_semaphore, #tpu.memory_space<semaphore_mem>>) src(%dma_wait3A_402 : memref<8x128xi32, #tpu.memory_space<hbm>>) dst(%dma_wait3A_398 : memref<8x128xi32, #tpu.memory_space<vmem>>)
      tpu.yield
    }) : () -> ()
    %run_scoped3A_38 = arith.constant 19 : i32
    %run_scoped3A_39 = arith.constant 19 : i32
    "tpu.region"() ({
      %run_scoped3A_370 = tpu.sem_alloc : memref<!tpu.dma_semaphore, #tpu.memory_space<semaphore_mem>>
      %dma_start3A_371 = arith.constant 0 : i32
      %dma_start3A_372 = arith.constant 0 : i32
      %dma_start3A_373 = tpu.memref_slice %arg6[%run_scoped3A_39, %dma_start3A_371, %dma_start3A_372] : memref<25x8x128xi32, #tpu.memory_space<vmem>> -> memref<1x8x128xi32, #tpu.memory_space<vmem>>
      %dma_start3A_374 = tpu.memref_squeeze %dma_start3A_373 : memref<1x8x128xi32, #tpu.memory_space<vmem>> -> memref<8x128xi32, #tpu.memory_space<vmem>>
      %dma_start3A_375 = arith.constant 0 : i32
      %dma_start3A_376 = arith.constant 0 : i32
      %dma_start3A_377 = tpu.memref_slice %arg2[%run_scoped3A_38, %add3A, %dma_start3A_375, %dma_start3A_376] : memref<25x32x8x128xi32, #tpu.memory_space<hbm>> -> memref<1x1x8x128xi32, #tpu.memory_space<hbm>>
      %dma_start3A_378 = tpu.memref_squeeze %dma_start3A_377 : memref<1x1x8x128xi32, #tpu.memory_space<hbm>> -> memref<8x128xi32, #tpu.memory_space<hbm>>
      %dma_start3A_379 = arith.constant 0 : i32
      %dma_start3A_380 = arith.constant 0 : i32
      %dma_start3A_381 = tpu.memref_slice %arg6[%run_scoped3A_39, %dma_start3A_379, %dma_start3A_380] : memref<25x8x128xi32, #tpu.memory_space<vmem>> -> memref<1x8x128xi32, #tpu.memory_space<vmem>>
      %dma_start3A_382 = tpu.memref_squeeze %dma_start3A_381 : memref<1x8x128xi32, #tpu.memory_space<vmem>> -> memref<8x128xi32, #tpu.memory_space<vmem>>
      %dma_start3A_383 = arith.constant 0 : i32
      %dma_start3A_384 = arith.constant 0 : i32
      %dma_start3A_385 = tpu.memref_slice %arg2[%run_scoped3A_38, %add3A, %dma_start3A_383, %dma_start3A_384] : memref<25x32x8x128xi32, #tpu.memory_space<hbm>> -> memref<1x1x8x128xi32, #tpu.memory_space<hbm>>
      %dma_start3A_386 = tpu.memref_squeeze %dma_start3A_385 : memref<1x1x8x128xi32, #tpu.memory_space<hbm>> -> memref<8x128xi32, #tpu.memory_space<hbm>>
      tpu.enqueue_dma source(%dma_start3A_386 : memref<8x128xi32, #tpu.memory_space<hbm>>) target(%dma_start3A_382 : memref<8x128xi32, #tpu.memory_space<vmem>>) target_semaphore(%run_scoped3A_370 : memref<!tpu.dma_semaphore, #tpu.memory_space<semaphore_mem>>)
      %dma_wait3A_387 = arith.constant 0 : i32
      %dma_wait3A_388 = arith.constant 0 : i32
      %dma_wait3A_389 = tpu.memref_slice %arg6[%run_scoped3A_39, %dma_wait3A_387, %dma_wait3A_388] : memref<25x8x128xi32, #tpu.memory_space<vmem>> -> memref<1x8x128xi32, #tpu.memory_space<vmem>>
      %dma_wait3A_390 = tpu.memref_squeeze %dma_wait3A_389 : memref<1x8x128xi32, #tpu.memory_space<vmem>> -> memref<8x128xi32, #tpu.memory_space<vmem>>
      %dma_wait3A_391 = arith.constant 0 : i32
      %dma_wait3A_392 = arith.constant 0 : i32
      %dma_wait3A_393 = tpu.memref_slice %arg2[%run_scoped3A_38, %add3A, %dma_wait3A_391, %dma_wait3A_392] : memref<25x32x8x128xi32, #tpu.memory_space<hbm>> -> memref<1x1x8x128xi32, #tpu.memory_space<hbm>>
      %dma_wait3A_394 = tpu.memref_squeeze %dma_wait3A_393 : memref<1x1x8x128xi32, #tpu.memory_space<hbm>> -> memref<8x128xi32, #tpu.memory_space<hbm>>
      %dma_wait3A_395 = arith.constant 0 : i32
      %dma_wait3A_396 = arith.constant 0 : i32
      %dma_wait3A_397 = tpu.memref_slice %arg6[%run_scoped3A_39, %dma_wait3A_395, %dma_wait3A_396] : memref<25x8x128xi32, #tpu.memory_space<vmem>> -> memref<1x8x128xi32, #tpu.memory_space<vmem>>
      %dma_wait3A_398 = tpu.memref_squeeze %dma_wait3A_397 : memref<1x8x128xi32, #tpu.memory_space<vmem>> -> memref<8x128xi32, #tpu.memory_space<vmem>>
      %dma_wait3A_399 = arith.constant 0 : i32
      %dma_wait3A_400 = arith.constant 0 : i32
      %dma_wait3A_401 = tpu.memref_slice %arg2[%run_scoped3A_38, %add3A, %dma_wait3A_399, %dma_wait3A_400] : memref<25x32x8x128xi32, #tpu.memory_space<hbm>> -> memref<1x1x8x128xi32, #tpu.memory_space<hbm>>
      %dma_wait3A_402 = tpu.memref_squeeze %dma_wait3A_401 : memref<1x1x8x128xi32, #tpu.memory_space<hbm>> -> memref<8x128xi32, #tpu.memory_space<hbm>>
      tpu.wait_dma2 semaphore(%run_scoped3A_370 : memref<!tpu.dma_semaphore, #tpu.memory_space<semaphore_mem>>) src(%dma_wait3A_402 : memref<8x128xi32, #tpu.memory_space<hbm>>) dst(%dma_wait3A_398 : memref<8x128xi32, #tpu.memory_space<vmem>>)
      tpu.yield
    }) : () -> ()
    %run_scoped3A_40 = arith.constant 20 : i32
    %run_scoped3A_41 = arith.constant 20 : i32
    "tpu.region"() ({
      %run_scoped3A_370 = tpu.sem_alloc : memref<!tpu.dma_semaphore, #tpu.memory_space<semaphore_mem>>
      %dma_start3A_371 = arith.constant 0 : i32
      %dma_start3A_372 = arith.constant 0 : i32
      %dma_start3A_373 = tpu.memref_slice %arg6[%run_scoped3A_41, %dma_start3A_371, %dma_start3A_372] : memref<25x8x128xi32, #tpu.memory_space<vmem>> -> memref<1x8x128xi32, #tpu.memory_space<vmem>>
      %dma_start3A_374 = tpu.memref_squeeze %dma_start3A_373 : memref<1x8x128xi32, #tpu.memory_space<vmem>> -> memref<8x128xi32, #tpu.memory_space<vmem>>
      %dma_start3A_375 = arith.constant 0 : i32
      %dma_start3A_376 = arith.constant 0 : i32
      %dma_start3A_377 = tpu.memref_slice %arg2[%run_scoped3A_40, %add3A, %dma_start3A_375, %dma_start3A_376] : memref<25x32x8x128xi32, #tpu.memory_space<hbm>> -> memref<1x1x8x128xi32, #tpu.memory_space<hbm>>
      %dma_start3A_378 = tpu.memref_squeeze %dma_start3A_377 : memref<1x1x8x128xi32, #tpu.memory_space<hbm>> -> memref<8x128xi32, #tpu.memory_space<hbm>>
      %dma_start3A_379 = arith.constant 0 : i32
      %dma_start3A_380 = arith.constant 0 : i32
      %dma_start3A_381 = tpu.memref_slice %arg6[%run_scoped3A_41, %dma_start3A_379, %dma_start3A_380] : memref<25x8x128xi32, #tpu.memory_space<vmem>> -> memref<1x8x128xi32, #tpu.memory_space<vmem>>
      %dma_start3A_382 = tpu.memref_squeeze %dma_start3A_381 : memref<1x8x128xi32, #tpu.memory_space<vmem>> -> memref<8x128xi32, #tpu.memory_space<vmem>>
      %dma_start3A_383 = arith.constant 0 : i32
      %dma_start3A_384 = arith.constant 0 : i32
      %dma_start3A_385 = tpu.memref_slice %arg2[%run_scoped3A_40, %add3A, %dma_start3A_383, %dma_start3A_384] : memref<25x32x8x128xi32, #tpu.memory_space<hbm>> -> memref<1x1x8x128xi32, #tpu.memory_space<hbm>>
      %dma_start3A_386 = tpu.memref_squeeze %dma_start3A_385 : memref<1x1x8x128xi32, #tpu.memory_space<hbm>> -> memref<8x128xi32, #tpu.memory_space<hbm>>
      tpu.enqueue_dma source(%dma_start3A_386 : memref<8x128xi32, #tpu.memory_space<hbm>>) target(%dma_start3A_382 : memref<8x128xi32, #tpu.memory_space<vmem>>) target_semaphore(%run_scoped3A_370 : memref<!tpu.dma_semaphore, #tpu.memory_space<semaphore_mem>>)
      %dma_wait3A_387 = arith.constant 0 : i32
      %dma_wait3A_388 = arith.constant 0 : i32
      %dma_wait3A_389 = tpu.memref_slice %arg6[%run_scoped3A_41, %dma_wait3A_387, %dma_wait3A_388] : memref<25x8x128xi32, #tpu.memory_space<vmem>> -> memref<1x8x128xi32, #tpu.memory_space<vmem>>
      %dma_wait3A_390 = tpu.memref_squeeze %dma_wait3A_389 : memref<1x8x128xi32, #tpu.memory_space<vmem>> -> memref<8x128xi32, #tpu.memory_space<vmem>>
      %dma_wait3A_391 = arith.constant 0 : i32
      %dma_wait3A_392 = arith.constant 0 : i32
      %dma_wait3A_393 = tpu.memref_slice %arg2[%run_scoped3A_40, %add3A, %dma_wait3A_391, %dma_wait3A_392] : memref<25x32x8x128xi32, #tpu.memory_space<hbm>> -> memref<1x1x8x128xi32, #tpu.memory_space<hbm>>
      %dma_wait3A_394 = tpu.memref_squeeze %dma_wait3A_393 : memref<1x1x8x128xi32, #tpu.memory_space<hbm>> -> memref<8x128xi32, #tpu.memory_space<hbm>>
      %dma_wait3A_395 = arith.constant 0 : i32
      %dma_wait3A_396 = arith.constant 0 : i32
      %dma_wait3A_397 = tpu.memref_slice %arg6[%run_scoped3A_41, %dma_wait3A_395, %dma_wait3A_396] : memref<25x8x128xi32, #tpu.memory_space<vmem>> -> memref<1x8x128xi32, #tpu.memory_space<vmem>>
      %dma_wait3A_398 = tpu.memref_squeeze %dma_wait3A_397 : memref<1x8x128xi32, #tpu.memory_space<vmem>> -> memref<8x128xi32, #tpu.memory_space<vmem>>
      %dma_wait3A_399 = arith.constant 0 : i32
      %dma_wait3A_400 = arith.constant 0 : i32
      %dma_wait3A_401 = tpu.memref_slice %arg2[%run_scoped3A_40, %add3A, %dma_wait3A_399, %dma_wait3A_400] : memref<25x32x8x128xi32, #tpu.memory_space<hbm>> -> memref<1x1x8x128xi32, #tpu.memory_space<hbm>>
      %dma_wait3A_402 = tpu.memref_squeeze %dma_wait3A_401 : memref<1x1x8x128xi32, #tpu.memory_space<hbm>> -> memref<8x128xi32, #tpu.memory_space<hbm>>
      tpu.wait_dma2 semaphore(%run_scoped3A_370 : memref<!tpu.dma_semaphore, #tpu.memory_space<semaphore_mem>>) src(%dma_wait3A_402 : memref<8x128xi32, #tpu.memory_space<hbm>>) dst(%dma_wait3A_398 : memref<8x128xi32, #tpu.memory_space<vmem>>)
      tpu.yield
    }) : () -> ()
    %run_scoped3A_42 = arith.constant 21 : i32
    %run_scoped3A_43 = arith.constant 21 : i32
    "tpu.region"() ({
      %run_scoped3A_370 = tpu.sem_alloc : memref<!tpu.dma_semaphore, #tpu.memory_space<semaphore_mem>>
      %dma_start3A_371 = arith.constant 0 : i32
      %dma_start3A_372 = arith.constant 0 : i32
      %dma_start3A_373 = tpu.memref_slice %arg6[%run_scoped3A_43, %dma_start3A_371, %dma_start3A_372] : memref<25x8x128xi32, #tpu.memory_space<vmem>> -> memref<1x8x128xi32, #tpu.memory_space<vmem>>
      %dma_start3A_374 = tpu.memref_squeeze %dma_start3A_373 : memref<1x8x128xi32, #tpu.memory_space<vmem>> -> memref<8x128xi32, #tpu.memory_space<vmem>>
      %dma_start3A_375 = arith.constant 0 : i32
      %dma_start3A_376 = arith.constant 0 : i32
      %dma_start3A_377 = tpu.memref_slice %arg2[%run_scoped3A_42, %add3A, %dma_start3A_375, %dma_start3A_376] : memref<25x32x8x128xi32, #tpu.memory_space<hbm>> -> memref<1x1x8x128xi32, #tpu.memory_space<hbm>>
      %dma_start3A_378 = tpu.memref_squeeze %dma_start3A_377 : memref<1x1x8x128xi32, #tpu.memory_space<hbm>> -> memref<8x128xi32, #tpu.memory_space<hbm>>
      %dma_start3A_379 = arith.constant 0 : i32
      %dma_start3A_380 = arith.constant 0 : i32
      %dma_start3A_381 = tpu.memref_slice %arg6[%run_scoped3A_43, %dma_start3A_379, %dma_start3A_380] : memref<25x8x128xi32, #tpu.memory_space<vmem>> -> memref<1x8x128xi32, #tpu.memory_space<vmem>>
      %dma_start3A_382 = tpu.memref_squeeze %dma_start3A_381 : memref<1x8x128xi32, #tpu.memory_space<vmem>> -> memref<8x128xi32, #tpu.memory_space<vmem>>
      %dma_start3A_383 = arith.constant 0 : i32
      %dma_start3A_384 = arith.constant 0 : i32
      %dma_start3A_385 = tpu.memref_slice %arg2[%run_scoped3A_42, %add3A, %dma_start3A_383, %dma_start3A_384] : memref<25x32x8x128xi32, #tpu.memory_space<hbm>> -> memref<1x1x8x128xi32, #tpu.memory_space<hbm>>
      %dma_start3A_386 = tpu.memref_squeeze %dma_start3A_385 : memref<1x1x8x128xi32, #tpu.memory_space<hbm>> -> memref<8x128xi32, #tpu.memory_space<hbm>>
      tpu.enqueue_dma source(%dma_start3A_386 : memref<8x128xi32, #tpu.memory_space<hbm>>) target(%dma_start3A_382 : memref<8x128xi32, #tpu.memory_space<vmem>>) target_semaphore(%run_scoped3A_370 : memref<!tpu.dma_semaphore, #tpu.memory_space<semaphore_mem>>)
      %dma_wait3A_387 = arith.constant 0 : i32
      %dma_wait3A_388 = arith.constant 0 : i32
      %dma_wait3A_389 = tpu.memref_slice %arg6[%run_scoped3A_43, %dma_wait3A_387, %dma_wait3A_388] : memref<25x8x128xi32, #tpu.memory_space<vmem>> -> memref<1x8x128xi32, #tpu.memory_space<vmem>>
      %dma_wait3A_390 = tpu.memref_squeeze %dma_wait3A_389 : memref<1x8x128xi32, #tpu.memory_space<vmem>> -> memref<8x128xi32, #tpu.memory_space<vmem>>
      %dma_wait3A_391 = arith.constant 0 : i32
      %dma_wait3A_392 = arith.constant 0 : i32
      %dma_wait3A_393 = tpu.memref_slice %arg2[%run_scoped3A_42, %add3A, %dma_wait3A_391, %dma_wait3A_392] : memref<25x32x8x128xi32, #tpu.memory_space<hbm>> -> memref<1x1x8x128xi32, #tpu.memory_space<hbm>>
      %dma_wait3A_394 = tpu.memref_squeeze %dma_wait3A_393 : memref<1x1x8x128xi32, #tpu.memory_space<hbm>> -> memref<8x128xi32, #tpu.memory_space<hbm>>
      %dma_wait3A_395 = arith.constant 0 : i32
      %dma_wait3A_396 = arith.constant 0 : i32
      %dma_wait3A_397 = tpu.memref_slice %arg6[%run_scoped3A_43, %dma_wait3A_395, %dma_wait3A_396] : memref<25x8x128xi32, #tpu.memory_space<vmem>> -> memref<1x8x128xi32, #tpu.memory_space<vmem>>
      %dma_wait3A_398 = tpu.memref_squeeze %dma_wait3A_397 : memref<1x8x128xi32, #tpu.memory_space<vmem>> -> memref<8x128xi32, #tpu.memory_space<vmem>>
      %dma_wait3A_399 = arith.constant 0 : i32
      %dma_wait3A_400 = arith.constant 0 : i32
      %dma_wait3A_401 = tpu.memref_slice %arg2[%run_scoped3A_42, %add3A, %dma_wait3A_399, %dma_wait3A_400] : memref<25x32x8x128xi32, #tpu.memory_space<hbm>> -> memref<1x1x8x128xi32, #tpu.memory_space<hbm>>
      %dma_wait3A_402 = tpu.memref_squeeze %dma_wait3A_401 : memref<1x1x8x128xi32, #tpu.memory_space<hbm>> -> memref<8x128xi32, #tpu.memory_space<hbm>>
      tpu.wait_dma2 semaphore(%run_scoped3A_370 : memref<!tpu.dma_semaphore, #tpu.memory_space<semaphore_mem>>) src(%dma_wait3A_402 : memref<8x128xi32, #tpu.memory_space<hbm>>) dst(%dma_wait3A_398 : memref<8x128xi32, #tpu.memory_space<vmem>>)
      tpu.yield
    }) : () -> ()
    %run_scoped3A_44 = arith.constant 22 : i32
    %run_scoped3A_45 = arith.constant 22 : i32
    "tpu.region"() ({
      %run_scoped3A_370 = tpu.sem_alloc : memref<!tpu.dma_semaphore, #tpu.memory_space<semaphore_mem>>
      %dma_start3A_371 = arith.constant 0 : i32
      %dma_start3A_372 = arith.constant 0 : i32
      %dma_start3A_373 = tpu.memref_slice %arg6[%run_scoped3A_45, %dma_start3A_371, %dma_start3A_372] : memref<25x8x128xi32, #tpu.memory_space<vmem>> -> memref<1x8x128xi32, #tpu.memory_space<vmem>>
      %dma_start3A_374 = tpu.memref_squeeze %dma_start3A_373 : memref<1x8x128xi32, #tpu.memory_space<vmem>> -> memref<8x128xi32, #tpu.memory_space<vmem>>
      %dma_start3A_375 = arith.constant 0 : i32
      %dma_start3A_376 = arith.constant 0 : i32
      %dma_start3A_377 = tpu.memref_slice %arg2[%run_scoped3A_44, %add3A, %dma_start3A_375, %dma_start3A_376] : memref<25x32x8x128xi32, #tpu.memory_space<hbm>> -> memref<1x1x8x128xi32, #tpu.memory_space<hbm>>
      %dma_start3A_378 = tpu.memref_squeeze %dma_start3A_377 : memref<1x1x8x128xi32, #tpu.memory_space<hbm>> -> memref<8x128xi32, #tpu.memory_space<hbm>>
      %dma_start3A_379 = arith.constant 0 : i32
      %dma_start3A_380 = arith.constant 0 : i32
      %dma_start3A_381 = tpu.memref_slice %arg6[%run_scoped3A_45, %dma_start3A_379, %dma_start3A_380] : memref<25x8x128xi32, #tpu.memory_space<vmem>> -> memref<1x8x128xi32, #tpu.memory_space<vmem>>
      %dma_start3A_382 = tpu.memref_squeeze %dma_start3A_381 : memref<1x8x128xi32, #tpu.memory_space<vmem>> -> memref<8x128xi32, #tpu.memory_space<vmem>>
      %dma_start3A_383 = arith.constant 0 : i32
      %dma_start3A_384 = arith.constant 0 : i32
      %dma_start3A_385 = tpu.memref_slice %arg2[%run_scoped3A_44, %add3A, %dma_start3A_383, %dma_start3A_384] : memref<25x32x8x128xi32, #tpu.memory_space<hbm>> -> memref<1x1x8x128xi32, #tpu.memory_space<hbm>>
      %dma_start3A_386 = tpu.memref_squeeze %dma_start3A_385 : memref<1x1x8x128xi32, #tpu.memory_space<hbm>> -> memref<8x128xi32, #tpu.memory_space<hbm>>
      tpu.enqueue_dma source(%dma_start3A_386 : memref<8x128xi32, #tpu.memory_space<hbm>>) target(%dma_start3A_382 : memref<8x128xi32, #tpu.memory_space<vmem>>) target_semaphore(%run_scoped3A_370 : memref<!tpu.dma_semaphore, #tpu.memory_space<semaphore_mem>>)
      %dma_wait3A_387 = arith.constant 0 : i32
      %dma_wait3A_388 = arith.constant 0 : i32
      %dma_wait3A_389 = tpu.memref_slice %arg6[%run_scoped3A_45, %dma_wait3A_387, %dma_wait3A_388] : memref<25x8x128xi32, #tpu.memory_space<vmem>> -> memref<1x8x128xi32, #tpu.memory_space<vmem>>
      %dma_wait3A_390 = tpu.memref_squeeze %dma_wait3A_389 : memref<1x8x128xi32, #tpu.memory_space<vmem>> -> memref<8x128xi32, #tpu.memory_space<vmem>>
      %dma_wait3A_391 = arith.constant 0 : i32
      %dma_wait3A_392 = arith.constant 0 : i32
      %dma_wait3A_393 = tpu.memref_slice %arg2[%run_scoped3A_44, %add3A, %dma_wait3A_391, %dma_wait3A_392] : memref<25x32x8x128xi32, #tpu.memory_space<hbm>> -> memref<1x1x8x128xi32, #tpu.memory_space<hbm>>
      %dma_wait3A_394 = tpu.memref_squeeze %dma_wait3A_393 : memref<1x1x8x128xi32, #tpu.memory_space<hbm>> -> memref<8x128xi32, #tpu.memory_space<hbm>>
      %dma_wait3A_395 = arith.constant 0 : i32
      %dma_wait3A_396 = arith.constant 0 : i32
      %dma_wait3A_397 = tpu.memref_slice %arg6[%run_scoped3A_45, %dma_wait3A_395, %dma_wait3A_396] : memref<25x8x128xi32, #tpu.memory_space<vmem>> -> memref<1x8x128xi32, #tpu.memory_space<vmem>>
      %dma_wait3A_398 = tpu.memref_squeeze %dma_wait3A_397 : memref<1x8x128xi32, #tpu.memory_space<vmem>> -> memref<8x128xi32, #tpu.memory_space<vmem>>
      %dma_wait3A_399 = arith.constant 0 : i32
      %dma_wait3A_400 = arith.constant 0 : i32
      %dma_wait3A_401 = tpu.memref_slice %arg2[%run_scoped3A_44, %add3A, %dma_wait3A_399, %dma_wait3A_400] : memref<25x32x8x128xi32, #tpu.memory_space<hbm>> -> memref<1x1x8x128xi32, #tpu.memory_space<hbm>>
      %dma_wait3A_402 = tpu.memref_squeeze %dma_wait3A_401 : memref<1x1x8x128xi32, #tpu.memory_space<hbm>> -> memref<8x128xi32, #tpu.memory_space<hbm>>
      tpu.wait_dma2 semaphore(%run_scoped3A_370 : memref<!tpu.dma_semaphore, #tpu.memory_space<semaphore_mem>>) src(%dma_wait3A_402 : memref<8x128xi32, #tpu.memory_space<hbm>>) dst(%dma_wait3A_398 : memref<8x128xi32, #tpu.memory_space<vmem>>)
      tpu.yield
    }) : () -> ()
    %run_scoped3A_46 = arith.constant 23 : i32
    %run_scoped3A_47 = arith.constant 23 : i32
    "tpu.region"() ({
      %run_scoped3A_370 = tpu.sem_alloc : memref<!tpu.dma_semaphore, #tpu.memory_space<semaphore_mem>>
      %dma_start3A_371 = arith.constant 0 : i32
      %dma_start3A_372 = arith.constant 0 : i32
      %dma_start3A_373 = tpu.memref_slice %arg6[%run_scoped3A_47, %dma_start3A_371, %dma_start3A_372] : memref<25x8x128xi32, #tpu.memory_space<vmem>> -> memref<1x8x128xi32, #tpu.memory_space<vmem>>
      %dma_start3A_374 = tpu.memref_squeeze %dma_start3A_373 : memref<1x8x128xi32, #tpu.memory_space<vmem>> -> memref<8x128xi32, #tpu.memory_space<vmem>>
      %dma_start3A_375 = arith.constant 0 : i32
      %dma_start3A_376 = arith.constant 0 : i32
      %dma_start3A_377 = tpu.memref_slice %arg2[%run_scoped3A_46, %add3A, %dma_start3A_375, %dma_start3A_376] : memref<25x32x8x128xi32, #tpu.memory_space<hbm>> -> memref<1x1x8x128xi32, #tpu.memory_space<hbm>>
      %dma_start3A_378 = tpu.memref_squeeze %dma_start3A_377 : memref<1x1x8x128xi32, #tpu.memory_space<hbm>> -> memref<8x128xi32, #tpu.memory_space<hbm>>
      %dma_start3A_379 = arith.constant 0 : i32
      %dma_start3A_380 = arith.constant 0 : i32
      %dma_start3A_381 = tpu.memref_slice %arg6[%run_scoped3A_47, %dma_start3A_379, %dma_start3A_380] : memref<25x8x128xi32, #tpu.memory_space<vmem>> -> memref<1x8x128xi32, #tpu.memory_space<vmem>>
      %dma_start3A_382 = tpu.memref_squeeze %dma_start3A_381 : memref<1x8x128xi32, #tpu.memory_space<vmem>> -> memref<8x128xi32, #tpu.memory_space<vmem>>
      %dma_start3A_383 = arith.constant 0 : i32
      %dma_start3A_384 = arith.constant 0 : i32
      %dma_start3A_385 = tpu.memref_slice %arg2[%run_scoped3A_46, %add3A, %dma_start3A_383, %dma_start3A_384] : memref<25x32x8x128xi32, #tpu.memory_space<hbm>> -> memref<1x1x8x128xi32, #tpu.memory_space<hbm>>
      %dma_start3A_386 = tpu.memref_squeeze %dma_start3A_385 : memref<1x1x8x128xi32, #tpu.memory_space<hbm>> -> memref<8x128xi32, #tpu.memory_space<hbm>>
      tpu.enqueue_dma source(%dma_start3A_386 : memref<8x128xi32, #tpu.memory_space<hbm>>) target(%dma_start3A_382 : memref<8x128xi32, #tpu.memory_space<vmem>>) target_semaphore(%run_scoped3A_370 : memref<!tpu.dma_semaphore, #tpu.memory_space<semaphore_mem>>)
      %dma_wait3A_387 = arith.constant 0 : i32
      %dma_wait3A_388 = arith.constant 0 : i32
      %dma_wait3A_389 = tpu.memref_slice %arg6[%run_scoped3A_47, %dma_wait3A_387, %dma_wait3A_388] : memref<25x8x128xi32, #tpu.memory_space<vmem>> -> memref<1x8x128xi32, #tpu.memory_space<vmem>>
      %dma_wait3A_390 = tpu.memref_squeeze %dma_wait3A_389 : memref<1x8x128xi32, #tpu.memory_space<vmem>> -> memref<8x128xi32, #tpu.memory_space<vmem>>
      %dma_wait3A_391 = arith.constant 0 : i32
      %dma_wait3A_392 = arith.constant 0 : i32
      %dma_wait3A_393 = tpu.memref_slice %arg2[%run_scoped3A_46, %add3A, %dma_wait3A_391, %dma_wait3A_392] : memref<25x32x8x128xi32, #tpu.memory_space<hbm>> -> memref<1x1x8x128xi32, #tpu.memory_space<hbm>>
      %dma_wait3A_394 = tpu.memref_squeeze %dma_wait3A_393 : memref<1x1x8x128xi32, #tpu.memory_space<hbm>> -> memref<8x128xi32, #tpu.memory_space<hbm>>
      %dma_wait3A_395 = arith.constant 0 : i32
      %dma_wait3A_396 = arith.constant 0 : i32
      %dma_wait3A_397 = tpu.memref_slice %arg6[%run_scoped3A_47, %dma_wait3A_395, %dma_wait3A_396] : memref<25x8x128xi32, #tpu.memory_space<vmem>> -> memref<1x8x128xi32, #tpu.memory_space<vmem>>
      %dma_wait3A_398 = tpu.memref_squeeze %dma_wait3A_397 : memref<1x8x128xi32, #tpu.memory_space<vmem>> -> memref<8x128xi32, #tpu.memory_space<vmem>>
      %dma_wait3A_399 = arith.constant 0 : i32
      %dma_wait3A_400 = arith.constant 0 : i32
      %dma_wait3A_401 = tpu.memref_slice %arg2[%run_scoped3A_46, %add3A, %dma_wait3A_399, %dma_wait3A_400] : memref<25x32x8x128xi32, #tpu.memory_space<hbm>> -> memref<1x1x8x128xi32, #tpu.memory_space<hbm>>
      %dma_wait3A_402 = tpu.memref_squeeze %dma_wait3A_401 : memref<1x1x8x128xi32, #tpu.memory_space<hbm>> -> memref<8x128xi32, #tpu.memory_space<hbm>>
      tpu.wait_dma2 semaphore(%run_scoped3A_370 : memref<!tpu.dma_semaphore, #tpu.memory_space<semaphore_mem>>) src(%dma_wait3A_402 : memref<8x128xi32, #tpu.memory_space<hbm>>) dst(%dma_wait3A_398 : memref<8x128xi32, #tpu.memory_space<vmem>>)
      tpu.yield
    }) : () -> ()
    %run_scoped3A_48 = arith.constant 24 : i32
    %run_scoped3A_49 = arith.constant 24 : i32
    "tpu.region"() ({
      %run_scoped3A_370 = tpu.sem_alloc : memref<!tpu.dma_semaphore, #tpu.memory_space<semaphore_mem>>
      %dma_start3A_371 = arith.constant 0 : i32
      %dma_start3A_372 = arith.constant 0 : i32
      %dma_start3A_373 = tpu.memref_slice %arg6[%run_scoped3A_49, %dma_start3A_371, %dma_start3A_372] : memref<25x8x128xi32, #tpu.memory_space<vmem>> -> memref<1x8x128xi32, #tpu.memory_space<vmem>>
      %dma_start3A_374 = tpu.memref_squeeze %dma_start3A_373 : memref<1x8x128xi32, #tpu.memory_space<vmem>> -> memref<8x128xi32, #tpu.memory_space<vmem>>
      %dma_start3A_375 = arith.constant 0 : i32
      %dma_start3A_376 = arith.constant 0 : i32
      %dma_start3A_377 = tpu.memref_slice %arg2[%run_scoped3A_48, %add3A, %dma_start3A_375, %dma_start3A_376] : memref<25x32x8x128xi32, #tpu.memory_space<hbm>> -> memref<1x1x8x128xi32, #tpu.memory_space<hbm>>
      %dma_start3A_378 = tpu.memref_squeeze %dma_start3A_377 : memref<1x1x8x128xi32, #tpu.memory_space<hbm>> -> memref<8x128xi32, #tpu.memory_space<hbm>>
      %dma_start3A_379 = arith.constant 0 : i32
      %dma_start3A_380 = arith.constant 0 : i32
      %dma_start3A_381 = tpu.memref_slice %arg6[%run_scoped3A_49, %dma_start3A_379, %dma_start3A_380] : memref<25x8x128xi32, #tpu.memory_space<vmem>> -> memref<1x8x128xi32, #tpu.memory_space<vmem>>
      %dma_start3A_382 = tpu.memref_squeeze %dma_start3A_381 : memref<1x8x128xi32, #tpu.memory_space<vmem>> -> memref<8x128xi32, #tpu.memory_space<vmem>>
      %dma_start3A_383 = arith.constant 0 : i32
      %dma_start3A_384 = arith.constant 0 : i32
      %dma_start3A_385 = tpu.memref_slice %arg2[%run_scoped3A_48, %add3A, %dma_start3A_383, %dma_start3A_384] : memref<25x32x8x128xi32, #tpu.memory_space<hbm>> -> memref<1x1x8x128xi32, #tpu.memory_space<hbm>>
      %dma_start3A_386 = tpu.memref_squeeze %dma_start3A_385 : memref<1x1x8x128xi32, #tpu.memory_space<hbm>> -> memref<8x128xi32, #tpu.memory_space<hbm>>
      tpu.enqueue_dma source(%dma_start3A_386 : memref<8x128xi32, #tpu.memory_space<hbm>>) target(%dma_start3A_382 : memref<8x128xi32, #tpu.memory_space<vmem>>) target_semaphore(%run_scoped3A_370 : memref<!tpu.dma_semaphore, #tpu.memory_space<semaphore_mem>>)
      %dma_wait3A_387 = arith.constant 0 : i32
      %dma_wait3A_388 = arith.constant 0 : i32
      %dma_wait3A_389 = tpu.memref_slice %arg6[%run_scoped3A_49, %dma_wait3A_387, %dma_wait3A_388] : memref<25x8x128xi32, #tpu.memory_space<vmem>> -> memref<1x8x128xi32, #tpu.memory_space<vmem>>
      %dma_wait3A_390 = tpu.memref_squeeze %dma_wait3A_389 : memref<1x8x128xi32, #tpu.memory_space<vmem>> -> memref<8x128xi32, #tpu.memory_space<vmem>>
      %dma_wait3A_391 = arith.constant 0 : i32
      %dma_wait3A_392 = arith.constant 0 : i32
      %dma_wait3A_393 = tpu.memref_slice %arg2[%run_scoped3A_48, %add3A, %dma_wait3A_391, %dma_wait3A_392] : memref<25x32x8x128xi32, #tpu.memory_space<hbm>> -> memref<1x1x8x128xi32, #tpu.memory_space<hbm>>
      %dma_wait3A_394 = tpu.memref_squeeze %dma_wait3A_393 : memref<1x1x8x128xi32, #tpu.memory_space<hbm>> -> memref<8x128xi32, #tpu.memory_space<hbm>>
      %dma_wait3A_395 = arith.constant 0 : i32
      %dma_wait3A_396 = arith.constant 0 : i32
      %dma_wait3A_397 = tpu.memref_slice %arg6[%run_scoped3A_49, %dma_wait3A_395, %dma_wait3A_396] : memref<25x8x128xi32, #tpu.memory_space<vmem>> -> memref<1x8x128xi32, #tpu.memory_space<vmem>>
      %dma_wait3A_398 = tpu.memref_squeeze %dma_wait3A_397 : memref<1x8x128xi32, #tpu.memory_space<vmem>> -> memref<8x128xi32, #tpu.memory_space<vmem>>
      %dma_wait3A_399 = arith.constant 0 : i32
      %dma_wait3A_400 = arith.constant 0 : i32
      %dma_wait3A_401 = tpu.memref_slice %arg2[%run_scoped3A_48, %add3A, %dma_wait3A_399, %dma_wait3A_400] : memref<25x32x8x128xi32, #tpu.memory_space<hbm>> -> memref<1x1x8x128xi32, #tpu.memory_space<hbm>>
      %dma_wait3A_402 = tpu.memref_squeeze %dma_wait3A_401 : memref<1x1x8x128xi32, #tpu.memory_space<hbm>> -> memref<8x128xi32, #tpu.memory_space<hbm>>
      tpu.wait_dma2 semaphore(%run_scoped3A_370 : memref<!tpu.dma_semaphore, #tpu.memory_space<semaphore_mem>>) src(%dma_wait3A_402 : memref<8x128xi32, #tpu.memory_space<hbm>>) dst(%dma_wait3A_398 : memref<8x128xi32, #tpu.memory_space<vmem>>)
      tpu.yield
    }) : () -> ()
    %iota3A = tpu.iota {dimensions = array<i32: 0>} : vector<16xi32>
    %dma_start3A = arith.constant 0 : i32
    %dma_start3A_50 = arith.constant 0 : i32
    %dma_start3A_51 = arith.constant 0 : i32
    %dma_start3A_52 = arith.constant 0 : i32
    %dma_start3A_53 = arith.constant 0 : i32
    %dma_start3A_54 = tpu.memref_slice %arg7[%dma_start3A_51, %dma_start3A_52, %dma_start3A_53] : memref<2x128x128xf32, #tpu.memory_space<vmem>> -> memref<1x128x128xf32, #tpu.memory_space<vmem>>
    %dma_start3A_55 = tpu.memref_squeeze %dma_start3A_54 : memref<1x128x128xf32, #tpu.memory_space<vmem>> -> memref<128x128xf32, #tpu.memory_space<vmem>>
    %dma_start3A_56 = arith.constant 0 : i32
    %dma_start3A_57 = tpu.memref_slice %arg6[%dma_start3A, %dma_start3A_50, %dma_start3A_56] : memref<25x8x128xi32, #tpu.memory_space<vmem>> -> memref<1x1x128xi32, #tpu.memory_space<vmem>>
    %dma_start3A_58 = tpu.memref_squeeze %dma_start3A_57 : memref<1x1x128xi32, #tpu.memory_space<vmem>> -> memref<128xi32, #tpu.memory_space<vmem>>
    %dma_start3A_59 = arith.constant 0 : i32
    %dma_start3A_60 = arith.constant 0 : i32
    %dma_start3A_61 = tpu.memref_slice %arg4[%dma_start3A_59, %dma_start3A_60] : memref<1000000x128xf32, #tpu.memory_space<hbm>> -> memref<1000000x128xf32, #tpu.memory_space<hbm>>
    tpu.enqueue_indirect_dma source(%dma_start3A_61 : memref<1000000x128xf32, #tpu.memory_space<hbm>>) target(%dma_start3A_55 : memref<128x128xf32, #tpu.memory_space<vmem>>) offsets(%dma_start3A_58 : memref<128xi32, #tpu.memory_space<vmem>>) semaphore(%arg12 : memref<!tpu.dma_semaphore, #tpu.memory_space<semaphore_mem>>)
    %scan3A = arith.constant 0 : i32
    %scan3A_62 = arith.constant 0 : i32
    %scan3A_63 = arith.constant 100 : i32
    %scan3A_64 = arith.addi %scan3A_62, %scan3A_63 : i32
    %scan3A_65 = arith.constant 1 : i32
    scf.for %scan3A_370 = %scan3A_62 to %scan3A_64 step %scan3A_65  : i32 {
      %mul3A_371 = arith.constant 2 : i32
      %mul3A_372 = arith.muli %mul3A_371, %scan3A_370 : i32
      %add3A_373 = arith.constant 1 : i32
      %add3A_374 = arith.addi %mul3A_372, %add3A_373 : i32
      %jit3A = arith.constant 8 : i32
      %div3A = arith.divsi %add3A_374, %jit3A : i32
      %sign3A = arith.constant 0 : i32
      %sign3A_375 = arith.cmpi sgt, %add3A_374, %sign3A : i32
      %sign3A_376 = arith.extui %sign3A_375 : i1 to i32
      %sign3A_377 = arith.constant 0 : i32
      %sign3A_378 = arith.cmpi slt, %add3A_374, %sign3A_377 : i32
      %sign3A_379 = arith.extui %sign3A_378 : i1 to i32
      %sign3A_380 = arith.subi %sign3A_376, %sign3A_379 : i32
      %sign3A_381 = arith.constant 0 : i32
      %sign3A_382 = arith.cmpi sgt, %jit3A, %sign3A_381 : i32
      %sign3A_383 = arith.extui %sign3A_382 : i1 to i32
      %sign3A_384 = arith.constant 0 : i32
      %sign3A_385 = arith.cmpi slt, %jit3A, %sign3A_384 : i32
      %sign3A_386 = arith.extui %sign3A_385 : i1 to i32
      %sign3A_387 = arith.subi %sign3A_383, %sign3A_386 : i32
      %ne3A = arith.cmpi ne, %sign3A_380, %sign3A_387 : i32
      %rem3A = arith.remsi %add3A_374, %jit3A : i32
      %ne3A_388 = arith.constant 0 : i32
      %ne3A_389 = arith.cmpi ne, %rem3A, %ne3A_388 : i32
      %and3A = arith.andi %ne3A, %ne3A_389 : i1
      %sub3A = arith.constant 1 : i32
      %sub3A_390 = arith.subi %div3A, %sub3A : i32
      %select_n3A = arith.select %and3A, %sub3A_390, %div3A : i32
      %jit3A_391 = arith.constant 8 : i32
      %eq3A = arith.constant 0 : i32
      %eq3A_392 = arith.cmpi eq, %jit3A_391, %eq3A : i32
      %jit3A_393 = arith.constant 1 : i32
      %select_n3A_394 = arith.select %eq3A_392, %jit3A_393, %jit3A_391 : i32
      %rem3A_395 = arith.remsi %add3A_374, %select_n3A_394 : i32
      %ne3A_396 = arith.constant 0 : i32
      %ne3A_397 = arith.cmpi ne, %rem3A_395, %ne3A_396 : i32
      %lt3A = arith.constant 0 : i32
      %lt3A_398 = arith.cmpi slt, %rem3A_395, %lt3A : i32
      %lt3A_399 = arith.constant 0 : i32
      %lt3A_400 = arith.cmpi slt, %select_n3A_394, %lt3A_399 : i32
      %ne3A_401 = arith.xori %lt3A_398, %lt3A_400 : i1
      %and3A_402 = arith.andi %ne3A_401, %ne3A_397 : i1
      %add3A_403 = arith.addi %rem3A_395, %select_n3A_394 : i32
      %select_n3A_404 = arith.select %and3A_402, %add3A_403, %rem3A_395 : i32
      %dma_start3A_405 = arith.constant 1 : i32
      %dma_start3A_406 = arith.constant 0 : i32
      %dma_start3A_407 = arith.constant 0 : i32
      %dma_start3A_408 = tpu.memref_slice %arg7[%dma_start3A_405, %dma_start3A_406, %dma_start3A_407] : memref<2x128x128xf32, #tpu.memory_space<vmem>> -> memref<1x128x128xf32, #tpu.memory_space<vmem>>
      %dma_start3A_409 = tpu.memref_squeeze %dma_start3A_408 : memref<1x128x128xf32, #tpu.memory_space<vmem>> -> memref<128x128xf32, #tpu.memory_space<vmem>>
      %dma_start3A_410 = arith.constant 0 : i32
      %dma_start3A_411 = tpu.memref_slice %arg6[%select_n3A, %select_n3A_404, %dma_start3A_410] : memref<25x8x128xi32, #tpu.memory_space<vmem>> -> memref<1x1x128xi32, #tpu.memory_space<vmem>>
      %dma_start3A_412 = tpu.memref_squeeze %dma_start3A_411 : memref<1x1x128xi32, #tpu.memory_space<vmem>> -> memref<128xi32, #tpu.memory_space<vmem>>
      %dma_start3A_413 = arith.constant 0 : i32
      %dma_start3A_414 = arith.constant 0 : i32
      %dma_start3A_415 = tpu.memref_slice %arg4[%dma_start3A_413, %dma_start3A_414] : memref<1000000x128xf32, #tpu.memory_space<hbm>> -> memref<1000000x128xf32, #tpu.memory_space<hbm>>
      tpu.enqueue_indirect_dma source(%dma_start3A_415 : memref<1000000x128xf32, #tpu.memory_space<hbm>>) target(%dma_start3A_409 : memref<128x128xf32, #tpu.memory_space<vmem>>) offsets(%dma_start3A_412 : memref<128xi32, #tpu.memory_space<vmem>>) semaphore(%arg13 : memref<!tpu.dma_semaphore, #tpu.memory_space<semaphore_mem>>)
      %jit3A_416 = arith.constant 8 : i32
      %div3A_417 = arith.divsi %mul3A_372, %jit3A_416 : i32
      %sign3A_418 = arith.constant 0 : i32
      %sign3A_419 = arith.cmpi sgt, %mul3A_372, %sign3A_418 : i32
      %sign3A_420 = arith.extui %sign3A_419 : i1 to i32
      %sign3A_421 = arith.constant 0 : i32
      %sign3A_422 = arith.cmpi slt, %mul3A_372, %sign3A_421 : i32
      %sign3A_423 = arith.extui %sign3A_422 : i1 to i32
      %sign3A_424 = arith.subi %sign3A_420, %sign3A_423 : i32
      %sign3A_425 = arith.constant 0 : i32
      %sign3A_426 = arith.cmpi sgt, %jit3A_416, %sign3A_425 : i32
      %sign3A_427 = arith.extui %sign3A_426 : i1 to i32
      %sign3A_428 = arith.constant 0 : i32
      %sign3A_429 = arith.cmpi slt, %jit3A_416, %sign3A_428 : i32
      %sign3A_430 = arith.extui %sign3A_429 : i1 to i32
      %sign3A_431 = arith.subi %sign3A_427, %sign3A_430 : i32
      %ne3A_432 = arith.cmpi ne, %sign3A_424, %sign3A_431 : i32
      %rem3A_433 = arith.remsi %mul3A_372, %jit3A_416 : i32
      %ne3A_434 = arith.constant 0 : i32
      %ne3A_435 = arith.cmpi ne, %rem3A_433, %ne3A_434 : i32
      %and3A_436 = arith.andi %ne3A_432, %ne3A_435 : i1
      %sub3A_437 = arith.constant 1 : i32
      %sub3A_438 = arith.subi %div3A_417, %sub3A_437 : i32
      %select_n3A_439 = arith.select %and3A_436, %sub3A_438, %div3A_417 : i32
      %jit3A_440 = arith.constant 8 : i32
      %eq3A_441 = arith.constant 0 : i32
      %eq3A_442 = arith.cmpi eq, %jit3A_440, %eq3A_441 : i32
      %jit3A_443 = arith.constant 1 : i32
      %select_n3A_444 = arith.select %eq3A_442, %jit3A_443, %jit3A_440 : i32
      %rem3A_445 = arith.remsi %mul3A_372, %select_n3A_444 : i32
      %ne3A_446 = arith.constant 0 : i32
      %ne3A_447 = arith.cmpi ne, %rem3A_445, %ne3A_446 : i32
      %lt3A_448 = arith.constant 0 : i32
      %lt3A_449 = arith.cmpi slt, %rem3A_445, %lt3A_448 : i32
      %lt3A_450 = arith.constant 0 : i32
      %lt3A_451 = arith.cmpi slt, %select_n3A_444, %lt3A_450 : i32
      %ne3A_452 = arith.xori %lt3A_449, %lt3A_451 : i1
      %and3A_453 = arith.andi %ne3A_452, %ne3A_447 : i1
      %add3A_454 = arith.addi %rem3A_445, %select_n3A_444 : i32
      %select_n3A_455 = arith.select %and3A_453, %add3A_454, %rem3A_445 : i32
      %dma_wait3A_456 = arith.constant 0 : i32
      %dma_wait3A_457 = arith.constant 0 : i32
      %dma_wait3A_458 = arith.constant 0 : i32
      %dma_wait3A_459 = tpu.memref_slice %arg7[%dma_wait3A_456, %dma_wait3A_457, %dma_wait3A_458] : memref<2x128x128xf32, #tpu.memory_space<vmem>> -> memref<1x128x128xf32, #tpu.memory_space<vmem>>
      %dma_wait3A_460 = tpu.memref_squeeze %dma_wait3A_459 : memref<1x128x128xf32, #tpu.memory_space<vmem>> -> memref<128x128xf32, #tpu.memory_space<vmem>>
      %dma_wait3A_461 = arith.constant 0 : i32
      %dma_wait3A_462 = tpu.memref_slice %arg6[%select_n3A_439, %select_n3A_455, %dma_wait3A_461] : memref<25x8x128xi32, #tpu.memory_space<vmem>> -> memref<1x1x128xi32, #tpu.memory_space<vmem>>
      %dma_wait3A_463 = tpu.memref_squeeze %dma_wait3A_462 : memref<1x1x128xi32, #tpu.memory_space<vmem>> -> memref<128xi32, #tpu.memory_space<vmem>>
      %dma_wait3A_464 = arith.constant 0 : i32
      %dma_wait3A_465 = arith.constant 0 : i32
      %dma_wait3A_466 = tpu.memref_slice %arg4[%dma_wait3A_464, %dma_wait3A_465] : memref<1000000x128xf32, #tpu.memory_space<hbm>> -> memref<1000000x128xf32, #tpu.memory_space<hbm>>
      tpu.wait_indirect_dma semaphore(%arg12 : memref<!tpu.dma_semaphore, #tpu.memory_space<semaphore_mem>>) src(%dma_wait3A_466 : memref<1000000x128xf32, #tpu.memory_space<hbm>>) dst(%dma_wait3A_460 : memref<128x128xf32, #tpu.memory_space<vmem>>)
      %jit3A_467 = arith.constant 8 : i32
      %div3A_468 = arith.divsi %mul3A_372, %jit3A_467 : i32
      %sign3A_469 = arith.constant 0 : i32
      %sign3A_470 = arith.cmpi sgt, %mul3A_372, %sign3A_469 : i32
      %sign3A_471 = arith.extui %sign3A_470 : i1 to i32
      %sign3A_472 = arith.constant 0 : i32
      %sign3A_473 = arith.cmpi slt, %mul3A_372, %sign3A_472 : i32
      %sign3A_474 = arith.extui %sign3A_473 : i1 to i32
      %sign3A_475 = arith.subi %sign3A_471, %sign3A_474 : i32
      %sign3A_476 = arith.constant 0 : i32
      %sign3A_477 = arith.cmpi sgt, %jit3A_467, %sign3A_476 : i32
      %sign3A_478 = arith.extui %sign3A_477 : i1 to i32
      %sign3A_479 = arith.constant 0 : i32
      %sign3A_480 = arith.cmpi slt, %jit3A_467, %sign3A_479 : i32
      %sign3A_481 = arith.extui %sign3A_480 : i1 to i32
      %sign3A_482 = arith.subi %sign3A_478, %sign3A_481 : i32
      %ne3A_483 = arith.cmpi ne, %sign3A_475, %sign3A_482 : i32
      %rem3A_484 = arith.remsi %mul3A_372, %jit3A_467 : i32
      %ne3A_485 = arith.constant 0 : i32
      %ne3A_486 = arith.cmpi ne, %rem3A_484, %ne3A_485 : i32
      %and3A_487 = arith.andi %ne3A_483, %ne3A_486 : i1
      %sub3A_488 = arith.constant 1 : i32
      %sub3A_489 = arith.subi %div3A_468, %sub3A_488 : i32
      %select_n3A_490 = arith.select %and3A_487, %sub3A_489, %div3A_468 : i32
      %jit3A_491 = arith.constant 8 : i32
      %eq3A_492 = arith.constant 0 : i32
      %eq3A_493 = arith.cmpi eq, %jit3A_491, %eq3A_492 : i32
      %jit3A_494 = arith.constant 1 : i32
      %select_n3A_495 = arith.select %eq3A_493, %jit3A_494, %jit3A_491 : i32
      %rem3A_496 = arith.remsi %mul3A_372, %select_n3A_495 : i32
      %ne3A_497 = arith.constant 0 : i32
      %ne3A_498 = arith.cmpi ne, %rem3A_496, %ne3A_497 : i32
      %lt3A_499 = arith.constant 0 : i32
      %lt3A_500 = arith.cmpi slt, %rem3A_496, %lt3A_499 : i32
      %lt3A_501 = arith.constant 0 : i32
      %lt3A_502 = arith.cmpi slt, %select_n3A_495, %lt3A_501 : i32
      %ne3A_503 = arith.xori %lt3A_500, %lt3A_502 : i1
      %and3A_504 = arith.andi %ne3A_503, %ne3A_498 : i1
      %add3A_505 = arith.addi %rem3A_496, %select_n3A_495 : i32
      %select_n3A_506 = arith.select %and3A_504, %add3A_505, %rem3A_496 : i32
      %get3A = arith.index_cast %select_n3A_490 : i32 to index
      %get3A_507 = arith.index_cast %select_n3A_506 : i32 to index
      %get3A_508 = arith.constant 0 : index
      %get3A_509 = tpu.vector_load %arg6[%get3A, %get3A_507, %get3A_508] {strides = array<i32>} : memref<25x8x128xi32, #tpu.memory_space<vmem>>, vector<16xi32>,
      %ge3A = arith.constant 999997 : i32
      %ge3A_510 = vector.broadcast %ge3A : i32 to vector<16xi32>
      %ge3A_511 = arith.cmpi sge, %get3A_509, %ge3A_510 : vector<16xi32>
      %add3A_512 = arith.constant 0 : i32
      %add3A_513 = vector.broadcast %add3A_512 : i32 to vector<16xi32>
      %add3A_514 = arith.addi %iota3A, %add3A_513 : vector<16xi32>
      %swap3A = arith.constant 0 : i32
      %swap3A_515 = arith.index_cast %swap3A : i32 to index
      %swap3A_516 = tpu.vector_load %arg10[%swap3A_515] masked %ge3A_511 {strides = array<i32>} : memref<144xi32, #tpu.memory_space<vmem>>, vector<16xi32>, vector<16xi1>
      tpu.vector_store %arg10[%swap3A_515], %add3A_514 masked %ge3A_511 {strides = array<i32>} : memref<144xi32, #tpu.memory_space<vmem>>, vector<16xi32>, vector<16xi1>
      %sub3A_517 = arith.constant 999997 : i32
      %sub3A_518 = vector.broadcast %sub3A_517 : i32 to vector<16xi32>
      %sub3A_519 = arith.subi %get3A_509, %sub3A_518 : vector<16xi32>
      %swap3A_520 = arith.constant 0 : i32
      %swap3A_521 = arith.index_cast %swap3A_520 : i32 to index
      %swap3A_522 = tpu.vector_load %arg11[%swap3A_521] masked %ge3A_511 {strides = array<i32>} : memref<144xi32, #tpu.memory_space<vmem>>, vector<16xi32>, vector<16xi1>
      tpu.vector_store %arg11[%swap3A_521], %sub3A_519 masked %ge3A_511 {strides = array<i32>} : memref<144xi32, #tpu.memory_space<vmem>>, vector<16xi32>, vector<16xi1>
      %convert_element_type3A = arith.extui %ge3A_511 : vector<16xi1> to vector<16xi32>
      %reduce_sum3A = arith.constant true
      %reduce_sum3A_523 = vector.broadcast %reduce_sum3A : i1 to vector<16xi1>
      %reduce_sum3A_524 = tpu.scan <sum>, %convert_element_type3A masked %reduce_sum3A_523 : vector<16xi32>, vector<16xi1> -> vector<16xi32>
      %reduce_sum3A_525 = vector.extract %reduce_sum3A_524[15] : i32 from vector<16xi32>
      %add3A_526 = arith.constant 0 : i32
      %add3A_527 = arith.addi %add3A_526, %reduce_sum3A_525 : i32
      %jit3A_528 = arith.constant 8 : i32
      %div3A_529 = arith.divsi %mul3A_372, %jit3A_528 : i32
      %sign3A_530 = arith.constant 0 : i32
      %sign3A_531 = arith.cmpi sgt, %mul3A_372, %sign3A_530 : i32
      %sign3A_532 = arith.extui %sign3A_531 : i1 to i32
      %sign3A_533 = arith.constant 0 : i32
      %sign3A_534 = arith.cmpi slt, %mul3A_372, %sign3A_533 : i32
      %sign3A_535 = arith.extui %sign3A_534 : i1 to i32
      %sign3A_536 = arith.subi %sign3A_532, %sign3A_535 : i32
      %sign3A_537 = arith.constant 0 : i32
      %sign3A_538 = arith.cmpi sgt, %jit3A_528, %sign3A_537 : i32
      %sign3A_539 = arith.extui %sign3A_538 : i1 to i32
      %sign3A_540 = arith.constant 0 : i32
      %sign3A_541 = arith.cmpi slt, %jit3A_528, %sign3A_540 : i32
      %sign3A_542 = arith.extui %sign3A_541 : i1 to i32
      %sign3A_543 = arith.subi %sign3A_539, %sign3A_542 : i32
      %ne3A_544 = arith.cmpi ne, %sign3A_536, %sign3A_543 : i32
      %rem3A_545 = arith.remsi %mul3A_372, %jit3A_528 : i32
      %ne3A_546 = arith.constant 0 : i32
      %ne3A_547 = arith.cmpi ne, %rem3A_545, %ne3A_546 : i32
      %and3A_548 = arith.andi %ne3A_544, %ne3A_547 : i1
      %sub3A_549 = arith.constant 1 : i32
      %sub3A_550 = arith.subi %div3A_529, %sub3A_549 : i32
      %select_n3A_551 = arith.select %and3A_548, %sub3A_550, %div3A_529 : i32
      %jit3A_552 = arith.constant 8 : i32
      %eq3A_553 = arith.constant 0 : i32
      %eq3A_554 = arith.cmpi eq, %jit3A_552, %eq3A_553 : i32
      %jit3A_555 = arith.constant 1 : i32
      %select_n3A_556 = arith.select %eq3A_554, %jit3A_555, %jit3A_552 : i32
      %rem3A_557 = arith.remsi %mul3A_372, %select_n3A_556 : i32
      %ne3A_558 = arith.constant 0 : i32
      %ne3A_559 = arith.cmpi ne, %rem3A_557, %ne3A_558 : i32
      %lt3A_560 = arith.constant 0 : i32
      %lt3A_561 = arith.cmpi slt, %rem3A_557, %lt3A_560 : i32
      %lt3A_562 = arith.constant 0 : i32
      %lt3A_563 = arith.cmpi slt, %select_n3A_556, %lt3A_562 : i32
      %ne3A_564 = arith.xori %lt3A_561, %lt3A_563 : i1
      %and3A_565 = arith.andi %ne3A_564, %ne3A_559 : i1
      %add3A_566 = arith.addi %rem3A_557, %select_n3A_556 : i32
      %select_n3A_567 = arith.select %and3A_565, %add3A_566, %rem3A_557 : i32
      %get3A_568 = arith.index_cast %select_n3A_551 : i32 to index
      %get3A_569 = arith.index_cast %select_n3A_567 : i32 to index
      %get3A_570 = arith.constant 16 : index
      %get3A_571 = tpu.vector_load %arg6[%get3A_568, %get3A_569, %get3A_570] {strides = array<i32>} : memref<25x8x128xi32, #tpu.memory_space<vmem>>, vector<16xi32>,
      %ge3A_572 = arith.constant 999997 : i32
      %ge3A_573 = vector.broadcast %ge3A_572 : i32 to vector<16xi32>
      %ge3A_574 = arith.cmpi sge, %get3A_571, %ge3A_573 : vector<16xi32>
      %add3A_575 = arith.constant 16 : i32
      %add3A_576 = vector.broadcast %add3A_575 : i32 to vector<16xi32>
      %add3A_577 = arith.addi %iota3A, %add3A_576 : vector<16xi32>
      %swap3A_578 = arith.index_cast %add3A_527 : i32 to index
      %swap3A_579 = tpu.vector_load %arg10[%swap3A_578] masked %ge3A_574 {strides = array<i32>} : memref<144xi32, #tpu.memory_space<vmem>>, vector<16xi32>, vector<16xi1>
      tpu.vector_store %arg10[%swap3A_578], %add3A_577 masked %ge3A_574 {strides = array<i32>} : memref<144xi32, #tpu.memory_space<vmem>>, vector<16xi32>, vector<16xi1>
      %sub3A_580 = arith.constant 999997 : i32
      %sub3A_581 = vector.broadcast %sub3A_580 : i32 to vector<16xi32>
      %sub3A_582 = arith.subi %get3A_571, %sub3A_581 : vector<16xi32>
      %swap3A_583 = arith.index_cast %add3A_527 : i32 to index
      %swap3A_584 = tpu.vector_load %arg11[%swap3A_583] masked %ge3A_574 {strides = array<i32>} : memref<144xi32, #tpu.memory_space<vmem>>, vector<16xi32>, vector<16xi1>
      tpu.vector_store %arg11[%swap3A_583], %sub3A_582 masked %ge3A_574 {strides = array<i32>} : memref<144xi32, #tpu.memory_space<vmem>>, vector<16xi32>, vector<16xi1>
      %convert_element_type3A_585 = arith.extui %ge3A_574 : vector<16xi1> to vector<16xi32>
      %reduce_sum3A_586 = arith.constant true
      %reduce_sum3A_587 = vector.broadcast %reduce_sum3A_586 : i1 to vector<16xi1>
      %reduce_sum3A_588 = tpu.scan <sum>, %convert_element_type3A_585 masked %reduce_sum3A_587 : vector<16xi32>, vector<16xi1> -> vector<16xi32>
      %reduce_sum3A_589 = vector.extract %reduce_sum3A_588[15] : i32 from vector<16xi32>
      %add3A_590 = arith.addi %add3A_527, %reduce_sum3A_589 : i32
      %jit3A_591 = arith.constant 8 : i32
      %div3A_592 = arith.divsi %mul3A_372, %jit3A_591 : i32
      %sign3A_593 = arith.constant 0 : i32
      %sign3A_594 = arith.cmpi sgt, %mul3A_372, %sign3A_593 : i32
      %sign3A_595 = arith.extui %sign3A_594 : i1 to i32
      %sign3A_596 = arith.constant 0 : i32
      %sign3A_597 = arith.cmpi slt, %mul3A_372, %sign3A_596 : i32
      %sign3A_598 = arith.extui %sign3A_597 : i1 to i32
      %sign3A_599 = arith.subi %sign3A_595, %sign3A_598 : i32
      %sign3A_600 = arith.constant 0 : i32
      %sign3A_601 = arith.cmpi sgt, %jit3A_591, %sign3A_600 : i32
      %sign3A_602 = arith.extui %sign3A_601 : i1 to i32
      %sign3A_603 = arith.constant 0 : i32
      %sign3A_604 = arith.cmpi slt, %jit3A_591, %sign3A_603 : i32
      %sign3A_605 = arith.extui %sign3A_604 : i1 to i32
      %sign3A_606 = arith.subi %sign3A_602, %sign3A_605 : i32
      %ne3A_607 = arith.cmpi ne, %sign3A_599, %sign3A_606 : i32
      %rem3A_608 = arith.remsi %mul3A_372, %jit3A_591 : i32
      %ne3A_609 = arith.constant 0 : i32
      %ne3A_610 = arith.cmpi ne, %rem3A_608, %ne3A_609 : i32
      %and3A_611 = arith.andi %ne3A_607, %ne3A_610 : i1
      %sub3A_612 = arith.constant 1 : i32
      %sub3A_613 = arith.subi %div3A_592, %sub3A_612 : i32
      %select_n3A_614 = arith.select %and3A_611, %sub3A_613, %div3A_592 : i32
      %jit3A_615 = arith.constant 8 : i32
      %eq3A_616 = arith.constant 0 : i32
      %eq3A_617 = arith.cmpi eq, %jit3A_615, %eq3A_616 : i32
      %jit3A_618 = arith.constant 1 : i32
      %select_n3A_619 = arith.select %eq3A_617, %jit3A_618, %jit3A_615 : i32
      %rem3A_620 = arith.remsi %mul3A_372, %select_n3A_619 : i32
      %ne3A_621 = arith.constant 0 : i32
      %ne3A_622 = arith.cmpi ne, %rem3A_620, %ne3A_621 : i32
      %lt3A_623 = arith.constant 0 : i32
      %lt3A_624 = arith.cmpi slt, %rem3A_620, %lt3A_623 : i32
      %lt3A_625 = arith.constant 0 : i32
      %lt3A_626 = arith.cmpi slt, %select_n3A_619, %lt3A_625 : i32
      %ne3A_627 = arith.xori %lt3A_624, %lt3A_626 : i1
      %and3A_628 = arith.andi %ne3A_627, %ne3A_622 : i1
      %add3A_629 = arith.addi %rem3A_620, %select_n3A_619 : i32
      %select_n3A_630 = arith.select %and3A_628, %add3A_629, %rem3A_620 : i32
      %get3A_631 = arith.index_cast %select_n3A_614 : i32 to index
      %get3A_632 = arith.index_cast %select_n3A_630 : i32 to index
      %get3A_633 = arith.constant 32 : index
      %get3A_634 = tpu.vector_load %arg6[%get3A_631, %get3A_632, %get3A_633] {strides = array<i32>} : memref<25x8x128xi32, #tpu.memory_space<vmem>>, vector<16xi32>,
      %ge3A_635 = arith.constant 999997 : i32
      %ge3A_636 = vector.broadcast %ge3A_635 : i32 to vector<16xi32>
      %ge3A_637 = arith.cmpi sge, %get3A_634, %ge3A_636 : vector<16xi32>
      %add3A_638 = arith.constant 32 : i32
      %add3A_639 = vector.broadcast %add3A_638 : i32 to vector<16xi32>
      %add3A_640 = arith.addi %iota3A, %add3A_639 : vector<16xi32>
      %swap3A_641 = arith.index_cast %add3A_590 : i32 to index
      %swap3A_642 = tpu.vector_load %arg10[%swap3A_641] masked %ge3A_637 {strides = array<i32>} : memref<144xi32, #tpu.memory_space<vmem>>, vector<16xi32>, vector<16xi1>
      tpu.vector_store %arg10[%swap3A_641], %add3A_640 masked %ge3A_637 {strides = array<i32>} : memref<144xi32, #tpu.memory_space<vmem>>, vector<16xi32>, vector<16xi1>
      %sub3A_643 = arith.constant 999997 : i32
      %sub3A_644 = vector.broadcast %sub3A_643 : i32 to vector<16xi32>
      %sub3A_645 = arith.subi %get3A_634, %sub3A_644 : vector<16xi32>
      %swap3A_646 = arith.index_cast %add3A_590 : i32 to index
      %swap3A_647 = tpu.vector_load %arg11[%swap3A_646] masked %ge3A_637 {strides = array<i32>} : memref<144xi32, #tpu.memory_space<vmem>>, vector<16xi32>, vector<16xi1>
      tpu.vector_store %arg11[%swap3A_646], %sub3A_645 masked %ge3A_637 {strides = array<i32>} : memref<144xi32, #tpu.memory_space<vmem>>, vector<16xi32>, vector<16xi1>
      %convert_element_type3A_648 = arith.extui %ge3A_637 : vector<16xi1> to vector<16xi32>
      %reduce_sum3A_649 = arith.constant true
      %reduce_sum3A_650 = vector.broadcast %reduce_sum3A_649 : i1 to vector<16xi1>
      %reduce_sum3A_651 = tpu.scan <sum>, %convert_element_type3A_648 masked %reduce_sum3A_650 : vector<16xi32>, vector<16xi1> -> vector<16xi32>
      %reduce_sum3A_652 = vector.extract %reduce_sum3A_651[15] : i32 from vector<16xi32>
      %add3A_653 = arith.addi %add3A_590, %reduce_sum3A_652 : i32
      %jit3A_654 = arith.constant 8 : i32
      %div3A_655 = arith.divsi %mul3A_372, %jit3A_654 : i32
      %sign3A_656 = arith.constant 0 : i32
      %sign3A_657 = arith.cmpi sgt, %mul3A_372, %sign3A_656 : i32
      %sign3A_658 = arith.extui %sign3A_657 : i1 to i32
      %sign3A_659 = arith.constant 0 : i32
      %sign3A_660 = arith.cmpi slt, %mul3A_372, %sign3A_659 : i32
      %sign3A_661 = arith.extui %sign3A_660 : i1 to i32
      %sign3A_662 = arith.subi %sign3A_658, %sign3A_661 : i32
      %sign3A_663 = arith.constant 0 : i32
      %sign3A_664 = arith.cmpi sgt, %jit3A_654, %sign3A_663 : i32
      %sign3A_665 = arith.extui %sign3A_664 : i1 to i32
      %sign3A_666 = arith.constant 0 : i32
      %sign3A_667 = arith.cmpi slt, %jit3A_654, %sign3A_666 : i32
      %sign3A_668 = arith.extui %sign3A_667 : i1 to i32
      %sign3A_669 = arith.subi %sign3A_665, %sign3A_668 : i32
      %ne3A_670 = arith.cmpi ne, %sign3A_662, %sign3A_669 : i32
      %rem3A_671 = arith.remsi %mul3A_372, %jit3A_654 : i32
      %ne3A_672 = arith.constant 0 : i32
      %ne3A_673 = arith.cmpi ne, %rem3A_671, %ne3A_672 : i32
      %and3A_674 = arith.andi %ne3A_670, %ne3A_673 : i1
      %sub3A_675 = arith.constant 1 : i32
      %sub3A_676 = arith.subi %div3A_655, %sub3A_675 : i32
      %select_n3A_677 = arith.select %and3A_674, %sub3A_676, %div3A_655 : i32
      %jit3A_678 = arith.constant 8 : i32
      %eq3A_679 = arith.constant 0 : i32
      %eq3A_680 = arith.cmpi eq, %jit3A_678, %eq3A_679 : i32
      %jit3A_681 = arith.constant 1 : i32
      %select_n3A_682 = arith.select %eq3A_680, %jit3A_681, %jit3A_678 : i32
      %rem3A_683 = arith.remsi %mul3A_372, %select_n3A_682 : i32
      %ne3A_684 = arith.constant 0 : i32
      %ne3A_685 = arith.cmpi ne, %rem3A_683, %ne3A_684 : i32
      %lt3A_686 = arith.constant 0 : i32
      %lt3A_687 = arith.cmpi slt, %rem3A_683, %lt3A_686 : i32
      %lt3A_688 = arith.constant 0 : i32
      %lt3A_689 = arith.cmpi slt, %select_n3A_682, %lt3A_688 : i32
      %ne3A_690 = arith.xori %lt3A_687, %lt3A_689 : i1
      %and3A_691 = arith.andi %ne3A_690, %ne3A_685 : i1
      %add3A_692 = arith.addi %rem3A_683, %select_n3A_682 : i32
      %select_n3A_693 = arith.select %and3A_691, %add3A_692, %rem3A_683 : i32
      %get3A_694 = arith.index_cast %select_n3A_677 : i32 to index
      %get3A_695 = arith.index_cast %select_n3A_693 : i32 to index
      %get3A_696 = arith.constant 48 : index
      %get3A_697 = tpu.vector_load %arg6[%get3A_694, %get3A_695, %get3A_696] {strides = array<i32>} : memref<25x8x128xi32, #tpu.memory_space<vmem>>, vector<16xi32>,
      %ge3A_698 = arith.constant 999997 : i32
      %ge3A_699 = vector.broadcast %ge3A_698 : i32 to vector<16xi32>
      %ge3A_700 = arith.cmpi sge, %get3A_697, %ge3A_699 : vector<16xi32>
      %add3A_701 = arith.constant 48 : i32
      %add3A_702 = vector.broadcast %add3A_701 : i32 to vector<16xi32>
      %add3A_703 = arith.addi %iota3A, %add3A_702 : vector<16xi32>
      %swap3A_704 = arith.index_cast %add3A_653 : i32 to index
      %swap3A_705 = tpu.vector_load %arg10[%swap3A_704] masked %ge3A_700 {strides = array<i32>} : memref<144xi32, #tpu.memory_space<vmem>>, vector<16xi32>, vector<16xi1>
      tpu.vector_store %arg10[%swap3A_704], %add3A_703 masked %ge3A_700 {strides = array<i32>} : memref<144xi32, #tpu.memory_space<vmem>>, vector<16xi32>, vector<16xi1>
      %sub3A_706 = arith.constant 999997 : i32
      %sub3A_707 = vector.broadcast %sub3A_706 : i32 to vector<16xi32>
      %sub3A_708 = arith.subi %get3A_697, %sub3A_707 : vector<16xi32>
      %swap3A_709 = arith.index_cast %add3A_653 : i32 to index
      %swap3A_710 = tpu.vector_load %arg11[%swap3A_709] masked %ge3A_700 {strides = array<i32>} : memref<144xi32, #tpu.memory_space<vmem>>, vector<16xi32>, vector<16xi1>
      tpu.vector_store %arg11[%swap3A_709], %sub3A_708 masked %ge3A_700 {strides = array<i32>} : memref<144xi32, #tpu.memory_space<vmem>>, vector<16xi32>, vector<16xi1>
      %convert_element_type3A_711 = arith.extui %ge3A_700 : vector<16xi1> to vector<16xi32>
      %reduce_sum3A_712 = arith.constant true
      %reduce_sum3A_713 = vector.broadcast %reduce_sum3A_712 : i1 to vector<16xi1>
      %reduce_sum3A_714 = tpu.scan <sum>, %convert_element_type3A_711 masked %reduce_sum3A_713 : vector<16xi32>, vector<16xi1> -> vector<16xi32>
      %reduce_sum3A_715 = vector.extract %reduce_sum3A_714[15] : i32 from vector<16xi32>
      %add3A_716 = arith.addi %add3A_653, %reduce_sum3A_715 : i32
      %jit3A_717 = arith.constant 8 : i32
      %div3A_718 = arith.divsi %mul3A_372, %jit3A_717 : i32
      %sign3A_719 = arith.constant 0 : i32
      %sign3A_720 = arith.cmpi sgt, %mul3A_372, %sign3A_719 : i32
      %sign3A_721 = arith.extui %sign3A_720 : i1 to i32
      %sign3A_722 = arith.constant 0 : i32
      %sign3A_723 = arith.cmpi slt, %mul3A_372, %sign3A_722 : i32
      %sign3A_724 = arith.extui %sign3A_723 : i1 to i32
      %sign3A_725 = arith.subi %sign3A_721, %sign3A_724 : i32
      %sign3A_726 = arith.constant 0 : i32
      %sign3A_727 = arith.cmpi sgt, %jit3A_717, %sign3A_726 : i32
      %sign3A_728 = arith.extui %sign3A_727 : i1 to i32
      %sign3A_729 = arith.constant 0 : i32
      %sign3A_730 = arith.cmpi slt, %jit3A_717, %sign3A_729 : i32
      %sign3A_731 = arith.extui %sign3A_730 : i1 to i32
      %sign3A_732 = arith.subi %sign3A_728, %sign3A_731 : i32
      %ne3A_733 = arith.cmpi ne, %sign3A_725, %sign3A_732 : i32
      %rem3A_734 = arith.remsi %mul3A_372, %jit3A_717 : i32
      %ne3A_735 = arith.constant 0 : i32
      %ne3A_736 = arith.cmpi ne, %rem3A_734, %ne3A_735 : i32
      %and3A_737 = arith.andi %ne3A_733, %ne3A_736 : i1
      %sub3A_738 = arith.constant 1 : i32
      %sub3A_739 = arith.subi %div3A_718, %sub3A_738 : i32
      %select_n3A_740 = arith.select %and3A_737, %sub3A_739, %div3A_718 : i32
      %jit3A_741 = arith.constant 8 : i32
      %eq3A_742 = arith.constant 0 : i32
      %eq3A_743 = arith.cmpi eq, %jit3A_741, %eq3A_742 : i32
      %jit3A_744 = arith.constant 1 : i32
      %select_n3A_745 = arith.select %eq3A_743, %jit3A_744, %jit3A_741 : i32
      %rem3A_746 = arith.remsi %mul3A_372, %select_n3A_745 : i32
      %ne3A_747 = arith.constant 0 : i32
      %ne3A_748 = arith.cmpi ne, %rem3A_746, %ne3A_747 : i32
      %lt3A_749 = arith.constant 0 : i32
      %lt3A_750 = arith.cmpi slt, %rem3A_746, %lt3A_749 : i32
      %lt3A_751 = arith.constant 0 : i32
      %lt3A_752 = arith.cmpi slt, %select_n3A_745, %lt3A_751 : i32
      %ne3A_753 = arith.xori %lt3A_750, %lt3A_752 : i1
      %and3A_754 = arith.andi %ne3A_753, %ne3A_748 : i1
      %add3A_755 = arith.addi %rem3A_746, %select_n3A_745 : i32
      %select_n3A_756 = arith.select %and3A_754, %add3A_755, %rem3A_746 : i32
      %get3A_757 = arith.index_cast %select_n3A_740 : i32 to index
      %get3A_758 = arith.index_cast %select_n3A_756 : i32 to index
      %get3A_759 = arith.constant 64 : index
      %get3A_760 = tpu.vector_load %arg6[%get3A_757, %get3A_758, %get3A_759] {strides = array<i32>} : memref<25x8x128xi32, #tpu.memory_space<vmem>>, vector<16xi32>,
      %ge3A_761 = arith.constant 999997 : i32
      %ge3A_762 = vector.broadcast %ge3A_761 : i32 to vector<16xi32>
      %ge3A_763 = arith.cmpi sge, %get3A_760, %ge3A_762 : vector<16xi32>
      %add3A_764 = arith.constant 64 : i32
      %add3A_765 = vector.broadcast %add3A_764 : i32 to vector<16xi32>
      %add3A_766 = arith.addi %iota3A, %add3A_765 : vector<16xi32>
      %swap3A_767 = arith.index_cast %add3A_716 : i32 to index
      %swap3A_768 = tpu.vector_load %arg10[%swap3A_767] masked %ge3A_763 {strides = array<i32>} : memref<144xi32, #tpu.memory_space<vmem>>, vector<16xi32>, vector<16xi1>
      tpu.vector_store %arg10[%swap3A_767], %add3A_766 masked %ge3A_763 {strides = array<i32>} : memref<144xi32, #tpu.memory_space<vmem>>, vector<16xi32>, vector<16xi1>
      %sub3A_769 = arith.constant 999997 : i32
      %sub3A_770 = vector.broadcast %sub3A_769 : i32 to vector<16xi32>
      %sub3A_771 = arith.subi %get3A_760, %sub3A_770 : vector<16xi32>
      %swap3A_772 = arith.index_cast %add3A_716 : i32 to index
      %swap3A_773 = tpu.vector_load %arg11[%swap3A_772] masked %ge3A_763 {strides = array<i32>} : memref<144xi32, #tpu.memory_space<vmem>>, vector<16xi32>, vector<16xi1>
      tpu.vector_store %arg11[%swap3A_772], %sub3A_771 masked %ge3A_763 {strides = array<i32>} : memref<144xi32, #tpu.memory_space<vmem>>, vector<16xi32>, vector<16xi1>
      %convert_element_type3A_774 = arith.extui %ge3A_763 : vector<16xi1> to vector<16xi32>
      %reduce_sum3A_775 = arith.constant true
      %reduce_sum3A_776 = vector.broadcast %reduce_sum3A_775 : i1 to vector<16xi1>
      %reduce_sum3A_777 = tpu.scan <sum>, %convert_element_type3A_774 masked %reduce_sum3A_776 : vector<16xi32>, vector<16xi1> -> vector<16xi32>
      %reduce_sum3A_778 = vector.extract %reduce_sum3A_777[15] : i32 from vector<16xi32>
      %add3A_779 = arith.addi %add3A_716, %reduce_sum3A_778 : i32
      %jit3A_780 = arith.constant 8 : i32
      %div3A_781 = arith.divsi %mul3A_372, %jit3A_780 : i32
      %sign3A_782 = arith.constant 0 : i32
      %sign3A_783 = arith.cmpi sgt, %mul3A_372, %sign3A_782 : i32
      %sign3A_784 = arith.extui %sign3A_783 : i1 to i32
      %sign3A_785 = arith.constant 0 : i32
      %sign3A_786 = arith.cmpi slt, %mul3A_372, %sign3A_785 : i32
      %sign3A_787 = arith.extui %sign3A_786 : i1 to i32
      %sign3A_788 = arith.subi %sign3A_784, %sign3A_787 : i32
      %sign3A_789 = arith.constant 0 : i32
      %sign3A_790 = arith.cmpi sgt, %jit3A_780, %sign3A_789 : i32
      %sign3A_791 = arith.extui %sign3A_790 : i1 to i32
      %sign3A_792 = arith.constant 0 : i32
      %sign3A_793 = arith.cmpi slt, %jit3A_780, %sign3A_792 : i32
      %sign3A_794 = arith.extui %sign3A_793 : i1 to i32
      %sign3A_795 = arith.subi %sign3A_791, %sign3A_794 : i32
      %ne3A_796 = arith.cmpi ne, %sign3A_788, %sign3A_795 : i32
      %rem3A_797 = arith.remsi %mul3A_372, %jit3A_780 : i32
      %ne3A_798 = arith.constant 0 : i32
      %ne3A_799 = arith.cmpi ne, %rem3A_797, %ne3A_798 : i32
      %and3A_800 = arith.andi %ne3A_796, %ne3A_799 : i1
      %sub3A_801 = arith.constant 1 : i32
      %sub3A_802 = arith.subi %div3A_781, %sub3A_801 : i32
      %select_n3A_803 = arith.select %and3A_800, %sub3A_802, %div3A_781 : i32
      %jit3A_804 = arith.constant 8 : i32
      %eq3A_805 = arith.constant 0 : i32
      %eq3A_806 = arith.cmpi eq, %jit3A_804, %eq3A_805 : i32
      %jit3A_807 = arith.constant 1 : i32
      %select_n3A_808 = arith.select %eq3A_806, %jit3A_807, %jit3A_804 : i32
      %rem3A_809 = arith.remsi %mul3A_372, %select_n3A_808 : i32
      %ne3A_810 = arith.constant 0 : i32
      %ne3A_811 = arith.cmpi ne, %rem3A_809, %ne3A_810 : i32
      %lt3A_812 = arith.constant 0 : i32
      %lt3A_813 = arith.cmpi slt, %rem3A_809, %lt3A_812 : i32
      %lt3A_814 = arith.constant 0 : i32
      %lt3A_815 = arith.cmpi slt, %select_n3A_808, %lt3A_814 : i32
      %ne3A_816 = arith.xori %lt3A_813, %lt3A_815 : i1
      %and3A_817 = arith.andi %ne3A_816, %ne3A_811 : i1
      %add3A_818 = arith.addi %rem3A_809, %select_n3A_808 : i32
      %select_n3A_819 = arith.select %and3A_817, %add3A_818, %rem3A_809 : i32
      %get3A_820 = arith.index_cast %select_n3A_803 : i32 to index
      %get3A_821 = arith.index_cast %select_n3A_819 : i32 to index
      %get3A_822 = arith.constant 80 : index
      %get3A_823 = tpu.vector_load %arg6[%get3A_820, %get3A_821, %get3A_822] {strides = array<i32>} : memref<25x8x128xi32, #tpu.memory_space<vmem>>, vector<16xi32>,
      %ge3A_824 = arith.constant 999997 : i32
      %ge3A_825 = vector.broadcast %ge3A_824 : i32 to vector<16xi32>
      %ge3A_826 = arith.cmpi sge, %get3A_823, %ge3A_825 : vector<16xi32>
      %add3A_827 = arith.constant 80 : i32
      %add3A_828 = vector.broadcast %add3A_827 : i32 to vector<16xi32>
      %add3A_829 = arith.addi %iota3A, %add3A_828 : vector<16xi32>
      %swap3A_830 = arith.index_cast %add3A_779 : i32 to index
      %swap3A_831 = tpu.vector_load %arg10[%swap3A_830] masked %ge3A_826 {strides = array<i32>} : memref<144xi32, #tpu.memory_space<vmem>>, vector<16xi32>, vector<16xi1>
      tpu.vector_store %arg10[%swap3A_830], %add3A_829 masked %ge3A_826 {strides = array<i32>} : memref<144xi32, #tpu.memory_space<vmem>>, vector<16xi32>, vector<16xi1>
      %sub3A_832 = arith.constant 999997 : i32
      %sub3A_833 = vector.broadcast %sub3A_832 : i32 to vector<16xi32>
      %sub3A_834 = arith.subi %get3A_823, %sub3A_833 : vector<16xi32>
      %swap3A_835 = arith.index_cast %add3A_779 : i32 to index
      %swap3A_836 = tpu.vector_load %arg11[%swap3A_835] masked %ge3A_826 {strides = array<i32>} : memref<144xi32, #tpu.memory_space<vmem>>, vector<16xi32>, vector<16xi1>
      tpu.vector_store %arg11[%swap3A_835], %sub3A_834 masked %ge3A_826 {strides = array<i32>} : memref<144xi32, #tpu.memory_space<vmem>>, vector<16xi32>, vector<16xi1>
      %convert_element_type3A_837 = arith.extui %ge3A_826 : vector<16xi1> to vector<16xi32>
      %reduce_sum3A_838 = arith.constant true
      %reduce_sum3A_839 = vector.broadcast %reduce_sum3A_838 : i1 to vector<16xi1>
      %reduce_sum3A_840 = tpu.scan <sum>, %convert_element_type3A_837 masked %reduce_sum3A_839 : vector<16xi32>, vector<16xi1> -> vector<16xi32>
      %reduce_sum3A_841 = vector.extract %reduce_sum3A_840[15] : i32 from vector<16xi32>
      %add3A_842 = arith.addi %add3A_779, %reduce_sum3A_841 : i32
      %jit3A_843 = arith.constant 8 : i32
      %div3A_844 = arith.divsi %mul3A_372, %jit3A_843 : i32
      %sign3A_845 = arith.constant 0 : i32
      %sign3A_846 = arith.cmpi sgt, %mul3A_372, %sign3A_845 : i32
      %sign3A_847 = arith.extui %sign3A_846 : i1 to i32
      %sign3A_848 = arith.constant 0 : i32
      %sign3A_849 = arith.cmpi slt, %mul3A_372, %sign3A_848 : i32
      %sign3A_850 = arith.extui %sign3A_849 : i1 to i32
      %sign3A_851 = arith.subi %sign3A_847, %sign3A_850 : i32
      %sign3A_852 = arith.constant 0 : i32
      %sign3A_853 = arith.cmpi sgt, %jit3A_843, %sign3A_852 : i32
      %sign3A_854 = arith.extui %sign3A_853 : i1 to i32
      %sign3A_855 = arith.constant 0 : i32
      %sign3A_856 = arith.cmpi slt, %jit3A_843, %sign3A_855 : i32
      %sign3A_857 = arith.extui %sign3A_856 : i1 to i32
      %sign3A_858 = arith.subi %sign3A_854, %sign3A_857 : i32
      %ne3A_859 = arith.cmpi ne, %sign3A_851, %sign3A_858 : i32
      %rem3A_860 = arith.remsi %mul3A_372, %jit3A_843 : i32
      %ne3A_861 = arith.constant 0 : i32
      %ne3A_862 = arith.cmpi ne, %rem3A_860, %ne3A_861 : i32
      %and3A_863 = arith.andi %ne3A_859, %ne3A_862 : i1
      %sub3A_864 = arith.constant 1 : i32
      %sub3A_865 = arith.subi %div3A_844, %sub3A_864 : i32
      %select_n3A_866 = arith.select %and3A_863, %sub3A_865, %div3A_844 : i32
      %jit3A_867 = arith.constant 8 : i32
      %eq3A_868 = arith.constant 0 : i32
      %eq3A_869 = arith.cmpi eq, %jit3A_867, %eq3A_868 : i32
      %jit3A_870 = arith.constant 1 : i32
      %select_n3A_871 = arith.select %eq3A_869, %jit3A_870, %jit3A_867 : i32
      %rem3A_872 = arith.remsi %mul3A_372, %select_n3A_871 : i32
      %ne3A_873 = arith.constant 0 : i32
      %ne3A_874 = arith.cmpi ne, %rem3A_872, %ne3A_873 : i32
      %lt3A_875 = arith.constant 0 : i32
      %lt3A_876 = arith.cmpi slt, %rem3A_872, %lt3A_875 : i32
      %lt3A_877 = arith.constant 0 : i32
      %lt3A_878 = arith.cmpi slt, %select_n3A_871, %lt3A_877 : i32
      %ne3A_879 = arith.xori %lt3A_876, %lt3A_878 : i1
      %and3A_880 = arith.andi %ne3A_879, %ne3A_874 : i1
      %add3A_881 = arith.addi %rem3A_872, %select_n3A_871 : i32
      %select_n3A_882 = arith.select %and3A_880, %add3A_881, %rem3A_872 : i32
      %get3A_883 = arith.index_cast %select_n3A_866 : i32 to index
      %get3A_884 = arith.index_cast %select_n3A_882 : i32 to index
      %get3A_885 = arith.constant 96 : index
      %get3A_886 = tpu.vector_load %arg6[%get3A_883, %get3A_884, %get3A_885] {strides = array<i32>} : memref<25x8x128xi32, #tpu.memory_space<vmem>>, vector<16xi32>,
      %ge3A_887 = arith.constant 999997 : i32
      %ge3A_888 = vector.broadcast %ge3A_887 : i32 to vector<16xi32>
      %ge3A_889 = arith.cmpi sge, %get3A_886, %ge3A_888 : vector<16xi32>
      %add3A_890 = arith.constant 96 : i32
      %add3A_891 = vector.broadcast %add3A_890 : i32 to vector<16xi32>
      %add3A_892 = arith.addi %iota3A, %add3A_891 : vector<16xi32>
      %swap3A_893 = arith.index_cast %add3A_842 : i32 to index
      %swap3A_894 = tpu.vector_load %arg10[%swap3A_893] masked %ge3A_889 {strides = array<i32>} : memref<144xi32, #tpu.memory_space<vmem>>, vector<16xi32>, vector<16xi1>
      tpu.vector_store %arg10[%swap3A_893], %add3A_892 masked %ge3A_889 {strides = array<i32>} : memref<144xi32, #tpu.memory_space<vmem>>, vector<16xi32>, vector<16xi1>
      %sub3A_895 = arith.constant 999997 : i32
      %sub3A_896 = vector.broadcast %sub3A_895 : i32 to vector<16xi32>
      %sub3A_897 = arith.subi %get3A_886, %sub3A_896 : vector<16xi32>
      %swap3A_898 = arith.index_cast %add3A_842 : i32 to index
      %swap3A_899 = tpu.vector_load %arg11[%swap3A_898] masked %ge3A_889 {strides = array<i32>} : memref<144xi32, #tpu.memory_space<vmem>>, vector<16xi32>, vector<16xi1>
      tpu.vector_store %arg11[%swap3A_898], %sub3A_897 masked %ge3A_889 {strides = array<i32>} : memref<144xi32, #tpu.memory_space<vmem>>, vector<16xi32>, vector<16xi1>
      %convert_element_type3A_900 = arith.extui %ge3A_889 : vector<16xi1> to vector<16xi32>
      %reduce_sum3A_901 = arith.constant true
      %reduce_sum3A_902 = vector.broadcast %reduce_sum3A_901 : i1 to vector<16xi1>
      %reduce_sum3A_903 = tpu.scan <sum>, %convert_element_type3A_900 masked %reduce_sum3A_902 : vector<16xi32>, vector<16xi1> -> vector<16xi32>
      %reduce_sum3A_904 = vector.extract %reduce_sum3A_903[15] : i32 from vector<16xi32>
      %add3A_905 = arith.addi %add3A_842, %reduce_sum3A_904 : i32
      %jit3A_906 = arith.constant 8 : i32
      %div3A_907 = arith.divsi %mul3A_372, %jit3A_906 : i32
      %sign3A_908 = arith.constant 0 : i32
      %sign3A_909 = arith.cmpi sgt, %mul3A_372, %sign3A_908 : i32
      %sign3A_910 = arith.extui %sign3A_909 : i1 to i32
      %sign3A_911 = arith.constant 0 : i32
      %sign3A_912 = arith.cmpi slt, %mul3A_372, %sign3A_911 : i32
      %sign3A_913 = arith.extui %sign3A_912 : i1 to i32
      %sign3A_914 = arith.subi %sign3A_910, %sign3A_913 : i32
      %sign3A_915 = arith.constant 0 : i32
      %sign3A_916 = arith.cmpi sgt, %jit3A_906, %sign3A_915 : i32
      %sign3A_917 = arith.extui %sign3A_916 : i1 to i32
      %sign3A_918 = arith.constant 0 : i32
      %sign3A_919 = arith.cmpi slt, %jit3A_906, %sign3A_918 : i32
      %sign3A_920 = arith.extui %sign3A_919 : i1 to i32
      %sign3A_921 = arith.subi %sign3A_917, %sign3A_920 : i32
      %ne3A_922 = arith.cmpi ne, %sign3A_914, %sign3A_921 : i32
      %rem3A_923 = arith.remsi %mul3A_372, %jit3A_906 : i32
      %ne3A_924 = arith.constant 0 : i32
      %ne3A_925 = arith.cmpi ne, %rem3A_923, %ne3A_924 : i32
      %and3A_926 = arith.andi %ne3A_922, %ne3A_925 : i1
      %sub3A_927 = arith.constant 1 : i32
      %sub3A_928 = arith.subi %div3A_907, %sub3A_927 : i32
      %select_n3A_929 = arith.select %and3A_926, %sub3A_928, %div3A_907 : i32
      %jit3A_930 = arith.constant 8 : i32
      %eq3A_931 = arith.constant 0 : i32
      %eq3A_932 = arith.cmpi eq, %jit3A_930, %eq3A_931 : i32
      %jit3A_933 = arith.constant 1 : i32
      %select_n3A_934 = arith.select %eq3A_932, %jit3A_933, %jit3A_930 : i32
      %rem3A_935 = arith.remsi %mul3A_372, %select_n3A_934 : i32
      %ne3A_936 = arith.constant 0 : i32
      %ne3A_937 = arith.cmpi ne, %rem3A_935, %ne3A_936 : i32
      %lt3A_938 = arith.constant 0 : i32
      %lt3A_939 = arith.cmpi slt, %rem3A_935, %lt3A_938 : i32
      %lt3A_940 = arith.constant 0 : i32
      %lt3A_941 = arith.cmpi slt, %select_n3A_934, %lt3A_940 : i32
      %ne3A_942 = arith.xori %lt3A_939, %lt3A_941 : i1
      %and3A_943 = arith.andi %ne3A_942, %ne3A_937 : i1
      %add3A_944 = arith.addi %rem3A_935, %select_n3A_934 : i32
      %select_n3A_945 = arith.select %and3A_943, %add3A_944, %rem3A_935 : i32
      %get3A_946 = arith.index_cast %select_n3A_929 : i32 to index
      %get3A_947 = arith.index_cast %select_n3A_945 : i32 to index
      %get3A_948 = arith.constant 112 : index
      %get3A_949 = tpu.vector_load %arg6[%get3A_946, %get3A_947, %get3A_948] {strides = array<i32>} : memref<25x8x128xi32, #tpu.memory_space<vmem>>, vector<16xi32>,
      %ge3A_950 = arith.constant 999997 : i32
      %ge3A_951 = vector.broadcast %ge3A_950 : i32 to vector<16xi32>
      %ge3A_952 = arith.cmpi sge, %get3A_949, %ge3A_951 : vector<16xi32>
      %add3A_953 = arith.constant 112 : i32
      %add3A_954 = vector.broadcast %add3A_953 : i32 to vector<16xi32>
      %add3A_955 = arith.addi %iota3A, %add3A_954 : vector<16xi32>
      %swap3A_956 = arith.index_cast %add3A_905 : i32 to index
      %swap3A_957 = tpu.vector_load %arg10[%swap3A_956] masked %ge3A_952 {strides = array<i32>} : memref<144xi32, #tpu.memory_space<vmem>>, vector<16xi32>, vector<16xi1>
      tpu.vector_store %arg10[%swap3A_956], %add3A_955 masked %ge3A_952 {strides = array<i32>} : memref<144xi32, #tpu.memory_space<vmem>>, vector<16xi32>, vector<16xi1>
      %sub3A_958 = arith.constant 999997 : i32
      %sub3A_959 = vector.broadcast %sub3A_958 : i32 to vector<16xi32>
      %sub3A_960 = arith.subi %get3A_949, %sub3A_959 : vector<16xi32>
      %swap3A_961 = arith.index_cast %add3A_905 : i32 to index
      %swap3A_962 = tpu.vector_load %arg11[%swap3A_961] masked %ge3A_952 {strides = array<i32>} : memref<144xi32, #tpu.memory_space<vmem>>, vector<16xi32>, vector<16xi1>
      tpu.vector_store %arg11[%swap3A_961], %sub3A_960 masked %ge3A_952 {strides = array<i32>} : memref<144xi32, #tpu.memory_space<vmem>>, vector<16xi32>, vector<16xi1>
      %convert_element_type3A_963 = arith.extui %ge3A_952 : vector<16xi1> to vector<16xi32>
      %reduce_sum3A_964 = arith.constant true
      %reduce_sum3A_965 = vector.broadcast %reduce_sum3A_964 : i1 to vector<16xi1>
      %reduce_sum3A_966 = tpu.scan <sum>, %convert_element_type3A_963 masked %reduce_sum3A_965 : vector<16xi32>, vector<16xi1> -> vector<16xi32>
      %reduce_sum3A_967 = vector.extract %reduce_sum3A_966[15] : i32 from vector<16xi32>
      %add3A_968 = arith.addi %add3A_905, %reduce_sum3A_967 : i32
      %while3A = arith.constant 0 : i32
      %while3A_969 = arith.constant 0 : i32
      %while3A_970 = arith.subi %add3A_968, %while3A_969 : i32
      %while3A_971 = arith.addi %while3A_969, %while3A_970 : i32
      %while3A_972 = arith.constant 1 : i32
      %while3A_973 = arith.divsi %while3A_970, %while3A_972 : i32
      %while3A_974 = arith.muli %while3A_973, %while3A_972 : i32
      %while3A_975 = arith.addi %while3A_969, %while3A_974 : i32
      %while3A_976 = arith.constant 1 : i32
      scf.for %while3A_1857 = %while3A_969 to %while3A_975 step %while3A_976  : i32 {
        %get3A_1858 = arith.index_cast %while3A_1857 : i32 to index
        %get3A_1859 = tpu.vector_load %arg10[%get3A_1858] {strides = array<i32>} : memref<144xi32, #tpu.memory_space<vmem>>, vector<16xi32>,
        %slice3A = vector.extract_strided_slice %get3A_1859 {offsets = [0], sizes = [1], strides = [1]} : vector<16xi32> to vector<1xi32>
        %squeeze3A = vector.extract %slice3A[0] : i32 from vector<1xi32>
        %get3A_1860 = arith.index_cast %while3A_1857 : i32 to index
        %get3A_1861 = tpu.vector_load %arg11[%get3A_1860] {strides = array<i32>} : memref<144xi32, #tpu.memory_space<vmem>>, vector<16xi32>,
        %slice3A_1862 = vector.extract_strided_slice %get3A_1861 {offsets = [0], sizes = [1], strides = [1]} : vector<16xi32> to vector<1xi32>
        %squeeze3A_1863 = vector.extract %slice3A_1862[0] : i32 from vector<1xi32>
        %get3A_1864 = arith.index_cast %squeeze3A_1863 : i32 to index
        %get3A_1865 = arith.constant 0 : index
        %get3A_1866 = tpu.vector_load %arg9[%get3A_1864, %get3A_1865] {strides = array<i32>} : memref<4x64xf32, #tpu.memory_space<vmem>>, vector<16xf32>,
        %swap3A_1867 = arith.constant 0 : i32
        %swap3A_1868 = arith.index_cast %swap3A_1867 : i32 to index
        %swap3A_1869 = arith.index_cast %squeeze3A : i32 to index
        %swap3A_1870 = arith.constant 0 : index
        %swap3A_1871 = tpu.vector_load %arg7[%swap3A_1868, %swap3A_1869, %swap3A_1870] {strides = array<i32>} : memref<2x128x128xf32, #tpu.memory_space<vmem>>, vector<16xf32>,
        tpu.vector_store %arg7[%swap3A_1868, %swap3A_1869, %swap3A_1870], %get3A_1866 {strides = array<i32>} : memref<2x128x128xf32, #tpu.memory_space<vmem>>, vector<16xf32>,
        %get3A_1872 = arith.index_cast %squeeze3A_1863 : i32 to index
        %get3A_1873 = arith.constant 16 : index
        %get3A_1874 = tpu.vector_load %arg9[%get3A_1872, %get3A_1873] {strides = array<i32>} : memref<4x64xf32, #tpu.memory_space<vmem>>, vector<16xf32>,
        %swap3A_1875 = arith.constant 0 : i32
        %swap3A_1876 = arith.index_cast %swap3A_1875 : i32 to index
        %swap3A_1877 = arith.index_cast %squeeze3A : i32 to index
        %swap3A_1878 = arith.constant 16 : index
        %swap3A_1879 = tpu.vector_load %arg7[%swap3A_1876, %swap3A_1877, %swap3A_1878] {strides = array<i32>} : memref<2x128x128xf32, #tpu.memory_space<vmem>>, vector<16xf32>,
        tpu.vector_store %arg7[%swap3A_1876, %swap3A_1877, %swap3A_1878], %get3A_1874 {strides = array<i32>} : memref<2x128x128xf32, #tpu.memory_space<vmem>>, vector<16xf32>,
        %get3A_1880 = arith.index_cast %squeeze3A_1863 : i32 to index
        %get3A_1881 = arith.constant 32 : index
        %get3A_1882 = tpu.vector_load %arg9[%get3A_1880, %get3A_1881] {strides = array<i32>} : memref<4x64xf32, #tpu.memory_space<vmem>>, vector<16xf32>,
        %swap3A_1883 = arith.constant 0 : i32
        %swap3A_1884 = arith.index_cast %swap3A_1883 : i32 to index
        %swap3A_1885 = arith.index_cast %squeeze3A : i32 to index
        %swap3A_1886 = arith.constant 32 : index
        %swap3A_1887 = tpu.vector_load %arg7[%swap3A_1884, %swap3A_1885, %swap3A_1886] {strides = array<i32>} : memref<2x128x128xf32, #tpu.memory_space<vmem>>, vector<16xf32>,
        tpu.vector_store %arg7[%swap3A_1884, %swap3A_1885, %swap3A_1886], %get3A_1882 {strides = array<i32>} : memref<2x128x128xf32, #tpu.memory_space<vmem>>, vector<16xf32>,
        %get3A_1888 = arith.index_cast %squeeze3A_1863 : i32 to index
        %get3A_1889 = arith.constant 48 : index
        %get3A_1890 = tpu.vector_load %arg9[%get3A_1888, %get3A_1889] {strides = array<i32>} : memref<4x64xf32, #tpu.memory_space<vmem>>, vector<16xf32>,
        %swap3A_1891 = arith.constant 0 : i32
        %swap3A_1892 = arith.index_cast %swap3A_1891 : i32 to index
        %swap3A_1893 = arith.index_cast %squeeze3A : i32 to index
        %swap3A_1894 = arith.constant 48 : index
        %swap3A_1895 = tpu.vector_load %arg7[%swap3A_1892, %swap3A_1893, %swap3A_1894] {strides = array<i32>} : memref<2x128x128xf32, #tpu.memory_space<vmem>>, vector<16xf32>,
        tpu.vector_store %arg7[%swap3A_1892, %swap3A_1893, %swap3A_1894], %get3A_1890 {strides = array<i32>} : memref<2x128x128xf32, #tpu.memory_space<vmem>>, vector<16xf32>,
      }
      %while3A_977 = arith.constant 1 : i32
      scf.for %while3A_1857 = %while3A_975 to %while3A_971 step %while3A_977  : i32 {
        %get3A_1858 = arith.index_cast %while3A_1857 : i32 to index
        %get3A_1859 = tpu.vector_load %arg10[%get3A_1858] {strides = array<i32>} : memref<144xi32, #tpu.memory_space<vmem>>, vector<16xi32>,
        %slice3A = vector.extract_strided_slice %get3A_1859 {offsets = [0], sizes = [1], strides = [1]} : vector<16xi32> to vector<1xi32>
        %squeeze3A = vector.extract %slice3A[0] : i32 from vector<1xi32>
        %get3A_1860 = arith.index_cast %while3A_1857 : i32 to index
        %get3A_1861 = tpu.vector_load %arg11[%get3A_1860] {strides = array<i32>} : memref<144xi32, #tpu.memory_space<vmem>>, vector<16xi32>,
        %slice3A_1862 = vector.extract_strided_slice %get3A_1861 {offsets = [0], sizes = [1], strides = [1]} : vector<16xi32> to vector<1xi32>
        %squeeze3A_1863 = vector.extract %slice3A_1862[0] : i32 from vector<1xi32>
        %get3A_1864 = arith.index_cast %squeeze3A_1863 : i32 to index
        %get3A_1865 = arith.constant 0 : index
        %get3A_1866 = tpu.vector_load %arg9[%get3A_1864, %get3A_1865] {strides = array<i32>} : memref<4x64xf32, #tpu.memory_space<vmem>>, vector<16xf32>,
        %swap3A_1867 = arith.constant 0 : i32
        %swap3A_1868 = arith.index_cast %swap3A_1867 : i32 to index
        %swap3A_1869 = arith.index_cast %squeeze3A : i32 to index
        %swap3A_1870 = arith.constant 0 : index
        %swap3A_1871 = tpu.vector_load %arg7[%swap3A_1868, %swap3A_1869, %swap3A_1870] {strides = array<i32>} : memref<2x128x128xf32, #tpu.memory_space<vmem>>, vector<16xf32>,
        tpu.vector_store %arg7[%swap3A_1868, %swap3A_1869, %swap3A_1870], %get3A_1866 {strides = array<i32>} : memref<2x128x128xf32, #tpu.memory_space<vmem>>, vector<16xf32>,
        %get3A_1872 = arith.index_cast %squeeze3A_1863 : i32 to index
        %get3A_1873 = arith.constant 16 : index
        %get3A_1874 = tpu.vector_load %arg9[%get3A_1872, %get3A_1873] {strides = array<i32>} : memref<4x64xf32, #tpu.memory_space<vmem>>, vector<16xf32>,
        %swap3A_1875 = arith.constant 0 : i32
        %swap3A_1876 = arith.index_cast %swap3A_1875 : i32 to index
        %swap3A_1877 = arith.index_cast %squeeze3A : i32 to index
        %swap3A_1878 = arith.constant 16 : index
        %swap3A_1879 = tpu.vector_load %arg7[%swap3A_1876, %swap3A_1877, %swap3A_1878] {strides = array<i32>} : memref<2x128x128xf32, #tpu.memory_space<vmem>>, vector<16xf32>,
        tpu.vector_store %arg7[%swap3A_1876, %swap3A_1877, %swap3A_1878], %get3A_1874 {strides = array<i32>} : memref<2x128x128xf32, #tpu.memory_space<vmem>>, vector<16xf32>,
        %get3A_1880 = arith.index_cast %squeeze3A_1863 : i32 to index
        %get3A_1881 = arith.constant 32 : index
        %get3A_1882 = tpu.vector_load %arg9[%get3A_1880, %get3A_1881] {strides = array<i32>} : memref<4x64xf32, #tpu.memory_space<vmem>>, vector<16xf32>,
        %swap3A_1883 = arith.constant 0 : i32
        %swap3A_1884 = arith.index_cast %swap3A_1883 : i32 to index
        %swap3A_1885 = arith.index_cast %squeeze3A : i32 to index
        %swap3A_1886 = arith.constant 32 : index
        %swap3A_1887 = tpu.vector_load %arg7[%swap3A_1884, %swap3A_1885, %swap3A_1886] {strides = array<i32>} : memref<2x128x128xf32, #tpu.memory_space<vmem>>, vector<16xf32>,
        tpu.vector_store %arg7[%swap3A_1884, %swap3A_1885, %swap3A_1886], %get3A_1882 {strides = array<i32>} : memref<2x128x128xf32, #tpu.memory_space<vmem>>, vector<16xf32>,
        %get3A_1888 = arith.index_cast %squeeze3A_1863 : i32 to index
        %get3A_1889 = arith.constant 48 : index
        %get3A_1890 = tpu.vector_load %arg9[%get3A_1888, %get3A_1889] {strides = array<i32>} : memref<4x64xf32, #tpu.memory_space<vmem>>, vector<16xf32>,
        %swap3A_1891 = arith.constant 0 : i32
        %swap3A_1892 = arith.index_cast %swap3A_1891 : i32 to index
        %swap3A_1893 = arith.index_cast %squeeze3A : i32 to index
        %swap3A_1894 = arith.constant 48 : index
        %swap3A_1895 = tpu.vector_load %arg7[%swap3A_1892, %swap3A_1893, %swap3A_1894] {strides = array<i32>} : memref<2x128x128xf32, #tpu.memory_space<vmem>>, vector<16xf32>,
        tpu.vector_store %arg7[%swap3A_1892, %swap3A_1893, %swap3A_1894], %get3A_1890 {strides = array<i32>} : memref<2x128x128xf32, #tpu.memory_space<vmem>>, vector<16xf32>,
      }
      %ge3A_978 = arith.constant 2 : i32
      %ge3A_979 = arith.cmpi sge, %mul3A_372, %ge3A_978 : i32
      %convert_element_type3A_980 = arith.extui %ge3A_979 : i1 to i32
      %cond3A = arith.constant 0 : i32
      %cond3A_981 = arith.cmpi ne, %convert_element_type3A_980, %cond3A : i32
      scf.if %cond3A_981 {
        %sub3A_1857 = arith.constant 2 : i32
        %sub3A_1858 = arith.subi %mul3A_372, %sub3A_1857 : i32
        %dma_wait3A_1859 = arith.constant 0 : i32
        %dma_wait3A_1860 = arith.constant 0 : i32
        %dma_wait3A_1861 = arith.constant 0 : i32
        %dma_wait3A_1862 = arith.constant 0 : i32
        %dma_wait3A_1863 = tpu.memref_slice %arg8[%dma_wait3A_1859, %dma_wait3A_1861, %dma_wait3A_1862] : memref<2x64x129xf32, #tpu.memory_space<vmem>> -> memref<1x8x128xf32, #tpu.memory_space<vmem>>
        %dma_wait3A_1864 = tpu.memref_squeeze %dma_wait3A_1863 : memref<1x8x128xf32, #tpu.memory_space<vmem>> -> memref<8x128xf32, #tpu.memory_space<vmem>>
        %dma_wait3A_1865 = arith.constant 0 : i32
        %dma_wait3A_1866 = arith.constant 0 : i32
        %dma_wait3A_1867 = tpu.memref_slice %arg5[%sub3A_1858, %dma_wait3A_1860, %add3A, %dma_wait3A_1865, %dma_wait3A_1866] : memref<200x8x32x8x128xf32, #tpu.memory_space<hbm>> -> memref<1x1x1x8x128xf32, #tpu.memory_space<hbm>>
        %dma_wait3A_1868 = tpu.memref_squeeze %dma_wait3A_1867 : memref<1x1x1x8x128xf32, #tpu.memory_space<hbm>> -> memref<8x128xf32, #tpu.memory_space<hbm>>
        %dma_wait3A_1869 = arith.constant 0 : i32
        %dma_wait3A_1870 = arith.constant 0 : i32
        %dma_wait3A_1871 = tpu.memref_slice %arg5[%sub3A_1858, %dma_wait3A_1860, %add3A, %dma_wait3A_1869, %dma_wait3A_1870] : memref<200x8x32x8x128xf32, #tpu.memory_space<hbm>> -> memref<1x1x1x8x128xf32, #tpu.memory_space<hbm>>
        %dma_wait3A_1872 = tpu.memref_squeeze %dma_wait3A_1871 : memref<1x1x1x8x128xf32, #tpu.memory_space<hbm>> -> memref<8x128xf32, #tpu.memory_space<hbm>>
        %dma_wait3A_1873 = arith.constant 0 : i32
        %dma_wait3A_1874 = arith.constant 0 : i32
        %dma_wait3A_1875 = tpu.memref_slice %arg8[%dma_wait3A_1859, %dma_wait3A_1873, %dma_wait3A_1874] : memref<2x64x129xf32, #tpu.memory_space<vmem>> -> memref<1x8x128xf32, #tpu.memory_space<vmem>>
        %dma_wait3A_1876 = tpu.memref_squeeze %dma_wait3A_1875 : memref<1x8x128xf32, #tpu.memory_space<vmem>> -> memref<8x128xf32, #tpu.memory_space<vmem>>
        tpu.wait_dma2 semaphore(%arg14 : memref<!tpu.dma_semaphore, #tpu.memory_space<semaphore_mem>>) src(%dma_wait3A_1876 : memref<8x128xf32, #tpu.memory_space<vmem>>) dst(%dma_wait3A_1872 : memref<8x128xf32, #tpu.memory_space<hbm>>)
        %sub3A_1877 = arith.constant 2 : i32
        %sub3A_1878 = arith.subi %mul3A_372, %sub3A_1877 : i32
        %dma_wait3A_1879 = arith.constant 0 : i32
        %dma_wait3A_1880 = arith.constant 1 : i32
        %dma_wait3A_1881 = arith.constant 8 : i32
        %dma_wait3A_1882 = arith.constant 0 : i32
        %dma_wait3A_1883 = tpu.memref_slice %arg8[%dma_wait3A_1879, %dma_wait3A_1881, %dma_wait3A_1882] : memref<2x64x129xf32, #tpu.memory_space<vmem>> -> memref<1x8x128xf32, #tpu.memory_space<vmem>>
        %dma_wait3A_1884 = tpu.memref_squeeze %dma_wait3A_1883 : memref<1x8x128xf32, #tpu.memory_space<vmem>> -> memref<8x128xf32, #tpu.memory_space<vmem>>
        %dma_wait3A_1885 = arith.constant 0 : i32
        %dma_wait3A_1886 = arith.constant 0 : i32
        %dma_wait3A_1887 = tpu.memref_slice %arg5[%sub3A_1878, %dma_wait3A_1880, %add3A, %dma_wait3A_1885, %dma_wait3A_1886] : memref<200x8x32x8x128xf32, #tpu.memory_space<hbm>> -> memref<1x1x1x8x128xf32, #tpu.memory_space<hbm>>
        %dma_wait3A_1888 = tpu.memref_squeeze %dma_wait3A_1887 : memref<1x1x1x8x128xf32, #tpu.memory_space<hbm>> -> memref<8x128xf32, #tpu.memory_space<hbm>>
        %dma_wait3A_1889 = arith.constant 0 : i32
        %dma_wait3A_1890 = arith.constant 0 : i32
        %dma_wait3A_1891 = tpu.memref_slice %arg5[%sub3A_1878, %dma_wait3A_1880, %add3A, %dma_wait3A_1889, %dma_wait3A_1890] : memref<200x8x32x8x128xf32, #tpu.memory_space<hbm>> -> memref<1x1x1x8x128xf32, #tpu.memory_space<hbm>>
        %dma_wait3A_1892 = tpu.memref_squeeze %dma_wait3A_1891 : memref<1x1x1x8x128xf32, #tpu.memory_space<hbm>> -> memref<8x128xf32, #tpu.memory_space<hbm>>
        %dma_wait3A_1893 = arith.constant 8 : i32
        %dma_wait3A_1894 = arith.constant 0 : i32
        %dma_wait3A_1895 = tpu.memref_slice %arg8[%dma_wait3A_1879, %dma_wait3A_1893, %dma_wait3A_1894] : memref<2x64x129xf32, #tpu.memory_space<vmem>> -> memref<1x8x128xf32, #tpu.memory_space<vmem>>
        %dma_wait3A_1896 = tpu.memref_squeeze %dma_wait3A_1895 : memref<1x8x128xf32, #tpu.memory_space<vmem>> -> memref<8x128xf32, #tpu.memory_space<vmem>>
        tpu.wait_dma2 semaphore(%arg14 : memref<!tpu.dma_semaphore, #tpu.memory_space<semaphore_mem>>) src(%dma_wait3A_1896 : memref<8x128xf32, #tpu.memory_space<vmem>>) dst(%dma_wait3A_1892 : memref<8x128xf32, #tpu.memory_space<hbm>>)
        %sub3A_1897 = arith.constant 2 : i32
        %sub3A_1898 = arith.subi %mul3A_372, %sub3A_1897 : i32
        %dma_wait3A_1899 = arith.constant 0 : i32
        %dma_wait3A_1900 = arith.constant 2 : i32
        %dma_wait3A_1901 = arith.constant 16 : i32
        %dma_wait3A_1902 = arith.constant 0 : i32
        %dma_wait3A_1903 = tpu.memref_slice %arg8[%dma_wait3A_1899, %dma_wait3A_1901, %dma_wait3A_1902] : memref<2x64x129xf32, #tpu.memory_space<vmem>> -> memref<1x8x128xf32, #tpu.memory_space<vmem>>
        %dma_wait3A_1904 = tpu.memref_squeeze %dma_wait3A_1903 : memref<1x8x128xf32, #tpu.memory_space<vmem>> -> memref<8x128xf32, #tpu.memory_space<vmem>>
        %dma_wait3A_1905 = arith.constant 0 : i32
        %dma_wait3A_1906 = arith.constant 0 : i32
        %dma_wait3A_1907 = tpu.memref_slice %arg5[%sub3A_1898, %dma_wait3A_1900, %add3A, %dma_wait3A_1905, %dma_wait3A_1906] : memref<200x8x32x8x128xf32, #tpu.memory_space<hbm>> -> memref<1x1x1x8x128xf32, #tpu.memory_space<hbm>>
        %dma_wait3A_1908 = tpu.memref_squeeze %dma_wait3A_1907 : memref<1x1x1x8x128xf32, #tpu.memory_space<hbm>> -> memref<8x128xf32, #tpu.memory_space<hbm>>
        %dma_wait3A_1909 = arith.constant 0 : i32
        %dma_wait3A_1910 = arith.constant 0 : i32
        %dma_wait3A_1911 = tpu.memref_slice %arg5[%sub3A_1898, %dma_wait3A_1900, %add3A, %dma_wait3A_1909, %dma_wait3A_1910] : memref<200x8x32x8x128xf32, #tpu.memory_space<hbm>> -> memref<1x1x1x8x128xf32, #tpu.memory_space<hbm>>
        %dma_wait3A_1912 = tpu.memref_squeeze %dma_wait3A_1911 : memref<1x1x1x8x128xf32, #tpu.memory_space<hbm>> -> memref<8x128xf32, #tpu.memory_space<hbm>>
        %dma_wait3A_1913 = arith.constant 16 : i32
        %dma_wait3A_1914 = arith.constant 0 : i32
        %dma_wait3A_1915 = tpu.memref_slice %arg8[%dma_wait3A_1899, %dma_wait3A_1913, %dma_wait3A_1914] : memref<2x64x129xf32, #tpu.memory_space<vmem>> -> memref<1x8x128xf32, #tpu.memory_space<vmem>>
        %dma_wait3A_1916 = tpu.memref_squeeze %dma_wait3A_1915 : memref<1x8x128xf32, #tpu.memory_space<vmem>> -> memref<8x128xf32, #tpu.memory_space<vmem>>
        tpu.wait_dma2 semaphore(%arg14 : memref<!tpu.dma_semaphore, #tpu.memory_space<semaphore_mem>>) src(%dma_wait3A_1916 : memref<8x128xf32, #tpu.memory_space<vmem>>) dst(%dma_wait3A_1912 : memref<8x128xf32, #tpu.memory_space<hbm>>)
        %sub3A_1917 = arith.constant 2 : i32
        %sub3A_1918 = arith.subi %mul3A_372, %sub3A_1917 : i32
        %dma_wait3A_1919 = arith.constant 0 : i32
        %dma_wait3A_1920 = arith.constant 3 : i32
        %dma_wait3A_1921 = arith.constant 24 : i32
        %dma_wait3A_1922 = arith.constant 0 : i32
        %dma_wait3A_1923 = tpu.memref_slice %arg8[%dma_wait3A_1919, %dma_wait3A_1921, %dma_wait3A_1922] : memref<2x64x129xf32, #tpu.memory_space<vmem>> -> memref<1x8x128xf32, #tpu.memory_space<vmem>>
        %dma_wait3A_1924 = tpu.memref_squeeze %dma_wait3A_1923 : memref<1x8x128xf32, #tpu.memory_space<vmem>> -> memref<8x128xf32, #tpu.memory_space<vmem>>
        %dma_wait3A_1925 = arith.constant 0 : i32
        %dma_wait3A_1926 = arith.constant 0 : i32
        %dma_wait3A_1927 = tpu.memref_slice %arg5[%sub3A_1918, %dma_wait3A_1920, %add3A, %dma_wait3A_1925, %dma_wait3A_1926] : memref<200x8x32x8x128xf32, #tpu.memory_space<hbm>> -> memref<1x1x1x8x128xf32, #tpu.memory_space<hbm>>
        %dma_wait3A_1928 = tpu.memref_squeeze %dma_wait3A_1927 : memref<1x1x1x8x128xf32, #tpu.memory_space<hbm>> -> memref<8x128xf32, #tpu.memory_space<hbm>>
        %dma_wait3A_1929 = arith.constant 0 : i32
        %dma_wait3A_1930 = arith.constant 0 : i32
        %dma_wait3A_1931 = tpu.memref_slice %arg5[%sub3A_1918, %dma_wait3A_1920, %add3A, %dma_wait3A_1929, %dma_wait3A_1930] : memref<200x8x32x8x128xf32, #tpu.memory_space<hbm>> -> memref<1x1x1x8x128xf32, #tpu.memory_space<hbm>>
        %dma_wait3A_1932 = tpu.memref_squeeze %dma_wait3A_1931 : memref<1x1x1x8x128xf32, #tpu.memory_space<hbm>> -> memref<8x128xf32, #tpu.memory_space<hbm>>
        %dma_wait3A_1933 = arith.constant 24 : i32
        %dma_wait3A_1934 = arith.constant 0 : i32
        %dma_wait3A_1935 = tpu.memref_slice %arg8[%dma_wait3A_1919, %dma_wait3A_1933, %dma_wait3A_1934] : memref<2x64x129xf32, #tpu.memory_space<vmem>> -> memref<1x8x128xf32, #tpu.memory_space<vmem>>
        %dma_wait3A_1936 = tpu.memref_squeeze %dma_wait3A_1935 : memref<1x8x128xf32, #tpu.memory_space<vmem>> -> memref<8x128xf32, #tpu.memory_space<vmem>>
        tpu.wait_dma2 semaphore(%arg14 : memref<!tpu.dma_semaphore, #tpu.memory_space<semaphore_mem>>) src(%dma_wait3A_1936 : memref<8x128xf32, #tpu.memory_space<vmem>>) dst(%dma_wait3A_1932 : memref<8x128xf32, #tpu.memory_space<hbm>>)
        %sub3A_1937 = arith.constant 2 : i32
        %sub3A_1938 = arith.subi %mul3A_372, %sub3A_1937 : i32
        %dma_wait3A_1939 = arith.constant 0 : i32
        %dma_wait3A_1940 = arith.constant 4 : i32
        %dma_wait3A_1941 = arith.constant 32 : i32
        %dma_wait3A_1942 = arith.constant 0 : i32
        %dma_wait3A_1943 = tpu.memref_slice %arg8[%dma_wait3A_1939, %dma_wait3A_1941, %dma_wait3A_1942] : memref<2x64x129xf32, #tpu.memory_space<vmem>> -> memref<1x8x128xf32, #tpu.memory_space<vmem>>
        %dma_wait3A_1944 = tpu.memref_squeeze %dma_wait3A_1943 : memref<1x8x128xf32, #tpu.memory_space<vmem>> -> memref<8x128xf32, #tpu.memory_space<vmem>>
        %dma_wait3A_1945 = arith.constant 0 : i32
        %dma_wait3A_1946 = arith.constant 0 : i32
        %dma_wait3A_1947 = tpu.memref_slice %arg5[%sub3A_1938, %dma_wait3A_1940, %add3A, %dma_wait3A_1945, %dma_wait3A_1946] : memref<200x8x32x8x128xf32, #tpu.memory_space<hbm>> -> memref<1x1x1x8x128xf32, #tpu.memory_space<hbm>>
        %dma_wait3A_1948 = tpu.memref_squeeze %dma_wait3A_1947 : memref<1x1x1x8x128xf32, #tpu.memory_space<hbm>> -> memref<8x128xf32, #tpu.memory_space<hbm>>
        %dma_wait3A_1949 = arith.constant 0 : i32
        %dma_wait3A_1950 = arith.constant 0 : i32
        %dma_wait3A_1951 = tpu.memref_slice %arg5[%sub3A_1938, %dma_wait3A_1940, %add3A, %dma_wait3A_1949, %dma_wait3A_1950] : memref<200x8x32x8x128xf32, #tpu.memory_space<hbm>> -> memref<1x1x1x8x128xf32, #tpu.memory_space<hbm>>
        %dma_wait3A_1952 = tpu.memref_squeeze %dma_wait3A_1951 : memref<1x1x1x8x128xf32, #tpu.memory_space<hbm>> -> memref<8x128xf32, #tpu.memory_space<hbm>>
        %dma_wait3A_1953 = arith.constant 32 : i32
        %dma_wait3A_1954 = arith.constant 0 : i32
        %dma_wait3A_1955 = tpu.memref_slice %arg8[%dma_wait3A_1939, %dma_wait3A_1953, %dma_wait3A_1954] : memref<2x64x129xf32, #tpu.memory_space<vmem>> -> memref<1x8x128xf32, #tpu.memory_space<vmem>>
        %dma_wait3A_1956 = tpu.memref_squeeze %dma_wait3A_1955 : memref<1x8x128xf32, #tpu.memory_space<vmem>> -> memref<8x128xf32, #tpu.memory_space<vmem>>
        tpu.wait_dma2 semaphore(%arg14 : memref<!tpu.dma_semaphore, #tpu.memory_space<semaphore_mem>>) src(%dma_wait3A_1956 : memref<8x128xf32, #tpu.memory_space<vmem>>) dst(%dma_wait3A_1952 : memref<8x128xf32, #tpu.memory_space<hbm>>)
        %sub3A_1957 = arith.constant 2 : i32
        %sub3A_1958 = arith.subi %mul3A_372, %sub3A_1957 : i32
        %dma_wait3A_1959 = arith.constant 0 : i32
        %dma_wait3A_1960 = arith.constant 5 : i32
        %dma_wait3A_1961 = arith.constant 40 : i32
        %dma_wait3A_1962 = arith.constant 0 : i32
        %dma_wait3A_1963 = tpu.memref_slice %arg8[%dma_wait3A_1959, %dma_wait3A_1961, %dma_wait3A_1962] : memref<2x64x129xf32, #tpu.memory_space<vmem>> -> memref<1x8x128xf32, #tpu.memory_space<vmem>>
        %dma_wait3A_1964 = tpu.memref_squeeze %dma_wait3A_1963 : memref<1x8x128xf32, #tpu.memory_space<vmem>> -> memref<8x128xf32, #tpu.memory_space<vmem>>
        %dma_wait3A_1965 = arith.constant 0 : i32
        %dma_wait3A_1966 = arith.constant 0 : i32
        %dma_wait3A_1967 = tpu.memref_slice %arg5[%sub3A_1958, %dma_wait3A_1960, %add3A, %dma_wait3A_1965, %dma_wait3A_1966] : memref<200x8x32x8x128xf32, #tpu.memory_space<hbm>> -> memref<1x1x1x8x128xf32, #tpu.memory_space<hbm>>
        %dma_wait3A_1968 = tpu.memref_squeeze %dma_wait3A_1967 : memref<1x1x1x8x128xf32, #tpu.memory_space<hbm>> -> memref<8x128xf32, #tpu.memory_space<hbm>>
        %dma_wait3A_1969 = arith.constant 0 : i32
        %dma_wait3A_1970 = arith.constant 0 : i32
        %dma_wait3A_1971 = tpu.memref_slice %arg5[%sub3A_1958, %dma_wait3A_1960, %add3A, %dma_wait3A_1969, %dma_wait3A_1970] : memref<200x8x32x8x128xf32, #tpu.memory_space<hbm>> -> memref<1x1x1x8x128xf32, #tpu.memory_space<hbm>>
        %dma_wait3A_1972 = tpu.memref_squeeze %dma_wait3A_1971 : memref<1x1x1x8x128xf32, #tpu.memory_space<hbm>> -> memref<8x128xf32, #tpu.memory_space<hbm>>
        %dma_wait3A_1973 = arith.constant 40 : i32
        %dma_wait3A_1974 = arith.constant 0 : i32
        %dma_wait3A_1975 = tpu.memref_slice %arg8[%dma_wait3A_1959, %dma_wait3A_1973, %dma_wait3A_1974] : memref<2x64x129xf32, #tpu.memory_space<vmem>> -> memref<1x8x128xf32, #tpu.memory_space<vmem>>
        %dma_wait3A_1976 = tpu.memref_squeeze %dma_wait3A_1975 : memref<1x8x128xf32, #tpu.memory_space<vmem>> -> memref<8x128xf32, #tpu.memory_space<vmem>>
        tpu.wait_dma2 semaphore(%arg14 : memref<!tpu.dma_semaphore, #tpu.memory_space<semaphore_mem>>) src(%dma_wait3A_1976 : memref<8x128xf32, #tpu.memory_space<vmem>>) dst(%dma_wait3A_1972 : memref<8x128xf32, #tpu.memory_space<hbm>>)
        %sub3A_1977 = arith.constant 2 : i32
        %sub3A_1978 = arith.subi %mul3A_372, %sub3A_1977 : i32
        %dma_wait3A_1979 = arith.constant 0 : i32
        %dma_wait3A_1980 = arith.constant 6 : i32
        %dma_wait3A_1981 = arith.constant 48 : i32
        %dma_wait3A_1982 = arith.constant 0 : i32
        %dma_wait3A_1983 = tpu.memref_slice %arg8[%dma_wait3A_1979, %dma_wait3A_1981, %dma_wait3A_1982] : memref<2x64x129xf32, #tpu.memory_space<vmem>> -> memref<1x8x128xf32, #tpu.memory_space<vmem>>
        %dma_wait3A_1984 = tpu.memref_squeeze %dma_wait3A_1983 : memref<1x8x128xf32, #tpu.memory_space<vmem>> -> memref<8x128xf32, #tpu.memory_space<vmem>>
        %dma_wait3A_1985 = arith.constant 0 : i32
        %dma_wait3A_1986 = arith.constant 0 : i32
        %dma_wait3A_1987 = tpu.memref_slice %arg5[%sub3A_1978, %dma_wait3A_1980, %add3A, %dma_wait3A_1985, %dma_wait3A_1986] : memref<200x8x32x8x128xf32, #tpu.memory_space<hbm>> -> memref<1x1x1x8x128xf32, #tpu.memory_space<hbm>>
        %dma_wait3A_1988 = tpu.memref_squeeze %dma_wait3A_1987 : memref<1x1x1x8x128xf32, #tpu.memory_space<hbm>> -> memref<8x128xf32, #tpu.memory_space<hbm>>
        %dma_wait3A_1989 = arith.constant 0 : i32
        %dma_wait3A_1990 = arith.constant 0 : i32
        %dma_wait3A_1991 = tpu.memref_slice %arg5[%sub3A_1978, %dma_wait3A_1980, %add3A, %dma_wait3A_1989, %dma_wait3A_1990] : memref<200x8x32x8x128xf32, #tpu.memory_space<hbm>> -> memref<1x1x1x8x128xf32, #tpu.memory_space<hbm>>
        %dma_wait3A_1992 = tpu.memref_squeeze %dma_wait3A_1991 : memref<1x1x1x8x128xf32, #tpu.memory_space<hbm>> -> memref<8x128xf32, #tpu.memory_space<hbm>>
        %dma_wait3A_1993 = arith.constant 48 : i32
        %dma_wait3A_1994 = arith.constant 0 : i32
        %dma_wait3A_1995 = tpu.memref_slice %arg8[%dma_wait3A_1979, %dma_wait3A_1993, %dma_wait3A_1994] : memref<2x64x129xf32, #tpu.memory_space<vmem>> -> memref<1x8x128xf32, #tpu.memory_space<vmem>>
        %dma_wait3A_1996 = tpu.memref_squeeze %dma_wait3A_1995 : memref<1x8x128xf32, #tpu.memory_space<vmem>> -> memref<8x128xf32, #tpu.memory_space<vmem>>
        tpu.wait_dma2 semaphore(%arg14 : memref<!tpu.dma_semaphore, #tpu.memory_space<semaphore_mem>>) src(%dma_wait3A_1996 : memref<8x128xf32, #tpu.memory_space<vmem>>) dst(%dma_wait3A_1992 : memref<8x128xf32, #tpu.memory_space<hbm>>)
        %sub3A_1997 = arith.constant 2 : i32
        %sub3A_1998 = arith.subi %mul3A_372, %sub3A_1997 : i32
        %dma_wait3A_1999 = arith.constant 0 : i32
        %dma_wait3A_2000 = arith.constant 7 : i32
        %dma_wait3A_2001 = arith.constant 56 : i32
        %dma_wait3A_2002 = arith.constant 0 : i32
        %dma_wait3A_2003 = tpu.memref_slice %arg8[%dma_wait3A_1999, %dma_wait3A_2001, %dma_wait3A_2002] : memref<2x64x129xf32, #tpu.memory_space<vmem>> -> memref<1x8x128xf32, #tpu.memory_space<vmem>>
        %dma_wait3A_2004 = tpu.memref_squeeze %dma_wait3A_2003 : memref<1x8x128xf32, #tpu.memory_space<vmem>> -> memref<8x128xf32, #tpu.memory_space<vmem>>
        %dma_wait3A_2005 = arith.constant 0 : i32
        %dma_wait3A_2006 = arith.constant 0 : i32
        %dma_wait3A_2007 = tpu.memref_slice %arg5[%sub3A_1998, %dma_wait3A_2000, %add3A, %dma_wait3A_2005, %dma_wait3A_2006] : memref<200x8x32x8x128xf32, #tpu.memory_space<hbm>> -> memref<1x1x1x8x128xf32, #tpu.memory_space<hbm>>
        %dma_wait3A_2008 = tpu.memref_squeeze %dma_wait3A_2007 : memref<1x1x1x8x128xf32, #tpu.memory_space<hbm>> -> memref<8x128xf32, #tpu.memory_space<hbm>>
        %dma_wait3A_2009 = arith.constant 0 : i32
        %dma_wait3A_2010 = arith.constant 0 : i32
        %dma_wait3A_2011 = tpu.memref_slice %arg5[%sub3A_1998, %dma_wait3A_2000, %add3A, %dma_wait3A_2009, %dma_wait3A_2010] : memref<200x8x32x8x128xf32, #tpu.memory_space<hbm>> -> memref<1x1x1x8x128xf32, #tpu.memory_space<hbm>>
        %dma_wait3A_2012 = tpu.memref_squeeze %dma_wait3A_2011 : memref<1x1x1x8x128xf32, #tpu.memory_space<hbm>> -> memref<8x128xf32, #tpu.memory_space<hbm>>
        %dma_wait3A_2013 = arith.constant 56 : i32
        %dma_wait3A_2014 = arith.constant 0 : i32
        %dma_wait3A_2015 = tpu.memref_slice %arg8[%dma_wait3A_1999, %dma_wait3A_2013, %dma_wait3A_2014] : memref<2x64x129xf32, #tpu.memory_space<vmem>> -> memref<1x8x128xf32, #tpu.memory_space<vmem>>
        %dma_wait3A_2016 = tpu.memref_squeeze %dma_wait3A_2015 : memref<1x8x128xf32, #tpu.memory_space<vmem>> -> memref<8x128xf32, #tpu.memory_space<vmem>>
        tpu.wait_dma2 semaphore(%arg14 : memref<!tpu.dma_semaphore, #tpu.memory_space<semaphore_mem>>) src(%dma_wait3A_2016 : memref<8x128xf32, #tpu.memory_space<vmem>>) dst(%dma_wait3A_2012 : memref<8x128xf32, #tpu.memory_space<hbm>>)
      } else {
      }
      %parallel_loop3A = arith.constant 0 : i32
      %parallel_loop3A_982 = arith.constant 128 : i32
      %parallel_loop3A_983 = arith.constant 1 : i32
      scf.for %parallel_loop3A_1857 = %parallel_loop3A to %parallel_loop3A_982 step %parallel_loop3A_983  : i32 {
        %parallel_loop3A_1858 = vector.broadcast %parallel_loop3A_1857 : i32 to vector<16xi32>
        %parallel_loop3A_1859 = arith.constant 0 : i32
        %parallel_loop3A_1860 = vector.broadcast %parallel_loop3A_1859 : i32 to vector<16xi32>
        %parallel_loop3A_1861 = arith.addi %iota3A, %parallel_loop3A_1860 : vector<16xi32>
        %parallel_loop3A_1862 = arith.constant 0 : i32
        %parallel_loop3A_1863 = arith.index_cast %parallel_loop3A_1862 : i32 to index
        %parallel_loop3A_1864 = arith.index_cast %parallel_loop3A_1857 : i32 to index
        %parallel_loop3A_1865 = arith.constant 0 : index
        %parallel_loop3A_1866 = tpu.vector_load %arg7[%parallel_loop3A_1863, %parallel_loop3A_1864, %parallel_loop3A_1865] {strides = array<i32>} : memref<2x128x128xf32, #tpu.memory_space<vmem>>, vector<16xf32>,
        %parallel_loop3A_1867 = arith.constant 0 : i32
        %parallel_loop3A_1868 = arith.constant 0 : i32
        %parallel_loop3A_1869 = arith.constant 0 : i32
        %parallel_loop3A_1870 = tpu.memref_slice %arg8[%parallel_loop3A_1867, %parallel_loop3A_1868, %parallel_loop3A_1869] : memref<2x64x129xf32, #tpu.memory_space<vmem>> -> memref<1x64x129xf32, #tpu.memory_space<vmem>>
        %parallel_loop3A_1871 = tpu.memref_squeeze %parallel_loop3A_1870 : memref<1x64x129xf32, #tpu.memory_space<vmem>> -> memref<64x129xf32, #tpu.memory_space<vmem>>
        tpu.vector_store_idx %parallel_loop3A_1871[%parallel_loop3A_1861, %parallel_loop3A_1858], %parallel_loop3A_1866 : memref<64x129xf32, #tpu.memory_space<vmem>>[vector<16xi32>, vector<16xi32>], vector<16xf32>,
        %parallel_loop3A_1872 = arith.constant 16 : i32
        %parallel_loop3A_1873 = vector.broadcast %parallel_loop3A_1872 : i32 to vector<16xi32>
        %parallel_loop3A_1874 = arith.addi %iota3A, %parallel_loop3A_1873 : vector<16xi32>
        %parallel_loop3A_1875 = arith.constant 0 : i32
        %parallel_loop3A_1876 = arith.index_cast %parallel_loop3A_1875 : i32 to index
        %parallel_loop3A_1877 = arith.index_cast %parallel_loop3A_1857 : i32 to index
        %parallel_loop3A_1878 = arith.constant 16 : index
        %parallel_loop3A_1879 = tpu.vector_load %arg7[%parallel_loop3A_1876, %parallel_loop3A_1877, %parallel_loop3A_1878] {strides = array<i32>} : memref<2x128x128xf32, #tpu.memory_space<vmem>>, vector<16xf32>,
        %parallel_loop3A_1880 = arith.constant 0 : i32
        %parallel_loop3A_1881 = arith.constant 0 : i32
        %parallel_loop3A_1882 = arith.constant 0 : i32
        %parallel_loop3A_1883 = tpu.memref_slice %arg8[%parallel_loop3A_1880, %parallel_loop3A_1881, %parallel_loop3A_1882] : memref<2x64x129xf32, #tpu.memory_space<vmem>> -> memref<1x64x129xf32, #tpu.memory_space<vmem>>
        %parallel_loop3A_1884 = tpu.memref_squeeze %parallel_loop3A_1883 : memref<1x64x129xf32, #tpu.memory_space<vmem>> -> memref<64x129xf32, #tpu.memory_space<vmem>>
        tpu.vector_store_idx %parallel_loop3A_1884[%parallel_loop3A_1874, %parallel_loop3A_1858], %parallel_loop3A_1879 : memref<64x129xf32, #tpu.memory_space<vmem>>[vector<16xi32>, vector<16xi32>], vector<16xf32>,
        %parallel_loop3A_1885 = arith.constant 32 : i32
        %parallel_loop3A_1886 = vector.broadcast %parallel_loop3A_1885 : i32 to vector<16xi32>
        %parallel_loop3A_1887 = arith.addi %iota3A, %parallel_loop3A_1886 : vector<16xi32>
        %parallel_loop3A_1888 = arith.constant 0 : i32
        %parallel_loop3A_1889 = arith.index_cast %parallel_loop3A_1888 : i32 to index
        %parallel_loop3A_1890 = arith.index_cast %parallel_loop3A_1857 : i32 to index
        %parallel_loop3A_1891 = arith.constant 32 : index
        %parallel_loop3A_1892 = tpu.vector_load %arg7[%parallel_loop3A_1889, %parallel_loop3A_1890, %parallel_loop3A_1891] {strides = array<i32>} : memref<2x128x128xf32, #tpu.memory_space<vmem>>, vector<16xf32>,
        %parallel_loop3A_1893 = arith.constant 0 : i32
        %parallel_loop3A_1894 = arith.constant 0 : i32
        %parallel_loop3A_1895 = arith.constant 0 : i32
        %parallel_loop3A_1896 = tpu.memref_slice %arg8[%parallel_loop3A_1893, %parallel_loop3A_1894, %parallel_loop3A_1895] : memref<2x64x129xf32, #tpu.memory_space<vmem>> -> memref<1x64x129xf32, #tpu.memory_space<vmem>>
        %parallel_loop3A_1897 = tpu.memref_squeeze %parallel_loop3A_1896 : memref<1x64x129xf32, #tpu.memory_space<vmem>> -> memref<64x129xf32, #tpu.memory_space<vmem>>
        tpu.vector_store_idx %parallel_loop3A_1897[%parallel_loop3A_1887, %parallel_loop3A_1858], %parallel_loop3A_1892 : memref<64x129xf32, #tpu.memory_space<vmem>>[vector<16xi32>, vector<16xi32>], vector<16xf32>,
        %parallel_loop3A_1898 = arith.constant 48 : i32
        %parallel_loop3A_1899 = vector.broadcast %parallel_loop3A_1898 : i32 to vector<16xi32>
        %parallel_loop3A_1900 = arith.addi %iota3A, %parallel_loop3A_1899 : vector<16xi32>
        %parallel_loop3A_1901 = arith.constant 0 : i32
        %parallel_loop3A_1902 = arith.index_cast %parallel_loop3A_1901 : i32 to index
        %parallel_loop3A_1903 = arith.index_cast %parallel_loop3A_1857 : i32 to index
        %parallel_loop3A_1904 = arith.constant 48 : index
        %parallel_loop3A_1905 = tpu.vector_load %arg7[%parallel_loop3A_1902, %parallel_loop3A_1903, %parallel_loop3A_1904] {strides = array<i32>} : memref<2x128x128xf32, #tpu.memory_space<vmem>>, vector<16xf32>,
        %parallel_loop3A_1906 = arith.constant 0 : i32
        %parallel_loop3A_1907 = arith.constant 0 : i32
        %parallel_loop3A_1908 = arith.constant 0 : i32
        %parallel_loop3A_1909 = tpu.memref_slice %arg8[%parallel_loop3A_1906, %parallel_loop3A_1907, %parallel_loop3A_1908] : memref<2x64x129xf32, #tpu.memory_space<vmem>> -> memref<1x64x129xf32, #tpu.memory_space<vmem>>
        %parallel_loop3A_1910 = tpu.memref_squeeze %parallel_loop3A_1909 : memref<1x64x129xf32, #tpu.memory_space<vmem>> -> memref<64x129xf32, #tpu.memory_space<vmem>>
        tpu.vector_store_idx %parallel_loop3A_1910[%parallel_loop3A_1900, %parallel_loop3A_1858], %parallel_loop3A_1905 : memref<64x129xf32, #tpu.memory_space<vmem>>[vector<16xi32>, vector<16xi32>], vector<16xf32>,
      } {sc.loop_unroll_factor = 8 : i64, sc.parallel_access}
      %dma_start3A_984 = arith.constant 0 : i32
      %dma_start3A_985 = arith.constant 0 : i32
      %dma_start3A_986 = arith.constant 0 : i32
      %dma_start3A_987 = arith.constant 0 : i32
      %dma_start3A_988 = tpu.memref_slice %arg8[%dma_start3A_984, %dma_start3A_986, %dma_start3A_987] : memref<2x64x129xf32, #tpu.memory_space<vmem>> -> memref<1x8x128xf32, #tpu.memory_space<vmem>>
      %dma_start3A_989 = tpu.memref_squeeze %dma_start3A_988 : memref<1x8x128xf32, #tpu.memory_space<vmem>> -> memref<8x128xf32, #tpu.memory_space<vmem>>
      %dma_start3A_990 = arith.constant 0 : i32
      %dma_start3A_991 = arith.constant 0 : i32
      %dma_start3A_992 = tpu.memref_slice %arg5[%mul3A_372, %dma_start3A_985, %add3A, %dma_start3A_990, %dma_start3A_991] : memref<200x8x32x8x128xf32, #tpu.memory_space<hbm>> -> memref<1x1x1x8x128xf32, #tpu.memory_space<hbm>>
      %dma_start3A_993 = tpu.memref_squeeze %dma_start3A_992 : memref<1x1x1x8x128xf32, #tpu.memory_space<hbm>> -> memref<8x128xf32, #tpu.memory_space<hbm>>
      %dma_start3A_994 = arith.constant 0 : i32
      %dma_start3A_995 = arith.constant 0 : i32
      %dma_start3A_996 = tpu.memref_slice %arg5[%mul3A_372, %dma_start3A_985, %add3A, %dma_start3A_994, %dma_start3A_995] : memref<200x8x32x8x128xf32, #tpu.memory_space<hbm>> -> memref<1x1x1x8x128xf32, #tpu.memory_space<hbm>>
      %dma_start3A_997 = tpu.memref_squeeze %dma_start3A_996 : memref<1x1x1x8x128xf32, #tpu.memory_space<hbm>> -> memref<8x128xf32, #tpu.memory_space<hbm>>
      %dma_start3A_998 = arith.constant 0 : i32
      %dma_start3A_999 = arith.constant 0 : i32
      %dma_start3A_1000 = tpu.memref_slice %arg8[%dma_start3A_984, %dma_start3A_998, %dma_start3A_999] : memref<2x64x129xf32, #tpu.memory_space<vmem>> -> memref<1x8x128xf32, #tpu.memory_space<vmem>>
      %dma_start3A_1001 = tpu.memref_squeeze %dma_start3A_1000 : memref<1x8x128xf32, #tpu.memory_space<vmem>> -> memref<8x128xf32, #tpu.memory_space<vmem>>
      tpu.enqueue_dma source(%dma_start3A_1001 : memref<8x128xf32, #tpu.memory_space<vmem>>) target(%dma_start3A_997 : memref<8x128xf32, #tpu.memory_space<hbm>>) target_semaphore(%arg14 : memref<!tpu.dma_semaphore, #tpu.memory_space<semaphore_mem>>)
      %dma_start3A_1002 = arith.constant 0 : i32
      %dma_start3A_1003 = arith.constant 1 : i32
      %dma_start3A_1004 = arith.constant 8 : i32
      %dma_start3A_1005 = arith.constant 0 : i32
      %dma_start3A_1006 = tpu.memref_slice %arg8[%dma_start3A_1002, %dma_start3A_1004, %dma_start3A_1005] : memref<2x64x129xf32, #tpu.memory_space<vmem>> -> memref<1x8x128xf32, #tpu.memory_space<vmem>>
      %dma_start3A_1007 = tpu.memref_squeeze %dma_start3A_1006 : memref<1x8x128xf32, #tpu.memory_space<vmem>> -> memref<8x128xf32, #tpu.memory_space<vmem>>
      %dma_start3A_1008 = arith.constant 0 : i32
      %dma_start3A_1009 = arith.constant 0 : i32
      %dma_start3A_1010 = tpu.memref_slice %arg5[%mul3A_372, %dma_start3A_1003, %add3A, %dma_start3A_1008, %dma_start3A_1009] : memref<200x8x32x8x128xf32, #tpu.memory_space<hbm>> -> memref<1x1x1x8x128xf32, #tpu.memory_space<hbm>>
      %dma_start3A_1011 = tpu.memref_squeeze %dma_start3A_1010 : memref<1x1x1x8x128xf32, #tpu.memory_space<hbm>> -> memref<8x128xf32, #tpu.memory_space<hbm>>
      %dma_start3A_1012 = arith.constant 0 : i32
      %dma_start3A_1013 = arith.constant 0 : i32
      %dma_start3A_1014 = tpu.memref_slice %arg5[%mul3A_372, %dma_start3A_1003, %add3A, %dma_start3A_1012, %dma_start3A_1013] : memref<200x8x32x8x128xf32, #tpu.memory_space<hbm>> -> memref<1x1x1x8x128xf32, #tpu.memory_space<hbm>>
      %dma_start3A_1015 = tpu.memref_squeeze %dma_start3A_1014 : memref<1x1x1x8x128xf32, #tpu.memory_space<hbm>> -> memref<8x128xf32, #tpu.memory_space<hbm>>
      %dma_start3A_1016 = arith.constant 8 : i32
      %dma_start3A_1017 = arith.constant 0 : i32
      %dma_start3A_1018 = tpu.memref_slice %arg8[%dma_start3A_1002, %dma_start3A_1016, %dma_start3A_1017] : memref<2x64x129xf32, #tpu.memory_space<vmem>> -> memref<1x8x128xf32, #tpu.memory_space<vmem>>
      %dma_start3A_1019 = tpu.memref_squeeze %dma_start3A_1018 : memref<1x8x128xf32, #tpu.memory_space<vmem>> -> memref<8x128xf32, #tpu.memory_space<vmem>>
      tpu.enqueue_dma source(%dma_start3A_1019 : memref<8x128xf32, #tpu.memory_space<vmem>>) target(%dma_start3A_1015 : memref<8x128xf32, #tpu.memory_space<hbm>>) target_semaphore(%arg14 : memref<!tpu.dma_semaphore, #tpu.memory_space<semaphore_mem>>)
      %dma_start3A_1020 = arith.constant 0 : i32
      %dma_start3A_1021 = arith.constant 2 : i32
      %dma_start3A_1022 = arith.constant 16 : i32
      %dma_start3A_1023 = arith.constant 0 : i32
      %dma_start3A_1024 = tpu.memref_slice %arg8[%dma_start3A_1020, %dma_start3A_1022, %dma_start3A_1023] : memref<2x64x129xf32, #tpu.memory_space<vmem>> -> memref<1x8x128xf32, #tpu.memory_space<vmem>>
      %dma_start3A_1025 = tpu.memref_squeeze %dma_start3A_1024 : memref<1x8x128xf32, #tpu.memory_space<vmem>> -> memref<8x128xf32, #tpu.memory_space<vmem>>
      %dma_start3A_1026 = arith.constant 0 : i32
      %dma_start3A_1027 = arith.constant 0 : i32
      %dma_start3A_1028 = tpu.memref_slice %arg5[%mul3A_372, %dma_start3A_1021, %add3A, %dma_start3A_1026, %dma_start3A_1027] : memref<200x8x32x8x128xf32, #tpu.memory_space<hbm>> -> memref<1x1x1x8x128xf32, #tpu.memory_space<hbm>>
      %dma_start3A_1029 = tpu.memref_squeeze %dma_start3A_1028 : memref<1x1x1x8x128xf32, #tpu.memory_space<hbm>> -> memref<8x128xf32, #tpu.memory_space<hbm>>
      %dma_start3A_1030 = arith.constant 0 : i32
      %dma_start3A_1031 = arith.constant 0 : i32
      %dma_start3A_1032 = tpu.memref_slice %arg5[%mul3A_372, %dma_start3A_1021, %add3A, %dma_start3A_1030, %dma_start3A_1031] : memref<200x8x32x8x128xf32, #tpu.memory_space<hbm>> -> memref<1x1x1x8x128xf32, #tpu.memory_space<hbm>>
      %dma_start3A_1033 = tpu.memref_squeeze %dma_start3A_1032 : memref<1x1x1x8x128xf32, #tpu.memory_space<hbm>> -> memref<8x128xf32, #tpu.memory_space<hbm>>
      %dma_start3A_1034 = arith.constant 16 : i32
      %dma_start3A_1035 = arith.constant 0 : i32
      %dma_start3A_1036 = tpu.memref_slice %arg8[%dma_start3A_1020, %dma_start3A_1034, %dma_start3A_1035] : memref<2x64x129xf32, #tpu.memory_space<vmem>> -> memref<1x8x128xf32, #tpu.memory_space<vmem>>
      %dma_start3A_1037 = tpu.memref_squeeze %dma_start3A_1036 : memref<1x8x128xf32, #tpu.memory_space<vmem>> -> memref<8x128xf32, #tpu.memory_space<vmem>>
      tpu.enqueue_dma source(%dma_start3A_1037 : memref<8x128xf32, #tpu.memory_space<vmem>>) target(%dma_start3A_1033 : memref<8x128xf32, #tpu.memory_space<hbm>>) target_semaphore(%arg14 : memref<!tpu.dma_semaphore, #tpu.memory_space<semaphore_mem>>)
      %dma_start3A_1038 = arith.constant 0 : i32
      %dma_start3A_1039 = arith.constant 3 : i32
      %dma_start3A_1040 = arith.constant 24 : i32
      %dma_start3A_1041 = arith.constant 0 : i32
      %dma_start3A_1042 = tpu.memref_slice %arg8[%dma_start3A_1038, %dma_start3A_1040, %dma_start3A_1041] : memref<2x64x129xf32, #tpu.memory_space<vmem>> -> memref<1x8x128xf32, #tpu.memory_space<vmem>>
      %dma_start3A_1043 = tpu.memref_squeeze %dma_start3A_1042 : memref<1x8x128xf32, #tpu.memory_space<vmem>> -> memref<8x128xf32, #tpu.memory_space<vmem>>
      %dma_start3A_1044 = arith.constant 0 : i32
      %dma_start3A_1045 = arith.constant 0 : i32
      %dma_start3A_1046 = tpu.memref_slice %arg5[%mul3A_372, %dma_start3A_1039, %add3A, %dma_start3A_1044, %dma_start3A_1045] : memref<200x8x32x8x128xf32, #tpu.memory_space<hbm>> -> memref<1x1x1x8x128xf32, #tpu.memory_space<hbm>>
      %dma_start3A_1047 = tpu.memref_squeeze %dma_start3A_1046 : memref<1x1x1x8x128xf32, #tpu.memory_space<hbm>> -> memref<8x128xf32, #tpu.memory_space<hbm>>
      %dma_start3A_1048 = arith.constant 0 : i32
      %dma_start3A_1049 = arith.constant 0 : i32
      %dma_start3A_1050 = tpu.memref_slice %arg5[%mul3A_372, %dma_start3A_1039, %add3A, %dma_start3A_1048, %dma_start3A_1049] : memref<200x8x32x8x128xf32, #tpu.memory_space<hbm>> -> memref<1x1x1x8x128xf32, #tpu.memory_space<hbm>>
      %dma_start3A_1051 = tpu.memref_squeeze %dma_start3A_1050 : memref<1x1x1x8x128xf32, #tpu.memory_space<hbm>> -> memref<8x128xf32, #tpu.memory_space<hbm>>
      %dma_start3A_1052 = arith.constant 24 : i32
      %dma_start3A_1053 = arith.constant 0 : i32
      %dma_start3A_1054 = tpu.memref_slice %arg8[%dma_start3A_1038, %dma_start3A_1052, %dma_start3A_1053] : memref<2x64x129xf32, #tpu.memory_space<vmem>> -> memref<1x8x128xf32, #tpu.memory_space<vmem>>
      %dma_start3A_1055 = tpu.memref_squeeze %dma_start3A_1054 : memref<1x8x128xf32, #tpu.memory_space<vmem>> -> memref<8x128xf32, #tpu.memory_space<vmem>>
      tpu.enqueue_dma source(%dma_start3A_1055 : memref<8x128xf32, #tpu.memory_space<vmem>>) target(%dma_start3A_1051 : memref<8x128xf32, #tpu.memory_space<hbm>>) target_semaphore(%arg14 : memref<!tpu.dma_semaphore, #tpu.memory_space<semaphore_mem>>)
      %dma_start3A_1056 = arith.constant 0 : i32
      %dma_start3A_1057 = arith.constant 4 : i32
      %dma_start3A_1058 = arith.constant 32 : i32
      %dma_start3A_1059 = arith.constant 0 : i32
      %dma_start3A_1060 = tpu.memref_slice %arg8[%dma_start3A_1056, %dma_start3A_1058, %dma_start3A_1059] : memref<2x64x129xf32, #tpu.memory_space<vmem>> -> memref<1x8x128xf32, #tpu.memory_space<vmem>>
      %dma_start3A_1061 = tpu.memref_squeeze %dma_start3A_1060 : memref<1x8x128xf32, #tpu.memory_space<vmem>> -> memref<8x128xf32, #tpu.memory_space<vmem>>
      %dma_start3A_1062 = arith.constant 0 : i32
      %dma_start3A_1063 = arith.constant 0 : i32
      %dma_start3A_1064 = tpu.memref_slice %arg5[%mul3A_372, %dma_start3A_1057, %add3A, %dma_start3A_1062, %dma_start3A_1063] : memref<200x8x32x8x128xf32, #tpu.memory_space<hbm>> -> memref<1x1x1x8x128xf32, #tpu.memory_space<hbm>>
      %dma_start3A_1065 = tpu.memref_squeeze %dma_start3A_1064 : memref<1x1x1x8x128xf32, #tpu.memory_space<hbm>> -> memref<8x128xf32, #tpu.memory_space<hbm>>
      %dma_start3A_1066 = arith.constant 0 : i32
      %dma_start3A_1067 = arith.constant 0 : i32
      %dma_start3A_1068 = tpu.memref_slice %arg5[%mul3A_372, %dma_start3A_1057, %add3A, %dma_start3A_1066, %dma_start3A_1067] : memref<200x8x32x8x128xf32, #tpu.memory_space<hbm>> -> memref<1x1x1x8x128xf32, #tpu.memory_space<hbm>>
      %dma_start3A_1069 = tpu.memref_squeeze %dma_start3A_1068 : memref<1x1x1x8x128xf32, #tpu.memory_space<hbm>> -> memref<8x128xf32, #tpu.memory_space<hbm>>
      %dma_start3A_1070 = arith.constant 32 : i32
      %dma_start3A_1071 = arith.constant 0 : i32
      %dma_start3A_1072 = tpu.memref_slice %arg8[%dma_start3A_1056, %dma_start3A_1070, %dma_start3A_1071] : memref<2x64x129xf32, #tpu.memory_space<vmem>> -> memref<1x8x128xf32, #tpu.memory_space<vmem>>
      %dma_start3A_1073 = tpu.memref_squeeze %dma_start3A_1072 : memref<1x8x128xf32, #tpu.memory_space<vmem>> -> memref<8x128xf32, #tpu.memory_space<vmem>>
      tpu.enqueue_dma source(%dma_start3A_1073 : memref<8x128xf32, #tpu.memory_space<vmem>>) target(%dma_start3A_1069 : memref<8x128xf32, #tpu.memory_space<hbm>>) target_semaphore(%arg14 : memref<!tpu.dma_semaphore, #tpu.memory_space<semaphore_mem>>)
      %dma_start3A_1074 = arith.constant 0 : i32
      %dma_start3A_1075 = arith.constant 5 : i32
      %dma_start3A_1076 = arith.constant 40 : i32
      %dma_start3A_1077 = arith.constant 0 : i32
      %dma_start3A_1078 = tpu.memref_slice %arg8[%dma_start3A_1074, %dma_start3A_1076, %dma_start3A_1077] : memref<2x64x129xf32, #tpu.memory_space<vmem>> -> memref<1x8x128xf32, #tpu.memory_space<vmem>>
      %dma_start3A_1079 = tpu.memref_squeeze %dma_start3A_1078 : memref<1x8x128xf32, #tpu.memory_space<vmem>> -> memref<8x128xf32, #tpu.memory_space<vmem>>
      %dma_start3A_1080 = arith.constant 0 : i32
      %dma_start3A_1081 = arith.constant 0 : i32
      %dma_start3A_1082 = tpu.memref_slice %arg5[%mul3A_372, %dma_start3A_1075, %add3A, %dma_start3A_1080, %dma_start3A_1081] : memref<200x8x32x8x128xf32, #tpu.memory_space<hbm>> -> memref<1x1x1x8x128xf32, #tpu.memory_space<hbm>>
      %dma_start3A_1083 = tpu.memref_squeeze %dma_start3A_1082 : memref<1x1x1x8x128xf32, #tpu.memory_space<hbm>> -> memref<8x128xf32, #tpu.memory_space<hbm>>
      %dma_start3A_1084 = arith.constant 0 : i32
      %dma_start3A_1085 = arith.constant 0 : i32
      %dma_start3A_1086 = tpu.memref_slice %arg5[%mul3A_372, %dma_start3A_1075, %add3A, %dma_start3A_1084, %dma_start3A_1085] : memref<200x8x32x8x128xf32, #tpu.memory_space<hbm>> -> memref<1x1x1x8x128xf32, #tpu.memory_space<hbm>>
      %dma_start3A_1087 = tpu.memref_squeeze %dma_start3A_1086 : memref<1x1x1x8x128xf32, #tpu.memory_space<hbm>> -> memref<8x128xf32, #tpu.memory_space<hbm>>
      %dma_start3A_1088 = arith.constant 40 : i32
      %dma_start3A_1089 = arith.constant 0 : i32
      %dma_start3A_1090 = tpu.memref_slice %arg8[%dma_start3A_1074, %dma_start3A_1088, %dma_start3A_1089] : memref<2x64x129xf32, #tpu.memory_space<vmem>> -> memref<1x8x128xf32, #tpu.memory_space<vmem>>
      %dma_start3A_1091 = tpu.memref_squeeze %dma_start3A_1090 : memref<1x8x128xf32, #tpu.memory_space<vmem>> -> memref<8x128xf32, #tpu.memory_space<vmem>>
      tpu.enqueue_dma source(%dma_start3A_1091 : memref<8x128xf32, #tpu.memory_space<vmem>>) target(%dma_start3A_1087 : memref<8x128xf32, #tpu.memory_space<hbm>>) target_semaphore(%arg14 : memref<!tpu.dma_semaphore, #tpu.memory_space<semaphore_mem>>)
      %dma_start3A_1092 = arith.constant 0 : i32
      %dma_start3A_1093 = arith.constant 6 : i32
      %dma_start3A_1094 = arith.constant 48 : i32
      %dma_start3A_1095 = arith.constant 0 : i32
      %dma_start3A_1096 = tpu.memref_slice %arg8[%dma_start3A_1092, %dma_start3A_1094, %dma_start3A_1095] : memref<2x64x129xf32, #tpu.memory_space<vmem>> -> memref<1x8x128xf32, #tpu.memory_space<vmem>>
      %dma_start3A_1097 = tpu.memref_squeeze %dma_start3A_1096 : memref<1x8x128xf32, #tpu.memory_space<vmem>> -> memref<8x128xf32, #tpu.memory_space<vmem>>
      %dma_start3A_1098 = arith.constant 0 : i32
      %dma_start3A_1099 = arith.constant 0 : i32
      %dma_start3A_1100 = tpu.memref_slice %arg5[%mul3A_372, %dma_start3A_1093, %add3A, %dma_start3A_1098, %dma_start3A_1099] : memref<200x8x32x8x128xf32, #tpu.memory_space<hbm>> -> memref<1x1x1x8x128xf32, #tpu.memory_space<hbm>>
      %dma_start3A_1101 = tpu.memref_squeeze %dma_start3A_1100 : memref<1x1x1x8x128xf32, #tpu.memory_space<hbm>> -> memref<8x128xf32, #tpu.memory_space<hbm>>
      %dma_start3A_1102 = arith.constant 0 : i32
      %dma_start3A_1103 = arith.constant 0 : i32
      %dma_start3A_1104 = tpu.memref_slice %arg5[%mul3A_372, %dma_start3A_1093, %add3A, %dma_start3A_1102, %dma_start3A_1103] : memref<200x8x32x8x128xf32, #tpu.memory_space<hbm>> -> memref<1x1x1x8x128xf32, #tpu.memory_space<hbm>>
      %dma_start3A_1105 = tpu.memref_squeeze %dma_start3A_1104 : memref<1x1x1x8x128xf32, #tpu.memory_space<hbm>> -> memref<8x128xf32, #tpu.memory_space<hbm>>
      %dma_start3A_1106 = arith.constant 48 : i32
      %dma_start3A_1107 = arith.constant 0 : i32
      %dma_start3A_1108 = tpu.memref_slice %arg8[%dma_start3A_1092, %dma_start3A_1106, %dma_start3A_1107] : memref<2x64x129xf32, #tpu.memory_space<vmem>> -> memref<1x8x128xf32, #tpu.memory_space<vmem>>
      %dma_start3A_1109 = tpu.memref_squeeze %dma_start3A_1108 : memref<1x8x128xf32, #tpu.memory_space<vmem>> -> memref<8x128xf32, #tpu.memory_space<vmem>>
      tpu.enqueue_dma source(%dma_start3A_1109 : memref<8x128xf32, #tpu.memory_space<vmem>>) target(%dma_start3A_1105 : memref<8x128xf32, #tpu.memory_space<hbm>>) target_semaphore(%arg14 : memref<!tpu.dma_semaphore, #tpu.memory_space<semaphore_mem>>)
      %dma_start3A_1110 = arith.constant 0 : i32
      %dma_start3A_1111 = arith.constant 7 : i32
      %dma_start3A_1112 = arith.constant 56 : i32
      %dma_start3A_1113 = arith.constant 0 : i32
      %dma_start3A_1114 = tpu.memref_slice %arg8[%dma_start3A_1110, %dma_start3A_1112, %dma_start3A_1113] : memref<2x64x129xf32, #tpu.memory_space<vmem>> -> memref<1x8x128xf32, #tpu.memory_space<vmem>>
      %dma_start3A_1115 = tpu.memref_squeeze %dma_start3A_1114 : memref<1x8x128xf32, #tpu.memory_space<vmem>> -> memref<8x128xf32, #tpu.memory_space<vmem>>
      %dma_start3A_1116 = arith.constant 0 : i32
      %dma_start3A_1117 = arith.constant 0 : i32
      %dma_start3A_1118 = tpu.memref_slice %arg5[%mul3A_372, %dma_start3A_1111, %add3A, %dma_start3A_1116, %dma_start3A_1117] : memref<200x8x32x8x128xf32, #tpu.memory_space<hbm>> -> memref<1x1x1x8x128xf32, #tpu.memory_space<hbm>>
      %dma_start3A_1119 = tpu.memref_squeeze %dma_start3A_1118 : memref<1x1x1x8x128xf32, #tpu.memory_space<hbm>> -> memref<8x128xf32, #tpu.memory_space<hbm>>
      %dma_start3A_1120 = arith.constant 0 : i32
      %dma_start3A_1121 = arith.constant 0 : i32
      %dma_start3A_1122 = tpu.memref_slice %arg5[%mul3A_372, %dma_start3A_1111, %add3A, %dma_start3A_1120, %dma_start3A_1121] : memref<200x8x32x8x128xf32, #tpu.memory_space<hbm>> -> memref<1x1x1x8x128xf32, #tpu.memory_space<hbm>>
      %dma_start3A_1123 = tpu.memref_squeeze %dma_start3A_1122 : memref<1x1x1x8x128xf32, #tpu.memory_space<hbm>> -> memref<8x128xf32, #tpu.memory_space<hbm>>
      %dma_start3A_1124 = arith.constant 56 : i32
      %dma_start3A_1125 = arith.constant 0 : i32
      %dma_start3A_1126 = tpu.memref_slice %arg8[%dma_start3A_1110, %dma_start3A_1124, %dma_start3A_1125] : memref<2x64x129xf32, #tpu.memory_space<vmem>> -> memref<1x8x128xf32, #tpu.memory_space<vmem>>
      %dma_start3A_1127 = tpu.memref_squeeze %dma_start3A_1126 : memref<1x8x128xf32, #tpu.memory_space<vmem>> -> memref<8x128xf32, #tpu.memory_space<vmem>>
      tpu.enqueue_dma source(%dma_start3A_1127 : memref<8x128xf32, #tpu.memory_space<vmem>>) target(%dma_start3A_1123 : memref<8x128xf32, #tpu.memory_space<hbm>>) target_semaphore(%arg14 : memref<!tpu.dma_semaphore, #tpu.memory_space<semaphore_mem>>)
      %add3A_1128 = arith.constant 2 : i32
      %add3A_1129 = arith.addi %mul3A_372, %add3A_1128 : i32
      %lt3A_1130 = arith.constant 200 : i32
      %lt3A_1131 = arith.cmpi slt, %add3A_1129, %lt3A_1130 : i32
      %convert_element_type3A_1132 = arith.extui %lt3A_1131 : i1 to i32
      %cond3A_1133 = arith.constant 0 : i32
      %cond3A_1134 = arith.cmpi ne, %convert_element_type3A_1132, %cond3A_1133 : i32
      scf.if %cond3A_1134 {
        %add3A_1857 = arith.constant 2 : i32
        %add3A_1858 = arith.addi %mul3A_372, %add3A_1857 : i32
        %jit3A_1859 = arith.constant 8 : i32
        %div3A_1860 = arith.divsi %add3A_1858, %jit3A_1859 : i32
        %sign3A_1861 = arith.constant 0 : i32
        %sign3A_1862 = arith.cmpi sgt, %add3A_1858, %sign3A_1861 : i32
        %sign3A_1863 = arith.extui %sign3A_1862 : i1 to i32
        %sign3A_1864 = arith.constant 0 : i32
        %sign3A_1865 = arith.cmpi slt, %add3A_1858, %sign3A_1864 : i32
        %sign3A_1866 = arith.extui %sign3A_1865 : i1 to i32
        %sign3A_1867 = arith.subi %sign3A_1863, %sign3A_1866 : i32
        %sign3A_1868 = arith.constant 0 : i32
        %sign3A_1869 = arith.cmpi sgt, %jit3A_1859, %sign3A_1868 : i32
        %sign3A_1870 = arith.extui %sign3A_1869 : i1 to i32
        %sign3A_1871 = arith.constant 0 : i32
        %sign3A_1872 = arith.cmpi slt, %jit3A_1859, %sign3A_1871 : i32
        %sign3A_1873 = arith.extui %sign3A_1872 : i1 to i32
        %sign3A_1874 = arith.subi %sign3A_1870, %sign3A_1873 : i32
        %ne3A_1875 = arith.cmpi ne, %sign3A_1867, %sign3A_1874 : i32
        %rem3A_1876 = arith.remsi %add3A_1858, %jit3A_1859 : i32
        %ne3A_1877 = arith.constant 0 : i32
        %ne3A_1878 = arith.cmpi ne, %rem3A_1876, %ne3A_1877 : i32
        %and3A_1879 = arith.andi %ne3A_1875, %ne3A_1878 : i1
        %sub3A_1880 = arith.constant 1 : i32
        %sub3A_1881 = arith.subi %div3A_1860, %sub3A_1880 : i32
        %select_n3A_1882 = arith.select %and3A_1879, %sub3A_1881, %div3A_1860 : i32
        %jit3A_1883 = arith.constant 8 : i32
        %eq3A_1884 = arith.constant 0 : i32
        %eq3A_1885 = arith.cmpi eq, %jit3A_1883, %eq3A_1884 : i32
        %jit3A_1886 = arith.constant 1 : i32
        %select_n3A_1887 = arith.select %eq3A_1885, %jit3A_1886, %jit3A_1883 : i32
        %rem3A_1888 = arith.remsi %add3A_1858, %select_n3A_1887 : i32
        %ne3A_1889 = arith.constant 0 : i32
        %ne3A_1890 = arith.cmpi ne, %rem3A_1888, %ne3A_1889 : i32
        %lt3A_1891 = arith.constant 0 : i32
        %lt3A_1892 = arith.cmpi slt, %rem3A_1888, %lt3A_1891 : i32
        %lt3A_1893 = arith.constant 0 : i32
        %lt3A_1894 = arith.cmpi slt, %select_n3A_1887, %lt3A_1893 : i32
        %ne3A_1895 = arith.xori %lt3A_1892, %lt3A_1894 : i1
        %and3A_1896 = arith.andi %ne3A_1895, %ne3A_1890 : i1
        %add3A_1897 = arith.addi %rem3A_1888, %select_n3A_1887 : i32
        %select_n3A_1898 = arith.select %and3A_1896, %add3A_1897, %rem3A_1888 : i32
        %dma_start3A_1899 = arith.constant 0 : i32
        %dma_start3A_1900 = arith.constant 0 : i32
        %dma_start3A_1901 = arith.constant 0 : i32
        %dma_start3A_1902 = tpu.memref_slice %arg7[%dma_start3A_1899, %dma_start3A_1900, %dma_start3A_1901] : memref<2x128x128xf32, #tpu.memory_space<vmem>> -> memref<1x128x128xf32, #tpu.memory_space<vmem>>
        %dma_start3A_1903 = tpu.memref_squeeze %dma_start3A_1902 : memref<1x128x128xf32, #tpu.memory_space<vmem>> -> memref<128x128xf32, #tpu.memory_space<vmem>>
        %dma_start3A_1904 = arith.constant 0 : i32
        %dma_start3A_1905 = tpu.memref_slice %arg6[%select_n3A_1882, %select_n3A_1898, %dma_start3A_1904] : memref<25x8x128xi32, #tpu.memory_space<vmem>> -> memref<1x1x128xi32, #tpu.memory_space<vmem>>
        %dma_start3A_1906 = tpu.memref_squeeze %dma_start3A_1905 : memref<1x1x128xi32, #tpu.memory_space<vmem>> -> memref<128xi32, #tpu.memory_space<vmem>>
        %dma_start3A_1907 = arith.constant 0 : i32
        %dma_start3A_1908 = arith.constant 0 : i32
        %dma_start3A_1909 = tpu.memref_slice %arg4[%dma_start3A_1907, %dma_start3A_1908] : memref<1000000x128xf32, #tpu.memory_space<hbm>> -> memref<1000000x128xf32, #tpu.memory_space<hbm>>
        tpu.enqueue_indirect_dma source(%dma_start3A_1909 : memref<1000000x128xf32, #tpu.memory_space<hbm>>) target(%dma_start3A_1903 : memref<128x128xf32, #tpu.memory_space<vmem>>) offsets(%dma_start3A_1906 : memref<128xi32, #tpu.memory_space<vmem>>) semaphore(%arg12 : memref<!tpu.dma_semaphore, #tpu.memory_space<semaphore_mem>>)
      } else {
      }
      %add3A_1135 = arith.constant 1 : i32
      %add3A_1136 = arith.addi %mul3A_372, %add3A_1135 : i32
      %jit3A_1137 = arith.constant 8 : i32
      %div3A_1138 = arith.divsi %add3A_1136, %jit3A_1137 : i32
      %sign3A_1139 = arith.constant 0 : i32
      %sign3A_1140 = arith.cmpi sgt, %add3A_1136, %sign3A_1139 : i32
      %sign3A_1141 = arith.extui %sign3A_1140 : i1 to i32
      %sign3A_1142 = arith.constant 0 : i32
      %sign3A_1143 = arith.cmpi slt, %add3A_1136, %sign3A_1142 : i32
      %sign3A_1144 = arith.extui %sign3A_1143 : i1 to i32
      %sign3A_1145 = arith.subi %sign3A_1141, %sign3A_1144 : i32
      %sign3A_1146 = arith.constant 0 : i32
      %sign3A_1147 = arith.cmpi sgt, %jit3A_1137, %sign3A_1146 : i32
      %sign3A_1148 = arith.extui %sign3A_1147 : i1 to i32
      %sign3A_1149 = arith.constant 0 : i32
      %sign3A_1150 = arith.cmpi slt, %jit3A_1137, %sign3A_1149 : i32
      %sign3A_1151 = arith.extui %sign3A_1150 : i1 to i32
      %sign3A_1152 = arith.subi %sign3A_1148, %sign3A_1151 : i32
      %ne3A_1153 = arith.cmpi ne, %sign3A_1145, %sign3A_1152 : i32
      %rem3A_1154 = arith.remsi %add3A_1136, %jit3A_1137 : i32
      %ne3A_1155 = arith.constant 0 : i32
      %ne3A_1156 = arith.cmpi ne, %rem3A_1154, %ne3A_1155 : i32
      %and3A_1157 = arith.andi %ne3A_1153, %ne3A_1156 : i1
      %sub3A_1158 = arith.constant 1 : i32
      %sub3A_1159 = arith.subi %div3A_1138, %sub3A_1158 : i32
      %select_n3A_1160 = arith.select %and3A_1157, %sub3A_1159, %div3A_1138 : i32
      %jit3A_1161 = arith.constant 8 : i32
      %eq3A_1162 = arith.constant 0 : i32
      %eq3A_1163 = arith.cmpi eq, %jit3A_1161, %eq3A_1162 : i32
      %jit3A_1164 = arith.constant 1 : i32
      %select_n3A_1165 = arith.select %eq3A_1163, %jit3A_1164, %jit3A_1161 : i32
      %rem3A_1166 = arith.remsi %add3A_1136, %select_n3A_1165 : i32
      %ne3A_1167 = arith.constant 0 : i32
      %ne3A_1168 = arith.cmpi ne, %rem3A_1166, %ne3A_1167 : i32
      %lt3A_1169 = arith.constant 0 : i32
      %lt3A_1170 = arith.cmpi slt, %rem3A_1166, %lt3A_1169 : i32
      %lt3A_1171 = arith.constant 0 : i32
      %lt3A_1172 = arith.cmpi slt, %select_n3A_1165, %lt3A_1171 : i32
      %ne3A_1173 = arith.xori %lt3A_1170, %lt3A_1172 : i1
      %and3A_1174 = arith.andi %ne3A_1173, %ne3A_1168 : i1
      %add3A_1175 = arith.addi %rem3A_1166, %select_n3A_1165 : i32
      %select_n3A_1176 = arith.select %and3A_1174, %add3A_1175, %rem3A_1166 : i32
      %dma_wait3A_1177 = arith.constant 1 : i32
      %dma_wait3A_1178 = arith.constant 0 : i32
      %dma_wait3A_1179 = arith.constant 0 : i32
      %dma_wait3A_1180 = tpu.memref_slice %arg7[%dma_wait3A_1177, %dma_wait3A_1178, %dma_wait3A_1179] : memref<2x128x128xf32, #tpu.memory_space<vmem>> -> memref<1x128x128xf32, #tpu.memory_space<vmem>>
      %dma_wait3A_1181 = tpu.memref_squeeze %dma_wait3A_1180 : memref<1x128x128xf32, #tpu.memory_space<vmem>> -> memref<128x128xf32, #tpu.memory_space<vmem>>
      %dma_wait3A_1182 = arith.constant 0 : i32
      %dma_wait3A_1183 = tpu.memref_slice %arg6[%select_n3A_1160, %select_n3A_1176, %dma_wait3A_1182] : memref<25x8x128xi32, #tpu.memory_space<vmem>> -> memref<1x1x128xi32, #tpu.memory_space<vmem>>
      %dma_wait3A_1184 = tpu.memref_squeeze %dma_wait3A_1183 : memref<1x1x128xi32, #tpu.memory_space<vmem>> -> memref<128xi32, #tpu.memory_space<vmem>>
      %dma_wait3A_1185 = arith.constant 0 : i32
      %dma_wait3A_1186 = arith.constant 0 : i32
      %dma_wait3A_1187 = tpu.memref_slice %arg4[%dma_wait3A_1185, %dma_wait3A_1186] : memref<1000000x128xf32, #tpu.memory_space<hbm>> -> memref<1000000x128xf32, #tpu.memory_space<hbm>>
      tpu.wait_indirect_dma semaphore(%arg13 : memref<!tpu.dma_semaphore, #tpu.memory_space<semaphore_mem>>) src(%dma_wait3A_1187 : memref<1000000x128xf32, #tpu.memory_space<hbm>>) dst(%dma_wait3A_1181 : memref<128x128xf32, #tpu.memory_space<vmem>>)
      %jit3A_1188 = arith.constant 8 : i32
      %div3A_1189 = arith.divsi %add3A_1136, %jit3A_1188 : i32
      %sign3A_1190 = arith.constant 0 : i32
      %sign3A_1191 = arith.cmpi sgt, %add3A_1136, %sign3A_1190 : i32
      %sign3A_1192 = arith.extui %sign3A_1191 : i1 to i32
      %sign3A_1193 = arith.constant 0 : i32
      %sign3A_1194 = arith.cmpi slt, %add3A_1136, %sign3A_1193 : i32
      %sign3A_1195 = arith.extui %sign3A_1194 : i1 to i32
      %sign3A_1196 = arith.subi %sign3A_1192, %sign3A_1195 : i32
      %sign3A_1197 = arith.constant 0 : i32
      %sign3A_1198 = arith.cmpi sgt, %jit3A_1188, %sign3A_1197 : i32
      %sign3A_1199 = arith.extui %sign3A_1198 : i1 to i32
      %sign3A_1200 = arith.constant 0 : i32
      %sign3A_1201 = arith.cmpi slt, %jit3A_1188, %sign3A_1200 : i32
      %sign3A_1202 = arith.extui %sign3A_1201 : i1 to i32
      %sign3A_1203 = arith.subi %sign3A_1199, %sign3A_1202 : i32
      %ne3A_1204 = arith.cmpi ne, %sign3A_1196, %sign3A_1203 : i32
      %rem3A_1205 = arith.remsi %add3A_1136, %jit3A_1188 : i32
      %ne3A_1206 = arith.constant 0 : i32
      %ne3A_1207 = arith.cmpi ne, %rem3A_1205, %ne3A_1206 : i32
      %and3A_1208 = arith.andi %ne3A_1204, %ne3A_1207 : i1
      %sub3A_1209 = arith.constant 1 : i32
      %sub3A_1210 = arith.subi %div3A_1189, %sub3A_1209 : i32
      %select_n3A_1211 = arith.select %and3A_1208, %sub3A_1210, %div3A_1189 : i32
      %jit3A_1212 = arith.constant 8 : i32
      %eq3A_1213 = arith.constant 0 : i32
      %eq3A_1214 = arith.cmpi eq, %jit3A_1212, %eq3A_1213 : i32
      %jit3A_1215 = arith.constant 1 : i32
      %select_n3A_1216 = arith.select %eq3A_1214, %jit3A_1215, %jit3A_1212 : i32
      %rem3A_1217 = arith.remsi %add3A_1136, %select_n3A_1216 : i32
      %ne3A_1218 = arith.constant 0 : i32
      %ne3A_1219 = arith.cmpi ne, %rem3A_1217, %ne3A_1218 : i32
      %lt3A_1220 = arith.constant 0 : i32
      %lt3A_1221 = arith.cmpi slt, %rem3A_1217, %lt3A_1220 : i32
      %lt3A_1222 = arith.constant 0 : i32
      %lt3A_1223 = arith.cmpi slt, %select_n3A_1216, %lt3A_1222 : i32
      %ne3A_1224 = arith.xori %lt3A_1221, %lt3A_1223 : i1
      %and3A_1225 = arith.andi %ne3A_1224, %ne3A_1219 : i1
      %add3A_1226 = arith.addi %rem3A_1217, %select_n3A_1216 : i32
      %select_n3A_1227 = arith.select %and3A_1225, %add3A_1226, %rem3A_1217 : i32
      %get3A_1228 = arith.index_cast %select_n3A_1211 : i32 to index
      %get3A_1229 = arith.index_cast %select_n3A_1227 : i32 to index
      %get3A_1230 = arith.constant 0 : index
      %get3A_1231 = tpu.vector_load %arg6[%get3A_1228, %get3A_1229, %get3A_1230] {strides = array<i32>} : memref<25x8x128xi32, #tpu.memory_space<vmem>>, vector<16xi32>,
      %ge3A_1232 = arith.constant 999997 : i32
      %ge3A_1233 = vector.broadcast %ge3A_1232 : i32 to vector<16xi32>
      %ge3A_1234 = arith.cmpi sge, %get3A_1231, %ge3A_1233 : vector<16xi32>
      %add3A_1235 = arith.constant 0 : i32
      %add3A_1236 = vector.broadcast %add3A_1235 : i32 to vector<16xi32>
      %add3A_1237 = arith.addi %iota3A, %add3A_1236 : vector<16xi32>
      %swap3A_1238 = arith.constant 0 : i32
      %swap3A_1239 = arith.index_cast %swap3A_1238 : i32 to index
      %swap3A_1240 = tpu.vector_load %arg10[%swap3A_1239] masked %ge3A_1234 {strides = array<i32>} : memref<144xi32, #tpu.memory_space<vmem>>, vector<16xi32>, vector<16xi1>
      tpu.vector_store %arg10[%swap3A_1239], %add3A_1237 masked %ge3A_1234 {strides = array<i32>} : memref<144xi32, #tpu.memory_space<vmem>>, vector<16xi32>, vector<16xi1>
      %sub3A_1241 = arith.constant 999997 : i32
      %sub3A_1242 = vector.broadcast %sub3A_1241 : i32 to vector<16xi32>
      %sub3A_1243 = arith.subi %get3A_1231, %sub3A_1242 : vector<16xi32>
      %swap3A_1244 = arith.constant 0 : i32
      %swap3A_1245 = arith.index_cast %swap3A_1244 : i32 to index
      %swap3A_1246 = tpu.vector_load %arg11[%swap3A_1245] masked %ge3A_1234 {strides = array<i32>} : memref<144xi32, #tpu.memory_space<vmem>>, vector<16xi32>, vector<16xi1>
      tpu.vector_store %arg11[%swap3A_1245], %sub3A_1243 masked %ge3A_1234 {strides = array<i32>} : memref<144xi32, #tpu.memory_space<vmem>>, vector<16xi32>, vector<16xi1>
      %convert_element_type3A_1247 = arith.extui %ge3A_1234 : vector<16xi1> to vector<16xi32>
      %reduce_sum3A_1248 = arith.constant true
      %reduce_sum3A_1249 = vector.broadcast %reduce_sum3A_1248 : i1 to vector<16xi1>
      %reduce_sum3A_1250 = tpu.scan <sum>, %convert_element_type3A_1247 masked %reduce_sum3A_1249 : vector<16xi32>, vector<16xi1> -> vector<16xi32>
      %reduce_sum3A_1251 = vector.extract %reduce_sum3A_1250[15] : i32 from vector<16xi32>
      %add3A_1252 = arith.constant 0 : i32
      %add3A_1253 = arith.addi %add3A_1252, %reduce_sum3A_1251 : i32
      %jit3A_1254 = arith.constant 8 : i32
      %div3A_1255 = arith.divsi %add3A_1136, %jit3A_1254 : i32
      %sign3A_1256 = arith.constant 0 : i32
      %sign3A_1257 = arith.cmpi sgt, %add3A_1136, %sign3A_1256 : i32
      %sign3A_1258 = arith.extui %sign3A_1257 : i1 to i32
      %sign3A_1259 = arith.constant 0 : i32
      %sign3A_1260 = arith.cmpi slt, %add3A_1136, %sign3A_1259 : i32
      %sign3A_1261 = arith.extui %sign3A_1260 : i1 to i32
      %sign3A_1262 = arith.subi %sign3A_1258, %sign3A_1261 : i32
      %sign3A_1263 = arith.constant 0 : i32
      %sign3A_1264 = arith.cmpi sgt, %jit3A_1254, %sign3A_1263 : i32
      %sign3A_1265 = arith.extui %sign3A_1264 : i1 to i32
      %sign3A_1266 = arith.constant 0 : i32
      %sign3A_1267 = arith.cmpi slt, %jit3A_1254, %sign3A_1266 : i32
      %sign3A_1268 = arith.extui %sign3A_1267 : i1 to i32
      %sign3A_1269 = arith.subi %sign3A_1265, %sign3A_1268 : i32
      %ne3A_1270 = arith.cmpi ne, %sign3A_1262, %sign3A_1269 : i32
      %rem3A_1271 = arith.remsi %add3A_1136, %jit3A_1254 : i32
      %ne3A_1272 = arith.constant 0 : i32
      %ne3A_1273 = arith.cmpi ne, %rem3A_1271, %ne3A_1272 : i32
      %and3A_1274 = arith.andi %ne3A_1270, %ne3A_1273 : i1
      %sub3A_1275 = arith.constant 1 : i32
      %sub3A_1276 = arith.subi %div3A_1255, %sub3A_1275 : i32
      %select_n3A_1277 = arith.select %and3A_1274, %sub3A_1276, %div3A_1255 : i32
      %jit3A_1278 = arith.constant 8 : i32
      %eq3A_1279 = arith.constant 0 : i32
      %eq3A_1280 = arith.cmpi eq, %jit3A_1278, %eq3A_1279 : i32
      %jit3A_1281 = arith.constant 1 : i32
      %select_n3A_1282 = arith.select %eq3A_1280, %jit3A_1281, %jit3A_1278 : i32
      %rem3A_1283 = arith.remsi %add3A_1136, %select_n3A_1282 : i32
      %ne3A_1284 = arith.constant 0 : i32
      %ne3A_1285 = arith.cmpi ne, %rem3A_1283, %ne3A_1284 : i32
      %lt3A_1286 = arith.constant 0 : i32
      %lt3A_1287 = arith.cmpi slt, %rem3A_1283, %lt3A_1286 : i32
      %lt3A_1288 = arith.constant 0 : i32
      %lt3A_1289 = arith.cmpi slt, %select_n3A_1282, %lt3A_1288 : i32
      %ne3A_1290 = arith.xori %lt3A_1287, %lt3A_1289 : i1
      %and3A_1291 = arith.andi %ne3A_1290, %ne3A_1285 : i1
      %add3A_1292 = arith.addi %rem3A_1283, %select_n3A_1282 : i32
      %select_n3A_1293 = arith.select %and3A_1291, %add3A_1292, %rem3A_1283 : i32
      %get3A_1294 = arith.index_cast %select_n3A_1277 : i32 to index
      %get3A_1295 = arith.index_cast %select_n3A_1293 : i32 to index
      %get3A_1296 = arith.constant 16 : index
      %get3A_1297 = tpu.vector_load %arg6[%get3A_1294, %get3A_1295, %get3A_1296] {strides = array<i32>} : memref<25x8x128xi32, #tpu.memory_space<vmem>>, vector<16xi32>,
      %ge3A_1298 = arith.constant 999997 : i32
      %ge3A_1299 = vector.broadcast %ge3A_1298 : i32 to vector<16xi32>
      %ge3A_1300 = arith.cmpi sge, %get3A_1297, %ge3A_1299 : vector<16xi32>
      %add3A_1301 = arith.constant 16 : i32
      %add3A_1302 = vector.broadcast %add3A_1301 : i32 to vector<16xi32>
      %add3A_1303 = arith.addi %iota3A, %add3A_1302 : vector<16xi32>
      %swap3A_1304 = arith.index_cast %add3A_1253 : i32 to index
      %swap3A_1305 = tpu.vector_load %arg10[%swap3A_1304] masked %ge3A_1300 {strides = array<i32>} : memref<144xi32, #tpu.memory_space<vmem>>, vector<16xi32>, vector<16xi1>
      tpu.vector_store %arg10[%swap3A_1304], %add3A_1303 masked %ge3A_1300 {strides = array<i32>} : memref<144xi32, #tpu.memory_space<vmem>>, vector<16xi32>, vector<16xi1>
      %sub3A_1306 = arith.constant 999997 : i32
      %sub3A_1307 = vector.broadcast %sub3A_1306 : i32 to vector<16xi32>
      %sub3A_1308 = arith.subi %get3A_1297, %sub3A_1307 : vector<16xi32>
      %swap3A_1309 = arith.index_cast %add3A_1253 : i32 to index
      %swap3A_1310 = tpu.vector_load %arg11[%swap3A_1309] masked %ge3A_1300 {strides = array<i32>} : memref<144xi32, #tpu.memory_space<vmem>>, vector<16xi32>, vector<16xi1>
      tpu.vector_store %arg11[%swap3A_1309], %sub3A_1308 masked %ge3A_1300 {strides = array<i32>} : memref<144xi32, #tpu.memory_space<vmem>>, vector<16xi32>, vector<16xi1>
      %convert_element_type3A_1311 = arith.extui %ge3A_1300 : vector<16xi1> to vector<16xi32>
      %reduce_sum3A_1312 = arith.constant true
      %reduce_sum3A_1313 = vector.broadcast %reduce_sum3A_1312 : i1 to vector<16xi1>
      %reduce_sum3A_1314 = tpu.scan <sum>, %convert_element_type3A_1311 masked %reduce_sum3A_1313 : vector<16xi32>, vector<16xi1> -> vector<16xi32>
      %reduce_sum3A_1315 = vector.extract %reduce_sum3A_1314[15] : i32 from vector<16xi32>
      %add3A_1316 = arith.addi %add3A_1253, %reduce_sum3A_1315 : i32
      %jit3A_1317 = arith.constant 8 : i32
      %div3A_1318 = arith.divsi %add3A_1136, %jit3A_1317 : i32
      %sign3A_1319 = arith.constant 0 : i32
      %sign3A_1320 = arith.cmpi sgt, %add3A_1136, %sign3A_1319 : i32
      %sign3A_1321 = arith.extui %sign3A_1320 : i1 to i32
      %sign3A_1322 = arith.constant 0 : i32
      %sign3A_1323 = arith.cmpi slt, %add3A_1136, %sign3A_1322 : i32
      %sign3A_1324 = arith.extui %sign3A_1323 : i1 to i32
      %sign3A_1325 = arith.subi %sign3A_1321, %sign3A_1324 : i32
      %sign3A_1326 = arith.constant 0 : i32
      %sign3A_1327 = arith.cmpi sgt, %jit3A_1317, %sign3A_1326 : i32
      %sign3A_1328 = arith.extui %sign3A_1327 : i1 to i32
      %sign3A_1329 = arith.constant 0 : i32
      %sign3A_1330 = arith.cmpi slt, %jit3A_1317, %sign3A_1329 : i32
      %sign3A_1331 = arith.extui %sign3A_1330 : i1 to i32
      %sign3A_1332 = arith.subi %sign3A_1328, %sign3A_1331 : i32
      %ne3A_1333 = arith.cmpi ne, %sign3A_1325, %sign3A_1332 : i32
      %rem3A_1334 = arith.remsi %add3A_1136, %jit3A_1317 : i32
      %ne3A_1335 = arith.constant 0 : i32
      %ne3A_1336 = arith.cmpi ne, %rem3A_1334, %ne3A_1335 : i32
      %and3A_1337 = arith.andi %ne3A_1333, %ne3A_1336 : i1
      %sub3A_1338 = arith.constant 1 : i32
      %sub3A_1339 = arith.subi %div3A_1318, %sub3A_1338 : i32
      %select_n3A_1340 = arith.select %and3A_1337, %sub3A_1339, %div3A_1318 : i32
      %jit3A_1341 = arith.constant 8 : i32
      %eq3A_1342 = arith.constant 0 : i32
      %eq3A_1343 = arith.cmpi eq, %jit3A_1341, %eq3A_1342 : i32
      %jit3A_1344 = arith.constant 1 : i32
      %select_n3A_1345 = arith.select %eq3A_1343, %jit3A_1344, %jit3A_1341 : i32
      %rem3A_1346 = arith.remsi %add3A_1136, %select_n3A_1345 : i32
      %ne3A_1347 = arith.constant 0 : i32
      %ne3A_1348 = arith.cmpi ne, %rem3A_1346, %ne3A_1347 : i32
      %lt3A_1349 = arith.constant 0 : i32
      %lt3A_1350 = arith.cmpi slt, %rem3A_1346, %lt3A_1349 : i32
      %lt3A_1351 = arith.constant 0 : i32
      %lt3A_1352 = arith.cmpi slt, %select_n3A_1345, %lt3A_1351 : i32
      %ne3A_1353 = arith.xori %lt3A_1350, %lt3A_1352 : i1
      %and3A_1354 = arith.andi %ne3A_1353, %ne3A_1348 : i1
      %add3A_1355 = arith.addi %rem3A_1346, %select_n3A_1345 : i32
      %select_n3A_1356 = arith.select %and3A_1354, %add3A_1355, %rem3A_1346 : i32
      %get3A_1357 = arith.index_cast %select_n3A_1340 : i32 to index
      %get3A_1358 = arith.index_cast %select_n3A_1356 : i32 to index
      %get3A_1359 = arith.constant 32 : index
      %get3A_1360 = tpu.vector_load %arg6[%get3A_1357, %get3A_1358, %get3A_1359] {strides = array<i32>} : memref<25x8x128xi32, #tpu.memory_space<vmem>>, vector<16xi32>,
      %ge3A_1361 = arith.constant 999997 : i32
      %ge3A_1362 = vector.broadcast %ge3A_1361 : i32 to vector<16xi32>
      %ge3A_1363 = arith.cmpi sge, %get3A_1360, %ge3A_1362 : vector<16xi32>
      %add3A_1364 = arith.constant 32 : i32
      %add3A_1365 = vector.broadcast %add3A_1364 : i32 to vector<16xi32>
      %add3A_1366 = arith.addi %iota3A, %add3A_1365 : vector<16xi32>
      %swap3A_1367 = arith.index_cast %add3A_1316 : i32 to index
      %swap3A_1368 = tpu.vector_load %arg10[%swap3A_1367] masked %ge3A_1363 {strides = array<i32>} : memref<144xi32, #tpu.memory_space<vmem>>, vector<16xi32>, vector<16xi1>
      tpu.vector_store %arg10[%swap3A_1367], %add3A_1366 masked %ge3A_1363 {strides = array<i32>} : memref<144xi32, #tpu.memory_space<vmem>>, vector<16xi32>, vector<16xi1>
      %sub3A_1369 = arith.constant 999997 : i32
      %sub3A_1370 = vector.broadcast %sub3A_1369 : i32 to vector<16xi32>
      %sub3A_1371 = arith.subi %get3A_1360, %sub3A_1370 : vector<16xi32>
      %swap3A_1372 = arith.index_cast %add3A_1316 : i32 to index
      %swap3A_1373 = tpu.vector_load %arg11[%swap3A_1372] masked %ge3A_1363 {strides = array<i32>} : memref<144xi32, #tpu.memory_space<vmem>>, vector<16xi32>, vector<16xi1>
      tpu.vector_store %arg11[%swap3A_1372], %sub3A_1371 masked %ge3A_1363 {strides = array<i32>} : memref<144xi32, #tpu.memory_space<vmem>>, vector<16xi32>, vector<16xi1>
      %convert_element_type3A_1374 = arith.extui %ge3A_1363 : vector<16xi1> to vector<16xi32>
      %reduce_sum3A_1375 = arith.constant true
      %reduce_sum3A_1376 = vector.broadcast %reduce_sum3A_1375 : i1 to vector<16xi1>
      %reduce_sum3A_1377 = tpu.scan <sum>, %convert_element_type3A_1374 masked %reduce_sum3A_1376 : vector<16xi32>, vector<16xi1> -> vector<16xi32>
      %reduce_sum3A_1378 = vector.extract %reduce_sum3A_1377[15] : i32 from vector<16xi32>
      %add3A_1379 = arith.addi %add3A_1316, %reduce_sum3A_1378 : i32
      %jit3A_1380 = arith.constant 8 : i32
      %div3A_1381 = arith.divsi %add3A_1136, %jit3A_1380 : i32
      %sign3A_1382 = arith.constant 0 : i32
      %sign3A_1383 = arith.cmpi sgt, %add3A_1136, %sign3A_1382 : i32
      %sign3A_1384 = arith.extui %sign3A_1383 : i1 to i32
      %sign3A_1385 = arith.constant 0 : i32
      %sign3A_1386 = arith.cmpi slt, %add3A_1136, %sign3A_1385 : i32
      %sign3A_1387 = arith.extui %sign3A_1386 : i1 to i32
      %sign3A_1388 = arith.subi %sign3A_1384, %sign3A_1387 : i32
      %sign3A_1389 = arith.constant 0 : i32
      %sign3A_1390 = arith.cmpi sgt, %jit3A_1380, %sign3A_1389 : i32
      %sign3A_1391 = arith.extui %sign3A_1390 : i1 to i32
      %sign3A_1392 = arith.constant 0 : i32
      %sign3A_1393 = arith.cmpi slt, %jit3A_1380, %sign3A_1392 : i32
      %sign3A_1394 = arith.extui %sign3A_1393 : i1 to i32
      %sign3A_1395 = arith.subi %sign3A_1391, %sign3A_1394 : i32
      %ne3A_1396 = arith.cmpi ne, %sign3A_1388, %sign3A_1395 : i32
      %rem3A_1397 = arith.remsi %add3A_1136, %jit3A_1380 : i32
      %ne3A_1398 = arith.constant 0 : i32
      %ne3A_1399 = arith.cmpi ne, %rem3A_1397, %ne3A_1398 : i32
      %and3A_1400 = arith.andi %ne3A_1396, %ne3A_1399 : i1
      %sub3A_1401 = arith.constant 1 : i32
      %sub3A_1402 = arith.subi %div3A_1381, %sub3A_1401 : i32
      %select_n3A_1403 = arith.select %and3A_1400, %sub3A_1402, %div3A_1381 : i32
      %jit3A_1404 = arith.constant 8 : i32
      %eq3A_1405 = arith.constant 0 : i32
      %eq3A_1406 = arith.cmpi eq, %jit3A_1404, %eq3A_1405 : i32
      %jit3A_1407 = arith.constant 1 : i32
      %select_n3A_1408 = arith.select %eq3A_1406, %jit3A_1407, %jit3A_1404 : i32
      %rem3A_1409 = arith.remsi %add3A_1136, %select_n3A_1408 : i32
      %ne3A_1410 = arith.constant 0 : i32
      %ne3A_1411 = arith.cmpi ne, %rem3A_1409, %ne3A_1410 : i32
      %lt3A_1412 = arith.constant 0 : i32
      %lt3A_1413 = arith.cmpi slt, %rem3A_1409, %lt3A_1412 : i32
      %lt3A_1414 = arith.constant 0 : i32
      %lt3A_1415 = arith.cmpi slt, %select_n3A_1408, %lt3A_1414 : i32
      %ne3A_1416 = arith.xori %lt3A_1413, %lt3A_1415 : i1
      %and3A_1417 = arith.andi %ne3A_1416, %ne3A_1411 : i1
      %add3A_1418 = arith.addi %rem3A_1409, %select_n3A_1408 : i32
      %select_n3A_1419 = arith.select %and3A_1417, %add3A_1418, %rem3A_1409 : i32
      %get3A_1420 = arith.index_cast %select_n3A_1403 : i32 to index
      %get3A_1421 = arith.index_cast %select_n3A_1419 : i32 to index
      %get3A_1422 = arith.constant 48 : index
      %get3A_1423 = tpu.vector_load %arg6[%get3A_1420, %get3A_1421, %get3A_1422] {strides = array<i32>} : memref<25x8x128xi32, #tpu.memory_space<vmem>>, vector<16xi32>,
      %ge3A_1424 = arith.constant 999997 : i32
      %ge3A_1425 = vector.broadcast %ge3A_1424 : i32 to vector<16xi32>
      %ge3A_1426 = arith.cmpi sge, %get3A_1423, %ge3A_1425 : vector<16xi32>
      %add3A_1427 = arith.constant 48 : i32
      %add3A_1428 = vector.broadcast %add3A_1427 : i32 to vector<16xi32>
      %add3A_1429 = arith.addi %iota3A, %add3A_1428 : vector<16xi32>
      %swap3A_1430 = arith.index_cast %add3A_1379 : i32 to index
      %swap3A_1431 = tpu.vector_load %arg10[%swap3A_1430] masked %ge3A_1426 {strides = array<i32>} : memref<144xi32, #tpu.memory_space<vmem>>, vector<16xi32>, vector<16xi1>
      tpu.vector_store %arg10[%swap3A_1430], %add3A_1429 masked %ge3A_1426 {strides = array<i32>} : memref<144xi32, #tpu.memory_space<vmem>>, vector<16xi32>, vector<16xi1>
      %sub3A_1432 = arith.constant 999997 : i32
      %sub3A_1433 = vector.broadcast %sub3A_1432 : i32 to vector<16xi32>
      %sub3A_1434 = arith.subi %get3A_1423, %sub3A_1433 : vector<16xi32>
      %swap3A_1435 = arith.index_cast %add3A_1379 : i32 to index
      %swap3A_1436 = tpu.vector_load %arg11[%swap3A_1435] masked %ge3A_1426 {strides = array<i32>} : memref<144xi32, #tpu.memory_space<vmem>>, vector<16xi32>, vector<16xi1>
      tpu.vector_store %arg11[%swap3A_1435], %sub3A_1434 masked %ge3A_1426 {strides = array<i32>} : memref<144xi32, #tpu.memory_space<vmem>>, vector<16xi32>, vector<16xi1>
      %convert_element_type3A_1437 = arith.extui %ge3A_1426 : vector<16xi1> to vector<16xi32>
      %reduce_sum3A_1438 = arith.constant true
      %reduce_sum3A_1439 = vector.broadcast %reduce_sum3A_1438 : i1 to vector<16xi1>
      %reduce_sum3A_1440 = tpu.scan <sum>, %convert_element_type3A_1437 masked %reduce_sum3A_1439 : vector<16xi32>, vector<16xi1> -> vector<16xi32>
      %reduce_sum3A_1441 = vector.extract %reduce_sum3A_1440[15] : i32 from vector<16xi32>
      %add3A_1442 = arith.addi %add3A_1379, %reduce_sum3A_1441 : i32
      %jit3A_1443 = arith.constant 8 : i32
      %div3A_1444 = arith.divsi %add3A_1136, %jit3A_1443 : i32
      %sign3A_1445 = arith.constant 0 : i32
      %sign3A_1446 = arith.cmpi sgt, %add3A_1136, %sign3A_1445 : i32
      %sign3A_1447 = arith.extui %sign3A_1446 : i1 to i32
      %sign3A_1448 = arith.constant 0 : i32
      %sign3A_1449 = arith.cmpi slt, %add3A_1136, %sign3A_1448 : i32
      %sign3A_1450 = arith.extui %sign3A_1449 : i1 to i32
      %sign3A_1451 = arith.subi %sign3A_1447, %sign3A_1450 : i32
      %sign3A_1452 = arith.constant 0 : i32
      %sign3A_1453 = arith.cmpi sgt, %jit3A_1443, %sign3A_1452 : i32
      %sign3A_1454 = arith.extui %sign3A_1453 : i1 to i32
      %sign3A_1455 = arith.constant 0 : i32
      %sign3A_1456 = arith.cmpi slt, %jit3A_1443, %sign3A_1455 : i32
      %sign3A_1457 = arith.extui %sign3A_1456 : i1 to i32
      %sign3A_1458 = arith.subi %sign3A_1454, %sign3A_1457 : i32
      %ne3A_1459 = arith.cmpi ne, %sign3A_1451, %sign3A_1458 : i32
      %rem3A_1460 = arith.remsi %add3A_1136, %jit3A_1443 : i32
      %ne3A_1461 = arith.constant 0 : i32
      %ne3A_1462 = arith.cmpi ne, %rem3A_1460, %ne3A_1461 : i32
      %and3A_1463 = arith.andi %ne3A_1459, %ne3A_1462 : i1
      %sub3A_1464 = arith.constant 1 : i32
      %sub3A_1465 = arith.subi %div3A_1444, %sub3A_1464 : i32
      %select_n3A_1466 = arith.select %and3A_1463, %sub3A_1465, %div3A_1444 : i32
      %jit3A_1467 = arith.constant 8 : i32
      %eq3A_1468 = arith.constant 0 : i32
      %eq3A_1469 = arith.cmpi eq, %jit3A_1467, %eq3A_1468 : i32
      %jit3A_1470 = arith.constant 1 : i32
      %select_n3A_1471 = arith.select %eq3A_1469, %jit3A_1470, %jit3A_1467 : i32
      %rem3A_1472 = arith.remsi %add3A_1136, %select_n3A_1471 : i32
      %ne3A_1473 = arith.constant 0 : i32
      %ne3A_1474 = arith.cmpi ne, %rem3A_1472, %ne3A_1473 : i32
      %lt3A_1475 = arith.constant 0 : i32
      %lt3A_1476 = arith.cmpi slt, %rem3A_1472, %lt3A_1475 : i32
      %lt3A_1477 = arith.constant 0 : i32
      %lt3A_1478 = arith.cmpi slt, %select_n3A_1471, %lt3A_1477 : i32
      %ne3A_1479 = arith.xori %lt3A_1476, %lt3A_1478 : i1
      %and3A_1480 = arith.andi %ne3A_1479, %ne3A_1474 : i1
      %add3A_1481 = arith.addi %rem3A_1472, %select_n3A_1471 : i32
      %select_n3A_1482 = arith.select %and3A_1480, %add3A_1481, %rem3A_1472 : i32
      %get3A_1483 = arith.index_cast %select_n3A_1466 : i32 to index
      %get3A_1484 = arith.index_cast %select_n3A_1482 : i32 to index
      %get3A_1485 = arith.constant 64 : index
      %get3A_1486 = tpu.vector_load %arg6[%get3A_1483, %get3A_1484, %get3A_1485] {strides = array<i32>} : memref<25x8x128xi32, #tpu.memory_space<vmem>>, vector<16xi32>,
      %ge3A_1487 = arith.constant 999997 : i32
      %ge3A_1488 = vector.broadcast %ge3A_1487 : i32 to vector<16xi32>
      %ge3A_1489 = arith.cmpi sge, %get3A_1486, %ge3A_1488 : vector<16xi32>
      %add3A_1490 = arith.constant 64 : i32
      %add3A_1491 = vector.broadcast %add3A_1490 : i32 to vector<16xi32>
      %add3A_1492 = arith.addi %iota3A, %add3A_1491 : vector<16xi32>
      %swap3A_1493 = arith.index_cast %add3A_1442 : i32 to index
      %swap3A_1494 = tpu.vector_load %arg10[%swap3A_1493] masked %ge3A_1489 {strides = array<i32>} : memref<144xi32, #tpu.memory_space<vmem>>, vector<16xi32>, vector<16xi1>
      tpu.vector_store %arg10[%swap3A_1493], %add3A_1492 masked %ge3A_1489 {strides = array<i32>} : memref<144xi32, #tpu.memory_space<vmem>>, vector<16xi32>, vector<16xi1>
      %sub3A_1495 = arith.constant 999997 : i32
      %sub3A_1496 = vector.broadcast %sub3A_1495 : i32 to vector<16xi32>
      %sub3A_1497 = arith.subi %get3A_1486, %sub3A_1496 : vector<16xi32>
      %swap3A_1498 = arith.index_cast %add3A_1442 : i32 to index
      %swap3A_1499 = tpu.vector_load %arg11[%swap3A_1498] masked %ge3A_1489 {strides = array<i32>} : memref<144xi32, #tpu.memory_space<vmem>>, vector<16xi32>, vector<16xi1>
      tpu.vector_store %arg11[%swap3A_1498], %sub3A_1497 masked %ge3A_1489 {strides = array<i32>} : memref<144xi32, #tpu.memory_space<vmem>>, vector<16xi32>, vector<16xi1>
      %convert_element_type3A_1500 = arith.extui %ge3A_1489 : vector<16xi1> to vector<16xi32>
      %reduce_sum3A_1501 = arith.constant true
      %reduce_sum3A_1502 = vector.broadcast %reduce_sum3A_1501 : i1 to vector<16xi1>
      %reduce_sum3A_1503 = tpu.scan <sum>, %convert_element_type3A_1500 masked %reduce_sum3A_1502 : vector<16xi32>, vector<16xi1> -> vector<16xi32>
      %reduce_sum3A_1504 = vector.extract %reduce_sum3A_1503[15] : i32 from vector<16xi32>
      %add3A_1505 = arith.addi %add3A_1442, %reduce_sum3A_1504 : i32
      %jit3A_1506 = arith.constant 8 : i32
      %div3A_1507 = arith.divsi %add3A_1136, %jit3A_1506 : i32
      %sign3A_1508 = arith.constant 0 : i32
      %sign3A_1509 = arith.cmpi sgt, %add3A_1136, %sign3A_1508 : i32
      %sign3A_1510 = arith.extui %sign3A_1509 : i1 to i32
      %sign3A_1511 = arith.constant 0 : i32
      %sign3A_1512 = arith.cmpi slt, %add3A_1136, %sign3A_1511 : i32
      %sign3A_1513 = arith.extui %sign3A_1512 : i1 to i32
      %sign3A_1514 = arith.subi %sign3A_1510, %sign3A_1513 : i32
      %sign3A_1515 = arith.constant 0 : i32
      %sign3A_1516 = arith.cmpi sgt, %jit3A_1506, %sign3A_1515 : i32
      %sign3A_1517 = arith.extui %sign3A_1516 : i1 to i32
      %sign3A_1518 = arith.constant 0 : i32
      %sign3A_1519 = arith.cmpi slt, %jit3A_1506, %sign3A_1518 : i32
      %sign3A_1520 = arith.extui %sign3A_1519 : i1 to i32
      %sign3A_1521 = arith.subi %sign3A_1517, %sign3A_1520 : i32
      %ne3A_1522 = arith.cmpi ne, %sign3A_1514, %sign3A_1521 : i32
      %rem3A_1523 = arith.remsi %add3A_1136, %jit3A_1506 : i32
      %ne3A_1524 = arith.constant 0 : i32
      %ne3A_1525 = arith.cmpi ne, %rem3A_1523, %ne3A_1524 : i32
      %and3A_1526 = arith.andi %ne3A_1522, %ne3A_1525 : i1
      %sub3A_1527 = arith.constant 1 : i32
      %sub3A_1528 = arith.subi %div3A_1507, %sub3A_1527 : i32
      %select_n3A_1529 = arith.select %and3A_1526, %sub3A_1528, %div3A_1507 : i32
      %jit3A_1530 = arith.constant 8 : i32
      %eq3A_1531 = arith.constant 0 : i32
      %eq3A_1532 = arith.cmpi eq, %jit3A_1530, %eq3A_1531 : i32
      %jit3A_1533 = arith.constant 1 : i32
      %select_n3A_1534 = arith.select %eq3A_1532, %jit3A_1533, %jit3A_1530 : i32
      %rem3A_1535 = arith.remsi %add3A_1136, %select_n3A_1534 : i32
      %ne3A_1536 = arith.constant 0 : i32
      %ne3A_1537 = arith.cmpi ne, %rem3A_1535, %ne3A_1536 : i32
      %lt3A_1538 = arith.constant 0 : i32
      %lt3A_1539 = arith.cmpi slt, %rem3A_1535, %lt3A_1538 : i32
      %lt3A_1540 = arith.constant 0 : i32
      %lt3A_1541 = arith.cmpi slt, %select_n3A_1534, %lt3A_1540 : i32
      %ne3A_1542 = arith.xori %lt3A_1539, %lt3A_1541 : i1
      %and3A_1543 = arith.andi %ne3A_1542, %ne3A_1537 : i1
      %add3A_1544 = arith.addi %rem3A_1535, %select_n3A_1534 : i32
      %select_n3A_1545 = arith.select %and3A_1543, %add3A_1544, %rem3A_1535 : i32
      %get3A_1546 = arith.index_cast %select_n3A_1529 : i32 to index
      %get3A_1547 = arith.index_cast %select_n3A_1545 : i32 to index
      %get3A_1548 = arith.constant 80 : index
      %get3A_1549 = tpu.vector_load %arg6[%get3A_1546, %get3A_1547, %get3A_1548] {strides = array<i32>} : memref<25x8x128xi32, #tpu.memory_space<vmem>>, vector<16xi32>,
      %ge3A_1550 = arith.constant 999997 : i32
      %ge3A_1551 = vector.broadcast %ge3A_1550 : i32 to vector<16xi32>
      %ge3A_1552 = arith.cmpi sge, %get3A_1549, %ge3A_1551 : vector<16xi32>
      %add3A_1553 = arith.constant 80 : i32
      %add3A_1554 = vector.broadcast %add3A_1553 : i32 to vector<16xi32>
      %add3A_1555 = arith.addi %iota3A, %add3A_1554 : vector<16xi32>
      %swap3A_1556 = arith.index_cast %add3A_1505 : i32 to index
      %swap3A_1557 = tpu.vector_load %arg10[%swap3A_1556] masked %ge3A_1552 {strides = array<i32>} : memref<144xi32, #tpu.memory_space<vmem>>, vector<16xi32>, vector<16xi1>
      tpu.vector_store %arg10[%swap3A_1556], %add3A_1555 masked %ge3A_1552 {strides = array<i32>} : memref<144xi32, #tpu.memory_space<vmem>>, vector<16xi32>, vector<16xi1>
      %sub3A_1558 = arith.constant 999997 : i32
      %sub3A_1559 = vector.broadcast %sub3A_1558 : i32 to vector<16xi32>
      %sub3A_1560 = arith.subi %get3A_1549, %sub3A_1559 : vector<16xi32>
      %swap3A_1561 = arith.index_cast %add3A_1505 : i32 to index
      %swap3A_1562 = tpu.vector_load %arg11[%swap3A_1561] masked %ge3A_1552 {strides = array<i32>} : memref<144xi32, #tpu.memory_space<vmem>>, vector<16xi32>, vector<16xi1>
      tpu.vector_store %arg11[%swap3A_1561], %sub3A_1560 masked %ge3A_1552 {strides = array<i32>} : memref<144xi32, #tpu.memory_space<vmem>>, vector<16xi32>, vector<16xi1>
      %convert_element_type3A_1563 = arith.extui %ge3A_1552 : vector<16xi1> to vector<16xi32>
      %reduce_sum3A_1564 = arith.constant true
      %reduce_sum3A_1565 = vector.broadcast %reduce_sum3A_1564 : i1 to vector<16xi1>
      %reduce_sum3A_1566 = tpu.scan <sum>, %convert_element_type3A_1563 masked %reduce_sum3A_1565 : vector<16xi32>, vector<16xi1> -> vector<16xi32>
      %reduce_sum3A_1567 = vector.extract %reduce_sum3A_1566[15] : i32 from vector<16xi32>
      %add3A_1568 = arith.addi %add3A_1505, %reduce_sum3A_1567 : i32
      %jit3A_1569 = arith.constant 8 : i32
      %div3A_1570 = arith.divsi %add3A_1136, %jit3A_1569 : i32
      %sign3A_1571 = arith.constant 0 : i32
      %sign3A_1572 = arith.cmpi sgt, %add3A_1136, %sign3A_1571 : i32
      %sign3A_1573 = arith.extui %sign3A_1572 : i1 to i32
      %sign3A_1574 = arith.constant 0 : i32
      %sign3A_1575 = arith.cmpi slt, %add3A_1136, %sign3A_1574 : i32
      %sign3A_1576 = arith.extui %sign3A_1575 : i1 to i32
      %sign3A_1577 = arith.subi %sign3A_1573, %sign3A_1576 : i32
      %sign3A_1578 = arith.constant 0 : i32
      %sign3A_1579 = arith.cmpi sgt, %jit3A_1569, %sign3A_1578 : i32
      %sign3A_1580 = arith.extui %sign3A_1579 : i1 to i32
      %sign3A_1581 = arith.constant 0 : i32
      %sign3A_1582 = arith.cmpi slt, %jit3A_1569, %sign3A_1581 : i32
      %sign3A_1583 = arith.extui %sign3A_1582 : i1 to i32
      %sign3A_1584 = arith.subi %sign3A_1580, %sign3A_1583 : i32
      %ne3A_1585 = arith.cmpi ne, %sign3A_1577, %sign3A_1584 : i32
      %rem3A_1586 = arith.remsi %add3A_1136, %jit3A_1569 : i32
      %ne3A_1587 = arith.constant 0 : i32
      %ne3A_1588 = arith.cmpi ne, %rem3A_1586, %ne3A_1587 : i32
      %and3A_1589 = arith.andi %ne3A_1585, %ne3A_1588 : i1
      %sub3A_1590 = arith.constant 1 : i32
      %sub3A_1591 = arith.subi %div3A_1570, %sub3A_1590 : i32
      %select_n3A_1592 = arith.select %and3A_1589, %sub3A_1591, %div3A_1570 : i32
      %jit3A_1593 = arith.constant 8 : i32
      %eq3A_1594 = arith.constant 0 : i32
      %eq3A_1595 = arith.cmpi eq, %jit3A_1593, %eq3A_1594 : i32
      %jit3A_1596 = arith.constant 1 : i32
      %select_n3A_1597 = arith.select %eq3A_1595, %jit3A_1596, %jit3A_1593 : i32
      %rem3A_1598 = arith.remsi %add3A_1136, %select_n3A_1597 : i32
      %ne3A_1599 = arith.constant 0 : i32
      %ne3A_1600 = arith.cmpi ne, %rem3A_1598, %ne3A_1599 : i32
      %lt3A_1601 = arith.constant 0 : i32
      %lt3A_1602 = arith.cmpi slt, %rem3A_1598, %lt3A_1601 : i32
      %lt3A_1603 = arith.constant 0 : i32
      %lt3A_1604 = arith.cmpi slt, %select_n3A_1597, %lt3A_1603 : i32
      %ne3A_1605 = arith.xori %lt3A_1602, %lt3A_1604 : i1
      %and3A_1606 = arith.andi %ne3A_1605, %ne3A_1600 : i1
      %add3A_1607 = arith.addi %rem3A_1598, %select_n3A_1597 : i32
      %select_n3A_1608 = arith.select %and3A_1606, %add3A_1607, %rem3A_1598 : i32
      %get3A_1609 = arith.index_cast %select_n3A_1592 : i32 to index
      %get3A_1610 = arith.index_cast %select_n3A_1608 : i32 to index
      %get3A_1611 = arith.constant 96 : index
      %get3A_1612 = tpu.vector_load %arg6[%get3A_1609, %get3A_1610, %get3A_1611] {strides = array<i32>} : memref<25x8x128xi32, #tpu.memory_space<vmem>>, vector<16xi32>,
      %ge3A_1613 = arith.constant 999997 : i32
      %ge3A_1614 = vector.broadcast %ge3A_1613 : i32 to vector<16xi32>
      %ge3A_1615 = arith.cmpi sge, %get3A_1612, %ge3A_1614 : vector<16xi32>
      %add3A_1616 = arith.constant 96 : i32
      %add3A_1617 = vector.broadcast %add3A_1616 : i32 to vector<16xi32>
      %add3A_1618 = arith.addi %iota3A, %add3A_1617 : vector<16xi32>
      %swap3A_1619 = arith.index_cast %add3A_1568 : i32 to index
      %swap3A_1620 = tpu.vector_load %arg10[%swap3A_1619] masked %ge3A_1615 {strides = array<i32>} : memref<144xi32, #tpu.memory_space<vmem>>, vector<16xi32>, vector<16xi1>
      tpu.vector_store %arg10[%swap3A_1619], %add3A_1618 masked %ge3A_1615 {strides = array<i32>} : memref<144xi32, #tpu.memory_space<vmem>>, vector<16xi32>, vector<16xi1>
      %sub3A_1621 = arith.constant 999997 : i32
      %sub3A_1622 = vector.broadcast %sub3A_1621 : i32 to vector<16xi32>
      %sub3A_1623 = arith.subi %get3A_1612, %sub3A_1622 : vector<16xi32>
      %swap3A_1624 = arith.index_cast %add3A_1568 : i32 to index
      %swap3A_1625 = tpu.vector_load %arg11[%swap3A_1624] masked %ge3A_1615 {strides = array<i32>} : memref<144xi32, #tpu.memory_space<vmem>>, vector<16xi32>, vector<16xi1>
      tpu.vector_store %arg11[%swap3A_1624], %sub3A_1623 masked %ge3A_1615 {strides = array<i32>} : memref<144xi32, #tpu.memory_space<vmem>>, vector<16xi32>, vector<16xi1>
      %convert_element_type3A_1626 = arith.extui %ge3A_1615 : vector<16xi1> to vector<16xi32>
      %reduce_sum3A_1627 = arith.constant true
      %reduce_sum3A_1628 = vector.broadcast %reduce_sum3A_1627 : i1 to vector<16xi1>
      %reduce_sum3A_1629 = tpu.scan <sum>, %convert_element_type3A_1626 masked %reduce_sum3A_1628 : vector<16xi32>, vector<16xi1> -> vector<16xi32>
      %reduce_sum3A_1630 = vector.extract %reduce_sum3A_1629[15] : i32 from vector<16xi32>
      %add3A_1631 = arith.addi %add3A_1568, %reduce_sum3A_1630 : i32
      %jit3A_1632 = arith.constant 8 : i32
      %div3A_1633 = arith.divsi %add3A_1136, %jit3A_1632 : i32
      %sign3A_1634 = arith.constant 0 : i32
      %sign3A_1635 = arith.cmpi sgt, %add3A_1136, %sign3A_1634 : i32
      %sign3A_1636 = arith.extui %sign3A_1635 : i1 to i32
      %sign3A_1637 = arith.constant 0 : i32
      %sign3A_1638 = arith.cmpi slt, %add3A_1136, %sign3A_1637 : i32
      %sign3A_1639 = arith.extui %sign3A_1638 : i1 to i32
      %sign3A_1640 = arith.subi %sign3A_1636, %sign3A_1639 : i32
      %sign3A_1641 = arith.constant 0 : i32
      %sign3A_1642 = arith.cmpi sgt, %jit3A_1632, %sign3A_1641 : i32
      %sign3A_1643 = arith.extui %sign3A_1642 : i1 to i32
      %sign3A_1644 = arith.constant 0 : i32
      %sign3A_1645 = arith.cmpi slt, %jit3A_1632, %sign3A_1644 : i32
      %sign3A_1646 = arith.extui %sign3A_1645 : i1 to i32
      %sign3A_1647 = arith.subi %sign3A_1643, %sign3A_1646 : i32
      %ne3A_1648 = arith.cmpi ne, %sign3A_1640, %sign3A_1647 : i32
      %rem3A_1649 = arith.remsi %add3A_1136, %jit3A_1632 : i32
      %ne3A_1650 = arith.constant 0 : i32
      %ne3A_1651 = arith.cmpi ne, %rem3A_1649, %ne3A_1650 : i32
      %and3A_1652 = arith.andi %ne3A_1648, %ne3A_1651 : i1
      %sub3A_1653 = arith.constant 1 : i32
      %sub3A_1654 = arith.subi %div3A_1633, %sub3A_1653 : i32
      %select_n3A_1655 = arith.select %and3A_1652, %sub3A_1654, %div3A_1633 : i32
      %jit3A_1656 = arith.constant 8 : i32
      %eq3A_1657 = arith.constant 0 : i32
      %eq3A_1658 = arith.cmpi eq, %jit3A_1656, %eq3A_1657 : i32
      %jit3A_1659 = arith.constant 1 : i32
      %select_n3A_1660 = arith.select %eq3A_1658, %jit3A_1659, %jit3A_1656 : i32
      %rem3A_1661 = arith.remsi %add3A_1136, %select_n3A_1660 : i32
      %ne3A_1662 = arith.constant 0 : i32
      %ne3A_1663 = arith.cmpi ne, %rem3A_1661, %ne3A_1662 : i32
      %lt3A_1664 = arith.constant 0 : i32
      %lt3A_1665 = arith.cmpi slt, %rem3A_1661, %lt3A_1664 : i32
      %lt3A_1666 = arith.constant 0 : i32
      %lt3A_1667 = arith.cmpi slt, %select_n3A_1660, %lt3A_1666 : i32
      %ne3A_1668 = arith.xori %lt3A_1665, %lt3A_1667 : i1
      %and3A_1669 = arith.andi %ne3A_1668, %ne3A_1663 : i1
      %add3A_1670 = arith.addi %rem3A_1661, %select_n3A_1660 : i32
      %select_n3A_1671 = arith.select %and3A_1669, %add3A_1670, %rem3A_1661 : i32
      %get3A_1672 = arith.index_cast %select_n3A_1655 : i32 to index
      %get3A_1673 = arith.index_cast %select_n3A_1671 : i32 to index
      %get3A_1674 = arith.constant 112 : index
      %get3A_1675 = tpu.vector_load %arg6[%get3A_1672, %get3A_1673, %get3A_1674] {strides = array<i32>} : memref<25x8x128xi32, #tpu.memory_space<vmem>>, vector<16xi32>,
      %ge3A_1676 = arith.constant 999997 : i32
      %ge3A_1677 = vector.broadcast %ge3A_1676 : i32 to vector<16xi32>
      %ge3A_1678 = arith.cmpi sge, %get3A_1675, %ge3A_1677 : vector<16xi32>
      %add3A_1679 = arith.constant 112 : i32
      %add3A_1680 = vector.broadcast %add3A_1679 : i32 to vector<16xi32>
      %add3A_1681 = arith.addi %iota3A, %add3A_1680 : vector<16xi32>
      %swap3A_1682 = arith.index_cast %add3A_1631 : i32 to index
      %swap3A_1683 = tpu.vector_load %arg10[%swap3A_1682] masked %ge3A_1678 {strides = array<i32>} : memref<144xi32, #tpu.memory_space<vmem>>, vector<16xi32>, vector<16xi1>
      tpu.vector_store %arg10[%swap3A_1682], %add3A_1681 masked %ge3A_1678 {strides = array<i32>} : memref<144xi32, #tpu.memory_space<vmem>>, vector<16xi32>, vector<16xi1>
      %sub3A_1684 = arith.constant 999997 : i32
      %sub3A_1685 = vector.broadcast %sub3A_1684 : i32 to vector<16xi32>
      %sub3A_1686 = arith.subi %get3A_1675, %sub3A_1685 : vector<16xi32>
      %swap3A_1687 = arith.index_cast %add3A_1631 : i32 to index
      %swap3A_1688 = tpu.vector_load %arg11[%swap3A_1687] masked %ge3A_1678 {strides = array<i32>} : memref<144xi32, #tpu.memory_space<vmem>>, vector<16xi32>, vector<16xi1>
      tpu.vector_store %arg11[%swap3A_1687], %sub3A_1686 masked %ge3A_1678 {strides = array<i32>} : memref<144xi32, #tpu.memory_space<vmem>>, vector<16xi32>, vector<16xi1>
      %convert_element_type3A_1689 = arith.extui %ge3A_1678 : vector<16xi1> to vector<16xi32>
      %reduce_sum3A_1690 = arith.constant true
      %reduce_sum3A_1691 = vector.broadcast %reduce_sum3A_1690 : i1 to vector<16xi1>
      %reduce_sum3A_1692 = tpu.scan <sum>, %convert_element_type3A_1689 masked %reduce_sum3A_1691 : vector<16xi32>, vector<16xi1> -> vector<16xi32>
      %reduce_sum3A_1693 = vector.extract %reduce_sum3A_1692[15] : i32 from vector<16xi32>
      %add3A_1694 = arith.addi %add3A_1631, %reduce_sum3A_1693 : i32
      %while3A_1695 = arith.constant 0 : i32
      %while3A_1696 = arith.constant 0 : i32
      %while3A_1697 = arith.subi %add3A_1694, %while3A_1696 : i32
      %while3A_1698 = arith.addi %while3A_1696, %while3A_1697 : i32
      %while3A_1699 = arith.constant 1 : i32
      %while3A_1700 = arith.divsi %while3A_1697, %while3A_1699 : i32
      %while3A_1701 = arith.muli %while3A_1700, %while3A_1699 : i32
      %while3A_1702 = arith.addi %while3A_1696, %while3A_1701 : i32
      %while3A_1703 = arith.constant 1 : i32
      scf.for %while3A_1857 = %while3A_1696 to %while3A_1702 step %while3A_1703  : i32 {
        %get3A_1858 = arith.index_cast %while3A_1857 : i32 to index
        %get3A_1859 = tpu.vector_load %arg10[%get3A_1858] {strides = array<i32>} : memref<144xi32, #tpu.memory_space<vmem>>, vector<16xi32>,
        %slice3A = vector.extract_strided_slice %get3A_1859 {offsets = [0], sizes = [1], strides = [1]} : vector<16xi32> to vector<1xi32>
        %squeeze3A = vector.extract %slice3A[0] : i32 from vector<1xi32>
        %get3A_1860 = arith.index_cast %while3A_1857 : i32 to index
        %get3A_1861 = tpu.vector_load %arg11[%get3A_1860] {strides = array<i32>} : memref<144xi32, #tpu.memory_space<vmem>>, vector<16xi32>,
        %slice3A_1862 = vector.extract_strided_slice %get3A_1861 {offsets = [0], sizes = [1], strides = [1]} : vector<16xi32> to vector<1xi32>
        %squeeze3A_1863 = vector.extract %slice3A_1862[0] : i32 from vector<1xi32>
        %get3A_1864 = arith.index_cast %squeeze3A_1863 : i32 to index
        %get3A_1865 = arith.constant 0 : index
        %get3A_1866 = tpu.vector_load %arg9[%get3A_1864, %get3A_1865] {strides = array<i32>} : memref<4x64xf32, #tpu.memory_space<vmem>>, vector<16xf32>,
        %swap3A_1867 = arith.constant 1 : i32
        %swap3A_1868 = arith.index_cast %swap3A_1867 : i32 to index
        %swap3A_1869 = arith.index_cast %squeeze3A : i32 to index
        %swap3A_1870 = arith.constant 0 : index
        %swap3A_1871 = tpu.vector_load %arg7[%swap3A_1868, %swap3A_1869, %swap3A_1870] {strides = array<i32>} : memref<2x128x128xf32, #tpu.memory_space<vmem>>, vector<16xf32>,
        tpu.vector_store %arg7[%swap3A_1868, %swap3A_1869, %swap3A_1870], %get3A_1866 {strides = array<i32>} : memref<2x128x128xf32, #tpu.memory_space<vmem>>, vector<16xf32>,
        %get3A_1872 = arith.index_cast %squeeze3A_1863 : i32 to index
        %get3A_1873 = arith.constant 16 : index
        %get3A_1874 = tpu.vector_load %arg9[%get3A_1872, %get3A_1873] {strides = array<i32>} : memref<4x64xf32, #tpu.memory_space<vmem>>, vector<16xf32>,
        %swap3A_1875 = arith.constant 1 : i32
        %swap3A_1876 = arith.index_cast %swap3A_1875 : i32 to index
        %swap3A_1877 = arith.index_cast %squeeze3A : i32 to index
        %swap3A_1878 = arith.constant 16 : index
        %swap3A_1879 = tpu.vector_load %arg7[%swap3A_1876, %swap3A_1877, %swap3A_1878] {strides = array<i32>} : memref<2x128x128xf32, #tpu.memory_space<vmem>>, vector<16xf32>,
        tpu.vector_store %arg7[%swap3A_1876, %swap3A_1877, %swap3A_1878], %get3A_1874 {strides = array<i32>} : memref<2x128x128xf32, #tpu.memory_space<vmem>>, vector<16xf32>,
        %get3A_1880 = arith.index_cast %squeeze3A_1863 : i32 to index
        %get3A_1881 = arith.constant 32 : index
        %get3A_1882 = tpu.vector_load %arg9[%get3A_1880, %get3A_1881] {strides = array<i32>} : memref<4x64xf32, #tpu.memory_space<vmem>>, vector<16xf32>,
        %swap3A_1883 = arith.constant 1 : i32
        %swap3A_1884 = arith.index_cast %swap3A_1883 : i32 to index
        %swap3A_1885 = arith.index_cast %squeeze3A : i32 to index
        %swap3A_1886 = arith.constant 32 : index
        %swap3A_1887 = tpu.vector_load %arg7[%swap3A_1884, %swap3A_1885, %swap3A_1886] {strides = array<i32>} : memref<2x128x128xf32, #tpu.memory_space<vmem>>, vector<16xf32>,
        tpu.vector_store %arg7[%swap3A_1884, %swap3A_1885, %swap3A_1886], %get3A_1882 {strides = array<i32>} : memref<2x128x128xf32, #tpu.memory_space<vmem>>, vector<16xf32>,
        %get3A_1888 = arith.index_cast %squeeze3A_1863 : i32 to index
        %get3A_1889 = arith.constant 48 : index
        %get3A_1890 = tpu.vector_load %arg9[%get3A_1888, %get3A_1889] {strides = array<i32>} : memref<4x64xf32, #tpu.memory_space<vmem>>, vector<16xf32>,
        %swap3A_1891 = arith.constant 1 : i32
        %swap3A_1892 = arith.index_cast %swap3A_1891 : i32 to index
        %swap3A_1893 = arith.index_cast %squeeze3A : i32 to index
        %swap3A_1894 = arith.constant 48 : index
        %swap3A_1895 = tpu.vector_load %arg7[%swap3A_1892, %swap3A_1893, %swap3A_1894] {strides = array<i32>} : memref<2x128x128xf32, #tpu.memory_space<vmem>>, vector<16xf32>,
        tpu.vector_store %arg7[%swap3A_1892, %swap3A_1893, %swap3A_1894], %get3A_1890 {strides = array<i32>} : memref<2x128x128xf32, #tpu.memory_space<vmem>>, vector<16xf32>,
      }
      %while3A_1704 = arith.constant 1 : i32
      scf.for %while3A_1857 = %while3A_1702 to %while3A_1698 step %while3A_1704  : i32 {
        %get3A_1858 = arith.index_cast %while3A_1857 : i32 to index
        %get3A_1859 = tpu.vector_load %arg10[%get3A_1858] {strides = array<i32>} : memref<144xi32, #tpu.memory_space<vmem>>, vector<16xi32>,
        %slice3A = vector.extract_strided_slice %get3A_1859 {offsets = [0], sizes = [1], strides = [1]} : vector<16xi32> to vector<1xi32>
        %squeeze3A = vector.extract %slice3A[0] : i32 from vector<1xi32>
        %get3A_1860 = arith.index_cast %while3A_1857 : i32 to index
        %get3A_1861 = tpu.vector_load %arg11[%get3A_1860] {strides = array<i32>} : memref<144xi32, #tpu.memory_space<vmem>>, vector<16xi32>,
        %slice3A_1862 = vector.extract_strided_slice %get3A_1861 {offsets = [0], sizes = [1], strides = [1]} : vector<16xi32> to vector<1xi32>
        %squeeze3A_1863 = vector.extract %slice3A_1862[0] : i32 from vector<1xi32>
        %get3A_1864 = arith.index_cast %squeeze3A_1863 : i32 to index
        %get3A_1865 = arith.constant 0 : index
        %get3A_1866 = tpu.vector_load %arg9[%get3A_1864, %get3A_1865] {strides = array<i32>} : memref<4x64xf32, #tpu.memory_space<vmem>>, vector<16xf32>,
        %swap3A_1867 = arith.constant 1 : i32
        %swap3A_1868 = arith.index_cast %swap3A_1867 : i32 to index
        %swap3A_1869 = arith.index_cast %squeeze3A : i32 to index
        %swap3A_1870 = arith.constant 0 : index
        %swap3A_1871 = tpu.vector_load %arg7[%swap3A_1868, %swap3A_1869, %swap3A_1870] {strides = array<i32>} : memref<2x128x128xf32, #tpu.memory_space<vmem>>, vector<16xf32>,
        tpu.vector_store %arg7[%swap3A_1868, %swap3A_1869, %swap3A_1870], %get3A_1866 {strides = array<i32>} : memref<2x128x128xf32, #tpu.memory_space<vmem>>, vector<16xf32>,
        %get3A_1872 = arith.index_cast %squeeze3A_1863 : i32 to index
        %get3A_1873 = arith.constant 16 : index
        %get3A_1874 = tpu.vector_load %arg9[%get3A_1872, %get3A_1873] {strides = array<i32>} : memref<4x64xf32, #tpu.memory_space<vmem>>, vector<16xf32>,
        %swap3A_1875 = arith.constant 1 : i32
        %swap3A_1876 = arith.index_cast %swap3A_1875 : i32 to index
        %swap3A_1877 = arith.index_cast %squeeze3A : i32 to index
        %swap3A_1878 = arith.constant 16 : index
        %swap3A_1879 = tpu.vector_load %arg7[%swap3A_1876, %swap3A_1877, %swap3A_1878] {strides = array<i32>} : memref<2x128x128xf32, #tpu.memory_space<vmem>>, vector<16xf32>,
        tpu.vector_store %arg7[%swap3A_1876, %swap3A_1877, %swap3A_1878], %get3A_1874 {strides = array<i32>} : memref<2x128x128xf32, #tpu.memory_space<vmem>>, vector<16xf32>,
        %get3A_1880 = arith.index_cast %squeeze3A_1863 : i32 to index
        %get3A_1881 = arith.constant 32 : index
        %get3A_1882 = tpu.vector_load %arg9[%get3A_1880, %get3A_1881] {strides = array<i32>} : memref<4x64xf32, #tpu.memory_space<vmem>>, vector<16xf32>,
        %swap3A_1883 = arith.constant 1 : i32
        %swap3A_1884 = arith.index_cast %swap3A_1883 : i32 to index
        %swap3A_1885 = arith.index_cast %squeeze3A : i32 to index
        %swap3A_1886 = arith.constant 32 : index
        %swap3A_1887 = tpu.vector_load %arg7[%swap3A_1884, %swap3A_1885, %swap3A_1886] {strides = array<i32>} : memref<2x128x128xf32, #tpu.memory_space<vmem>>, vector<16xf32>,
        tpu.vector_store %arg7[%swap3A_1884, %swap3A_1885, %swap3A_1886], %get3A_1882 {strides = array<i32>} : memref<2x128x128xf32, #tpu.memory_space<vmem>>, vector<16xf32>,
        %get3A_1888 = arith.index_cast %squeeze3A_1863 : i32 to index
        %get3A_1889 = arith.constant 48 : index
        %get3A_1890 = tpu.vector_load %arg9[%get3A_1888, %get3A_1889] {strides = array<i32>} : memref<4x64xf32, #tpu.memory_space<vmem>>, vector<16xf32>,
        %swap3A_1891 = arith.constant 1 : i32
        %swap3A_1892 = arith.index_cast %swap3A_1891 : i32 to index
        %swap3A_1893 = arith.index_cast %squeeze3A : i32 to index
        %swap3A_1894 = arith.constant 48 : index
        %swap3A_1895 = tpu.vector_load %arg7[%swap3A_1892, %swap3A_1893, %swap3A_1894] {strides = array<i32>} : memref<2x128x128xf32, #tpu.memory_space<vmem>>, vector<16xf32>,
        tpu.vector_store %arg7[%swap3A_1892, %swap3A_1893, %swap3A_1894], %get3A_1890 {strides = array<i32>} : memref<2x128x128xf32, #tpu.memory_space<vmem>>, vector<16xf32>,
      }
      %ge3A_1705 = arith.constant 2 : i32
      %ge3A_1706 = arith.cmpi sge, %add3A_1136, %ge3A_1705 : i32
      %convert_element_type3A_1707 = arith.extui %ge3A_1706 : i1 to i32
      %cond3A_1708 = arith.constant 0 : i32
      %cond3A_1709 = arith.cmpi ne, %convert_element_type3A_1707, %cond3A_1708 : i32
      scf.if %cond3A_1709 {
        %sub3A_1857 = arith.constant 2 : i32
        %sub3A_1858 = arith.subi %add3A_1136, %sub3A_1857 : i32
        %dma_wait3A_1859 = arith.constant 1 : i32
        %dma_wait3A_1860 = arith.constant 0 : i32
        %dma_wait3A_1861 = arith.constant 0 : i32
        %dma_wait3A_1862 = arith.constant 0 : i32
        %dma_wait3A_1863 = tpu.memref_slice %arg8[%dma_wait3A_1859, %dma_wait3A_1861, %dma_wait3A_1862] : memref<2x64x129xf32, #tpu.memory_space<vmem>> -> memref<1x8x128xf32, #tpu.memory_space<vmem>>
        %dma_wait3A_1864 = tpu.memref_squeeze %dma_wait3A_1863 : memref<1x8x128xf32, #tpu.memory_space<vmem>> -> memref<8x128xf32, #tpu.memory_space<vmem>>
        %dma_wait3A_1865 = arith.constant 0 : i32
        %dma_wait3A_1866 = arith.constant 0 : i32
        %dma_wait3A_1867 = tpu.memref_slice %arg5[%sub3A_1858, %dma_wait3A_1860, %add3A, %dma_wait3A_1865, %dma_wait3A_1866] : memref<200x8x32x8x128xf32, #tpu.memory_space<hbm>> -> memref<1x1x1x8x128xf32, #tpu.memory_space<hbm>>
        %dma_wait3A_1868 = tpu.memref_squeeze %dma_wait3A_1867 : memref<1x1x1x8x128xf32, #tpu.memory_space<hbm>> -> memref<8x128xf32, #tpu.memory_space<hbm>>
        %dma_wait3A_1869 = arith.constant 0 : i32
        %dma_wait3A_1870 = arith.constant 0 : i32
        %dma_wait3A_1871 = tpu.memref_slice %arg5[%sub3A_1858, %dma_wait3A_1860, %add3A, %dma_wait3A_1869, %dma_wait3A_1870] : memref<200x8x32x8x128xf32, #tpu.memory_space<hbm>> -> memref<1x1x1x8x128xf32, #tpu.memory_space<hbm>>
        %dma_wait3A_1872 = tpu.memref_squeeze %dma_wait3A_1871 : memref<1x1x1x8x128xf32, #tpu.memory_space<hbm>> -> memref<8x128xf32, #tpu.memory_space<hbm>>
        %dma_wait3A_1873 = arith.constant 0 : i32
        %dma_wait3A_1874 = arith.constant 0 : i32
        %dma_wait3A_1875 = tpu.memref_slice %arg8[%dma_wait3A_1859, %dma_wait3A_1873, %dma_wait3A_1874] : memref<2x64x129xf32, #tpu.memory_space<vmem>> -> memref<1x8x128xf32, #tpu.memory_space<vmem>>
        %dma_wait3A_1876 = tpu.memref_squeeze %dma_wait3A_1875 : memref<1x8x128xf32, #tpu.memory_space<vmem>> -> memref<8x128xf32, #tpu.memory_space<vmem>>
        tpu.wait_dma2 semaphore(%arg15 : memref<!tpu.dma_semaphore, #tpu.memory_space<semaphore_mem>>) src(%dma_wait3A_1876 : memref<8x128xf32, #tpu.memory_space<vmem>>) dst(%dma_wait3A_1872 : memref<8x128xf32, #tpu.memory_space<hbm>>)
        %sub3A_1877 = arith.constant 2 : i32
        %sub3A_1878 = arith.subi %add3A_1136, %sub3A_1877 : i32
        %dma_wait3A_1879 = arith.constant 1 : i32
        %dma_wait3A_1880 = arith.constant 1 : i32
        %dma_wait3A_1881 = arith.constant 8 : i32
        %dma_wait3A_1882 = arith.constant 0 : i32
        %dma_wait3A_1883 = tpu.memref_slice %arg8[%dma_wait3A_1879, %dma_wait3A_1881, %dma_wait3A_1882] : memref<2x64x129xf32, #tpu.memory_space<vmem>> -> memref<1x8x128xf32, #tpu.memory_space<vmem>>
        %dma_wait3A_1884 = tpu.memref_squeeze %dma_wait3A_1883 : memref<1x8x128xf32, #tpu.memory_space<vmem>> -> memref<8x128xf32, #tpu.memory_space<vmem>>
        %dma_wait3A_1885 = arith.constant 0 : i32
        %dma_wait3A_1886 = arith.constant 0 : i32
        %dma_wait3A_1887 = tpu.memref_slice %arg5[%sub3A_1878, %dma_wait3A_1880, %add3A, %dma_wait3A_1885, %dma_wait3A_1886] : memref<200x8x32x8x128xf32, #tpu.memory_space<hbm>> -> memref<1x1x1x8x128xf32, #tpu.memory_space<hbm>>
        %dma_wait3A_1888 = tpu.memref_squeeze %dma_wait3A_1887 : memref<1x1x1x8x128xf32, #tpu.memory_space<hbm>> -> memref<8x128xf32, #tpu.memory_space<hbm>>
        %dma_wait3A_1889 = arith.constant 0 : i32
        %dma_wait3A_1890 = arith.constant 0 : i32
        %dma_wait3A_1891 = tpu.memref_slice %arg5[%sub3A_1878, %dma_wait3A_1880, %add3A, %dma_wait3A_1889, %dma_wait3A_1890] : memref<200x8x32x8x128xf32, #tpu.memory_space<hbm>> -> memref<1x1x1x8x128xf32, #tpu.memory_space<hbm>>
        %dma_wait3A_1892 = tpu.memref_squeeze %dma_wait3A_1891 : memref<1x1x1x8x128xf32, #tpu.memory_space<hbm>> -> memref<8x128xf32, #tpu.memory_space<hbm>>
        %dma_wait3A_1893 = arith.constant 8 : i32
        %dma_wait3A_1894 = arith.constant 0 : i32
        %dma_wait3A_1895 = tpu.memref_slice %arg8[%dma_wait3A_1879, %dma_wait3A_1893, %dma_wait3A_1894] : memref<2x64x129xf32, #tpu.memory_space<vmem>> -> memref<1x8x128xf32, #tpu.memory_space<vmem>>
        %dma_wait3A_1896 = tpu.memref_squeeze %dma_wait3A_1895 : memref<1x8x128xf32, #tpu.memory_space<vmem>> -> memref<8x128xf32, #tpu.memory_space<vmem>>
        tpu.wait_dma2 semaphore(%arg15 : memref<!tpu.dma_semaphore, #tpu.memory_space<semaphore_mem>>) src(%dma_wait3A_1896 : memref<8x128xf32, #tpu.memory_space<vmem>>) dst(%dma_wait3A_1892 : memref<8x128xf32, #tpu.memory_space<hbm>>)
        %sub3A_1897 = arith.constant 2 : i32
        %sub3A_1898 = arith.subi %add3A_1136, %sub3A_1897 : i32
        %dma_wait3A_1899 = arith.constant 1 : i32
        %dma_wait3A_1900 = arith.constant 2 : i32
        %dma_wait3A_1901 = arith.constant 16 : i32
        %dma_wait3A_1902 = arith.constant 0 : i32
        %dma_wait3A_1903 = tpu.memref_slice %arg8[%dma_wait3A_1899, %dma_wait3A_1901, %dma_wait3A_1902] : memref<2x64x129xf32, #tpu.memory_space<vmem>> -> memref<1x8x128xf32, #tpu.memory_space<vmem>>
        %dma_wait3A_1904 = tpu.memref_squeeze %dma_wait3A_1903 : memref<1x8x128xf32, #tpu.memory_space<vmem>> -> memref<8x128xf32, #tpu.memory_space<vmem>>
        %dma_wait3A_1905 = arith.constant 0 : i32
        %dma_wait3A_1906 = arith.constant 0 : i32
        %dma_wait3A_1907 = tpu.memref_slice %arg5[%sub3A_1898, %dma_wait3A_1900, %add3A, %dma_wait3A_1905, %dma_wait3A_1906] : memref<200x8x32x8x128xf32, #tpu.memory_space<hbm>> -> memref<1x1x1x8x128xf32, #tpu.memory_space<hbm>>
        %dma_wait3A_1908 = tpu.memref_squeeze %dma_wait3A_1907 : memref<1x1x1x8x128xf32, #tpu.memory_space<hbm>> -> memref<8x128xf32, #tpu.memory_space<hbm>>
        %dma_wait3A_1909 = arith.constant 0 : i32
        %dma_wait3A_1910 = arith.constant 0 : i32
        %dma_wait3A_1911 = tpu.memref_slice %arg5[%sub3A_1898, %dma_wait3A_1900, %add3A, %dma_wait3A_1909, %dma_wait3A_1910] : memref<200x8x32x8x128xf32, #tpu.memory_space<hbm>> -> memref<1x1x1x8x128xf32, #tpu.memory_space<hbm>>
        %dma_wait3A_1912 = tpu.memref_squeeze %dma_wait3A_1911 : memref<1x1x1x8x128xf32, #tpu.memory_space<hbm>> -> memref<8x128xf32, #tpu.memory_space<hbm>>
        %dma_wait3A_1913 = arith.constant 16 : i32
        %dma_wait3A_1914 = arith.constant 0 : i32
        %dma_wait3A_1915 = tpu.memref_slice %arg8[%dma_wait3A_1899, %dma_wait3A_1913, %dma_wait3A_1914] : memref<2x64x129xf32, #tpu.memory_space<vmem>> -> memref<1x8x128xf32, #tpu.memory_space<vmem>>
        %dma_wait3A_1916 = tpu.memref_squeeze %dma_wait3A_1915 : memref<1x8x128xf32, #tpu.memory_space<vmem>> -> memref<8x128xf32, #tpu.memory_space<vmem>>
        tpu.wait_dma2 semaphore(%arg15 : memref<!tpu.dma_semaphore, #tpu.memory_space<semaphore_mem>>) src(%dma_wait3A_1916 : memref<8x128xf32, #tpu.memory_space<vmem>>) dst(%dma_wait3A_1912 : memref<8x128xf32, #tpu.memory_space<hbm>>)
        %sub3A_1917 = arith.constant 2 : i32
        %sub3A_1918 = arith.subi %add3A_1136, %sub3A_1917 : i32
        %dma_wait3A_1919 = arith.constant 1 : i32
        %dma_wait3A_1920 = arith.constant 3 : i32
        %dma_wait3A_1921 = arith.constant 24 : i32
        %dma_wait3A_1922 = arith.constant 0 : i32
        %dma_wait3A_1923 = tpu.memref_slice %arg8[%dma_wait3A_1919, %dma_wait3A_1921, %dma_wait3A_1922] : memref<2x64x129xf32, #tpu.memory_space<vmem>> -> memref<1x8x128xf32, #tpu.memory_space<vmem>>
        %dma_wait3A_1924 = tpu.memref_squeeze %dma_wait3A_1923 : memref<1x8x128xf32, #tpu.memory_space<vmem>> -> memref<8x128xf32, #tpu.memory_space<vmem>>
        %dma_wait3A_1925 = arith.constant 0 : i32
        %dma_wait3A_1926 = arith.constant 0 : i32
        %dma_wait3A_1927 = tpu.memref_slice %arg5[%sub3A_1918, %dma_wait3A_1920, %add3A, %dma_wait3A_1925, %dma_wait3A_1926] : memref<200x8x32x8x128xf32, #tpu.memory_space<hbm>> -> memref<1x1x1x8x128xf32, #tpu.memory_space<hbm>>
        %dma_wait3A_1928 = tpu.memref_squeeze %dma_wait3A_1927 : memref<1x1x1x8x128xf32, #tpu.memory_space<hbm>> -> memref<8x128xf32, #tpu.memory_space<hbm>>
        %dma_wait3A_1929 = arith.constant 0 : i32
        %dma_wait3A_1930 = arith.constant 0 : i32
        %dma_wait3A_1931 = tpu.memref_slice %arg5[%sub3A_1918, %dma_wait3A_1920, %add3A, %dma_wait3A_1929, %dma_wait3A_1930] : memref<200x8x32x8x128xf32, #tpu.memory_space<hbm>> -> memref<1x1x1x8x128xf32, #tpu.memory_space<hbm>>
        %dma_wait3A_1932 = tpu.memref_squeeze %dma_wait3A_1931 : memref<1x1x1x8x128xf32, #tpu.memory_space<hbm>> -> memref<8x128xf32, #tpu.memory_space<hbm>>
        %dma_wait3A_1933 = arith.constant 24 : i32
        %dma_wait3A_1934 = arith.constant 0 : i32
        %dma_wait3A_1935 = tpu.memref_slice %arg8[%dma_wait3A_1919, %dma_wait3A_1933, %dma_wait3A_1934] : memref<2x64x129xf32, #tpu.memory_space<vmem>> -> memref<1x8x128xf32, #tpu.memory_space<vmem>>
        %dma_wait3A_1936 = tpu.memref_squeeze %dma_wait3A_1935 : memref<1x8x128xf32, #tpu.memory_space<vmem>> -> memref<8x128xf32, #tpu.memory_space<vmem>>
        tpu.wait_dma2 semaphore(%arg15 : memref<!tpu.dma_semaphore, #tpu.memory_space<semaphore_mem>>) src(%dma_wait3A_1936 : memref<8x128xf32, #tpu.memory_space<vmem>>) dst(%dma_wait3A_1932 : memref<8x128xf32, #tpu.memory_space<hbm>>)
        %sub3A_1937 = arith.constant 2 : i32
        %sub3A_1938 = arith.subi %add3A_1136, %sub3A_1937 : i32
        %dma_wait3A_1939 = arith.constant 1 : i32
        %dma_wait3A_1940 = arith.constant 4 : i32
        %dma_wait3A_1941 = arith.constant 32 : i32
        %dma_wait3A_1942 = arith.constant 0 : i32
        %dma_wait3A_1943 = tpu.memref_slice %arg8[%dma_wait3A_1939, %dma_wait3A_1941, %dma_wait3A_1942] : memref<2x64x129xf32, #tpu.memory_space<vmem>> -> memref<1x8x128xf32, #tpu.memory_space<vmem>>
        %dma_wait3A_1944 = tpu.memref_squeeze %dma_wait3A_1943 : memref<1x8x128xf32, #tpu.memory_space<vmem>> -> memref<8x128xf32, #tpu.memory_space<vmem>>
        %dma_wait3A_1945 = arith.constant 0 : i32
        %dma_wait3A_1946 = arith.constant 0 : i32
        %dma_wait3A_1947 = tpu.memref_slice %arg5[%sub3A_1938, %dma_wait3A_1940, %add3A, %dma_wait3A_1945, %dma_wait3A_1946] : memref<200x8x32x8x128xf32, #tpu.memory_space<hbm>> -> memref<1x1x1x8x128xf32, #tpu.memory_space<hbm>>
        %dma_wait3A_1948 = tpu.memref_squeeze %dma_wait3A_1947 : memref<1x1x1x8x128xf32, #tpu.memory_space<hbm>> -> memref<8x128xf32, #tpu.memory_space<hbm>>
        %dma_wait3A_1949 = arith.constant 0 : i32
        %dma_wait3A_1950 = arith.constant 0 : i32
        %dma_wait3A_1951 = tpu.memref_slice %arg5[%sub3A_1938, %dma_wait3A_1940, %add3A, %dma_wait3A_1949, %dma_wait3A_1950] : memref<200x8x32x8x128xf32, #tpu.memory_space<hbm>> -> memref<1x1x1x8x128xf32, #tpu.memory_space<hbm>>
        %dma_wait3A_1952 = tpu.memref_squeeze %dma_wait3A_1951 : memref<1x1x1x8x128xf32, #tpu.memory_space<hbm>> -> memref<8x128xf32, #tpu.memory_space<hbm>>
        %dma_wait3A_1953 = arith.constant 32 : i32
        %dma_wait3A_1954 = arith.constant 0 : i32
        %dma_wait3A_1955 = tpu.memref_slice %arg8[%dma_wait3A_1939, %dma_wait3A_1953, %dma_wait3A_1954] : memref<2x64x129xf32, #tpu.memory_space<vmem>> -> memref<1x8x128xf32, #tpu.memory_space<vmem>>
        %dma_wait3A_1956 = tpu.memref_squeeze %dma_wait3A_1955 : memref<1x8x128xf32, #tpu.memory_space<vmem>> -> memref<8x128xf32, #tpu.memory_space<vmem>>
        tpu.wait_dma2 semaphore(%arg15 : memref<!tpu.dma_semaphore, #tpu.memory_space<semaphore_mem>>) src(%dma_wait3A_1956 : memref<8x128xf32, #tpu.memory_space<vmem>>) dst(%dma_wait3A_1952 : memref<8x128xf32, #tpu.memory_space<hbm>>)
        %sub3A_1957 = arith.constant 2 : i32
        %sub3A_1958 = arith.subi %add3A_1136, %sub3A_1957 : i32
        %dma_wait3A_1959 = arith.constant 1 : i32
        %dma_wait3A_1960 = arith.constant 5 : i32
        %dma_wait3A_1961 = arith.constant 40 : i32
        %dma_wait3A_1962 = arith.constant 0 : i32
        %dma_wait3A_1963 = tpu.memref_slice %arg8[%dma_wait3A_1959, %dma_wait3A_1961, %dma_wait3A_1962] : memref<2x64x129xf32, #tpu.memory_space<vmem>> -> memref<1x8x128xf32, #tpu.memory_space<vmem>>
        %dma_wait3A_1964 = tpu.memref_squeeze %dma_wait3A_1963 : memref<1x8x128xf32, #tpu.memory_space<vmem>> -> memref<8x128xf32, #tpu.memory_space<vmem>>
        %dma_wait3A_1965 = arith.constant 0 : i32
        %dma_wait3A_1966 = arith.constant 0 : i32
        %dma_wait3A_1967 = tpu.memref_slice %arg5[%sub3A_1958, %dma_wait3A_1960, %add3A, %dma_wait3A_1965, %dma_wait3A_1966] : memref<200x8x32x8x128xf32, #tpu.memory_space<hbm>> -> memref<1x1x1x8x128xf32, #tpu.memory_space<hbm>>
        %dma_wait3A_1968 = tpu.memref_squeeze %dma_wait3A_1967 : memref<1x1x1x8x128xf32, #tpu.memory_space<hbm>> -> memref<8x128xf32, #tpu.memory_space<hbm>>
        %dma_wait3A_1969 = arith.constant 0 : i32
        %dma_wait3A_1970 = arith.constant 0 : i32
        %dma_wait3A_1971 = tpu.memref_slice %arg5[%sub3A_1958, %dma_wait3A_1960, %add3A, %dma_wait3A_1969, %dma_wait3A_1970] : memref<200x8x32x8x128xf32, #tpu.memory_space<hbm>> -> memref<1x1x1x8x128xf32, #tpu.memory_space<hbm>>
        %dma_wait3A_1972 = tpu.memref_squeeze %dma_wait3A_1971 : memref<1x1x1x8x128xf32, #tpu.memory_space<hbm>> -> memref<8x128xf32, #tpu.memory_space<hbm>>
        %dma_wait3A_1973 = arith.constant 40 : i32
        %dma_wait3A_1974 = arith.constant 0 : i32
        %dma_wait3A_1975 = tpu.memref_slice %arg8[%dma_wait3A_1959, %dma_wait3A_1973, %dma_wait3A_1974] : memref<2x64x129xf32, #tpu.memory_space<vmem>> -> memref<1x8x128xf32, #tpu.memory_space<vmem>>
        %dma_wait3A_1976 = tpu.memref_squeeze %dma_wait3A_1975 : memref<1x8x128xf32, #tpu.memory_space<vmem>> -> memref<8x128xf32, #tpu.memory_space<vmem>>
        tpu.wait_dma2 semaphore(%arg15 : memref<!tpu.dma_semaphore, #tpu.memory_space<semaphore_mem>>) src(%dma_wait3A_1976 : memref<8x128xf32, #tpu.memory_space<vmem>>) dst(%dma_wait3A_1972 : memref<8x128xf32, #tpu.memory_space<hbm>>)
        %sub3A_1977 = arith.constant 2 : i32
        %sub3A_1978 = arith.subi %add3A_1136, %sub3A_1977 : i32
        %dma_wait3A_1979 = arith.constant 1 : i32
        %dma_wait3A_1980 = arith.constant 6 : i32
        %dma_wait3A_1981 = arith.constant 48 : i32
        %dma_wait3A_1982 = arith.constant 0 : i32
        %dma_wait3A_1983 = tpu.memref_slice %arg8[%dma_wait3A_1979, %dma_wait3A_1981, %dma_wait3A_1982] : memref<2x64x129xf32, #tpu.memory_space<vmem>> -> memref<1x8x128xf32, #tpu.memory_space<vmem>>
        %dma_wait3A_1984 = tpu.memref_squeeze %dma_wait3A_1983 : memref<1x8x128xf32, #tpu.memory_space<vmem>> -> memref<8x128xf32, #tpu.memory_space<vmem>>
        %dma_wait3A_1985 = arith.constant 0 : i32
        %dma_wait3A_1986 = arith.constant 0 : i32
        %dma_wait3A_1987 = tpu.memref_slice %arg5[%sub3A_1978, %dma_wait3A_1980, %add3A, %dma_wait3A_1985, %dma_wait3A_1986] : memref<200x8x32x8x128xf32, #tpu.memory_space<hbm>> -> memref<1x1x1x8x128xf32, #tpu.memory_space<hbm>>
        %dma_wait3A_1988 = tpu.memref_squeeze %dma_wait3A_1987 : memref<1x1x1x8x128xf32, #tpu.memory_space<hbm>> -> memref<8x128xf32, #tpu.memory_space<hbm>>
        %dma_wait3A_1989 = arith.constant 0 : i32
        %dma_wait3A_1990 = arith.constant 0 : i32
        %dma_wait3A_1991 = tpu.memref_slice %arg5[%sub3A_1978, %dma_wait3A_1980, %add3A, %dma_wait3A_1989, %dma_wait3A_1990] : memref<200x8x32x8x128xf32, #tpu.memory_space<hbm>> -> memref<1x1x1x8x128xf32, #tpu.memory_space<hbm>>
        %dma_wait3A_1992 = tpu.memref_squeeze %dma_wait3A_1991 : memref<1x1x1x8x128xf32, #tpu.memory_space<hbm>> -> memref<8x128xf32, #tpu.memory_space<hbm>>
        %dma_wait3A_1993 = arith.constant 48 : i32
        %dma_wait3A_1994 = arith.constant 0 : i32
        %dma_wait3A_1995 = tpu.memref_slice %arg8[%dma_wait3A_1979, %dma_wait3A_1993, %dma_wait3A_1994] : memref<2x64x129xf32, #tpu.memory_space<vmem>> -> memref<1x8x128xf32, #tpu.memory_space<vmem>>
        %dma_wait3A_1996 = tpu.memref_squeeze %dma_wait3A_1995 : memref<1x8x128xf32, #tpu.memory_space<vmem>> -> memref<8x128xf32, #tpu.memory_space<vmem>>
        tpu.wait_dma2 semaphore(%arg15 : memref<!tpu.dma_semaphore, #tpu.memory_space<semaphore_mem>>) src(%dma_wait3A_1996 : memref<8x128xf32, #tpu.memory_space<vmem>>) dst(%dma_wait3A_1992 : memref<8x128xf32, #tpu.memory_space<hbm>>)
        %sub3A_1997 = arith.constant 2 : i32
        %sub3A_1998 = arith.subi %add3A_1136, %sub3A_1997 : i32
        %dma_wait3A_1999 = arith.constant 1 : i32
        %dma_wait3A_2000 = arith.constant 7 : i32
        %dma_wait3A_2001 = arith.constant 56 : i32
        %dma_wait3A_2002 = arith.constant 0 : i32
        %dma_wait3A_2003 = tpu.memref_slice %arg8[%dma_wait3A_1999, %dma_wait3A_2001, %dma_wait3A_2002] : memref<2x64x129xf32, #tpu.memory_space<vmem>> -> memref<1x8x128xf32, #tpu.memory_space<vmem>>
        %dma_wait3A_2004 = tpu.memref_squeeze %dma_wait3A_2003 : memref<1x8x128xf32, #tpu.memory_space<vmem>> -> memref<8x128xf32, #tpu.memory_space<vmem>>
        %dma_wait3A_2005 = arith.constant 0 : i32
        %dma_wait3A_2006 = arith.constant 0 : i32
        %dma_wait3A_2007 = tpu.memref_slice %arg5[%sub3A_1998, %dma_wait3A_2000, %add3A, %dma_wait3A_2005, %dma_wait3A_2006] : memref<200x8x32x8x128xf32, #tpu.memory_space<hbm>> -> memref<1x1x1x8x128xf32, #tpu.memory_space<hbm>>
        %dma_wait3A_2008 = tpu.memref_squeeze %dma_wait3A_2007 : memref<1x1x1x8x128xf32, #tpu.memory_space<hbm>> -> memref<8x128xf32, #tpu.memory_space<hbm>>
        %dma_wait3A_2009 = arith.constant 0 : i32
        %dma_wait3A_2010 = arith.constant 0 : i32
        %dma_wait3A_2011 = tpu.memref_slice %arg5[%sub3A_1998, %dma_wait3A_2000, %add3A, %dma_wait3A_2009, %dma_wait3A_2010] : memref<200x8x32x8x128xf32, #tpu.memory_space<hbm>> -> memref<1x1x1x8x128xf32, #tpu.memory_space<hbm>>
        %dma_wait3A_2012 = tpu.memref_squeeze %dma_wait3A_2011 : memref<1x1x1x8x128xf32, #tpu.memory_space<hbm>> -> memref<8x128xf32, #tpu.memory_space<hbm>>
        %dma_wait3A_2013 = arith.constant 56 : i32
        %dma_wait3A_2014 = arith.constant 0 : i32
        %dma_wait3A_2015 = tpu.memref_slice %arg8[%dma_wait3A_1999, %dma_wait3A_2013, %dma_wait3A_2014] : memref<2x64x129xf32, #tpu.memory_space<vmem>> -> memref<1x8x128xf32, #tpu.memory_space<vmem>>
        %dma_wait3A_2016 = tpu.memref_squeeze %dma_wait3A_2015 : memref<1x8x128xf32, #tpu.memory_space<vmem>> -> memref<8x128xf32, #tpu.memory_space<vmem>>
        tpu.wait_dma2 semaphore(%arg15 : memref<!tpu.dma_semaphore, #tpu.memory_space<semaphore_mem>>) src(%dma_wait3A_2016 : memref<8x128xf32, #tpu.memory_space<vmem>>) dst(%dma_wait3A_2012 : memref<8x128xf32, #tpu.memory_space<hbm>>)
      } else {
      }
      %parallel_loop3A_1710 = arith.constant 0 : i32
      %parallel_loop3A_1711 = arith.constant 128 : i32
      %parallel_loop3A_1712 = arith.constant 1 : i32
      scf.for %parallel_loop3A_1857 = %parallel_loop3A_1710 to %parallel_loop3A_1711 step %parallel_loop3A_1712  : i32 {
        %parallel_loop3A_1858 = vector.broadcast %parallel_loop3A_1857 : i32 to vector<16xi32>
        %parallel_loop3A_1859 = arith.constant 0 : i32
        %parallel_loop3A_1860 = vector.broadcast %parallel_loop3A_1859 : i32 to vector<16xi32>
        %parallel_loop3A_1861 = arith.addi %iota3A, %parallel_loop3A_1860 : vector<16xi32>
        %parallel_loop3A_1862 = arith.constant 1 : i32
        %parallel_loop3A_1863 = arith.index_cast %parallel_loop3A_1862 : i32 to index
        %parallel_loop3A_1864 = arith.index_cast %parallel_loop3A_1857 : i32 to index
        %parallel_loop3A_1865 = arith.constant 0 : index
        %parallel_loop3A_1866 = tpu.vector_load %arg7[%parallel_loop3A_1863, %parallel_loop3A_1864, %parallel_loop3A_1865] {strides = array<i32>} : memref<2x128x128xf32, #tpu.memory_space<vmem>>, vector<16xf32>,
        %parallel_loop3A_1867 = arith.constant 1 : i32
        %parallel_loop3A_1868 = arith.constant 0 : i32
        %parallel_loop3A_1869 = arith.constant 0 : i32
        %parallel_loop3A_1870 = tpu.memref_slice %arg8[%parallel_loop3A_1867, %parallel_loop3A_1868, %parallel_loop3A_1869] : memref<2x64x129xf32, #tpu.memory_space<vmem>> -> memref<1x64x129xf32, #tpu.memory_space<vmem>>
        %parallel_loop3A_1871 = tpu.memref_squeeze %parallel_loop3A_1870 : memref<1x64x129xf32, #tpu.memory_space<vmem>> -> memref<64x129xf32, #tpu.memory_space<vmem>>
        tpu.vector_store_idx %parallel_loop3A_1871[%parallel_loop3A_1861, %parallel_loop3A_1858], %parallel_loop3A_1866 : memref<64x129xf32, #tpu.memory_space<vmem>>[vector<16xi32>, vector<16xi32>], vector<16xf32>,
        %parallel_loop3A_1872 = arith.constant 16 : i32
        %parallel_loop3A_1873 = vector.broadcast %parallel_loop3A_1872 : i32 to vector<16xi32>
        %parallel_loop3A_1874 = arith.addi %iota3A, %parallel_loop3A_1873 : vector<16xi32>
        %parallel_loop3A_1875 = arith.constant 1 : i32
        %parallel_loop3A_1876 = arith.index_cast %parallel_loop3A_1875 : i32 to index
        %parallel_loop3A_1877 = arith.index_cast %parallel_loop3A_1857 : i32 to index
        %parallel_loop3A_1878 = arith.constant 16 : index
        %parallel_loop3A_1879 = tpu.vector_load %arg7[%parallel_loop3A_1876, %parallel_loop3A_1877, %parallel_loop3A_1878] {strides = array<i32>} : memref<2x128x128xf32, #tpu.memory_space<vmem>>, vector<16xf32>,
        %parallel_loop3A_1880 = arith.constant 1 : i32
        %parallel_loop3A_1881 = arith.constant 0 : i32
        %parallel_loop3A_1882 = arith.constant 0 : i32
        %parallel_loop3A_1883 = tpu.memref_slice %arg8[%parallel_loop3A_1880, %parallel_loop3A_1881, %parallel_loop3A_1882] : memref<2x64x129xf32, #tpu.memory_space<vmem>> -> memref<1x64x129xf32, #tpu.memory_space<vmem>>
        %parallel_loop3A_1884 = tpu.memref_squeeze %parallel_loop3A_1883 : memref<1x64x129xf32, #tpu.memory_space<vmem>> -> memref<64x129xf32, #tpu.memory_space<vmem>>
        tpu.vector_store_idx %parallel_loop3A_1884[%parallel_loop3A_1874, %parallel_loop3A_1858], %parallel_loop3A_1879 : memref<64x129xf32, #tpu.memory_space<vmem>>[vector<16xi32>, vector<16xi32>], vector<16xf32>,
        %parallel_loop3A_1885 = arith.constant 32 : i32
        %parallel_loop3A_1886 = vector.broadcast %parallel_loop3A_1885 : i32 to vector<16xi32>
        %parallel_loop3A_1887 = arith.addi %iota3A, %parallel_loop3A_1886 : vector<16xi32>
        %parallel_loop3A_1888 = arith.constant 1 : i32
        %parallel_loop3A_1889 = arith.index_cast %parallel_loop3A_1888 : i32 to index
        %parallel_loop3A_1890 = arith.index_cast %parallel_loop3A_1857 : i32 to index
        %parallel_loop3A_1891 = arith.constant 32 : index
        %parallel_loop3A_1892 = tpu.vector_load %arg7[%parallel_loop3A_1889, %parallel_loop3A_1890, %parallel_loop3A_1891] {strides = array<i32>} : memref<2x128x128xf32, #tpu.memory_space<vmem>>, vector<16xf32>,
        %parallel_loop3A_1893 = arith.constant 1 : i32
        %parallel_loop3A_1894 = arith.constant 0 : i32
        %parallel_loop3A_1895 = arith.constant 0 : i32
        %parallel_loop3A_1896 = tpu.memref_slice %arg8[%parallel_loop3A_1893, %parallel_loop3A_1894, %parallel_loop3A_1895] : memref<2x64x129xf32, #tpu.memory_space<vmem>> -> memref<1x64x129xf32, #tpu.memory_space<vmem>>
        %parallel_loop3A_1897 = tpu.memref_squeeze %parallel_loop3A_1896 : memref<1x64x129xf32, #tpu.memory_space<vmem>> -> memref<64x129xf32, #tpu.memory_space<vmem>>
        tpu.vector_store_idx %parallel_loop3A_1897[%parallel_loop3A_1887, %parallel_loop3A_1858], %parallel_loop3A_1892 : memref<64x129xf32, #tpu.memory_space<vmem>>[vector<16xi32>, vector<16xi32>], vector<16xf32>,
        %parallel_loop3A_1898 = arith.constant 48 : i32
        %parallel_loop3A_1899 = vector.broadcast %parallel_loop3A_1898 : i32 to vector<16xi32>
        %parallel_loop3A_1900 = arith.addi %iota3A, %parallel_loop3A_1899 : vector<16xi32>
        %parallel_loop3A_1901 = arith.constant 1 : i32
        %parallel_loop3A_1902 = arith.index_cast %parallel_loop3A_1901 : i32 to index
        %parallel_loop3A_1903 = arith.index_cast %parallel_loop3A_1857 : i32 to index
        %parallel_loop3A_1904 = arith.constant 48 : index
        %parallel_loop3A_1905 = tpu.vector_load %arg7[%parallel_loop3A_1902, %parallel_loop3A_1903, %parallel_loop3A_1904] {strides = array<i32>} : memref<2x128x128xf32, #tpu.memory_space<vmem>>, vector<16xf32>,
        %parallel_loop3A_1906 = arith.constant 1 : i32
        %parallel_loop3A_1907 = arith.constant 0 : i32
        %parallel_loop3A_1908 = arith.constant 0 : i32
        %parallel_loop3A_1909 = tpu.memref_slice %arg8[%parallel_loop3A_1906, %parallel_loop3A_1907, %parallel_loop3A_1908] : memref<2x64x129xf32, #tpu.memory_space<vmem>> -> memref<1x64x129xf32, #tpu.memory_space<vmem>>
        %parallel_loop3A_1910 = tpu.memref_squeeze %parallel_loop3A_1909 : memref<1x64x129xf32, #tpu.memory_space<vmem>> -> memref<64x129xf32, #tpu.memory_space<vmem>>
        tpu.vector_store_idx %parallel_loop3A_1910[%parallel_loop3A_1900, %parallel_loop3A_1858], %parallel_loop3A_1905 : memref<64x129xf32, #tpu.memory_space<vmem>>[vector<16xi32>, vector<16xi32>], vector<16xf32>,
      } {sc.loop_unroll_factor = 8 : i64, sc.parallel_access}
      %dma_start3A_1713 = arith.constant 1 : i32
      %dma_start3A_1714 = arith.constant 0 : i32
      %dma_start3A_1715 = arith.constant 0 : i32
      %dma_start3A_1716 = arith.constant 0 : i32
      %dma_start3A_1717 = tpu.memref_slice %arg8[%dma_start3A_1713, %dma_start3A_1715, %dma_start3A_1716] : memref<2x64x129xf32, #tpu.memory_space<vmem>> -> memref<1x8x128xf32, #tpu.memory_space<vmem>>
      %dma_start3A_1718 = tpu.memref_squeeze %dma_start3A_1717 : memref<1x8x128xf32, #tpu.memory_space<vmem>> -> memref<8x128xf32, #tpu.memory_space<vmem>>
      %dma_start3A_1719 = arith.constant 0 : i32
      %dma_start3A_1720 = arith.constant 0 : i32
      %dma_start3A_1721 = tpu.memref_slice %arg5[%add3A_1136, %dma_start3A_1714, %add3A, %dma_start3A_1719, %dma_start3A_1720] : memref<200x8x32x8x128xf32, #tpu.memory_space<hbm>> -> memref<1x1x1x8x128xf32, #tpu.memory_space<hbm>>
      %dma_start3A_1722 = tpu.memref_squeeze %dma_start3A_1721 : memref<1x1x1x8x128xf32, #tpu.memory_space<hbm>> -> memref<8x128xf32, #tpu.memory_space<hbm>>
      %dma_start3A_1723 = arith.constant 0 : i32
      %dma_start3A_1724 = arith.constant 0 : i32
      %dma_start3A_1725 = tpu.memref_slice %arg5[%add3A_1136, %dma_start3A_1714, %add3A, %dma_start3A_1723, %dma_start3A_1724] : memref<200x8x32x8x128xf32, #tpu.memory_space<hbm>> -> memref<1x1x1x8x128xf32, #tpu.memory_space<hbm>>
      %dma_start3A_1726 = tpu.memref_squeeze %dma_start3A_1725 : memref<1x1x1x8x128xf32, #tpu.memory_space<hbm>> -> memref<8x128xf32, #tpu.memory_space<hbm>>
      %dma_start3A_1727 = arith.constant 0 : i32
      %dma_start3A_1728 = arith.constant 0 : i32
      %dma_start3A_1729 = tpu.memref_slice %arg8[%dma_start3A_1713, %dma_start3A_1727, %dma_start3A_1728] : memref<2x64x129xf32, #tpu.memory_space<vmem>> -> memref<1x8x128xf32, #tpu.memory_space<vmem>>
      %dma_start3A_1730 = tpu.memref_squeeze %dma_start3A_1729 : memref<1x8x128xf32, #tpu.memory_space<vmem>> -> memref<8x128xf32, #tpu.memory_space<vmem>>
      tpu.enqueue_dma source(%dma_start3A_1730 : memref<8x128xf32, #tpu.memory_space<vmem>>) target(%dma_start3A_1726 : memref<8x128xf32, #tpu.memory_space<hbm>>) target_semaphore(%arg15 : memref<!tpu.dma_semaphore, #tpu.memory_space<semaphore_mem>>)
      %dma_start3A_1731 = arith.constant 1 : i32
      %dma_start3A_1732 = arith.constant 1 : i32
      %dma_start3A_1733 = arith.constant 8 : i32
      %dma_start3A_1734 = arith.constant 0 : i32
      %dma_start3A_1735 = tpu.memref_slice %arg8[%dma_start3A_1731, %dma_start3A_1733, %dma_start3A_1734] : memref<2x64x129xf32, #tpu.memory_space<vmem>> -> memref<1x8x128xf32, #tpu.memory_space<vmem>>
      %dma_start3A_1736 = tpu.memref_squeeze %dma_start3A_1735 : memref<1x8x128xf32, #tpu.memory_space<vmem>> -> memref<8x128xf32, #tpu.memory_space<vmem>>
      %dma_start3A_1737 = arith.constant 0 : i32
      %dma_start3A_1738 = arith.constant 0 : i32
      %dma_start3A_1739 = tpu.memref_slice %arg5[%add3A_1136, %dma_start3A_1732, %add3A, %dma_start3A_1737, %dma_start3A_1738] : memref<200x8x32x8x128xf32, #tpu.memory_space<hbm>> -> memref<1x1x1x8x128xf32, #tpu.memory_space<hbm>>
      %dma_start3A_1740 = tpu.memref_squeeze %dma_start3A_1739 : memref<1x1x1x8x128xf32, #tpu.memory_space<hbm>> -> memref<8x128xf32, #tpu.memory_space<hbm>>
      %dma_start3A_1741 = arith.constant 0 : i32
      %dma_start3A_1742 = arith.constant 0 : i32
      %dma_start3A_1743 = tpu.memref_slice %arg5[%add3A_1136, %dma_start3A_1732, %add3A, %dma_start3A_1741, %dma_start3A_1742] : memref<200x8x32x8x128xf32, #tpu.memory_space<hbm>> -> memref<1x1x1x8x128xf32, #tpu.memory_space<hbm>>
      %dma_start3A_1744 = tpu.memref_squeeze %dma_start3A_1743 : memref<1x1x1x8x128xf32, #tpu.memory_space<hbm>> -> memref<8x128xf32, #tpu.memory_space<hbm>>
      %dma_start3A_1745 = arith.constant 8 : i32
      %dma_start3A_1746 = arith.constant 0 : i32
      %dma_start3A_1747 = tpu.memref_slice %arg8[%dma_start3A_1731, %dma_start3A_1745, %dma_start3A_1746] : memref<2x64x129xf32, #tpu.memory_space<vmem>> -> memref<1x8x128xf32, #tpu.memory_space<vmem>>
      %dma_start3A_1748 = tpu.memref_squeeze %dma_start3A_1747 : memref<1x8x128xf32, #tpu.memory_space<vmem>> -> memref<8x128xf32, #tpu.memory_space<vmem>>
      tpu.enqueue_dma source(%dma_start3A_1748 : memref<8x128xf32, #tpu.memory_space<vmem>>) target(%dma_start3A_1744 : memref<8x128xf32, #tpu.memory_space<hbm>>) target_semaphore(%arg15 : memref<!tpu.dma_semaphore, #tpu.memory_space<semaphore_mem>>)
      %dma_start3A_1749 = arith.constant 1 : i32
      %dma_start3A_1750 = arith.constant 2 : i32
      %dma_start3A_1751 = arith.constant 16 : i32
      %dma_start3A_1752 = arith.constant 0 : i32
      %dma_start3A_1753 = tpu.memref_slice %arg8[%dma_start3A_1749, %dma_start3A_1751, %dma_start3A_1752] : memref<2x64x129xf32, #tpu.memory_space<vmem>> -> memref<1x8x128xf32, #tpu.memory_space<vmem>>
      %dma_start3A_1754 = tpu.memref_squeeze %dma_start3A_1753 : memref<1x8x128xf32, #tpu.memory_space<vmem>> -> memref<8x128xf32, #tpu.memory_space<vmem>>
      %dma_start3A_1755 = arith.constant 0 : i32
      %dma_start3A_1756 = arith.constant 0 : i32
      %dma_start3A_1757 = tpu.memref_slice %arg5[%add3A_1136, %dma_start3A_1750, %add3A, %dma_start3A_1755, %dma_start3A_1756] : memref<200x8x32x8x128xf32, #tpu.memory_space<hbm>> -> memref<1x1x1x8x128xf32, #tpu.memory_space<hbm>>
      %dma_start3A_1758 = tpu.memref_squeeze %dma_start3A_1757 : memref<1x1x1x8x128xf32, #tpu.memory_space<hbm>> -> memref<8x128xf32, #tpu.memory_space<hbm>>
      %dma_start3A_1759 = arith.constant 0 : i32
      %dma_start3A_1760 = arith.constant 0 : i32
      %dma_start3A_1761 = tpu.memref_slice %arg5[%add3A_1136, %dma_start3A_1750, %add3A, %dma_start3A_1759, %dma_start3A_1760] : memref<200x8x32x8x128xf32, #tpu.memory_space<hbm>> -> memref<1x1x1x8x128xf32, #tpu.memory_space<hbm>>
      %dma_start3A_1762 = tpu.memref_squeeze %dma_start3A_1761 : memref<1x1x1x8x128xf32, #tpu.memory_space<hbm>> -> memref<8x128xf32, #tpu.memory_space<hbm>>
      %dma_start3A_1763 = arith.constant 16 : i32
      %dma_start3A_1764 = arith.constant 0 : i32
      %dma_start3A_1765 = tpu.memref_slice %arg8[%dma_start3A_1749, %dma_start3A_1763, %dma_start3A_1764] : memref<2x64x129xf32, #tpu.memory_space<vmem>> -> memref<1x8x128xf32, #tpu.memory_space<vmem>>
      %dma_start3A_1766 = tpu.memref_squeeze %dma_start3A_1765 : memref<1x8x128xf32, #tpu.memory_space<vmem>> -> memref<8x128xf32, #tpu.memory_space<vmem>>
      tpu.enqueue_dma source(%dma_start3A_1766 : memref<8x128xf32, #tpu.memory_space<vmem>>) target(%dma_start3A_1762 : memref<8x128xf32, #tpu.memory_space<hbm>>) target_semaphore(%arg15 : memref<!tpu.dma_semaphore, #tpu.memory_space<semaphore_mem>>)
      %dma_start3A_1767 = arith.constant 1 : i32
      %dma_start3A_1768 = arith.constant 3 : i32
      %dma_start3A_1769 = arith.constant 24 : i32
      %dma_start3A_1770 = arith.constant 0 : i32
      %dma_start3A_1771 = tpu.memref_slice %arg8[%dma_start3A_1767, %dma_start3A_1769, %dma_start3A_1770] : memref<2x64x129xf32, #tpu.memory_space<vmem>> -> memref<1x8x128xf32, #tpu.memory_space<vmem>>
      %dma_start3A_1772 = tpu.memref_squeeze %dma_start3A_1771 : memref<1x8x128xf32, #tpu.memory_space<vmem>> -> memref<8x128xf32, #tpu.memory_space<vmem>>
      %dma_start3A_1773 = arith.constant 0 : i32
      %dma_start3A_1774 = arith.constant 0 : i32
      %dma_start3A_1775 = tpu.memref_slice %arg5[%add3A_1136, %dma_start3A_1768, %add3A, %dma_start3A_1773, %dma_start3A_1774] : memref<200x8x32x8x128xf32, #tpu.memory_space<hbm>> -> memref<1x1x1x8x128xf32, #tpu.memory_space<hbm>>
      %dma_start3A_1776 = tpu.memref_squeeze %dma_start3A_1775 : memref<1x1x1x8x128xf32, #tpu.memory_space<hbm>> -> memref<8x128xf32, #tpu.memory_space<hbm>>
      %dma_start3A_1777 = arith.constant 0 : i32
      %dma_start3A_1778 = arith.constant 0 : i32
      %dma_start3A_1779 = tpu.memref_slice %arg5[%add3A_1136, %dma_start3A_1768, %add3A, %dma_start3A_1777, %dma_start3A_1778] : memref<200x8x32x8x128xf32, #tpu.memory_space<hbm>> -> memref<1x1x1x8x128xf32, #tpu.memory_space<hbm>>
      %dma_start3A_1780 = tpu.memref_squeeze %dma_start3A_1779 : memref<1x1x1x8x128xf32, #tpu.memory_space<hbm>> -> memref<8x128xf32, #tpu.memory_space<hbm>>
      %dma_start3A_1781 = arith.constant 24 : i32
      %dma_start3A_1782 = arith.constant 0 : i32
      %dma_start3A_1783 = tpu.memref_slice %arg8[%dma_start3A_1767, %dma_start3A_1781, %dma_start3A_1782] : memref<2x64x129xf32, #tpu.memory_space<vmem>> -> memref<1x8x128xf32, #tpu.memory_space<vmem>>
      %dma_start3A_1784 = tpu.memref_squeeze %dma_start3A_1783 : memref<1x8x128xf32, #tpu.memory_space<vmem>> -> memref<8x128xf32, #tpu.memory_space<vmem>>
      tpu.enqueue_dma source(%dma_start3A_1784 : memref<8x128xf32, #tpu.memory_space<vmem>>) target(%dma_start3A_1780 : memref<8x128xf32, #tpu.memory_space<hbm>>) target_semaphore(%arg15 : memref<!tpu.dma_semaphore, #tpu.memory_space<semaphore_mem>>)
      %dma_start3A_1785 = arith.constant 1 : i32
      %dma_start3A_1786 = arith.constant 4 : i32
      %dma_start3A_1787 = arith.constant 32 : i32
      %dma_start3A_1788 = arith.constant 0 : i32
      %dma_start3A_1789 = tpu.memref_slice %arg8[%dma_start3A_1785, %dma_start3A_1787, %dma_start3A_1788] : memref<2x64x129xf32, #tpu.memory_space<vmem>> -> memref<1x8x128xf32, #tpu.memory_space<vmem>>
      %dma_start3A_1790 = tpu.memref_squeeze %dma_start3A_1789 : memref<1x8x128xf32, #tpu.memory_space<vmem>> -> memref<8x128xf32, #tpu.memory_space<vmem>>
      %dma_start3A_1791 = arith.constant 0 : i32
      %dma_start3A_1792 = arith.constant 0 : i32
      %dma_start3A_1793 = tpu.memref_slice %arg5[%add3A_1136, %dma_start3A_1786, %add3A, %dma_start3A_1791, %dma_start3A_1792] : memref<200x8x32x8x128xf32, #tpu.memory_space<hbm>> -> memref<1x1x1x8x128xf32, #tpu.memory_space<hbm>>
      %dma_start3A_1794 = tpu.memref_squeeze %dma_start3A_1793 : memref<1x1x1x8x128xf32, #tpu.memory_space<hbm>> -> memref<8x128xf32, #tpu.memory_space<hbm>>
      %dma_start3A_1795 = arith.constant 0 : i32
      %dma_start3A_1796 = arith.constant 0 : i32
      %dma_start3A_1797 = tpu.memref_slice %arg5[%add3A_1136, %dma_start3A_1786, %add3A, %dma_start3A_1795, %dma_start3A_1796] : memref<200x8x32x8x128xf32, #tpu.memory_space<hbm>> -> memref<1x1x1x8x128xf32, #tpu.memory_space<hbm>>
      %dma_start3A_1798 = tpu.memref_squeeze %dma_start3A_1797 : memref<1x1x1x8x128xf32, #tpu.memory_space<hbm>> -> memref<8x128xf32, #tpu.memory_space<hbm>>
      %dma_start3A_1799 = arith.constant 32 : i32
      %dma_start3A_1800 = arith.constant 0 : i32
      %dma_start3A_1801 = tpu.memref_slice %arg8[%dma_start3A_1785, %dma_start3A_1799, %dma_start3A_1800] : memref<2x64x129xf32, #tpu.memory_space<vmem>> -> memref<1x8x128xf32, #tpu.memory_space<vmem>>
      %dma_start3A_1802 = tpu.memref_squeeze %dma_start3A_1801 : memref<1x8x128xf32, #tpu.memory_space<vmem>> -> memref<8x128xf32, #tpu.memory_space<vmem>>
      tpu.enqueue_dma source(%dma_start3A_1802 : memref<8x128xf32, #tpu.memory_space<vmem>>) target(%dma_start3A_1798 : memref<8x128xf32, #tpu.memory_space<hbm>>) target_semaphore(%arg15 : memref<!tpu.dma_semaphore, #tpu.memory_space<semaphore_mem>>)
      %dma_start3A_1803 = arith.constant 1 : i32
      %dma_start3A_1804 = arith.constant 5 : i32
      %dma_start3A_1805 = arith.constant 40 : i32
      %dma_start3A_1806 = arith.constant 0 : i32
      %dma_start3A_1807 = tpu.memref_slice %arg8[%dma_start3A_1803, %dma_start3A_1805, %dma_start3A_1806] : memref<2x64x129xf32, #tpu.memory_space<vmem>> -> memref<1x8x128xf32, #tpu.memory_space<vmem>>
      %dma_start3A_1808 = tpu.memref_squeeze %dma_start3A_1807 : memref<1x8x128xf32, #tpu.memory_space<vmem>> -> memref<8x128xf32, #tpu.memory_space<vmem>>
      %dma_start3A_1809 = arith.constant 0 : i32
      %dma_start3A_1810 = arith.constant 0 : i32
      %dma_start3A_1811 = tpu.memref_slice %arg5[%add3A_1136, %dma_start3A_1804, %add3A, %dma_start3A_1809, %dma_start3A_1810] : memref<200x8x32x8x128xf32, #tpu.memory_space<hbm>> -> memref<1x1x1x8x128xf32, #tpu.memory_space<hbm>>
      %dma_start3A_1812 = tpu.memref_squeeze %dma_start3A_1811 : memref<1x1x1x8x128xf32, #tpu.memory_space<hbm>> -> memref<8x128xf32, #tpu.memory_space<hbm>>
      %dma_start3A_1813 = arith.constant 0 : i32
      %dma_start3A_1814 = arith.constant 0 : i32
      %dma_start3A_1815 = tpu.memref_slice %arg5[%add3A_1136, %dma_start3A_1804, %add3A, %dma_start3A_1813, %dma_start3A_1814] : memref<200x8x32x8x128xf32, #tpu.memory_space<hbm>> -> memref<1x1x1x8x128xf32, #tpu.memory_space<hbm>>
      %dma_start3A_1816 = tpu.memref_squeeze %dma_start3A_1815 : memref<1x1x1x8x128xf32, #tpu.memory_space<hbm>> -> memref<8x128xf32, #tpu.memory_space<hbm>>
      %dma_start3A_1817 = arith.constant 40 : i32
      %dma_start3A_1818 = arith.constant 0 : i32
      %dma_start3A_1819 = tpu.memref_slice %arg8[%dma_start3A_1803, %dma_start3A_1817, %dma_start3A_1818] : memref<2x64x129xf32, #tpu.memory_space<vmem>> -> memref<1x8x128xf32, #tpu.memory_space<vmem>>
      %dma_start3A_1820 = tpu.memref_squeeze %dma_start3A_1819 : memref<1x8x128xf32, #tpu.memory_space<vmem>> -> memref<8x128xf32, #tpu.memory_space<vmem>>
      tpu.enqueue_dma source(%dma_start3A_1820 : memref<8x128xf32, #tpu.memory_space<vmem>>) target(%dma_start3A_1816 : memref<8x128xf32, #tpu.memory_space<hbm>>) target_semaphore(%arg15 : memref<!tpu.dma_semaphore, #tpu.memory_space<semaphore_mem>>)
      %dma_start3A_1821 = arith.constant 1 : i32
      %dma_start3A_1822 = arith.constant 6 : i32
      %dma_start3A_1823 = arith.constant 48 : i32
      %dma_start3A_1824 = arith.constant 0 : i32
      %dma_start3A_1825 = tpu.memref_slice %arg8[%dma_start3A_1821, %dma_start3A_1823, %dma_start3A_1824] : memref<2x64x129xf32, #tpu.memory_space<vmem>> -> memref<1x8x128xf32, #tpu.memory_space<vmem>>
      %dma_start3A_1826 = tpu.memref_squeeze %dma_start3A_1825 : memref<1x8x128xf32, #tpu.memory_space<vmem>> -> memref<8x128xf32, #tpu.memory_space<vmem>>
      %dma_start3A_1827 = arith.constant 0 : i32
      %dma_start3A_1828 = arith.constant 0 : i32
      %dma_start3A_1829 = tpu.memref_slice %arg5[%add3A_1136, %dma_start3A_1822, %add3A, %dma_start3A_1827, %dma_start3A_1828] : memref<200x8x32x8x128xf32, #tpu.memory_space<hbm>> -> memref<1x1x1x8x128xf32, #tpu.memory_space<hbm>>
      %dma_start3A_1830 = tpu.memref_squeeze %dma_start3A_1829 : memref<1x1x1x8x128xf32, #tpu.memory_space<hbm>> -> memref<8x128xf32, #tpu.memory_space<hbm>>
      %dma_start3A_1831 = arith.constant 0 : i32
      %dma_start3A_1832 = arith.constant 0 : i32
      %dma_start3A_1833 = tpu.memref_slice %arg5[%add3A_1136, %dma_start3A_1822, %add3A, %dma_start3A_1831, %dma_start3A_1832] : memref<200x8x32x8x128xf32, #tpu.memory_space<hbm>> -> memref<1x1x1x8x128xf32, #tpu.memory_space<hbm>>
      %dma_start3A_1834 = tpu.memref_squeeze %dma_start3A_1833 : memref<1x1x1x8x128xf32, #tpu.memory_space<hbm>> -> memref<8x128xf32, #tpu.memory_space<hbm>>
      %dma_start3A_1835 = arith.constant 48 : i32
      %dma_start3A_1836 = arith.constant 0 : i32
      %dma_start3A_1837 = tpu.memref_slice %arg8[%dma_start3A_1821, %dma_start3A_1835, %dma_start3A_1836] : memref<2x64x129xf32, #tpu.memory_space<vmem>> -> memref<1x8x128xf32, #tpu.memory_space<vmem>>
      %dma_start3A_1838 = tpu.memref_squeeze %dma_start3A_1837 : memref<1x8x128xf32, #tpu.memory_space<vmem>> -> memref<8x128xf32, #tpu.memory_space<vmem>>
      tpu.enqueue_dma source(%dma_start3A_1838 : memref<8x128xf32, #tpu.memory_space<vmem>>) target(%dma_start3A_1834 : memref<8x128xf32, #tpu.memory_space<hbm>>) target_semaphore(%arg15 : memref<!tpu.dma_semaphore, #tpu.memory_space<semaphore_mem>>)
      %dma_start3A_1839 = arith.constant 1 : i32
      %dma_start3A_1840 = arith.constant 7 : i32
      %dma_start3A_1841 = arith.constant 56 : i32
      %dma_start3A_1842 = arith.constant 0 : i32
      %dma_start3A_1843 = tpu.memref_slice %arg8[%dma_start3A_1839, %dma_start3A_1841, %dma_start3A_1842] : memref<2x64x129xf32, #tpu.memory_space<vmem>> -> memref<1x8x128xf32, #tpu.memory_space<vmem>>
      %dma_start3A_1844 = tpu.memref_squeeze %dma_start3A_1843 : memref<1x8x128xf32, #tpu.memory_space<vmem>> -> memref<8x128xf32, #tpu.memory_space<vmem>>
      %dma_start3A_1845 = arith.constant 0 : i32
      %dma_start3A_1846 = arith.constant 0 : i32
      %dma_start3A_1847 = tpu.memref_slice %arg5[%add3A_1136, %dma_start3A_1840, %add3A, %dma_start3A_1845, %dma_start3A_1846] : memref<200x8x32x8x128xf32, #tpu.memory_space<hbm>> -> memref<1x1x1x8x128xf32, #tpu.memory_space<hbm>>
      %dma_start3A_1848 = tpu.memref_squeeze %dma_start3A_1847 : memref<1x1x1x8x128xf32, #tpu.memory_space<hbm>> -> memref<8x128xf32, #tpu.memory_space<hbm>>
      %dma_start3A_1849 = arith.constant 0 : i32
      %dma_start3A_1850 = arith.constant 0 : i32
      %dma_start3A_1851 = tpu.memref_slice %arg5[%add3A_1136, %dma_start3A_1840, %add3A, %dma_start3A_1849, %dma_start3A_1850] : memref<200x8x32x8x128xf32, #tpu.memory_space<hbm>> -> memref<1x1x1x8x128xf32, #tpu.memory_space<hbm>>
      %dma_start3A_1852 = tpu.memref_squeeze %dma_start3A_1851 : memref<1x1x1x8x128xf32, #tpu.memory_space<hbm>> -> memref<8x128xf32, #tpu.memory_space<hbm>>
      %dma_start3A_1853 = arith.constant 56 : i32
      %dma_start3A_1854 = arith.constant 0 : i32
      %dma_start3A_1855 = tpu.memref_slice %arg8[%dma_start3A_1839, %dma_start3A_1853, %dma_start3A_1854] : memref<2x64x129xf32, #tpu.memory_space<vmem>> -> memref<1x8x128xf32, #tpu.memory_space<vmem>>
      %dma_start3A_1856 = tpu.memref_squeeze %dma_start3A_1855 : memref<1x8x128xf32, #tpu.memory_space<vmem>> -> memref<8x128xf32, #tpu.memory_space<vmem>>
      tpu.enqueue_dma source(%dma_start3A_1856 : memref<8x128xf32, #tpu.memory_space<vmem>>) target(%dma_start3A_1852 : memref<8x128xf32, #tpu.memory_space<hbm>>) target_semaphore(%arg15 : memref<!tpu.dma_semaphore, #tpu.memory_space<semaphore_mem>>)
    }
    %scan3A_66 = arith.constant 100 : i32
    %dma_wait3A = arith.constant 0 : i32
    %dma_wait3A_67 = arith.constant 198 : i32
    %dma_wait3A_68 = arith.constant 0 : i32
    %dma_wait3A_69 = arith.constant 0 : i32
    %dma_wait3A_70 = arith.constant 0 : i32
    %dma_wait3A_71 = tpu.memref_slice %arg8[%dma_wait3A, %dma_wait3A_69, %dma_wait3A_70] : memref<2x64x129xf32, #tpu.memory_space<vmem>> -> memref<1x8x128xf32, #tpu.memory_space<vmem>>
    %dma_wait3A_72 = tpu.memref_squeeze %dma_wait3A_71 : memref<1x8x128xf32, #tpu.memory_space<vmem>> -> memref<8x128xf32, #tpu.memory_space<vmem>>
    %dma_wait3A_73 = arith.constant 0 : i32
    %dma_wait3A_74 = arith.constant 0 : i32
    %dma_wait3A_75 = tpu.memref_slice %arg5[%dma_wait3A_67, %dma_wait3A_68, %add3A, %dma_wait3A_73, %dma_wait3A_74] : memref<200x8x32x8x128xf32, #tpu.memory_space<hbm>> -> memref<1x1x1x8x128xf32, #tpu.memory_space<hbm>>
    %dma_wait3A_76 = tpu.memref_squeeze %dma_wait3A_75 : memref<1x1x1x8x128xf32, #tpu.memory_space<hbm>> -> memref<8x128xf32, #tpu.memory_space<hbm>>
    %dma_wait3A_77 = arith.constant 0 : i32
    %dma_wait3A_78 = arith.constant 0 : i32
    %dma_wait3A_79 = tpu.memref_slice %arg5[%dma_wait3A_67, %dma_wait3A_68, %add3A, %dma_wait3A_77, %dma_wait3A_78] : memref<200x8x32x8x128xf32, #tpu.memory_space<hbm>> -> memref<1x1x1x8x128xf32, #tpu.memory_space<hbm>>
    %dma_wait3A_80 = tpu.memref_squeeze %dma_wait3A_79 : memref<1x1x1x8x128xf32, #tpu.memory_space<hbm>> -> memref<8x128xf32, #tpu.memory_space<hbm>>
    %dma_wait3A_81 = arith.constant 0 : i32
    %dma_wait3A_82 = arith.constant 0 : i32
    %dma_wait3A_83 = tpu.memref_slice %arg8[%dma_wait3A, %dma_wait3A_81, %dma_wait3A_82] : memref<2x64x129xf32, #tpu.memory_space<vmem>> -> memref<1x8x128xf32, #tpu.memory_space<vmem>>
    %dma_wait3A_84 = tpu.memref_squeeze %dma_wait3A_83 : memref<1x8x128xf32, #tpu.memory_space<vmem>> -> memref<8x128xf32, #tpu.memory_space<vmem>>
    tpu.wait_dma2 semaphore(%arg14 : memref<!tpu.dma_semaphore, #tpu.memory_space<semaphore_mem>>) src(%dma_wait3A_84 : memref<8x128xf32, #tpu.memory_space<vmem>>) dst(%dma_wait3A_80 : memref<8x128xf32, #tpu.memory_space<hbm>>)
    %dma_wait3A_85 = arith.constant 0 : i32
    %dma_wait3A_86 = arith.constant 198 : i32
    %dma_wait3A_87 = arith.constant 1 : i32
    %dma_wait3A_88 = arith.constant 8 : i32
    %dma_wait3A_89 = arith.constant 0 : i32
    %dma_wait3A_90 = tpu.memref_slice %arg8[%dma_wait3A_85, %dma_wait3A_88, %dma_wait3A_89] : memref<2x64x129xf32, #tpu.memory_space<vmem>> -> memref<1x8x128xf32, #tpu.memory_space<vmem>>
    %dma_wait3A_91 = tpu.memref_squeeze %dma_wait3A_90 : memref<1x8x128xf32, #tpu.memory_space<vmem>> -> memref<8x128xf32, #tpu.memory_space<vmem>>
    %dma_wait3A_92 = arith.constant 0 : i32
    %dma_wait3A_93 = arith.constant 0 : i32
    %dma_wait3A_94 = tpu.memref_slice %arg5[%dma_wait3A_86, %dma_wait3A_87, %add3A, %dma_wait3A_92, %dma_wait3A_93] : memref<200x8x32x8x128xf32, #tpu.memory_space<hbm>> -> memref<1x1x1x8x128xf32, #tpu.memory_space<hbm>>
    %dma_wait3A_95 = tpu.memref_squeeze %dma_wait3A_94 : memref<1x1x1x8x128xf32, #tpu.memory_space<hbm>> -> memref<8x128xf32, #tpu.memory_space<hbm>>
    %dma_wait3A_96 = arith.constant 0 : i32
    %dma_wait3A_97 = arith.constant 0 : i32
    %dma_wait3A_98 = tpu.memref_slice %arg5[%dma_wait3A_86, %dma_wait3A_87, %add3A, %dma_wait3A_96, %dma_wait3A_97] : memref<200x8x32x8x128xf32, #tpu.memory_space<hbm>> -> memref<1x1x1x8x128xf32, #tpu.memory_space<hbm>>
    %dma_wait3A_99 = tpu.memref_squeeze %dma_wait3A_98 : memref<1x1x1x8x128xf32, #tpu.memory_space<hbm>> -> memref<8x128xf32, #tpu.memory_space<hbm>>
    %dma_wait3A_100 = arith.constant 8 : i32
    %dma_wait3A_101 = arith.constant 0 : i32
    %dma_wait3A_102 = tpu.memref_slice %arg8[%dma_wait3A_85, %dma_wait3A_100, %dma_wait3A_101] : memref<2x64x129xf32, #tpu.memory_space<vmem>> -> memref<1x8x128xf32, #tpu.memory_space<vmem>>
    %dma_wait3A_103 = tpu.memref_squeeze %dma_wait3A_102 : memref<1x8x128xf32, #tpu.memory_space<vmem>> -> memref<8x128xf32, #tpu.memory_space<vmem>>
    tpu.wait_dma2 semaphore(%arg14 : memref<!tpu.dma_semaphore, #tpu.memory_space<semaphore_mem>>) src(%dma_wait3A_103 : memref<8x128xf32, #tpu.memory_space<vmem>>) dst(%dma_wait3A_99 : memref<8x128xf32, #tpu.memory_space<hbm>>)
    %dma_wait3A_104 = arith.constant 0 : i32
    %dma_wait3A_105 = arith.constant 198 : i32
    %dma_wait3A_106 = arith.constant 2 : i32
    %dma_wait3A_107 = arith.constant 16 : i32
    %dma_wait3A_108 = arith.constant 0 : i32
    %dma_wait3A_109 = tpu.memref_slice %arg8[%dma_wait3A_104, %dma_wait3A_107, %dma_wait3A_108] : memref<2x64x129xf32, #tpu.memory_space<vmem>> -> memref<1x8x128xf32, #tpu.memory_space<vmem>>
    %dma_wait3A_110 = tpu.memref_squeeze %dma_wait3A_109 : memref<1x8x128xf32, #tpu.memory_space<vmem>> -> memref<8x128xf32, #tpu.memory_space<vmem>>
    %dma_wait3A_111 = arith.constant 0 : i32
    %dma_wait3A_112 = arith.constant 0 : i32
    %dma_wait3A_113 = tpu.memref_slice %arg5[%dma_wait3A_105, %dma_wait3A_106, %add3A, %dma_wait3A_111, %dma_wait3A_112] : memref<200x8x32x8x128xf32, #tpu.memory_space<hbm>> -> memref<1x1x1x8x128xf32, #tpu.memory_space<hbm>>
    %dma_wait3A_114 = tpu.memref_squeeze %dma_wait3A_113 : memref<1x1x1x8x128xf32, #tpu.memory_space<hbm>> -> memref<8x128xf32, #tpu.memory_space<hbm>>
    %dma_wait3A_115 = arith.constant 0 : i32
    %dma_wait3A_116 = arith.constant 0 : i32
    %dma_wait3A_117 = tpu.memref_slice %arg5[%dma_wait3A_105, %dma_wait3A_106, %add3A, %dma_wait3A_115, %dma_wait3A_116] : memref<200x8x32x8x128xf32, #tpu.memory_space<hbm>> -> memref<1x1x1x8x128xf32, #tpu.memory_space<hbm>>
    %dma_wait3A_118 = tpu.memref_squeeze %dma_wait3A_117 : memref<1x1x1x8x128xf32, #tpu.memory_space<hbm>> -> memref<8x128xf32, #tpu.memory_space<hbm>>
    %dma_wait3A_119 = arith.constant 16 : i32
    %dma_wait3A_120 = arith.constant 0 : i32
    %dma_wait3A_121 = tpu.memref_slice %arg8[%dma_wait3A_104, %dma_wait3A_119, %dma_wait3A_120] : memref<2x64x129xf32, #tpu.memory_space<vmem>> -> memref<1x8x128xf32, #tpu.memory_space<vmem>>
    %dma_wait3A_122 = tpu.memref_squeeze %dma_wait3A_121 : memref<1x8x128xf32, #tpu.memory_space<vmem>> -> memref<8x128xf32, #tpu.memory_space<vmem>>
    tpu.wait_dma2 semaphore(%arg14 : memref<!tpu.dma_semaphore, #tpu.memory_space<semaphore_mem>>) src(%dma_wait3A_122 : memref<8x128xf32, #tpu.memory_space<vmem>>) dst(%dma_wait3A_118 : memref<8x128xf32, #tpu.memory_space<hbm>>)
    %dma_wait3A_123 = arith.constant 0 : i32
    %dma_wait3A_124 = arith.constant 198 : i32
    %dma_wait3A_125 = arith.constant 3 : i32
    %dma_wait3A_126 = arith.constant 24 : i32
    %dma_wait3A_127 = arith.constant 0 : i32
    %dma_wait3A_128 = tpu.memref_slice %arg8[%dma_wait3A_123, %dma_wait3A_126, %dma_wait3A_127] : memref<2x64x129xf32, #tpu.memory_space<vmem>> -> memref<1x8x128xf32, #tpu.memory_space<vmem>>
    %dma_wait3A_129 = tpu.memref_squeeze %dma_wait3A_128 : memref<1x8x128xf32, #tpu.memory_space<vmem>> -> memref<8x128xf32, #tpu.memory_space<vmem>>
    %dma_wait3A_130 = arith.constant 0 : i32
    %dma_wait3A_131 = arith.constant 0 : i32
    %dma_wait3A_132 = tpu.memref_slice %arg5[%dma_wait3A_124, %dma_wait3A_125, %add3A, %dma_wait3A_130, %dma_wait3A_131] : memref<200x8x32x8x128xf32, #tpu.memory_space<hbm>> -> memref<1x1x1x8x128xf32, #tpu.memory_space<hbm>>
    %dma_wait3A_133 = tpu.memref_squeeze %dma_wait3A_132 : memref<1x1x1x8x128xf32, #tpu.memory_space<hbm>> -> memref<8x128xf32, #tpu.memory_space<hbm>>
    %dma_wait3A_134 = arith.constant 0 : i32
    %dma_wait3A_135 = arith.constant 0 : i32
    %dma_wait3A_136 = tpu.memref_slice %arg5[%dma_wait3A_124, %dma_wait3A_125, %add3A, %dma_wait3A_134, %dma_wait3A_135] : memref<200x8x32x8x128xf32, #tpu.memory_space<hbm>> -> memref<1x1x1x8x128xf32, #tpu.memory_space<hbm>>
    %dma_wait3A_137 = tpu.memref_squeeze %dma_wait3A_136 : memref<1x1x1x8x128xf32, #tpu.memory_space<hbm>> -> memref<8x128xf32, #tpu.memory_space<hbm>>
    %dma_wait3A_138 = arith.constant 24 : i32
    %dma_wait3A_139 = arith.constant 0 : i32
    %dma_wait3A_140 = tpu.memref_slice %arg8[%dma_wait3A_123, %dma_wait3A_138, %dma_wait3A_139] : memref<2x64x129xf32, #tpu.memory_space<vmem>> -> memref<1x8x128xf32, #tpu.memory_space<vmem>>
    %dma_wait3A_141 = tpu.memref_squeeze %dma_wait3A_140 : memref<1x8x128xf32, #tpu.memory_space<vmem>> -> memref<8x128xf32, #tpu.memory_space<vmem>>
    tpu.wait_dma2 semaphore(%arg14 : memref<!tpu.dma_semaphore, #tpu.memory_space<semaphore_mem>>) src(%dma_wait3A_141 : memref<8x128xf32, #tpu.memory_space<vmem>>) dst(%dma_wait3A_137 : memref<8x128xf32, #tpu.memory_space<hbm>>)
    %dma_wait3A_142 = arith.constant 0 : i32
    %dma_wait3A_143 = arith.constant 198 : i32
    %dma_wait3A_144 = arith.constant 4 : i32
    %dma_wait3A_145 = arith.constant 32 : i32
    %dma_wait3A_146 = arith.constant 0 : i32
    %dma_wait3A_147 = tpu.memref_slice %arg8[%dma_wait3A_142, %dma_wait3A_145, %dma_wait3A_146] : memref<2x64x129xf32, #tpu.memory_space<vmem>> -> memref<1x8x128xf32, #tpu.memory_space<vmem>>
    %dma_wait3A_148 = tpu.memref_squeeze %dma_wait3A_147 : memref<1x8x128xf32, #tpu.memory_space<vmem>> -> memref<8x128xf32, #tpu.memory_space<vmem>>
    %dma_wait3A_149 = arith.constant 0 : i32
    %dma_wait3A_150 = arith.constant 0 : i32
    %dma_wait3A_151 = tpu.memref_slice %arg5[%dma_wait3A_143, %dma_wait3A_144, %add3A, %dma_wait3A_149, %dma_wait3A_150] : memref<200x8x32x8x128xf32, #tpu.memory_space<hbm>> -> memref<1x1x1x8x128xf32, #tpu.memory_space<hbm>>
    %dma_wait3A_152 = tpu.memref_squeeze %dma_wait3A_151 : memref<1x1x1x8x128xf32, #tpu.memory_space<hbm>> -> memref<8x128xf32, #tpu.memory_space<hbm>>
    %dma_wait3A_153 = arith.constant 0 : i32
    %dma_wait3A_154 = arith.constant 0 : i32
    %dma_wait3A_155 = tpu.memref_slice %arg5[%dma_wait3A_143, %dma_wait3A_144, %add3A, %dma_wait3A_153, %dma_wait3A_154] : memref<200x8x32x8x128xf32, #tpu.memory_space<hbm>> -> memref<1x1x1x8x128xf32, #tpu.memory_space<hbm>>
    %dma_wait3A_156 = tpu.memref_squeeze %dma_wait3A_155 : memref<1x1x1x8x128xf32, #tpu.memory_space<hbm>> -> memref<8x128xf32, #tpu.memory_space<hbm>>
    %dma_wait3A_157 = arith.constant 32 : i32
    %dma_wait3A_158 = arith.constant 0 : i32
    %dma_wait3A_159 = tpu.memref_slice %arg8[%dma_wait3A_142, %dma_wait3A_157, %dma_wait3A_158] : memref<2x64x129xf32, #tpu.memory_space<vmem>> -> memref<1x8x128xf32, #tpu.memory_space<vmem>>
    %dma_wait3A_160 = tpu.memref_squeeze %dma_wait3A_159 : memref<1x8x128xf32, #tpu.memory_space<vmem>> -> memref<8x128xf32, #tpu.memory_space<vmem>>
    tpu.wait_dma2 semaphore(%arg14 : memref<!tpu.dma_semaphore, #tpu.memory_space<semaphore_mem>>) src(%dma_wait3A_160 : memref<8x128xf32, #tpu.memory_space<vmem>>) dst(%dma_wait3A_156 : memref<8x128xf32, #tpu.memory_space<hbm>>)
    %dma_wait3A_161 = arith.constant 0 : i32
    %dma_wait3A_162 = arith.constant 198 : i32
    %dma_wait3A_163 = arith.constant 5 : i32
    %dma_wait3A_164 = arith.constant 40 : i32
    %dma_wait3A_165 = arith.constant 0 : i32
    %dma_wait3A_166 = tpu.memref_slice %arg8[%dma_wait3A_161, %dma_wait3A_164, %dma_wait3A_165] : memref<2x64x129xf32, #tpu.memory_space<vmem>> -> memref<1x8x128xf32, #tpu.memory_space<vmem>>
    %dma_wait3A_167 = tpu.memref_squeeze %dma_wait3A_166 : memref<1x8x128xf32, #tpu.memory_space<vmem>> -> memref<8x128xf32, #tpu.memory_space<vmem>>
    %dma_wait3A_168 = arith.constant 0 : i32
    %dma_wait3A_169 = arith.constant 0 : i32
    %dma_wait3A_170 = tpu.memref_slice %arg5[%dma_wait3A_162, %dma_wait3A_163, %add3A, %dma_wait3A_168, %dma_wait3A_169] : memref<200x8x32x8x128xf32, #tpu.memory_space<hbm>> -> memref<1x1x1x8x128xf32, #tpu.memory_space<hbm>>
    %dma_wait3A_171 = tpu.memref_squeeze %dma_wait3A_170 : memref<1x1x1x8x128xf32, #tpu.memory_space<hbm>> -> memref<8x128xf32, #tpu.memory_space<hbm>>
    %dma_wait3A_172 = arith.constant 0 : i32
    %dma_wait3A_173 = arith.constant 0 : i32
    %dma_wait3A_174 = tpu.memref_slice %arg5[%dma_wait3A_162, %dma_wait3A_163, %add3A, %dma_wait3A_172, %dma_wait3A_173] : memref<200x8x32x8x128xf32, #tpu.memory_space<hbm>> -> memref<1x1x1x8x128xf32, #tpu.memory_space<hbm>>
    %dma_wait3A_175 = tpu.memref_squeeze %dma_wait3A_174 : memref<1x1x1x8x128xf32, #tpu.memory_space<hbm>> -> memref<8x128xf32, #tpu.memory_space<hbm>>
    %dma_wait3A_176 = arith.constant 40 : i32
    %dma_wait3A_177 = arith.constant 0 : i32
    %dma_wait3A_178 = tpu.memref_slice %arg8[%dma_wait3A_161, %dma_wait3A_176, %dma_wait3A_177] : memref<2x64x129xf32, #tpu.memory_space<vmem>> -> memref<1x8x128xf32, #tpu.memory_space<vmem>>
    %dma_wait3A_179 = tpu.memref_squeeze %dma_wait3A_178 : memref<1x8x128xf32, #tpu.memory_space<vmem>> -> memref<8x128xf32, #tpu.memory_space<vmem>>
    tpu.wait_dma2 semaphore(%arg14 : memref<!tpu.dma_semaphore, #tpu.memory_space<semaphore_mem>>) src(%dma_wait3A_179 : memref<8x128xf32, #tpu.memory_space<vmem>>) dst(%dma_wait3A_175 : memref<8x128xf32, #tpu.memory_space<hbm>>)
    %dma_wait3A_180 = arith.constant 0 : i32
    %dma_wait3A_181 = arith.constant 198 : i32
    %dma_wait3A_182 = arith.constant 6 : i32
    %dma_wait3A_183 = arith.constant 48 : i32
    %dma_wait3A_184 = arith.constant 0 : i32
    %dma_wait3A_185 = tpu.memref_slice %arg8[%dma_wait3A_180, %dma_wait3A_183, %dma_wait3A_184] : memref<2x64x129xf32, #tpu.memory_space<vmem>> -> memref<1x8x128xf32, #tpu.memory_space<vmem>>
    %dma_wait3A_186 = tpu.memref_squeeze %dma_wait3A_185 : memref<1x8x128xf32, #tpu.memory_space<vmem>> -> memref<8x128xf32, #tpu.memory_space<vmem>>
    %dma_wait3A_187 = arith.constant 0 : i32
    %dma_wait3A_188 = arith.constant 0 : i32
    %dma_wait3A_189 = tpu.memref_slice %arg5[%dma_wait3A_181, %dma_wait3A_182, %add3A, %dma_wait3A_187, %dma_wait3A_188] : memref<200x8x32x8x128xf32, #tpu.memory_space<hbm>> -> memref<1x1x1x8x128xf32, #tpu.memory_space<hbm>>
    %dma_wait3A_190 = tpu.memref_squeeze %dma_wait3A_189 : memref<1x1x1x8x128xf32, #tpu.memory_space<hbm>> -> memref<8x128xf32, #tpu.memory_space<hbm>>
    %dma_wait3A_191 = arith.constant 0 : i32
    %dma_wait3A_192 = arith.constant 0 : i32
    %dma_wait3A_193 = tpu.memref_slice %arg5[%dma_wait3A_181, %dma_wait3A_182, %add3A, %dma_wait3A_191, %dma_wait3A_192] : memref<200x8x32x8x128xf32, #tpu.memory_space<hbm>> -> memref<1x1x1x8x128xf32, #tpu.memory_space<hbm>>
    %dma_wait3A_194 = tpu.memref_squeeze %dma_wait3A_193 : memref<1x1x1x8x128xf32, #tpu.memory_space<hbm>> -> memref<8x128xf32, #tpu.memory_space<hbm>>
    %dma_wait3A_195 = arith.constant 48 : i32
    %dma_wait3A_196 = arith.constant 0 : i32
    %dma_wait3A_197 = tpu.memref_slice %arg8[%dma_wait3A_180, %dma_wait3A_195, %dma_wait3A_196] : memref<2x64x129xf32, #tpu.memory_space<vmem>> -> memref<1x8x128xf32, #tpu.memory_space<vmem>>
    %dma_wait3A_198 = tpu.memref_squeeze %dma_wait3A_197 : memref<1x8x128xf32, #tpu.memory_space<vmem>> -> memref<8x128xf32, #tpu.memory_space<vmem>>
    tpu.wait_dma2 semaphore(%arg14 : memref<!tpu.dma_semaphore, #tpu.memory_space<semaphore_mem>>) src(%dma_wait3A_198 : memref<8x128xf32, #tpu.memory_space<vmem>>) dst(%dma_wait3A_194 : memref<8x128xf32, #tpu.memory_space<hbm>>)
    %dma_wait3A_199 = arith.constant 0 : i32
    %dma_wait3A_200 = arith.constant 198 : i32
    %dma_wait3A_201 = arith.constant 7 : i32
    %dma_wait3A_202 = arith.constant 56 : i32
    %dma_wait3A_203 = arith.constant 0 : i32
    %dma_wait3A_204 = tpu.memref_slice %arg8[%dma_wait3A_199, %dma_wait3A_202, %dma_wait3A_203] : memref<2x64x129xf32, #tpu.memory_space<vmem>> -> memref<1x8x128xf32, #tpu.memory_space<vmem>>
    %dma_wait3A_205 = tpu.memref_squeeze %dma_wait3A_204 : memref<1x8x128xf32, #tpu.memory_space<vmem>> -> memref<8x128xf32, #tpu.memory_space<vmem>>
    %dma_wait3A_206 = arith.constant 0 : i32
    %dma_wait3A_207 = arith.constant 0 : i32
    %dma_wait3A_208 = tpu.memref_slice %arg5[%dma_wait3A_200, %dma_wait3A_201, %add3A, %dma_wait3A_206, %dma_wait3A_207] : memref<200x8x32x8x128xf32, #tpu.memory_space<hbm>> -> memref<1x1x1x8x128xf32, #tpu.memory_space<hbm>>
    %dma_wait3A_209 = tpu.memref_squeeze %dma_wait3A_208 : memref<1x1x1x8x128xf32, #tpu.memory_space<hbm>> -> memref<8x128xf32, #tpu.memory_space<hbm>>
    %dma_wait3A_210 = arith.constant 0 : i32
    %dma_wait3A_211 = arith.constant 0 : i32
    %dma_wait3A_212 = tpu.memref_slice %arg5[%dma_wait3A_200, %dma_wait3A_201, %add3A, %dma_wait3A_210, %dma_wait3A_211] : memref<200x8x32x8x128xf32, #tpu.memory_space<hbm>> -> memref<1x1x1x8x128xf32, #tpu.memory_space<hbm>>
    %dma_wait3A_213 = tpu.memref_squeeze %dma_wait3A_212 : memref<1x1x1x8x128xf32, #tpu.memory_space<hbm>> -> memref<8x128xf32, #tpu.memory_space<hbm>>
    %dma_wait3A_214 = arith.constant 56 : i32
    %dma_wait3A_215 = arith.constant 0 : i32
    %dma_wait3A_216 = tpu.memref_slice %arg8[%dma_wait3A_199, %dma_wait3A_214, %dma_wait3A_215] : memref<2x64x129xf32, #tpu.memory_space<vmem>> -> memref<1x8x128xf32, #tpu.memory_space<vmem>>
    %dma_wait3A_217 = tpu.memref_squeeze %dma_wait3A_216 : memref<1x8x128xf32, #tpu.memory_space<vmem>> -> memref<8x128xf32, #tpu.memory_space<vmem>>
    tpu.wait_dma2 semaphore(%arg14 : memref<!tpu.dma_semaphore, #tpu.memory_space<semaphore_mem>>) src(%dma_wait3A_217 : memref<8x128xf32, #tpu.memory_space<vmem>>) dst(%dma_wait3A_213 : memref<8x128xf32, #tpu.memory_space<hbm>>)
    %dma_wait3A_218 = arith.constant 1 : i32
    %dma_wait3A_219 = arith.constant 199 : i32
    %dma_wait3A_220 = arith.constant 0 : i32
    %dma_wait3A_221 = arith.constant 0 : i32
    %dma_wait3A_222 = arith.constant 0 : i32
    %dma_wait3A_223 = tpu.memref_slice %arg8[%dma_wait3A_218, %dma_wait3A_221, %dma_wait3A_222] : memref<2x64x129xf32, #tpu.memory_space<vmem>> -> memref<1x8x128xf32, #tpu.memory_space<vmem>>
    %dma_wait3A_224 = tpu.memref_squeeze %dma_wait3A_223 : memref<1x8x128xf32, #tpu.memory_space<vmem>> -> memref<8x128xf32, #tpu.memory_space<vmem>>
    %dma_wait3A_225 = arith.constant 0 : i32
    %dma_wait3A_226 = arith.constant 0 : i32
    %dma_wait3A_227 = tpu.memref_slice %arg5[%dma_wait3A_219, %dma_wait3A_220, %add3A, %dma_wait3A_225, %dma_wait3A_226] : memref<200x8x32x8x128xf32, #tpu.memory_space<hbm>> -> memref<1x1x1x8x128xf32, #tpu.memory_space<hbm>>
    %dma_wait3A_228 = tpu.memref_squeeze %dma_wait3A_227 : memref<1x1x1x8x128xf32, #tpu.memory_space<hbm>> -> memref<8x128xf32, #tpu.memory_space<hbm>>
    %dma_wait3A_229 = arith.constant 0 : i32
    %dma_wait3A_230 = arith.constant 0 : i32
    %dma_wait3A_231 = tpu.memref_slice %arg5[%dma_wait3A_219, %dma_wait3A_220, %add3A, %dma_wait3A_229, %dma_wait3A_230] : memref<200x8x32x8x128xf32, #tpu.memory_space<hbm>> -> memref<1x1x1x8x128xf32, #tpu.memory_space<hbm>>
    %dma_wait3A_232 = tpu.memref_squeeze %dma_wait3A_231 : memref<1x1x1x8x128xf32, #tpu.memory_space<hbm>> -> memref<8x128xf32, #tpu.memory_space<hbm>>
    %dma_wait3A_233 = arith.constant 0 : i32
    %dma_wait3A_234 = arith.constant 0 : i32
    %dma_wait3A_235 = tpu.memref_slice %arg8[%dma_wait3A_218, %dma_wait3A_233, %dma_wait3A_234] : memref<2x64x129xf32, #tpu.memory_space<vmem>> -> memref<1x8x128xf32, #tpu.memory_space<vmem>>
    %dma_wait3A_236 = tpu.memref_squeeze %dma_wait3A_235 : memref<1x8x128xf32, #tpu.memory_space<vmem>> -> memref<8x128xf32, #tpu.memory_space<vmem>>
    tpu.wait_dma2 semaphore(%arg15 : memref<!tpu.dma_semaphore, #tpu.memory_space<semaphore_mem>>) src(%dma_wait3A_236 : memref<8x128xf32, #tpu.memory_space<vmem>>) dst(%dma_wait3A_232 : memref<8x128xf32, #tpu.memory_space<hbm>>)
    %dma_wait3A_237 = arith.constant 1 : i32
    %dma_wait3A_238 = arith.constant 199 : i32
    %dma_wait3A_239 = arith.constant 1 : i32
    %dma_wait3A_240 = arith.constant 8 : i32
    %dma_wait3A_241 = arith.constant 0 : i32
    %dma_wait3A_242 = tpu.memref_slice %arg8[%dma_wait3A_237, %dma_wait3A_240, %dma_wait3A_241] : memref<2x64x129xf32, #tpu.memory_space<vmem>> -> memref<1x8x128xf32, #tpu.memory_space<vmem>>
    %dma_wait3A_243 = tpu.memref_squeeze %dma_wait3A_242 : memref<1x8x128xf32, #tpu.memory_space<vmem>> -> memref<8x128xf32, #tpu.memory_space<vmem>>
    %dma_wait3A_244 = arith.constant 0 : i32
    %dma_wait3A_245 = arith.constant 0 : i32
    %dma_wait3A_246 = tpu.memref_slice %arg5[%dma_wait3A_238, %dma_wait3A_239, %add3A, %dma_wait3A_244, %dma_wait3A_245] : memref<200x8x32x8x128xf32, #tpu.memory_space<hbm>> -> memref<1x1x1x8x128xf32, #tpu.memory_space<hbm>>
    %dma_wait3A_247 = tpu.memref_squeeze %dma_wait3A_246 : memref<1x1x1x8x128xf32, #tpu.memory_space<hbm>> -> memref<8x128xf32, #tpu.memory_space<hbm>>
    %dma_wait3A_248 = arith.constant 0 : i32
    %dma_wait3A_249 = arith.constant 0 : i32
    %dma_wait3A_250 = tpu.memref_slice %arg5[%dma_wait3A_238, %dma_wait3A_239, %add3A, %dma_wait3A_248, %dma_wait3A_249] : memref<200x8x32x8x128xf32, #tpu.memory_space<hbm>> -> memref<1x1x1x8x128xf32, #tpu.memory_space<hbm>>
    %dma_wait3A_251 = tpu.memref_squeeze %dma_wait3A_250 : memref<1x1x1x8x128xf32, #tpu.memory_space<hbm>> -> memref<8x128xf32, #tpu.memory_space<hbm>>
    %dma_wait3A_252 = arith.constant 8 : i32
    %dma_wait3A_253 = arith.constant 0 : i32
    %dma_wait3A_254 = tpu.memref_slice %arg8[%dma_wait3A_237, %dma_wait3A_252, %dma_wait3A_253] : memref<2x64x129xf32, #tpu.memory_space<vmem>> -> memref<1x8x128xf32, #tpu.memory_space<vmem>>
    %dma_wait3A_255 = tpu.memref_squeeze %dma_wait3A_254 : memref<1x8x128xf32, #tpu.memory_space<vmem>> -> memref<8x128xf32, #tpu.memory_space<vmem>>
    tpu.wait_dma2 semaphore(%arg15 : memref<!tpu.dma_semaphore, #tpu.memory_space<semaphore_mem>>) src(%dma_wait3A_255 : memref<8x128xf32, #tpu.memory_space<vmem>>) dst(%dma_wait3A_251 : memref<8x128xf32, #tpu.memory_space<hbm>>)
    %dma_wait3A_256 = arith.constant 1 : i32
    %dma_wait3A_257 = arith.constant 199 : i32
    %dma_wait3A_258 = arith.constant 2 : i32
    %dma_wait3A_259 = arith.constant 16 : i32
    %dma_wait3A_260 = arith.constant 0 : i32
    %dma_wait3A_261 = tpu.memref_slice %arg8[%dma_wait3A_256, %dma_wait3A_259, %dma_wait3A_260] : memref<2x64x129xf32, #tpu.memory_space<vmem>> -> memref<1x8x128xf32, #tpu.memory_space<vmem>>
    %dma_wait3A_262 = tpu.memref_squeeze %dma_wait3A_261 : memref<1x8x128xf32, #tpu.memory_space<vmem>> -> memref<8x128xf32, #tpu.memory_space<vmem>>
    %dma_wait3A_263 = arith.constant 0 : i32
    %dma_wait3A_264 = arith.constant 0 : i32
    %dma_wait3A_265 = tpu.memref_slice %arg5[%dma_wait3A_257, %dma_wait3A_258, %add3A, %dma_wait3A_263, %dma_wait3A_264] : memref<200x8x32x8x128xf32, #tpu.memory_space<hbm>> -> memref<1x1x1x8x128xf32, #tpu.memory_space<hbm>>
    %dma_wait3A_266 = tpu.memref_squeeze %dma_wait3A_265 : memref<1x1x1x8x128xf32, #tpu.memory_space<hbm>> -> memref<8x128xf32, #tpu.memory_space<hbm>>
    %dma_wait3A_267 = arith.constant 0 : i32
    %dma_wait3A_268 = arith.constant 0 : i32
    %dma_wait3A_269 = tpu.memref_slice %arg5[%dma_wait3A_257, %dma_wait3A_258, %add3A, %dma_wait3A_267, %dma_wait3A_268] : memref<200x8x32x8x128xf32, #tpu.memory_space<hbm>> -> memref<1x1x1x8x128xf32, #tpu.memory_space<hbm>>
    %dma_wait3A_270 = tpu.memref_squeeze %dma_wait3A_269 : memref<1x1x1x8x128xf32, #tpu.memory_space<hbm>> -> memref<8x128xf32, #tpu.memory_space<hbm>>
    %dma_wait3A_271 = arith.constant 16 : i32
    %dma_wait3A_272 = arith.constant 0 : i32
    %dma_wait3A_273 = tpu.memref_slice %arg8[%dma_wait3A_256, %dma_wait3A_271, %dma_wait3A_272] : memref<2x64x129xf32, #tpu.memory_space<vmem>> -> memref<1x8x128xf32, #tpu.memory_space<vmem>>
    %dma_wait3A_274 = tpu.memref_squeeze %dma_wait3A_273 : memref<1x8x128xf32, #tpu.memory_space<vmem>> -> memref<8x128xf32, #tpu.memory_space<vmem>>
    tpu.wait_dma2 semaphore(%arg15 : memref<!tpu.dma_semaphore, #tpu.memory_space<semaphore_mem>>) src(%dma_wait3A_274 : memref<8x128xf32, #tpu.memory_space<vmem>>) dst(%dma_wait3A_270 : memref<8x128xf32, #tpu.memory_space<hbm>>)
    %dma_wait3A_275 = arith.constant 1 : i32
    %dma_wait3A_276 = arith.constant 199 : i32
    %dma_wait3A_277 = arith.constant 3 : i32
    %dma_wait3A_278 = arith.constant 24 : i32
    %dma_wait3A_279 = arith.constant 0 : i32
    %dma_wait3A_280 = tpu.memref_slice %arg8[%dma_wait3A_275, %dma_wait3A_278, %dma_wait3A_279] : memref<2x64x129xf32, #tpu.memory_space<vmem>> -> memref<1x8x128xf32, #tpu.memory_space<vmem>>
    %dma_wait3A_281 = tpu.memref_squeeze %dma_wait3A_280 : memref<1x8x128xf32, #tpu.memory_space<vmem>> -> memref<8x128xf32, #tpu.memory_space<vmem>>
    %dma_wait3A_282 = arith.constant 0 : i32
    %dma_wait3A_283 = arith.constant 0 : i32
    %dma_wait3A_284 = tpu.memref_slice %arg5[%dma_wait3A_276, %dma_wait3A_277, %add3A, %dma_wait3A_282, %dma_wait3A_283] : memref<200x8x32x8x128xf32, #tpu.memory_space<hbm>> -> memref<1x1x1x8x128xf32, #tpu.memory_space<hbm>>
    %dma_wait3A_285 = tpu.memref_squeeze %dma_wait3A_284 : memref<1x1x1x8x128xf32, #tpu.memory_space<hbm>> -> memref<8x128xf32, #tpu.memory_space<hbm>>
    %dma_wait3A_286 = arith.constant 0 : i32
    %dma_wait3A_287 = arith.constant 0 : i32
    %dma_wait3A_288 = tpu.memref_slice %arg5[%dma_wait3A_276, %dma_wait3A_277, %add3A, %dma_wait3A_286, %dma_wait3A_287] : memref<200x8x32x8x128xf32, #tpu.memory_space<hbm>> -> memref<1x1x1x8x128xf32, #tpu.memory_space<hbm>>
    %dma_wait3A_289 = tpu.memref_squeeze %dma_wait3A_288 : memref<1x1x1x8x128xf32, #tpu.memory_space<hbm>> -> memref<8x128xf32, #tpu.memory_space<hbm>>
    %dma_wait3A_290 = arith.constant 24 : i32
    %dma_wait3A_291 = arith.constant 0 : i32
    %dma_wait3A_292 = tpu.memref_slice %arg8[%dma_wait3A_275, %dma_wait3A_290, %dma_wait3A_291] : memref<2x64x129xf32, #tpu.memory_space<vmem>> -> memref<1x8x128xf32, #tpu.memory_space<vmem>>
    %dma_wait3A_293 = tpu.memref_squeeze %dma_wait3A_292 : memref<1x8x128xf32, #tpu.memory_space<vmem>> -> memref<8x128xf32, #tpu.memory_space<vmem>>
    tpu.wait_dma2 semaphore(%arg15 : memref<!tpu.dma_semaphore, #tpu.memory_space<semaphore_mem>>) src(%dma_wait3A_293 : memref<8x128xf32, #tpu.memory_space<vmem>>) dst(%dma_wait3A_289 : memref<8x128xf32, #tpu.memory_space<hbm>>)
    %dma_wait3A_294 = arith.constant 1 : i32
    %dma_wait3A_295 = arith.constant 199 : i32
    %dma_wait3A_296 = arith.constant 4 : i32
    %dma_wait3A_297 = arith.constant 32 : i32
    %dma_wait3A_298 = arith.constant 0 : i32
    %dma_wait3A_299 = tpu.memref_slice %arg8[%dma_wait3A_294, %dma_wait3A_297, %dma_wait3A_298] : memref<2x64x129xf32, #tpu.memory_space<vmem>> -> memref<1x8x128xf32, #tpu.memory_space<vmem>>
    %dma_wait3A_300 = tpu.memref_squeeze %dma_wait3A_299 : memref<1x8x128xf32, #tpu.memory_space<vmem>> -> memref<8x128xf32, #tpu.memory_space<vmem>>
    %dma_wait3A_301 = arith.constant 0 : i32
    %dma_wait3A_302 = arith.constant 0 : i32
    %dma_wait3A_303 = tpu.memref_slice %arg5[%dma_wait3A_295, %dma_wait3A_296, %add3A, %dma_wait3A_301, %dma_wait3A_302] : memref<200x8x32x8x128xf32, #tpu.memory_space<hbm>> -> memref<1x1x1x8x128xf32, #tpu.memory_space<hbm>>
    %dma_wait3A_304 = tpu.memref_squeeze %dma_wait3A_303 : memref<1x1x1x8x128xf32, #tpu.memory_space<hbm>> -> memref<8x128xf32, #tpu.memory_space<hbm>>
    %dma_wait3A_305 = arith.constant 0 : i32
    %dma_wait3A_306 = arith.constant 0 : i32
    %dma_wait3A_307 = tpu.memref_slice %arg5[%dma_wait3A_295, %dma_wait3A_296, %add3A, %dma_wait3A_305, %dma_wait3A_306] : memref<200x8x32x8x128xf32, #tpu.memory_space<hbm>> -> memref<1x1x1x8x128xf32, #tpu.memory_space<hbm>>
    %dma_wait3A_308 = tpu.memref_squeeze %dma_wait3A_307 : memref<1x1x1x8x128xf32, #tpu.memory_space<hbm>> -> memref<8x128xf32, #tpu.memory_space<hbm>>
    %dma_wait3A_309 = arith.constant 32 : i32
    %dma_wait3A_310 = arith.constant 0 : i32
    %dma_wait3A_311 = tpu.memref_slice %arg8[%dma_wait3A_294, %dma_wait3A_309, %dma_wait3A_310] : memref<2x64x129xf32, #tpu.memory_space<vmem>> -> memref<1x8x128xf32, #tpu.memory_space<vmem>>
    %dma_wait3A_312 = tpu.memref_squeeze %dma_wait3A_311 : memref<1x8x128xf32, #tpu.memory_space<vmem>> -> memref<8x128xf32, #tpu.memory_space<vmem>>
    tpu.wait_dma2 semaphore(%arg15 : memref<!tpu.dma_semaphore, #tpu.memory_space<semaphore_mem>>) src(%dma_wait3A_312 : memref<8x128xf32, #tpu.memory_space<vmem>>) dst(%dma_wait3A_308 : memref<8x128xf32, #tpu.memory_space<hbm>>)
    %dma_wait3A_313 = arith.constant 1 : i32
    %dma_wait3A_314 = arith.constant 199 : i32
    %dma_wait3A_315 = arith.constant 5 : i32
    %dma_wait3A_316 = arith.constant 40 : i32
    %dma_wait3A_317 = arith.constant 0 : i32
    %dma_wait3A_318 = tpu.memref_slice %arg8[%dma_wait3A_313, %dma_wait3A_316, %dma_wait3A_317] : memref<2x64x129xf32, #tpu.memory_space<vmem>> -> memref<1x8x128xf32, #tpu.memory_space<vmem>>
    %dma_wait3A_319 = tpu.memref_squeeze %dma_wait3A_318 : memref<1x8x128xf32, #tpu.memory_space<vmem>> -> memref<8x128xf32, #tpu.memory_space<vmem>>
    %dma_wait3A_320 = arith.constant 0 : i32
    %dma_wait3A_321 = arith.constant 0 : i32
    %dma_wait3A_322 = tpu.memref_slice %arg5[%dma_wait3A_314, %dma_wait3A_315, %add3A, %dma_wait3A_320, %dma_wait3A_321] : memref<200x8x32x8x128xf32, #tpu.memory_space<hbm>> -> memref<1x1x1x8x128xf32, #tpu.memory_space<hbm>>
    %dma_wait3A_323 = tpu.memref_squeeze %dma_wait3A_322 : memref<1x1x1x8x128xf32, #tpu.memory_space<hbm>> -> memref<8x128xf32, #tpu.memory_space<hbm>>
    %dma_wait3A_324 = arith.constant 0 : i32
    %dma_wait3A_325 = arith.constant 0 : i32
    %dma_wait3A_326 = tpu.memref_slice %arg5[%dma_wait3A_314, %dma_wait3A_315, %add3A, %dma_wait3A_324, %dma_wait3A_325] : memref<200x8x32x8x128xf32, #tpu.memory_space<hbm>> -> memref<1x1x1x8x128xf32, #tpu.memory_space<hbm>>
    %dma_wait3A_327 = tpu.memref_squeeze %dma_wait3A_326 : memref<1x1x1x8x128xf32, #tpu.memory_space<hbm>> -> memref<8x128xf32, #tpu.memory_space<hbm>>
    %dma_wait3A_328 = arith.constant 40 : i32
    %dma_wait3A_329 = arith.constant 0 : i32
    %dma_wait3A_330 = tpu.memref_slice %arg8[%dma_wait3A_313, %dma_wait3A_328, %dma_wait3A_329] : memref<2x64x129xf32, #tpu.memory_space<vmem>> -> memref<1x8x128xf32, #tpu.memory_space<vmem>>
    %dma_wait3A_331 = tpu.memref_squeeze %dma_wait3A_330 : memref<1x8x128xf32, #tpu.memory_space<vmem>> -> memref<8x128xf32, #tpu.memory_space<vmem>>
    tpu.wait_dma2 semaphore(%arg15 : memref<!tpu.dma_semaphore, #tpu.memory_space<semaphore_mem>>) src(%dma_wait3A_331 : memref<8x128xf32, #tpu.memory_space<vmem>>) dst(%dma_wait3A_327 : memref<8x128xf32, #tpu.memory_space<hbm>>)
    %dma_wait3A_332 = arith.constant 1 : i32
    %dma_wait3A_333 = arith.constant 199 : i32
    %dma_wait3A_334 = arith.constant 6 : i32
    %dma_wait3A_335 = arith.constant 48 : i32
    %dma_wait3A_336 = arith.constant 0 : i32
    %dma_wait3A_337 = tpu.memref_slice %arg8[%dma_wait3A_332, %dma_wait3A_335, %dma_wait3A_336] : memref<2x64x129xf32, #tpu.memory_space<vmem>> -> memref<1x8x128xf32, #tpu.memory_space<vmem>>
    %dma_wait3A_338 = tpu.memref_squeeze %dma_wait3A_337 : memref<1x8x128xf32, #tpu.memory_space<vmem>> -> memref<8x128xf32, #tpu.memory_space<vmem>>
    %dma_wait3A_339 = arith.constant 0 : i32
    %dma_wait3A_340 = arith.constant 0 : i32
    %dma_wait3A_341 = tpu.memref_slice %arg5[%dma_wait3A_333, %dma_wait3A_334, %add3A, %dma_wait3A_339, %dma_wait3A_340] : memref<200x8x32x8x128xf32, #tpu.memory_space<hbm>> -> memref<1x1x1x8x128xf32, #tpu.memory_space<hbm>>
    %dma_wait3A_342 = tpu.memref_squeeze %dma_wait3A_341 : memref<1x1x1x8x128xf32, #tpu.memory_space<hbm>> -> memref<8x128xf32, #tpu.memory_space<hbm>>
    %dma_wait3A_343 = arith.constant 0 : i32
    %dma_wait3A_344 = arith.constant 0 : i32
    %dma_wait3A_345 = tpu.memref_slice %arg5[%dma_wait3A_333, %dma_wait3A_334, %add3A, %dma_wait3A_343, %dma_wait3A_344] : memref<200x8x32x8x128xf32, #tpu.memory_space<hbm>> -> memref<1x1x1x8x128xf32, #tpu.memory_space<hbm>>
    %dma_wait3A_346 = tpu.memref_squeeze %dma_wait3A_345 : memref<1x1x1x8x128xf32, #tpu.memory_space<hbm>> -> memref<8x128xf32, #tpu.memory_space<hbm>>
    %dma_wait3A_347 = arith.constant 48 : i32
    %dma_wait3A_348 = arith.constant 0 : i32
    %dma_wait3A_349 = tpu.memref_slice %arg8[%dma_wait3A_332, %dma_wait3A_347, %dma_wait3A_348] : memref<2x64x129xf32, #tpu.memory_space<vmem>> -> memref<1x8x128xf32, #tpu.memory_space<vmem>>
    %dma_wait3A_350 = tpu.memref_squeeze %dma_wait3A_349 : memref<1x8x128xf32, #tpu.memory_space<vmem>> -> memref<8x128xf32, #tpu.memory_space<vmem>>
    tpu.wait_dma2 semaphore(%arg15 : memref<!tpu.dma_semaphore, #tpu.memory_space<semaphore_mem>>) src(%dma_wait3A_350 : memref<8x128xf32, #tpu.memory_space<vmem>>) dst(%dma_wait3A_346 : memref<8x128xf32, #tpu.memory_space<hbm>>)
    %dma_wait3A_351 = arith.constant 1 : i32
    %dma_wait3A_352 = arith.constant 199 : i32
    %dma_wait3A_353 = arith.constant 7 : i32
    %dma_wait3A_354 = arith.constant 56 : i32
    %dma_wait3A_355 = arith.constant 0 : i32
    %dma_wait3A_356 = tpu.memref_slice %arg8[%dma_wait3A_351, %dma_wait3A_354, %dma_wait3A_355] : memref<2x64x129xf32, #tpu.memory_space<vmem>> -> memref<1x8x128xf32, #tpu.memory_space<vmem>>
    %dma_wait3A_357 = tpu.memref_squeeze %dma_wait3A_356 : memref<1x8x128xf32, #tpu.memory_space<vmem>> -> memref<8x128xf32, #tpu.memory_space<vmem>>
    %dma_wait3A_358 = arith.constant 0 : i32
    %dma_wait3A_359 = arith.constant 0 : i32
    %dma_wait3A_360 = tpu.memref_slice %arg5[%dma_wait3A_352, %dma_wait3A_353, %add3A, %dma_wait3A_358, %dma_wait3A_359] : memref<200x8x32x8x128xf32, #tpu.memory_space<hbm>> -> memref<1x1x1x8x128xf32, #tpu.memory_space<hbm>>
    %dma_wait3A_361 = tpu.memref_squeeze %dma_wait3A_360 : memref<1x1x1x8x128xf32, #tpu.memory_space<hbm>> -> memref<8x128xf32, #tpu.memory_space<hbm>>
    %dma_wait3A_362 = arith.constant 0 : i32
    %dma_wait3A_363 = arith.constant 0 : i32
    %dma_wait3A_364 = tpu.memref_slice %arg5[%dma_wait3A_352, %dma_wait3A_353, %add3A, %dma_wait3A_362, %dma_wait3A_363] : memref<200x8x32x8x128xf32, #tpu.memory_space<hbm>> -> memref<1x1x1x8x128xf32, #tpu.memory_space<hbm>>
    %dma_wait3A_365 = tpu.memref_squeeze %dma_wait3A_364 : memref<1x1x1x8x128xf32, #tpu.memory_space<hbm>> -> memref<8x128xf32, #tpu.memory_space<hbm>>
    %dma_wait3A_366 = arith.constant 56 : i32
    %dma_wait3A_367 = arith.constant 0 : i32
    %dma_wait3A_368 = tpu.memref_slice %arg8[%dma_wait3A_351, %dma_wait3A_366, %dma_wait3A_367] : memref<2x64x129xf32, #tpu.memory_space<vmem>> -> memref<1x8x128xf32, #tpu.memory_space<vmem>>
    %dma_wait3A_369 = tpu.memref_squeeze %dma_wait3A_368 : memref<1x8x128xf32, #tpu.memory_space<vmem>> -> memref<8x128xf32, #tpu.memory_space<vmem>>
    tpu.wait_dma2 semaphore(%arg15 : memref<!tpu.dma_semaphore, #tpu.memory_space<semaphore_mem>>) src(%dma_wait3A_369 : memref<8x128xf32, #tpu.memory_space<vmem>>) dst(%dma_wait3A_365 : memref<8x128xf32, #tpu.memory_space<hbm>>)
    return
  }
}

</mosaic_0001>

<sc_bundles>
// kernel: _run.3.cloned.1.call-start
scs
__scs_entry_jumppad:
0x0: {  	(pc) =	sbr.rel $0x88, $3  }
0x1: {  	(tag) =	ssettag $0x0;
	lr =	simm.s32 $0x1  }
0x2: {  	[smem:$0x3F9E] =	sst lr;
	_ =	strace $0xD0000000  }
0x3: {  	_ = 	snop  }
0x4: {  	_ = 	snop  }
0x5: {  	_ = 	snop  }
0x6: {  	_ = 	snop  }
0x7: {  	_ = 	snop  }
__scs_overlays_trampoline_lowered:
0x8: {  	[smem:$0x3FAD] =	sst s0  }
0x9: {  	[smem:$0x3FAE] =	sst s1  }
0xa: {  	[smem:$0x3FAF] =	sst s2  }
0xb: {  	[smem:$0x3FB0] =	sst s3  }
0xc: {  	[smem:$0x3FB1] =	sst s4  }
0xd: {  	[smem:$0x3FB2] =	sst s5  }
0xe: {  	[smem:$0x3FB3] =	sst s6  }
0xf: {  	[smem:$0x3FB4] =	sst s7  }
0x10: {  	[smem:$0x3FB5] =	sst s8  }
0x11: {  	[smem:$0x3FB6] =	sst s9;
	s0 =	simm.s32 @!p0 $0x0  }
0x12: {  	s1 =	sld [smem:$0x3F9C];
	s0 =	simm.s32 @p0 $0x1  }
0x13: {  	[smem:$0x3FB7] =	sst s0;
	s0 =	simm.s32 @!p1 $0x0  }
0x14: {  	s2 =	sld [smem:$0x3F9B];
	s0 =	simm.s32 @p1 $0x1  }
0x15: {  	[smem:$0x3FB8] =	sst s0;
	s0 =	simm.s32 @!p2 $0x0  }
0x16: {  	s3 =	sld [smem:$0x3FDB];
	s0 =	simm.s32 @p2 $0x1  }
0x17: {  	s4 =	simm.s32 $0x1BF5;
	[smem:$0x3FBA] =	sst s0  }
0x18: {  	s0 =	sld [smem:$0x3F9D];
	_ =	swait.ge [sflag:s4], $0x0  }
0x19: {  	s7 =	sld [smem:$0x3F9E]  }
0x1a: {  	s8 =	sadd.s32 $0xFFFFE003, lr  }
0x1b: {  	s9 =	sadd.s32 $0xFFFFFEF7, lr;
	s5 =	simm.s32 $0xFFFFFFFF;
	p2 =	slt.u32 s8, $0xFFFFF086  }
0x1c: {  	p1 =	slt.u32 s9, $0xF7A;
	s5 =	simm.s32 @!p2 $0x0  }
0x1d: {  	s5 =	simm.s32 @p1 $0x1;
	p0 =	seq.s32 s7, s2  }
0x1e: {  	s7 =	smul.u32 @!p0 $0xF7A, s2;
	p2 =	seq.s32 @!p0 s5, $0x0  }
0x1f: {  	s9 =	smul.u32 $0xF7A, s1;
	s8 =	simm.s32 @!p0 $0x1BF5;
	p2 =	por !p2, p0  }
0x20: {  	[sflag:s8] =	ssyncset.s32 @!p0 $0xFFFFF086;
	s6 =	sadd.s32 @!p0 s3, s7;
	s7 =	simm.s32 @!p0 $0x108  }
0x21: {  	s3 =	sadd.s32 s3, s9;
	s6 =	sadd.s32 @!p0 $0x88, s6;
	s7 =	simm.s32 @p2 $0x1082  }
0x22: {  	[simem:s7], [sflag:s8] =	dma.local @!p0 [hbm:s6], $0xF7A  }
0x23: {  	s9 =	sor.u32 $0xD0000000, s2;
	s6 =	simm.s32 $0x108;
	_ =	swait.ge @!p0 [sflag:s8], $0x0  }
0x24: {  	s3 =	sadd.s32 $0x88, s3;
	s6 =	simm.s32 @!p1 $0x1082;
	[sflag:s4] =	ssyncset.s32 $0xFFFFF086  }
0x25: {  	[simem:s6], [sflag:s4] =	dma.local [hbm:s3], $0xF7A  }
0x26: {  	[smem:$0x3F9E] =	sst s1;
	(tag) =	ssettag s2;
	_ =	strace s9  }
0x27: {  	s1 =	sld [smem:$0x3FAE]  }
0x28: {  	s2 =	sld [smem:$0x3FAF]  }
0x29: {  	s4 =	sld [smem:$0x3FB1]  }
0x2a: {  	p0 =	seq.s32 s5, $0x0;
	s5 =	sld [smem:$0x3FB2]  }
0x2b: {  	s6 =	sld [smem:$0x3FB3]  }
0x2c: {  	s7 =	sld [smem:$0x3FB4]  }
0x2d: {  	s3 =	simm.s32 $0x108;
	s8 =	sld [smem:$0x3FB5]  }
0x2e: {  	s3 =	simm.s32 @!p0 $0x1082;
	s9 =	sld [smem:$0x3FB6]  }
0x2f: {  	lr =	sadd.s32 s0, s3;
	s0 =	sld [smem:$0x3FAD]  }
0x30: {  	s3 =	sld [smem:$0x3FB0]  }
0x31: {  	[smem:$0x3FB9] =	sst s10  }
0x32: {  	s10 =	sld [smem:$0x3FB7];
	_ =	sdelay $0x3  }
0x33: {  	p0 =	seq.s32 s10, $0x1;
	s10 =	sld [smem:$0x3FB9];
	_ =	sdelay $0x3  }
0x34: {  	[smem:$0x3FB9] =	sst s10  }
0x35: {  	s10 =	sld [smem:$0x3FB8];
	_ =	sdelay $0x3  }
0x36: {  	p1 =	seq.s32 s10, $0x1;
	s10 =	sld [smem:$0x3FB9];
	_ =	sdelay $0x3  }
0x37: {  	[smem:$0x3FB9] =	sst s10  }
0x38: {  	s10 =	sld [smem:$0x3FBA]  }
0x39: {  	_ = 	snop;
	(pc) =	sbr.ind lr, $3  }
0x3a: {  	_ = 	snop  }
0x3b: {  	_ = 	snop  }
0x3c: {  	p2 =	seq.s32 s10, $0x1;
	s10 =	sld [smem:$0x3FB9]  }
0x3d: {  	_ =	shalt  }
0x3e: {  	_ =	shalt  }
0x3f: {  	_ =	shalt  }
0x40: {  	_ =	shalt  }
0x41: {  	_ =	shalt  }
0x42: {  	_ =	shalt  }
0x43: {  	_ =	shalt  }
0x44: {  	_ =	shalt  }
0x45: {  	_ =	shalt  }
0x46: {  	_ =	shalt  }
0x47: {  	_ =	shalt  }
0x48: {  	_ =	shalt  }
0x49: {  	_ =	shalt  }
0x4a: {  	_ =	shalt  }
0x4b: {  	_ =	shalt  }
0x4c: {  	_ =	shalt  }
0x4d: {  	_ =	shalt  }
0x4e: {  	_ =	shalt  }
0x4f: {  	_ =	shalt  }
0x50: {  	_ =	shalt  }
0x51: {  	_ =	shalt  }
0x52: {  	_ =	shalt  }
0x53: {  	_ =	shalt  }
0x54: {  	_ =	shalt  }
0x55: {  	_ =	shalt  }
0x56: {  	_ =	shalt  }
0x57: {  	_ =	shalt  }
0x58: {  	_ =	shalt  }
0x59: {  	_ =	shalt  }
0x5a: {  	_ =	shalt  }
0x5b: {  	_ =	shalt  }
0x5c: {  	_ =	shalt  }
0x5d: {  	_ =	shalt  }
0x5e: {  	_ =	shalt  }
0x5f: {  	_ =	shalt  }
0x60: {  	_ =	shalt  }
0x61: {  	_ =	shalt  }
0x62: {  	_ =	shalt  }
0x63: {  	_ =	shalt  }
0x64: {  	_ =	shalt  }
0x65: {  	_ =	shalt  }
0x66: {  	_ =	shalt  }
0x67: {  	_ =	shalt  }
0x68: {  	_ =	shalt  }
0x69: {  	_ =	shalt  }
0x6a: {  	_ =	shalt  }
0x6b: {  	_ =	shalt  }
0x6c: {  	_ =	shalt  }
0x6d: {  	_ =	shalt  }
0x6e: {  	_ =	shalt  }
0x6f: {  	_ =	shalt  }
0x70: {  	_ =	shalt  }
0x71: {  	_ =	shalt  }
0x72: {  	_ =	shalt  }
0x73: {  	_ =	shalt  }
0x74: {  	_ =	shalt  }
0x75: {  	_ =	shalt  }
0x76: {  	_ =	shalt  }
0x77: {  	_ =	shalt  }
0x78: {  	_ =	shalt  }
0x79: {  	_ =	shalt  }
0x7a: {  	_ =	shalt  }
0x7b: {  	_ =	shalt  }
0x7c: {  	_ =	shalt  }
0x7d: {  	_ =	shalt  }
0x7e: {  	_ =	shalt  }
0x7f: {  	_ =	shalt  }
0x80: {  	_ =	shalt  }
0x81: {  	_ =	shalt  }
0x82: {  	_ =	shalt  }
0x83: {  	_ =	shalt  }
0x84: {  	_ =	shalt  }
0x85: {  	_ =	shalt  }
0x86: {  	_ =	shalt  }
0x87: {  	_ =	shalt  }
.Lfunc_end0:
.L_simem_size_0:
called_computation_lowered:
.L_overlay_start_0:
0x88: {  	s2 =	sld [smem:$0x3FD9]  }
0x89: {  	s3 =	sld [smem:$0x3FFE];
	_ =	sdelay $0x1  }
0x8a: {  	s1 =	srdreg.scid  }
0x8b: {  	s0 =	sand.u32 $0x1, s1  }
0x8c: {  	s17 =	sshll.u32 s0, $0xA;
	s2 =	sadd.s32 s3, s2  }
0x8d: {  	s2 =	sadd.s32 s2, s17  }
0x8e: {  	[smem:$0x3FC5] =	sst s2  }
0x8f: {  	_ = 	snop  }
0x90: {  	s2 =	sld [smem:$0x3FC9]  }
0x91: {  	s18 =	sld [smem:$0x3FC7]  }
0x92: {  	s4 =	sld [smem:$0x3FD0];
	(tm) =	ssettm $0x1  }
0x93: {  	s5 =	sld [smem:$0x3FFB];
	_ =	sdelay $0x3  }
0x94: {  	_ =	strace s5  }
0x95: {  	s5 =	sld [smem:$0x3FFC];
	_ =	sdelay $0x3  }
0x96: {  	_ =	strace s5  }
0x97: {  	s5 =	sld [smem:$0x3FFD];
	_ =	sdelay $0x3  }
0x98: {  	_ =	strace s5  }
0x99: {  	_ =	strace $0x8FFFFFFF  }
0x9a: {  	s19 =	sld [smem:$0x3FDB];
	_ =	sdelay $0x1  }
0x9b: {  	s6 =	simm.s32 $_scs_section_size  }
0x9c: {  	s7 =	simm.s32 $_size__tile_overlayer_lowered;
	s8 =	simm.s32 $_tile_overlayer_lowered  }
0x9d: {  	s22 =	simm.s32 $0x1BFF;
	s21 =	sshll.u32 s8, $0x1;
	s5 =	sadd.s32 s6, s19  }
0x9e: {  	s9 =	simm.s32 $0x0;
	s20 =	sshll.u32 s7, $0x1;
	s7 =	sadd.s32 s21, s5  }
0x9f: {  	[timem:s9], [sflag:s22] =	dma.local [hbm:s7], s20  }
0xa0: {  	_ =	swait.ge [sflag:s22], s20  }
0xa1: {  	s6 =	ssub.s32 $0x0, s20;
	[sflag:s22] =	ssyncset.done $0x0  }
0xa2: {  	[sflag:s22] =	ssyncadd.s32 s6;
	_ =	sdelay $0x1  }
0xa3: {  	s23 =	simm.s32 $0x1B8B  }
0xa4: {  	_ =	swait.ge [sflag:s23], $0x1  }
0xa5: {  	[sflag:s23] =	ssyncset.done $0x0  }
0xa6: {  	s25 =	simm.s32 $0x1B8E;
	s24 =	sld [smem:$0x3FFE];
	[sflag:s23] =	ssyncadd.s32 $0xFFFFFFFF  }
0xa7: {  	s26 =	simm.s32 $execute0_lowered;
	[smem:$0x3FD2] =	sst s25  }
0xa8: {  	s7 =	sshll.u32 s26, $0x1;
	_ =	strace $0x80000046;
	[dreg:$0x1] =	wrdreg $0xFFFFFFFF  }
0xa9: {  	s28 =	simm.s32 $_size_execute0_lowered;
	s5 =	sadd.s32 s5, s7;
	[dreg:$0x0] =	wrdreg $0x0  }
0xaa: {  	s7 =	sshll.u32 s28, $0x1;
	[dreg:$0x2] =	wrdreg s5  }
0xab: {  	[dreg:$0x3] =	wrdreg s7  }
0xac: {  	[dreg:$0x4] =	wrdreg $0xC0  }
0xad: {  	_ =	task [dreg:s9], $0x5FFFF  }
0xae: {  	[dreg:$0x1] =	wrdreg $0xFFFFFFFF  }
0xaf: {  	[dreg:$0x0] =	wrdreg $0x60  }
0xb0: {  	[dreg:$0x2] =	wrdreg s2  }
0xb1: {  	[dreg:$0x3] =	wrdreg s24  }
0xb2: {  	[dreg:$0x4] =	wrdreg s18  }
0xb3: {  	[dreg:$0x5] =	wrdreg s4  }
0xb4: {  	[dreg:$0x6] =	wrdreg $0x9  }
0xb5: {  	_ =	task.clear_ibuf [dreg:s9], $0x7FFFF;
	_ =	strace $0x90000046  }
0xb6: {  	s29 =	simm.s32 $0x9;
	_ =	strace $0x80000048  }
0xb7: {  	_ =	swait.ge [sflag:s29], $0x1  }
0xb8: {  	[sflag:s29] =	ssyncadd.s32 $0xFFFFFFFF  }
0xb9: {  	_ =	strace $0x90000048  }
0xba: {  	_ =	sfence  }
0xbb: {  	s30 =	sld [smem:$0x0];
	_ =	sdelay $0x2  }
0xbc: {  	s31 =	sshll.u32 s1, $0xD;
	s1 =	sshrl.u32 s1, $0x2  }
0xbd: {  	s3 =	sand.u32 $0x4000, s31;
	s1 =	sadd.s32 s1, s30  }
0xbe: {  	s0 =	sor.u32 s3, s0;
	s1 =	sshll.u32 s1, $0x11  }
0xbf: {  	s0 =	sor.u32 s1, s0  }
0xc0: {  	s0 =	sadd.s32 $0x8F2B, s0  }
0xc1: {  	[sflag:s0] =	ssyncadd.remote.s32 $0x1  }
0xc2: {  	_ =	sfence.sel $0xFFFF  }
0xc3: {  	[dreg:$0x0] =	wrdreg $0xFFFFFFFF;
	(pc) =	sbr.abs _section_cstart, $3  }
0xc4: {  	[dreg:$0x1] =	wrdreg $0xFFFFFFFF  }
0xc5: {  	_ =	task.clear_ibuf [dreg:s9], $0x2FFFF;
	_ =	strace $0x9FFFFFFF  }
0xc6: {  	(tm) =	ssettm $0x7FFFFFFF  }
0xc7: {  	_ =	shalt  }
tec
execute0_lowered:
.L_overlay_start_1:
0x0: {  	(tag) =	ssettag $0x1  }
0x1: {  	s0 =	rddreg [dreg:$0x0]  }
0x2: {  	s1 =	rddreg [dreg:$0x1]  }
0x3: {  	s2 =	rddreg [dreg:$0x2]  }
0x4: {  	s3 =	rddreg [dreg:$0x3]  }
0x5: {  	s4 =	srdreg.scid;
	s5 =	stileid.u32  }
0x6: {  	s6 =	sand.u32 $0x1, s4;
	s4 =	simm.s32 $0x0;
	s5 =	sshll.u32 s5, $0xB  }
0x7: {  	s1 =	sadd.s32 $0x400, s1;
	s7 =	sshll.u32 s6, $0xA;
	s6 =	ssub.s32 $0x2, s6  }
0x8: {  	[smem:$0x7FF] =	sst s4;
	s5 =	sor.u32 s7, s5;
	s30 =	sshrl.u32 s6, $0x1  }
0x9: {  	_ =	strace $0x80000047;
	s7 =	sshrl.u32 s5, $0x3;
	s31 =	ssub.s32 s6, s30  }
0xa: {  	[dreg:$0x5] =	wrdreg s1;
	s7 =	sadd.s32 s0, s7;
	s0 =	smax.u32 s31, $0x1  }
0xb: {  	[dreg:$0x18] =	wrdreg s0  }
0xc: {  	s6 =	sadd.s32 $0x1000, s7;
	[dreg:$0x6] =	wrdreg s7  }
0xd: {  	s8 =	sadd.s32 $0x2000, s7;
	[dreg:$0x7] =	wrdreg s6  }
0xe: {  	s9 =	sadd.s32 $0x3000, s7;
	[dreg:$0x8] =	wrdreg s8  }
0xf: {  	s10 =	sadd.s32 $0x4000, s7;
	[dreg:$0x9] =	wrdreg s9  }
0x10: {  	s11 =	sadd.s32 $0x5000, s7;
	[dreg:$0xa] =	wrdreg s10  }
0x11: {  	s12 =	sadd.s32 $0x6000, s7;
	[dreg:$0xb] =	wrdreg s11  }
0x12: {  	s13 =	sadd.s32 $0x7000, s7;
	[dreg:$0xc] =	wrdreg s12  }
0x13: {  	s14 =	sadd.s32 $0x8000, s7;
	[dreg:$0xd] =	wrdreg s13  }
0x14: {  	s15 =	sadd.s32 $0x9000, s7;
	[dreg:$0xe] =	wrdreg s14  }
0x15: {  	s16 =	sadd.s32 $0xA000, s7;
	[dreg:$0xf] =	wrdreg s15  }
0x16: {  	s17 =	sadd.s32 $0xB000, s7;
	[dreg:$0x10] =	wrdreg s16  }
0x17: {  	s18 =	sadd.s32 $0xC000, s7;
	[dreg:$0x11] =	wrdreg s17  }
0x18: {  	s19 =	sadd.s32 $0xD000, s7;
	[dreg:$0x12] =	wrdreg s18  }
0x19: {  	s20 =	sadd.s32 $0xE000, s7;
	[dreg:$0x13] =	wrdreg s19  }
0x1a: {  	s21 =	sadd.s32 $0xF000, s7;
	[dreg:$0x14] =	wrdreg s20  }
0x1b: {  	v1 =	vlaneseq.u32;
	v13 =	vimm.s32 $0x0;
	s22 =	sadd.s32 $0x10000, s7;
	[dreg:$0x15] =	wrdreg s21  }
0x1c: {  	vm0 =	vcmask $0x300;
	v0 =	vor.u32 $0x20, v1;
	v11 =	vmul.u32 $0x88, v1;
	s23 =	sadd.s32 $0x11000, s7;
	[dreg:$0x16] =	wrdreg s22  }
0x1d: {  	v2 =	vor.u32 $0x10, v1;
	v10 =	vsel vm0, $0x3, v13;
	[tilespmem:$0x1FF30] =	vst v0;
	s24 =	sadd.s32 $0x12000, s7;
	[dreg:$0x17] =	wrdreg s23  }
0x1e: {  	v0 =	vor.u32 $0x30, v1;
	v12 =	vadd.s32 $0x1100, v11;
	v37 =	vor.u32 $0x1, v11;
	[tilespmem:$0x1FFF0] =	vst v2;
	s25 =	sadd.s32 $0x13000, s7;
	[dreg:$0x19] =	wrdreg s24  }
0x1f: {  	v33 =	vadd.s32 $0x881, v11;
	v29 =	vadd.s32 $0x1101, v11;
	[tilespmem:$0x1FF40] =	vst v0;
	v0 =	vor.u32 $0x40, v1;
	s26 =	sadd.s32 $0x14000, s7;
	[dreg:$0x1a] =	wrdreg s25  }
0x20: {  	v17 =	vadd.s32 $0x1981, v11;
	v18 =	vor.u32 $0x2, v11;
	[tilespmem:$0x1FF50] =	vst v0;
	v0 =	vor.u32 $0x50, v1;
	s28 =	sadd.s32 $0x15000, s7;
	[dreg:$0x1b] =	wrdreg s26  }
0x21: {  	v19 =	vadd.s32 $0x882, v11;
	v20 =	vadd.s32 $0x1102, v11;
	s29 =	sadd.s32 $0x16000, s7;
	[tilespmem:$0x1FF60] =	vst v0;
	v0 =	vor.u32 $0x60, v1;
	[dreg:$0x1c] =	wrdreg s28  }
0x22: {  	v21 =	vadd.s32 $0x1982, v11;
	v22 =	vor.u32 $0x3, v11;
	s1 =	simm.s32 $0x12558;
	s30 =	sadd.s32 $0x17000, s7;
	[dreg:$0x1d] =	wrdreg s29;
	[tilespmem:$0x1FF70] =	vst v0;
	v0 =	vor.u32 $0x70, v1  }
0x23: {  	v23 =	vadd.s32 $0x883, v11;
	v24 =	vadd.s32 $0x1103, v11;
	s31 =	sadd.s32 $0x18000, s7;
	s0 =	simm.s32 $0x124D0;
	[dreg:$0x1e] =	wrdreg s30;
	[tilespmem:$0x1FF80] =	vst v0;
	v0 =	vadd.s32 $0x880, v11  }
0x24: {  	v27 =	vadd.s32 $0x884, v11;
	v28 =	vadd.s32 $0x1104, v11;
	s7 =	simm.s32 $0x125E0;
	[dreg:$0x1f] =	wrdreg s31;
	s6 =	sadd.s32 $0x1000, s3;
	[tilespmem:$0x1FF90] =	vst v0;
	v0 =	vadd.s32 $0x1980, v11  }
0x25: {  	v26 =	vor.u32 $0x4, v11;
	v31 =	vadd.s32 $0x885, v11;
	s8 =	sadd.s32 $0x2000, s3;
	s9 =	sadd.s32 $0x3000, s3;
	s10 =	sadd.s32 $0x4000, s3;
	[tilespmem:$0x1FFA0] =	vst v0;
	v0 =	vadd.s32 $0x1983, v11  }
0x26: {  	v30 =	vor.u32 $0x5, v11;
	v32 =	vadd.s32 $0x1105, v11;
	s11 =	sadd.s32 $0x5000, s3;
	s12 =	sadd.s32 $0x6000, s3;
	s13 =	sadd.s32 $0x7000, s3;
	[tilespmem:$0x1FFB0] =	vst v0;
	v0 =	vadd.s32 $0x1984, v11  }
0x27: {  	v34 =	vor.u32 $0x6, v11;
	v35 =	vadd.s32 $0x886, v11;
	s14 =	simm.s32 $0x5;
	s17 =	simm.s32 $0x1;
	s18 =	simm.s32 $0xE400;
	[tilespmem:$0x1FFC0] =	vst v0;
	v0 =	vadd.s32 $0x1985, v11  }
0x28: {  	v36 =	vadd.s32 $0x1106, v11;
	v38 =	vor.u32 $0x7, v11;
	s16 =	simm.s32 $0x2;
	s19 =	simm.s32 $0x10600;
	s20 =	simm.s32 $0x12668;
	[tilespmem:$0x1FFD0] =	vst v0;
	v0 =	vadd.s32 $0x1986, v11  }
0x29: {  	v39 =	vadd.s32 $0x887, v11;
	v40 =	vadd.s32 $0x1107, v11;
	v41 =	vadd.s32 $0x1987, v11;
	s21 =	simm.s32 $0x126F0;
	s22 =	simm.s32 $0x12778;
	s24 =	simm.s32 $0x0;
	[tilespmem:$0x1FFE0] =	vst v0  }
.LBB2_1:
0x2a: {  	[smem:$0x7FD] =	sst s24  }
0x2b: {  	s15 =	rddreg [dreg:$0x5];
	s23 =	simm.s32 $0x12800  }
0x2c: {  	[tilespmem:s23], [sflag:$0x5] =	stream.linear.gather [hbm4b:s15+s4], $0x100, $0x38;
	[tilespmem:$0x12A20] =	vst v63  }
0x2d: {  	_ =	swait.ge [sflag:s14], $0x100  }
0x2e: {  	[sflag:s14] =	ssyncset.done $0x0  }
0x2f: {  	s29 =	rddreg [dreg:$0x6];
	[sflag:s14] =	ssyncadd.s32 $0xFFFFFF00  }
0x30: {  	[tilespmem:s4], [sflag:$0x5] =	stream.linear.gather [hbm4b:s29+s4], $0x400, $0x38;
	[tilespmem:$0x12A20] =	vst v63  }
0x31: {  	_ =	swait.ge [sflag:s14], $0x400  }
0x32: {  	[sflag:s14] =	ssyncset.done $0x0  }
0x33: {  	s31 =	simm.s32 $0x400;
	s30 =	rddreg [dreg:$0x7];
	[sflag:s14] =	ssyncadd.s32 $0xFFFFFC00  }
0x34: {  	[tilespmem:s31], [sflag:$0x5] =	stream.linear.gather [hbm4b:s30+s4], $0x400, $0x38;
	[tilespmem:$0x12A20] =	vst v63  }
0x35: {  	_ =	swait.ge [sflag:s14], $0x400  }
0x36: {  	[sflag:s14] =	ssyncset.done $0x0  }
0x37: {  	s24 =	simm.s32 $0x800;
	s23 =	rddreg [dreg:$0x8];
	[sflag:s14] =	ssyncadd.s32 $0xFFFFFC00  }
0x38: {  	[tilespmem:s24], [sflag:$0x5] =	stream.linear.gather [hbm4b:s23+s4], $0x400, $0x38;
	[tilespmem:$0x12A20] =	vst v63  }
0x39: {  	_ =	swait.ge [sflag:s14], $0x400  }
0x3a: {  	[sflag:s14] =	ssyncset.done $0x0  }
0x3b: {  	s26 =	simm.s32 $0xC00;
	s25 =	rddreg [dreg:$0x9];
	[sflag:s14] =	ssyncadd.s32 $0xFFFFFC00  }
0x3c: {  	[tilespmem:s26], [sflag:$0x5] =	stream.linear.gather [hbm4b:s25+s4], $0x400, $0x38;
	[tilespmem:$0x12A20] =	vst v63  }
0x3d: {  	_ =	swait.ge [sflag:s14], $0x400  }
0x3e: {  	[sflag:s14] =	ssyncset.done $0x0  }
0x3f: {  	s29 =	simm.s32 $0x1000;
	s28 =	rddreg [dreg:$0xa];
	[sflag:s14] =	ssyncadd.s32 $0xFFFFFC00  }
0x40: {  	[tilespmem:s29], [sflag:$0x5] =	stream.linear.gather [hbm4b:s28+s4], $0x400, $0x38;
	[tilespmem:$0x12A20] =	vst v63  }
0x41: {  	_ =	swait.ge [sflag:s14], $0x400  }
0x42: {  	[sflag:s14] =	ssyncset.done $0x0  }
0x43: {  	s31 =	simm.s32 $0x1400;
	s30 =	rddreg [dreg:$0xb];
	[sflag:s14] =	ssyncadd.s32 $0xFFFFFC00  }
0x44: {  	[tilespmem:s31], [sflag:$0x5] =	stream.linear.gather [hbm4b:s30+s4], $0x400, $0x38;
	[tilespmem:$0x12A20] =	vst v63  }
0x45: {  	_ =	swait.ge [sflag:s14], $0x400  }
0x46: {  	[sflag:s14] =	ssyncset.done $0x0  }
0x47: {  	s24 =	simm.s32 $0x1800;
	s23 =	rddreg [dreg:$0xc];
	[sflag:s14] =	ssyncadd.s32 $0xFFFFFC00  }
0x48: {  	[tilespmem:s24], [sflag:$0x5] =	stream.linear.gather [hbm4b:s23+s4], $0x400, $0x38;
	[tilespmem:$0x12A20] =	vst v63  }
0x49: {  	_ =	swait.ge [sflag:s14], $0x400  }
0x4a: {  	[sflag:s14] =	ssyncset.done $0x0  }
0x4b: {  	s26 =	simm.s32 $0x1C00;
	s25 =	rddreg [dreg:$0xd];
	[sflag:s14] =	ssyncadd.s32 $0xFFFFFC00  }
0x4c: {  	[tilespmem:s26], [sflag:$0x5] =	stream.linear.gather [hbm4b:s25+s4], $0x400, $0x38;
	[tilespmem:$0x12A20] =	vst v63  }
0x4d: {  	_ =	swait.ge [sflag:s14], $0x400  }
0x4e: {  	[sflag:s14] =	ssyncset.done $0x0  }
0x4f: {  	s29 =	simm.s32 $0x2000;
	s28 =	rddreg [dreg:$0xe];
	[sflag:s14] =	ssyncadd.s32 $0xFFFFFC00  }
0x50: {  	[tilespmem:s29], [sflag:$0x5] =	stream.linear.gather [hbm4b:s28+s4], $0x400, $0x38;
	[tilespmem:$0x12A20] =	vst v63  }
0x51: {  	_ =	swait.ge [sflag:s14], $0x400  }
0x52: {  	[sflag:s14] =	ssyncset.done $0x0  }
0x53: {  	s31 =	simm.s32 $0x2400;
	s30 =	rddreg [dreg:$0xf];
	[sflag:s14] =	ssyncadd.s32 $0xFFFFFC00  }
0x54: {  	[tilespmem:s31], [sflag:$0x5] =	stream.linear.gather [hbm4b:s30+s4], $0x400, $0x38;
	[tilespmem:$0x12A20] =	vst v63  }
0x55: {  	_ =	swait.ge [sflag:s14], $0x400  }
0x56: {  	[sflag:s14] =	ssyncset.done $0x0  }
0x57: {  	s24 =	simm.s32 $0x2800;
	s23 =	rddreg [dreg:$0x10];
	[sflag:s14] =	ssyncadd.s32 $0xFFFFFC00  }
0x58: {  	[tilespmem:s24], [sflag:$0x5] =	stream.linear.gather [hbm4b:s23+s4], $0x400, $0x38;
	[tilespmem:$0x12A20] =	vst v63  }
0x59: {  	_ =	swait.ge [sflag:s14], $0x400  }
0x5a: {  	[sflag:s14] =	ssyncset.done $0x0  }
0x5b: {  	s26 =	simm.s32 $0x2C00;
	s25 =	rddreg [dreg:$0x11];
	[sflag:s14] =	ssyncadd.s32 $0xFFFFFC00  }
0x5c: {  	[tilespmem:s26], [sflag:$0x5] =	stream.linear.gather [hbm4b:s25+s4], $0x400, $0x38;
	[tilespmem:$0x12A20] =	vst v63  }
0x5d: {  	_ =	swait.ge [sflag:s14], $0x400  }
0x5e: {  	[sflag:s14] =	ssyncset.done $0x0  }
0x5f: {  	s29 =	simm.s32 $0x3000;
	s28 =	rddreg [dreg:$0x12];
	[sflag:s14] =	ssyncadd.s32 $0xFFFFFC00  }
0x60: {  	[tilespmem:s29], [sflag:$0x5] =	stream.linear.gather [hbm4b:s28+s4], $0x400, $0x38;
	[tilespmem:$0x12A20] =	vst v63  }
0x61: {  	_ =	swait.ge [sflag:s14], $0x400  }
0x62: {  	[sflag:s14] =	ssyncset.done $0x0  }
0x63: {  	s31 =	simm.s32 $0x3400;
	s30 =	rddreg [dreg:$0x13];
	[sflag:s14] =	ssyncadd.s32 $0xFFFFFC00  }
0x64: {  	[tilespmem:s31], [sflag:$0x5] =	stream.linear.gather [hbm4b:s30+s4], $0x400, $0x38;
	[tilespmem:$0x12A20] =	vst v63  }
0x65: {  	_ =	swait.ge [sflag:s14], $0x400  }
0x66: {  	[sflag:s14] =	ssyncset.done $0x0  }
0x67: {  	s24 =	simm.s32 $0x3800;
	s23 =	rddreg [dreg:$0x14];
	[sflag:s14] =	ssyncadd.s32 $0xFFFFFC00  }
0x68: {  	[tilespmem:s24], [sflag:$0x5] =	stream.linear.gather [hbm4b:s23+s4], $0x400, $0x38;
	[tilespmem:$0x12A20] =	vst v63  }
0x69: {  	_ =	swait.ge [sflag:s14], $0x400  }
0x6a: {  	[sflag:s14] =	ssyncset.done $0x0  }
0x6b: {  	s26 =	simm.s32 $0x3C00;
	s25 =	rddreg [dreg:$0x15];
	[sflag:s14] =	ssyncadd.s32 $0xFFFFFC00  }
0x6c: {  	[tilespmem:s26], [sflag:$0x5] =	stream.linear.gather [hbm4b:s25+s4], $0x400, $0x38;
	[tilespmem:$0x12A20] =	vst v63  }
0x6d: {  	_ =	swait.ge [sflag:s14], $0x400  }
0x6e: {  	[sflag:s14] =	ssyncset.done $0x0  }
0x6f: {  	s29 =	simm.s32 $0x4000;
	s28 =	rddreg [dreg:$0x16];
	[sflag:s14] =	ssyncadd.s32 $0xFFFFFC00  }
0x70: {  	[tilespmem:s29], [sflag:$0x5] =	stream.linear.gather [hbm4b:s28+s4], $0x400, $0x38;
	[tilespmem:$0x12A20] =	vst v63  }
0x71: {  	_ =	swait.ge [sflag:s14], $0x400  }
0x72: {  	[sflag:s14] =	ssyncset.done $0x0  }
0x73: {  	s31 =	simm.s32 $0x4400;
	s30 =	rddreg [dreg:$0x17];
	[sflag:s14] =	ssyncadd.s32 $0xFFFFFC00  }
0x74: {  	[tilespmem:s31], [sflag:$0x5] =	stream.linear.gather [hbm4b:s30+s4], $0x400, $0x38;
	[tilespmem:$0x12A20] =	vst v63  }
0x75: {  	_ =	swait.ge [sflag:s14], $0x400  }
0x76: {  	[sflag:s14] =	ssyncset.done $0x0  }
0x77: {  	s24 =	simm.s32 $0x4800;
	s23 =	rddreg [dreg:$0x19];
	[sflag:s14] =	ssyncadd.s32 $0xFFFFFC00  }
0x78: {  	[tilespmem:s24], [sflag:$0x5] =	stream.linear.gather [hbm4b:s23+s4], $0x400, $0x38;
	[tilespmem:$0x12A20] =	vst v63  }
0x79: {  	_ =	swait.ge [sflag:s14], $0x400  }
0x7a: {  	[sflag:s14] =	ssyncset.done $0x0  }
0x7b: {  	s26 =	simm.s32 $0x4C00;
	s25 =	rddreg [dreg:$0x1a];
	[sflag:s14] =	ssyncadd.s32 $0xFFFFFC00  }
0x7c: {  	[tilespmem:s26], [sflag:$0x5] =	stream.linear.gather [hbm4b:s25+s4], $0x400, $0x38;
	[tilespmem:$0x12A20] =	vst v63  }
0x7d: {  	_ =	swait.ge [sflag:s14], $0x400  }
0x7e: {  	[sflag:s14] =	ssyncset.done $0x0  }
0x7f: {  	s29 =	simm.s32 $0x5000;
	s28 =	rddreg [dreg:$0x1b];
	[sflag:s14] =	ssyncadd.s32 $0xFFFFFC00  }
0x80: {  	[tilespmem:s29], [sflag:$0x5] =	stream.linear.gather [hbm4b:s28+s4], $0x400, $0x38;
	[tilespmem:$0x12A20] =	vst v63  }
0x81: {  	_ =	swait.ge [sflag:s14], $0x400  }
0x82: {  	[sflag:s14] =	ssyncset.done $0x0  }
0x83: {  	s31 =	simm.s32 $0x5400;
	s30 =	rddreg [dreg:$0x1c];
	[sflag:s14] =	ssyncadd.s32 $0xFFFFFC00  }
0x84: {  	[tilespmem:s31], [sflag:$0x5] =	stream.linear.gather [hbm4b:s30+s4], $0x400, $0x38;
	[tilespmem:$0x12A20] =	vst v63  }
0x85: {  	_ =	swait.ge [sflag:s14], $0x400  }
0x86: {  	[sflag:s14] =	ssyncset.done $0x0  }
0x87: {  	s24 =	simm.s32 $0x5800;
	s23 =	rddreg [dreg:$0x1d];
	[sflag:s14] =	ssyncadd.s32 $0xFFFFFC00  }
0x88: {  	[tilespmem:s24], [sflag:$0x5] =	stream.linear.gather [hbm4b:s23+s4], $0x400, $0x38;
	[tilespmem:$0x12A20] =	vst v63  }
0x89: {  	_ =	swait.ge [sflag:s14], $0x400  }
0x8a: {  	[sflag:s14] =	ssyncset.done $0x0  }
0x8b: {  	s26 =	simm.s32 $0x5C00;
	s25 =	rddreg [dreg:$0x1e];
	[sflag:s14] =	ssyncadd.s32 $0xFFFFFC00  }
0x8c: {  	[tilespmem:s26], [sflag:$0x5] =	stream.linear.gather [hbm4b:s25+s4], $0x400, $0x38;
	[tilespmem:$0x12A20] =	vst v63  }
0x8d: {  	_ =	swait.ge [sflag:s14], $0x400  }
0x8e: {  	[sflag:s14] =	ssyncset.done $0x0  }
0x8f: {  	s29 =	simm.s32 $0x6000;
	s28 =	rddreg [dreg:$0x1f];
	[sflag:s14] =	ssyncadd.s32 $0xFFFFFC00  }
0x90: {  	[tilespmem:s29], [sflag:$0x5] =	stream.linear.gather [hbm4b:s28+s4], $0x400, $0x38;
	[tilespmem:$0x12A20] =	vst v63  }
0x91: {  	_ =	swait.ge [sflag:s14], $0x400  }
0x92: {  	s30 =	simm.s32 $0x80;
	[sflag:s14] =	ssyncset.done $0x0  }
0x93: {  	s31 =	simm.s32 $0x6400;
	s23 =	simm.s32 $0x0;
	[sflag:s14] =	ssyncadd.s32 $0xFFFFFC00  }
0x94: {  	[tilespmem:s31], [sflag:$0x1] =	stream.indirect.gather [hbm4b:s2+s30], $0x80, s4, s30, $0xb8;
	[tilespmem:$0x12A20] =	vst v63  }
.LBB2_2:
0x95: {  	s24 =	sshllo.u32 s23, $0x1  }
0x96: {  	s28 =	sshll.u32 s23, $0x8;
	s15 =	sshll.u32 s24, $0x7  }
0x97: {  	s25 =	sand.u32 $0x7C00, s28;
	s15 =	sand.u32 $0x380, s15  }
0x98: {  	s30 =	simm.s32 $0x80;
	s26 =	simm.s32 $0xA400;
	s25 =	sor.u32 s15, s25  }
0x99: {  	[tilespmem:s26], [sflag:$0x2] =	stream.indirect.gather [hbm4b:s2+s30], $0x80, s25, s30, $0xb8;
	[tilespmem:$0x12A20] =	vst v63  }
0x9a: {  	_ =	swait.ge [sflag:s17], $0x4000  }
0x9b: {  	[sflag:s17] =	ssyncset.done $0x0  }
0x9c: {  	[sflag:s17] =	ssyncadd.s32 $0xFFFFC000  }
0x9d: {  	v42 =	vld [tilespmem:s28+$0x0];
	_ =	sdelay $0x4  }
0x9e: {  	s15 =	simm.s32 $0x12900;
	vm0 =	vgt.s32 v42, $0xF423C  }
0x9f: {  	s26 =	simm.s32 $0x12990;
	v42 =	vadd.s32 $0xFFF0BDC3, v42;
	[tilespmem:s15+$0x0] =	vst.msk vm0, v1  }
0xa0: {  	v53 =	vsel vm0, $0x1, v13;
	[tilespmem:s26+$0x0] =	vst.msk vm0, v42  }
0xa1: {  	(xrf0) =	vadd.scan.msk.s32 $0xffff, v53;
	v54 =	vld [tilespmem:s28+$0x10];
	_ =	sdelay $0x4  }
0xa2: {  	vm9 =	vgt.s32 v54, $0xF423C  }
0xa3: {  	v43, _, _ =	vpop (xrf0);
	v44 =	vsel vm9, $0x1, v13  }
0xa4: {  	(v2sf) =	vpush v43, $0xF;
	(xrf0) =	vadd.scan.msk.s32 $0xffff, v44;
	_ =	sdelay $0x5  }
0xa5: {  	v55, _, _ =	vpop (xrf0)  }
0xa6: {  	(v2sf) =	vpush v55, $0xF;
	_ =	sdelay $0x7  }
0xa7: {  	s29 =	spop (v2sf)  }
0xa8: {  	v42 =	vadd.s32 $0xFFF0BDC3, v54;
	[tilespmem:s29+$0x12900] =	vst.msk vm9, v2  }
0xa9: {  	[tilespmem:s29+$0x12990] =	vst.msk vm9, v42  }
0xaa: {  	v42 =	vld [tilespmem:s28+$0x20]  }
0xab: {  	v0 =	vld [tilespmem:$0x1FF30];
	_ =	sdelay $0x2  }
0xac: {  	s30 =	spop (v2sf)  }
0xad: {  	vm10 =	vgt.s32 v42, $0xF423C;
	s29 =	sadd.s32 s29, s30  }
0xae: {  	v42 =	vadd.s32 $0xFFF0BDC3, v42;
	v56 =	vsel vm10, $0x1, v13;
	[tilespmem:s29+$0x12900] =	vst.msk vm10, v0  }
0xaf: {  	(xrf0) =	vadd.scan.msk.s32 $0xffff, v56;
	[tilespmem:s29+$0x12990] =	vst.msk vm10, v42  }
0xb0: {  	v42 =	vld [tilespmem:s28+$0x30];
	_ =	sdelay $0x4  }
0xb1: {  	v43, _, _ =	vpop (xrf0);
	vm11 =	vgt.s32 v42, $0xF423C  }
0xb2: {  	(v2sf) =	vpush v43, $0xF;
	v57 =	vsel vm11, $0x1, v13  }
0xb3: {  	(xrf0) =	vadd.scan.msk.s32 $0xffff, v57;
	_ =	sdelay $0x5  }
0xb4: {  	v43, _, _ =	vpop (xrf0)  }
0xb5: {  	(v2sf) =	vpush v43, $0xF;
	_ =	sdelay $0x3  }
0xb6: {  	v0 =	vld [tilespmem:$0x1FF40];
	_ =	sdelay $0x2  }
0xb7: {  	s31 =	spop (v2sf)  }
0xb8: {  	s29 =	sadd.s32 s29, s31  }
0xb9: {  	v42 =	vadd.s32 $0xFFF0BDC3, v42;
	[tilespmem:s29+$0x12900] =	vst.msk vm11, v0  }
0xba: {  	[tilespmem:s29+$0x12990] =	vst.msk vm11, v42  }
0xbb: {  	v42 =	vld [tilespmem:s28+$0x40]  }
0xbc: {  	v0 =	vld [tilespmem:$0x1FF50];
	_ =	sdelay $0x2  }
0xbd: {  	s31 =	spop (v2sf)  }
0xbe: {  	vm12 =	vgt.s32 v42, $0xF423C;
	s29 =	sadd.s32 s29, s31  }
0xbf: {  	v42 =	vadd.s32 $0xFFF0BDC3, v42;
	v58 =	vsel vm12, $0x1, v13;
	[tilespmem:s29+$0x12900] =	vst.msk vm12, v0  }
0xc0: {  	(xrf0) =	vadd.scan.msk.s32 $0xffff, v58;
	[tilespmem:s29+$0x12990] =	vst.msk vm12, v42  }
0xc1: {  	v42 =	vld [tilespmem:s28+$0x50];
	_ =	sdelay $0x4  }
0xc2: {  	v43, _, _ =	vpop (xrf0);
	vm13 =	vgt.s32 v42, $0xF423C  }
0xc3: {  	(v2sf) =	vpush v43, $0xF;
	v59 =	vsel vm13, $0x1, v13  }
0xc4: {  	(xrf0) =	vadd.scan.msk.s32 $0xffff, v59;
	_ =	sdelay $0x5  }
0xc5: {  	v43, _, _ =	vpop (xrf0)  }
0xc6: {  	(v2sf) =	vpush v43, $0xF;
	_ =	sdelay $0x3  }
0xc7: {  	v0 =	vld [tilespmem:$0x1FF60];
	_ =	sdelay $0x2  }
0xc8: {  	s31 =	spop (v2sf)  }
0xc9: {  	s29 =	sadd.s32 s29, s31  }
0xca: {  	v42 =	vadd.s32 $0xFFF0BDC3, v42;
	[tilespmem:s29+$0x12900] =	vst.msk vm13, v0  }
0xcb: {  	[tilespmem:s29+$0x12990] =	vst.msk vm13, v42  }
0xcc: {  	v42 =	vld [tilespmem:s28+$0x60]  }
0xcd: {  	v0 =	vld [tilespmem:$0x1FF70];
	_ =	sdelay $0x2  }
0xce: {  	s31 =	spop (v2sf)  }
0xcf: {  	vm14 =	vgt.s32 v42, $0xF423C;
	s29 =	sadd.s32 s29, s31  }
0xd0: {  	v42 =	vadd.s32 $0xFFF0BDC3, v42;
	[tilespmem:s29+$0x12900] =	vst.msk vm14, v0  }
0xd1: {  	[tilespmem:s29+$0x12990] =	vst.msk vm14, v42  }
0xd2: {  	v42 =	vld [tilespmem:s28+$0x70];
	_ =	sdelay $0x4  }
0xd3: {  	v60 =	vsel vm14, $0x1, v13;
	vm15 =	vgt.s32 v42, $0xF423C  }
0xd4: {  	(xrf0) =	vadd.scan.msk.s32 $0xffff, v60;
	v61 =	vsel vm15, $0x1, v13  }
0xd5: {  	(xrf0) =	vadd.scan.msk.s32 $0xffff, v61;
	_ =	sdelay $0x4  }
0xd6: {  	v62, _, _ =	vpop (xrf0)  }
0xd7: {  	(v2sf) =	vpush v62, $0xF;
	v63, _, _ =	vpop (xrf0)  }
0xd8: {  	(v2sf) =	vpush v63, $0xF;
	_ =	sdelay $0xd  }
0xd9: {  	s28 =	spop (v2sf)  }
0xda: {  	s29 =	sadd.s32 s29, s28;
	s28 =	spop (v2sf)  }
0xdb: {  	v0 =	vld [tilespmem:$0x1FF80];
	s28 =	sadd.s32 s29, s28  }
0xdc: {  	p0 =	slt.s32 s28, $0x1  }
.Ltmp0:
0xdd: {  	v25 =	vld [tilespmem:$0x1FFB0];
	(pc) =	sbr.rel @p0 .LBB2_5-.Ltmp0, $4  }
0xde: {  	v16 =	vld [tilespmem:$0x1FFC0]  }
0xdf: {  	v15 =	vld [tilespmem:$0x1FFD0]  }
0xe0: {  	v14 =	vld [tilespmem:$0x1FFE0];
	v42 =	vadd.s32 $0xFFF0BDC3, v42;
	[tilespmem:s29+$0x12900] =	vst.msk vm15, v0  }
0xe1: {  	v6 =	vld [tilespmem:$0x1FFA0];
	[tilespmem:s29+$0x12990] =	vst.msk vm15, v42;
	s29 =	simm.s32 $0x0  }
0xe2: {  	v42 =	vld [tilespmem:s26+$0x0];
	_ =	sdelay $0x4  }
0xe3: {  	v43 =	vld [tilespmem:s15+$0x0];
	(v2sf) =	vpush v42, $0x0;
	_ =	sdelay $0x4  }
0xe4: {  	(v2sf) =	vpush v43, $0x0;
	_ =	sdelay $0x9  }
0xe5: {  	s30 =	spop (v2sf)  }
0xe6: {  	s30 =	sshll.u32 s30, $0x8  }
0xe7: {  	s30 =	sshra.s32 s30, $0x2  }
0xe8: {  	v63 =	vld [tilespmem:s30+$0x12800];
	_ =	sdelay $0x1  }
0xe9: {  	s31 =	spop (v2sf)  }
0xea: {  	s31 =	sshll.u32 s31, $0x9  }
0xeb: {  	s31 =	sshra.s32 s31, $0x2  }
0xec: {  	[tilespmem:s31+$0x6400] =	vst v63  }
0xed: {  	v42 =	vld [tilespmem:s30+$0x12810];
	_ =	sdelay $0x4  }
0xee: {  	[tilespmem:s31+$0x6410] =	vst v42  }
0xef: {  	v42 =	vld [tilespmem:s30+$0x12820];
	_ =	sdelay $0x4  }
0xf0: {  	s29 =	sadd.s32 $0x1, s29;
	[tilespmem:s31+$0x6420] =	vst v42  }
0xf1: {  	p0 =	slt.s32 s29, s28;
	v42 =	vld [tilespmem:s30+$0x12830]  }
.Ltmp1:
0xf2: {  	_ = 	snop;
	(pc) =	sbr.rel @!p0 .LBB2_5-.Ltmp1, $2  }
0xf3: {  	_ =	sdelay $0x2  }
0xf4: {  	s26 =	sadd.s32 $0x1, s26;
	[tilespmem:s31+$0x6430] =	vst v42  }
.LBB2_4:
0xf5: {  	v42 =	vld [tilespmem:s26+$0x0];
	s29 =	sadd.s32 $0x1, s29  }
0xf6: {  	p0 =	slt.s32 s29, s28;
	_ =	sdelay $0x2  }
0xf7: {  	s15 =	sadd.s32 $0x1, s15  }
0xf8: {  	v43 =	vld [tilespmem:s15+$0x0];
	(v2sf) =	vpush v42, $0x0;
	_ =	sdelay $0x4  }
0xf9: {  	(v2sf) =	vpush v43, $0x0;
	_ =	sdelay $0x9  }
0xfa: {  	s30 =	spop (v2sf)  }
0xfb: {  	s30 =	sshll.u32 s30, $0x8  }
0xfc: {  	s30 =	sshra.s32 s30, $0x2  }
0xfd: {  	v42 =	vld [tilespmem:s30+$0x12800];
	_ =	sdelay $0x1  }
0xfe: {  	s31 =	spop (v2sf)  }
0xff: {  	s31 =	sshll.u32 s31, $0x9  }
0x100: {  	s31 =	sshra.s32 s31, $0x2  }
0x101: {  	[tilespmem:s31+$0x6400] =	vst v42  }
0x102: {  	v42 =	vld [tilespmem:s30+$0x12810];
	_ =	sdelay $0x4  }
0x103: {  	[tilespmem:s31+$0x6410] =	vst v42  }
0x104: {  	v42 =	vld [tilespmem:s30+$0x12820];
	_ =	sdelay $0x4  }
0x105: {  	[tilespmem:s31+$0x6420] =	vst v42  }
0x106: {  	v42 =	vld [tilespmem:s30+$0x12830]  }
.Ltmp2:
0x107: {  	(pc) =	sbr.rel @p0 .LBB2_4-.Ltmp2, $2  }
0x108: {  	_ =	sdelay $0x2  }
0x109: {  	s26 =	sadd.s32 $0x1, s26;
	[tilespmem:s31+$0x6430] =	vst v42  }
.LBB2_5:
0x10a: {  	p0 =	seq.s32 s23, $0x0  }
0x10b: {  	s15 =	simm.s32 @!p0 $0x3  }
0x10c: {  	_ =	swait.ge @!p0 [sflag:s15], $0x400  }
0x10d: {  	[sflag:s15] =	ssyncset.done @!p0 $0x0  }
0x10e: {  	[sflag:s15] =	ssyncadd.s32 @!p0 $0xFFFFFC00  }
0x10f: {  	_ =	swait.ge @!p0 [sflag:s15], $0x400  }
0x110: {  	[sflag:s15] =	ssyncset.done @!p0 $0x0  }
0x111: {  	[sflag:s15] =	ssyncadd.s32 @!p0 $0xFFFFFC00  }
0x112: {  	_ =	swait.ge @!p0 [sflag:s15], $0x400  }
0x113: {  	[sflag:s15] =	ssyncset.done @!p0 $0x0  }
0x114: {  	[sflag:s15] =	ssyncadd.s32 @!p0 $0xFFFFFC00  }
0x115: {  	_ =	swait.ge @!p0 [sflag:s15], $0x400  }
0x116: {  	[sflag:s15] =	ssyncset.done @!p0 $0x0  }
0x117: {  	[sflag:s15] =	ssyncadd.s32 @!p0 $0xFFFFFC00  }
0x118: {  	_ =	swait.ge @!p0 [sflag:s15], $0x400  }
0x119: {  	[sflag:s15] =	ssyncset.done @!p0 $0x0  }
0x11a: {  	[sflag:s15] =	ssyncadd.s32 @!p0 $0xFFFFFC00  }
0x11b: {  	s26 =	simm.s32 $0x0;
	_ =	swait.ge @!p0 [sflag:s15], $0x400  }
0x11c: {  	s30 =	simm.s32 $0x1;
	s28 =	simm.s32 $0x2;
	[sflag:s15] =	ssyncset.done @!p0 $0x0  }
0x11d: {  	s31 =	simm.s32 $0x3;
	s29 =	simm.s32 $0x7;
	v42 =	vmov s26;
	v43 =	vmov s30;
	v44 =	vmov s28;
	[sflag:s15] =	ssyncadd.s32 @!p0 $0xFFFFFC00  }
0x11e: {  	s28 =	simm.s32 $0x4;
	v45 =	vmov s31;
	s30 =	simm.s32 $0x5;
	v47 =	vmov s29;
	v42 =	vshrl.u32 v42, $0x3;
	_ =	swait.ge @!p0 [sflag:s15], $0x400  }
0x11f: {  	s31 =	simm.s32 $0x6;
	v46 =	vmov s28;
	v48 =	vmov s30;
	v47 =	vshrl.u32 v47, $0x3;
	[sflag:s15] =	ssyncset.done @!p0 $0x0  }
0x120: {  	v49 =	vmov s31;
	v43 =	vshrl.u32 v43, $0x3;
	v44 =	vshrl.u32 v44, $0x3;
	[sflag:s15] =	ssyncadd.s32 @!p0 $0xFFFFFC00  }
0x121: {  	v45 =	vshrl.u32 v45, $0x3;
	v42 =	vshll.u32 v42, v10;
	v47 =	vshll.u32 v47, v10;
	_ =	swait.ge @!p0 [sflag:s15], $0x400  }
0x122: {  	v46 =	vshrl.u32 v46, $0x3;
	v43 =	vshll.u32 v43, v10;
	v47 =	vbroadcast v47, $0x0;
	[sflag:s15] =	ssyncset.done @!p0 $0x0  }
0x123: {  	v59 =	vshll.u32 v44, v10;
	v60 =	vshll.u32 v45, v10;
	v42 =	vbroadcast v42, $0x0;
	[sflag:s15] =	ssyncadd.s32 @!p0 $0xFFFFFC00;
	s15 =	simm.s32 $0x6600  }
0x124: {  	v62 =	vshrl.u32 v48, $0x3;
	v55 =	vbroadcast v43, $0x0;
	v51 =	vadd.s32 v38, v47;
	v50 =	vld [tilespmem:s15+$0x180]  }
0x125: {  	v49 =	vshrl.u32 v49, $0x3;
	v63 =	vbroadcast v59, $0x0;
	v53 =	vadd.s32 v11, v42;
	v52 =	vld [tilespmem:s15+$0xFFFFFE00]  }
0x126: {  	v44 =	vbroadcast v60, $0x0;
	v61 =	vshll.u32 v46, v10;
	v56 =	vadd.s32 v37, v55;
	v54 =	vld [tilespmem:s15+$0xFFFFFE80]  }
0x127: {  	v45 =	vshll.u32 v62, v10;
	v43 =	vbroadcast v61, $0x0;
	v58 =	vadd.s32 v18, v63;
	v57 =	vld [tilespmem:s15+$0xFFFFFF00]  }
0x128: {  	v49 =	vshll.u32 v49, v10;
	v46 =	vbroadcast v45, $0x0;
	v59 =	vadd.s32 v22, v44;
	v48 =	vld [tilespmem:s15+$0xFFFFFF80]  }
0x129: {  	v45 =	vbroadcast v49, $0x0;
	v61 =	vadd.s32 v26, v43;
	v60 =	vld [tilespmem:s15+$0x0];
	[tilespmem:v51+s18+$0x0] =	vst.idx.msk $0xffff, v50  }
0x12a: {  	[tilespmem:v53+s18+$0x0] =	vst.idx.msk $0xffff, v52;
	v51 =	vld [tilespmem:s15+$0x80];
	v52 =	vadd.s32 v30, v46  }
0x12b: {  	[tilespmem:v56+s18+$0x0] =	vst.idx.msk $0xffff, v54;
	v53 =	vld [tilespmem:s15+$0x100];
	v54 =	vadd.s32 v34, v45  }
0x12c: {  	v50 =	vadd.s32 v39, v47;
	[tilespmem:v58+s18+$0x0] =	vst.idx.msk $0xffff, v57;
	v49 =	vld [tilespmem:s15+$0x190]  }
0x12d: {  	v57 =	vadd.s32 v33, v55;
	[tilespmem:v59+s18+$0x0] =	vst.idx.msk $0xffff, v48;
	v56 =	vld [tilespmem:s15+$0xFFFFFE90]  }
0x12e: {  	v58 =	vadd.s32 v19, v63;
	[tilespmem:v61+s18+$0x0] =	vst.idx.msk $0xffff, v60;
	v48 =	vld [tilespmem:s15+$0xFFFFFF10]  }
0x12f: {  	[tilespmem:v52+s18+$0x0] =	vst.idx.msk $0xffff, v51  }
0x130: {  	[tilespmem:v54+s18+$0x0] =	vst.idx.msk $0xffff, v53  }
0x131: {  	v59 =	vld [tilespmem:s15+$0xFFFFFF90];
	[tilespmem:v50+s18+$0x0] =	vst.idx.msk $0xffff, v49  }
0x132: {  	v60 =	vadd.s32 v23, v44;
	v51 =	vld [tilespmem:s15+$0x10];
	[tilespmem:v57+s18+$0x0] =	vst.idx.msk $0xffff, v56  }
0x133: {  	v52 =	vadd.s32 v27, v43;
	[tilespmem:v58+s18+$0x0] =	vst.idx.msk $0xffff, v48;
	v49 =	vld [tilespmem:s15+$0x1A0]  }
0x134: {  	v9 =	vmov v11;
	v50 =	vadd.s32 v40, v47;
	v11 =	vld [tilespmem:$0x1FF90]  }
0x135: {  	v54 =	vadd.s32 v31, v46;
	v53 =	vld [tilespmem:s15+$0x90]  }
0x136: {  	v48 =	vld [tilespmem:s15+$0x110];
	v56 =	vadd.s32 v35, v45  }
0x137: {  	[tilespmem:v60+s18+$0x0] =	vst.idx.msk $0xffff, v59;
	v59 =	vld [tilespmem:s15+$0xFFFFFEA0];
	v60 =	vadd.s32 v29, v55  }
0x138: {  	v62 =	vadd.s32 v20, v63;
	v61 =	vld [tilespmem:s15+$0xFFFFFF20];
	[tilespmem:v52+s18+$0x0] =	vst.idx.msk $0xffff, v51  }
0x139: {  	v57 =	vld [tilespmem:s15+$0xFFFFFE10];
	v58 =	vadd.s32 v11, v42;
	[tilespmem:v50+s18+$0x0] =	vst.idx.msk $0xffff, v49  }
0x13a: {  	v47 =	vadd.s32 v41, v47;
	[tilespmem:v54+s18+$0x0] =	vst.idx.msk $0xffff, v53;
	v52 =	vld [tilespmem:s15+$0x1B0]  }
0x13b: {  	v2 =	vadd.s32 v24, v44;
	v0 =	vld [tilespmem:s15+$0xFFFFFFA0];
	[tilespmem:v56+s18+$0x0] =	vst.idx.msk $0xffff, v48  }
0x13c: {  	v4 =	vadd.s32 v28, v43;
	v3 =	vld [tilespmem:s15+$0x20];
	[tilespmem:v60+s18+$0x0] =	vst.idx.msk $0xffff, v59  }
0x13d: {  	s31 =	simm.s32 $0x9;
	v63 =	vadd.s32 v21, v63;
	v49 =	vld [tilespmem:s15+$0xA0];
	v50 =	vadd.s32 v32, v46;
	[tilespmem:v62+s18+$0x0] =	vst.idx.msk $0xffff, v61  }
0x13e: {  	s30 =	simm.s32 $0x8;
	s28 =	simm.s32 $0xB;
	v53 =	vadd.s32 v36, v45;
	v59 =	vmov s31;
	v51 =	vld [tilespmem:s15+$0x120];
	v61 =	vadd.s32 v17, v55;
	[tilespmem:v58+s18+$0x0] =	vst.idx.msk $0xffff, v57  }
0x13f: {  	s31 =	simm.s32 $0xC;
	v58 =	vmov s30;
	v57 =	vadd.s32 v12, v42;
	[tilespmem:v47+s18+$0x0] =	vst.idx.msk $0xffff, v52;
	v52 =	vmov s28;
	s28 =	simm.s32 $0xD;
	v56 =	vld [tilespmem:s15+$0xFFFFFE20]  }
0x140: {  	v54 =	vmov s31;
	[tilespmem:v2+s18+$0x0] =	vst.idx.msk $0xffff, v0;
	s30 =	simm.s32 $0xA;
	v48 =	vshrl.u32 v58, $0x3;
	v58 =	vld [tilespmem:s15+$0xFFFFFEB0];
	v47 =	vmov s28;
	s28 =	simm.s32 $0xE  }
0x141: {  	s26 =	sshll.u32 s23, $0x1;
	s29 =	simm.s32 $0xF;
	v62 =	vld [tilespmem:s15+$0xFFFFFF30];
	[tilespmem:v4+s18+$0x0] =	vst.idx.msk $0xffff, v3;
	v60 =	vmov s30;
	v55 =	vshll.u32 v48, v10;
	v48 =	vmov s28;
	s28 =	simm.s32 $0x10  }
.LBB2_6:
0x142: {  	p1 =	slt.u32 s28, $0x78;
	v0 =	vshrl.u32 v59, $0x3;
	v2 =	vmov s29;
	v3 =	vld [tilespmem:s15+$0xFFFFFFB0];
	v4 =	vadd.s32 v25, v44;
	[tilespmem:v50+s18+$0x0] =	vst.idx.msk $0xffff, v49  }
0x143: {  	v44 =	vshrl.u32 v60, $0x3;
	v43 =	vadd.s32 v16, v43;
	v2 =	vshrl.u32 v2, $0x3;
	v49 =	vld [tilespmem:s15+$0x30];
	[tilespmem:v53+s18+$0x0] =	vst.idx.msk $0xffff, v51  }
0x144: {  	v50 =	vshrl.u32 v52, $0x3;
	v46 =	vadd.s32 v15, v46;
	v2 =	vshll.u32 v2, v10;
	[tilespmem:v57+s18+$0x0] =	vst.idx.msk $0xffff, v56;
	v51 =	vld [tilespmem:s15+$0xB0]  }
0x145: {  	v52 =	vshrl.u32 v54, $0x3;
	v45 =	vadd.s32 v14, v45;
	v2 =	vbroadcast v2, $0x0;
	[tilespmem:v61+s18+$0x0] =	vst.idx.msk $0xffff, v58;
	v53 =	vld [tilespmem:s15+$0x130]  }
0x146: {  	v0 =	vshll.u32 v0, v10;
	v56 =	vadd.s32 v6, v42;
	v42 =	vbroadcast v55, $0x0;
	v54 =	vld [tilespmem:s15+$0xFFFFFE30];
	[tilespmem:v63+s18+$0x0] =	vst.idx.msk $0xffff, v62;
	s15 =	sadd.s32 $0x400, s15  }
0x147: {  	v44 =	vshll.u32 v44, v10;
	v0 =	vbroadcast v0, $0x0;
	v55 =	vld [tilespmem:s15+$0x180];
	v57 =	vadd.s32 v38, v2;
	[tilespmem:v4+s18+$0x0] =	vst.idx.msk $0xffff, v3  }
0x148: {  	v63 =	vbroadcast v44, $0x0;
	v44 =	vshll.u32 v50, v10;
	v4 =	vadd.s32 v9, v42;
	v3 =	vld [tilespmem:s15+$0xFFFFFE00];
	[tilespmem:v43+s18+$0x0] =	vst.idx.msk $0xffff, v49  }
0x149: {  	v50 =	vadd.s32 v37, v0;
	v44 =	vbroadcast v44, $0x0;
	v43 =	vshll.u32 v52, v10;
	v49 =	vld [tilespmem:s15+$0xFFFFFE80];
	[tilespmem:v46+s18+$0x0] =	vst.idx.msk $0xffff, v51  }
0x14a: {  	v52 =	vadd.s32 v18, v63;
	v43 =	vbroadcast v43, $0x0;
	v46 =	vshrl.u32 v47, $0x3;
	v51 =	vld [tilespmem:s15+$0xFFFFFF00];
	[tilespmem:v45+s18+$0x0] =	vst.idx.msk $0xffff, v53  }
0x14b: {  	v48 =	vshrl.u32 v48, $0x3;
	v53 =	vadd.s32 v22, v44;
	v45 =	vshll.u32 v46, v10;
	v47 =	vld [tilespmem:s15+$0xFFFFFF80];
	[tilespmem:v56+s18+$0x0] =	vst.idx.msk $0xffff, v54  }
0x14c: {  	v56 =	vadd.s32 v26, v43;
	v46 =	vbroadcast v45, $0x0;
	v45 =	vshll.u32 v48, v10;
	v54 =	vld [tilespmem:s15+$0x0];
	[tilespmem:v57+s18+$0x0] =	vst.idx.msk $0xffff, v55  }
0x14d: {  	v45 =	vbroadcast v45, $0x0;
	[tilespmem:v4+s18+$0x0] =	vst.idx.msk $0xffff, v3;
	v3 =	vld [tilespmem:s15+$0x190];
	v4 =	vadd.s32 v39, v2  }
0x14e: {  	[tilespmem:v50+s18+$0x0] =	vst.idx.msk $0xffff, v49;
	v48 =	vld [tilespmem:s15+$0x80];
	v49 =	vadd.s32 v30, v46  }
0x14f: {  	[tilespmem:v52+s18+$0x0] =	vst.idx.msk $0xffff, v51;
	v50 =	vld [tilespmem:s15+$0x100];
	v51 =	vadd.s32 v34, v45  }
0x150: {  	v55 =	vadd.s32 v33, v0;
	v52 =	vld [tilespmem:s15+$0xFFFFFE90];
	[tilespmem:v53+s18+$0x0] =	vst.idx.msk $0xffff, v47  }
0x151: {  	v53 =	vadd.s32 v19, v63;
	v47 =	vld [tilespmem:s15+$0xFFFFFF10];
	[tilespmem:v56+s18+$0x0] =	vst.idx.msk $0xffff, v54  }
0x152: {  	v56 =	vadd.s32 v23, v44;
	v54 =	vld [tilespmem:s15+$0xFFFFFF90];
	[tilespmem:v4+s18+$0x0] =	vst.idx.msk $0xffff, v3  }
0x153: {  	v4 =	vadd.s32 v40, v2;
	[tilespmem:v49+s18+$0x0] =	vst.idx.msk $0xffff, v48;
	v3 =	vld [tilespmem:s15+$0x1A0]  }
0x154: {  	v49 =	vadd.s32 v27, v43;
	v48 =	vld [tilespmem:s15+$0x10];
	[tilespmem:v51+s18+$0x0] =	vst.idx.msk $0xffff, v50  }
0x155: {  	v51 =	vadd.s32 v31, v46;
	[tilespmem:v55+s18+$0x0] =	vst.idx.msk $0xffff, v52;
	v50 =	vld [tilespmem:s15+$0x90]  }
0x156: {  	v52 =	vadd.s32 v35, v45;
	[tilespmem:v53+s18+$0x0] =	vst.idx.msk $0xffff, v47;
	v47 =	vld [tilespmem:s15+$0x110]  }
0x157: {  	v55 =	vadd.s32 v11, v42;
	v53 =	vld [tilespmem:s15+$0xFFFFFE10];
	[tilespmem:v56+s18+$0x0] =	vst.idx.msk $0xffff, v54  }
0x158: {  	v56 =	vadd.s32 v29, v0;
	v54 =	vld [tilespmem:s15+$0xFFFFFEA0];
	[tilespmem:v4+s18+$0x0] =	vst.idx.msk $0xffff, v3  }
0x159: {  	v2 =	vadd.s32 v41, v2;
	[tilespmem:v49+s18+$0x0] =	vst.idx.msk $0xffff, v48;
	v3 =	vld [tilespmem:s15+$0x1B0]  }
0x15a: {  	v48 =	vadd.s32 v20, v63;
	v4 =	vld [tilespmem:s15+$0xFFFFFF20];
	[tilespmem:v51+s18+$0x0] =	vst.idx.msk $0xffff, v50  }
0x15b: {  	v5 =	vadd.s32 v24, v44;
	v62 =	vld [tilespmem:s15+$0xFFFFFFA0];
	[tilespmem:v52+s18+$0x0] =	vst.idx.msk $0xffff, v47  }
0x15c: {  	v8 =	vadd.s32 v28, v43;
	[tilespmem:v55+s18+$0x0] =	vst.idx.msk $0xffff, v53;
	v7 =	vld [tilespmem:s15+$0x20]  }
.Ltmp3:
0x15d: {  	s29 =	sadd.s32 $0x1, s28;
	v50 =	vadd.s32 v32, v46;
	v47 =	vmov s28;
	[tilespmem:v56+s18+$0x0] =	vst.idx.msk $0xffff, v54;
	v49 =	vld [tilespmem:s15+$0xA0];
	(pc) =	sbr.rel @p1 .LBB2_6-.Ltmp3, $4  }
0x15e: {  	s30 =	sadd.s32 $0x3, s28;
	v59 =	vmov s29;
	s29 =	sadd.s32 $0x2, s28;
	v55 =	vshrl.u32 v47, $0x3;
	v53 =	vadd.s32 v36, v45;
	v51 =	vld [tilespmem:s15+$0x120];
	[tilespmem:v2+s18+$0x0] =	vst.idx.msk $0xffff, v3  }
0x15f: {  	v60 =	vmov s29;
	s29 =	sadd.s32 $0x4, s28;
	v57 =	vadd.s32 v12, v42;
	v52 =	vmov s30;
	s30 =	sadd.s32 $0x5, s28;
	v56 =	vld [tilespmem:s15+$0xFFFFFE20];
	[tilespmem:v48+s18+$0x0] =	vst.idx.msk $0xffff, v4  }
0x160: {  	v61 =	vadd.s32 v17, v0;
	v47 =	vmov s30;
	v54 =	vmov s29;
	s29 =	sadd.s32 $0x6, s28;
	v58 =	vld [tilespmem:s15+$0xFFFFFEB0];
	[tilespmem:v5+s18+$0x0] =	vst.idx.msk $0xffff, v62  }
0x161: {  	v63 =	vadd.s32 v21, v63;
	v55 =	vshll.u32 v55, v10;
	v48 =	vmov s29;
	s29 =	sadd.s32 $0x7, s28;
	s28 =	sadd.s32 $0x8, s28;
	v62 =	vld [tilespmem:s15+$0xFFFFFF30];
	[tilespmem:v8+s18+$0x0] =	vst.idx.msk $0xffff, v7  }
0x162: {  	_ =	sdelay $0x3  }
0x163: {  	v0 =	vshrl.u32 v59, $0x3;
	[tilespmem:v50+s18+$0x0] =	vst.idx.msk $0xffff, v49;
	v2 =	vmov s29;
	v3 =	vld [tilespmem:s15+$0xFFFFFFB0];
	v4 =	vadd.s32 v25, v44  }
0x164: {  	v5 =	vshrl.u32 v60, $0x3;
	v7 =	vld [tilespmem:s15+$0x30];
	v8 =	vadd.s32 v16, v43;
	[tilespmem:v53+s18+$0x0] =	vst.idx.msk $0xffff, v51;
	v2 =	vshrl.u32 v2, $0x3  }
0x165: {  	v43 =	vshrl.u32 v52, $0x3;
	v46 =	vadd.s32 v15, v46;
	v59 =	vld [tilespmem:s15+$0xB0];
	[tilespmem:v57+s18+$0x0] =	vst.idx.msk $0xffff, v56;
	v2 =	vshll.u32 v2, v10  }
0x166: {  	v60 =	vshrl.u32 v54, $0x3;
	v45 =	vadd.s32 v14, v45;
	[tilespmem:v61+s18+$0x0] =	vst.idx.msk $0xffff, v58;
	v2 =	vbroadcast v2, $0x0;
	v61 =	vld [tilespmem:s15+$0x130]  }
0x167: {  	v42 =	vadd.s32 v6, v42;
	s29 =	sadd.s32 $0x400, s15;
	v51 =	vbroadcast v55, $0x0;
	v0 =	vshll.u32 v0, v10;
	v56 =	vld [tilespmem:s15+$0xFFFFFE30];
	[tilespmem:v63+s18+$0x0] =	vst.idx.msk $0xffff, v62  }
0x168: {  	v43 =	vshll.u32 v43, v10;
	v0 =	vbroadcast v0, $0x0;
	v57 =	vld [tilespmem:s29+$0x180];
	[tilespmem:v4+s18+$0x0] =	vst.idx.msk $0xffff, v3;
	v4 =	vadd.s32 v38, v2  }
0x169: {  	v5 =	vshll.u32 v5, v10;
	v43 =	vbroadcast v43, $0x0;
	[tilespmem:v8+s18+$0x0] =	vst.idx.msk $0xffff, v7;
	v7 =	vld [tilespmem:s29+$0xFFFFFE00];
	v8 =	vadd.s32 v9, v51  }
0x16a: {  	v49 =	vshll.u32 v60, v10;
	v5 =	vbroadcast v5, $0x0;
	v58 =	vld [tilespmem:s29+$0xFFFFFE80];
	[tilespmem:v46+s18+$0x0] =	vst.idx.msk $0xffff, v59;
	v59 =	vadd.s32 v37, v0  }
0x16b: {  	v47 =	vshrl.u32 v47, $0x3;
	v49 =	vbroadcast v49, $0x0;
	v62 =	vld [tilespmem:s29+$0xFFFFFF80];
	v63 =	vadd.s32 v22, v43;
	[tilespmem:v45+s18+$0x0] =	vst.idx.msk $0xffff, v61  }
0x16c: {  	v60 =	vld [tilespmem:s29+$0xFFFFFF00];
	v47 =	vshll.u32 v47, v10;
	v61 =	vadd.s32 v18, v5;
	[tilespmem:v42+s18+$0x0] =	vst.idx.msk $0xffff, v56  }
0x16d: {  	v48 =	vshrl.u32 v48, $0x3;
	v47 =	vbroadcast v47, $0x0;
	v56 =	vld [tilespmem:s29+$0x0];
	[tilespmem:v4+s18+$0x0] =	vst.idx.msk $0xffff, v57;
	v4 =	vadd.s32 v26, v49  }
0x16e: {  	v48 =	vshll.u32 v48, v10;
	[tilespmem:v8+s18+$0x0] =	vst.idx.msk $0xffff, v7;
	v57 =	vadd.s32 v39, v2;
	v8 =	vld [tilespmem:s29+$0x190]  }
0x16f: {  	v7 =	vbroadcast v48, $0x0;
	[tilespmem:v59+s18+$0x0] =	vst.idx.msk $0xffff, v58;
	v58 =	vld [tilespmem:s29+$0x80];
	v59 =	vadd.s32 v30, v47  }
0x170: {  	[tilespmem:v63+s18+$0x0] =	vst.idx.msk $0xffff, v62;
	v63 =	vadd.s32 v33, v0;
	v62 =	vld [tilespmem:s29+$0xFFFFFE90]  }
0x171: {  	[tilespmem:v61+s18+$0x0] =	vst.idx.msk $0xffff, v60;
	v60 =	vld [tilespmem:s29+$0x100];
	v61 =	vadd.s32 v34, v7  }
0x172: {  	[tilespmem:v4+s18+$0x0] =	vst.idx.msk $0xffff, v56;
	v56 =	vld [tilespmem:s29+$0xFFFFFF10];
	v4 =	vadd.s32 v19, v5  }
0x173: {  	[tilespmem:v57+s18+$0x0] =	vst.idx.msk $0xffff, v8;
	v8 =	vld [tilespmem:s29+$0xFFFFFF90];
	v57 =	vadd.s32 v23, v43  }
0x174: {  	[tilespmem:v59+s18+$0x0] =	vst.idx.msk $0xffff, v58;
	v59 =	vadd.s32 v40, v2;
	v58 =	vld [tilespmem:s29+$0x1A0]  }
0x175: {  	[tilespmem:v63+s18+$0x0] =	vst.idx.msk $0xffff, v62;
	v62 =	vld [tilespmem:s29+$0x90];
	v63 =	vadd.s32 v31, v47  }
0x176: {  	[tilespmem:v61+s18+$0x0] =	vst.idx.msk $0xffff, v60;
	v60 =	vld [tilespmem:s29+$0x10];
	v61 =	vadd.s32 v27, v49  }
0x177: {  	v53 =	vld [tilespmem:s29+$0x110];
	[tilespmem:v4+s18+$0x0] =	vst.idx.msk $0xffff, v56;
	v4 =	vadd.s32 v35, v7  }
0x178: {  	v54 =	vadd.s32 v11, v51;
	[tilespmem:v57+s18+$0x0] =	vst.idx.msk $0xffff, v8;
	v8 =	vld [tilespmem:s29+$0xFFFFFE10]  }
0x179: {  	v55 =	vld [tilespmem:s29+$0xFFFFFEA0];
	[tilespmem:v59+s18+$0x0] =	vst.idx.msk $0xffff, v58;
	v58 =	vadd.s32 v29, v0  }
0x17a: {  	v2 =	vadd.s32 v41, v2;
	[tilespmem:v63+s18+$0x0] =	vst.idx.msk $0xffff, v62;
	v59 =	vld [tilespmem:s29+$0x1B0]  }
0x17b: {  	[tilespmem:v61+s18+$0x0] =	vst.idx.msk $0xffff, v60;
	v60 =	vld [tilespmem:s29+$0xFFFFFF20];
	v61 =	vadd.s32 v20, v5  }
0x17c: {  	v46 =	vadd.s32 v32, v47;
	v44 =	vld [tilespmem:s29+$0xA0];
	[tilespmem:v4+s18+$0x0] =	vst.idx.msk $0xffff, v53  }
0x17d: {  	v62 =	vld [tilespmem:s29+$0xFFFFFFA0];
	v4 =	vadd.s32 v24, v43;
	[tilespmem:v54+s18+$0x0] =	vst.idx.msk $0xffff, v8  }
0x17e: {  	v63 =	vadd.s32 v28, v49;
	v8 =	vld [tilespmem:s29+$0x20];
	[tilespmem:v58+s18+$0x0] =	vst.idx.msk $0xffff, v55  }
0x17f: {  	v54 =	vadd.s32 v12, v51;
	v53 =	vld [tilespmem:s29+$0xFFFFFE20];
	[tilespmem:v2+s18+$0x0] =	vst.idx.msk $0xffff, v59  }
0x180: {  	v52 =	vadd.s32 v36, v7;
	v2 =	vld [tilespmem:s29+$0x120];
	[tilespmem:v61+s18+$0x0] =	vst.idx.msk $0xffff, v60  }
0x181: {  	v0 =	vadd.s32 v17, v0;
	v55 =	vld [tilespmem:s29+$0xFFFFFEB0];
	[tilespmem:v46+s18+$0x0] =	vst.idx.msk $0xffff, v44  }
0x182: {  	v5 =	vadd.s32 v21, v5;
	[tilespmem:v4+s18+$0x0] =	vst.idx.msk $0xffff, v62;
	v4 =	vld [tilespmem:s29+$0xFFFFFF30]  }
0x183: {  	v43 =	vadd.s32 v25, v43;
	[tilespmem:v63+s18+$0x0] =	vst.idx.msk $0xffff, v8;
	v8 =	vld [tilespmem:s29+$0xFFFFFFB0]  }
0x184: {  	[tilespmem:v54+s18+$0x0] =	vst.idx.msk $0xffff, v53;
	v53 =	vld [tilespmem:s29+$0xB0];
	v54 =	vadd.s32 v15, v47  }
0x185: {  	v48 =	vld [tilespmem:s29+$0x30];
	[tilespmem:v52+s18+$0x0] =	vst.idx.msk $0xffff, v2;
	v52 =	vadd.s32 v16, v49  }
0x186: {  	v58 =	vadd.s32 v14, v7;
	[tilespmem:v0+s18+$0x0] =	vst.idx.msk $0xffff, v55;
	v55 =	vld [tilespmem:s29+$0x130]  }
0x187: {  	[tilespmem:v5+s18+$0x0] =	vst.idx.msk $0xffff, v4;
	v4 =	vld [tilespmem:s29+$0xFFFFFE30];
	v5 =	vadd.s32 v6, v51  }
0x188: {  	[tilespmem:v43+s18+$0x0] =	vst.idx.msk $0xffff, v8  }
0x189: {  	s30 =	sshll.u32 s23, $0x13;
	[tilespmem:v54+s18+$0x0] =	vst.idx.msk $0xffff, v53  }
0x18a: {  	s15 =	sor.u32 s5, s30;
	[tilespmem:v52+s18+$0x0] =	vst.idx.msk $0xffff, v48  }
0x18b: {  	s15 =	sshrl.u32 s15, $0x3;
	[tilespmem:v58+s18+$0x0] =	vst.idx.msk $0xffff, v55  }
0x18c: {  	s28 =	sadd.s32 s3, s15;
	[tilespmem:v5+s18+$0x0] =	vst.idx.msk $0xffff, v4  }
0x18d: {  	[hbm4b:s28+s4] =	stream.linear.scatter [tilespmem:s18], [sflag:$0x3], $0x80, $0x38;
	[tilespmem:$0x12A20] =	vst v63  }
0x18e: {  	s30 =	simm.s32 $0xE488;
	s31 =	sadd.s32 $0x10, s28  }
0x18f: {  	[hbm4b:s31+s4] =	stream.linear.scatter [tilespmem:s30], [sflag:$0x3], $0x80, $0x38;
	[tilespmem:$0x12A20] =	vst v63  }
0x190: {  	s29 =	sadd.s32 $0x20, s28;
	s31 =	simm.s32 $0xE510  }
0x191: {  	[hbm4b:s29+s4] =	stream.linear.scatter [tilespmem:s31], [sflag:$0x3], $0x80, $0x38;
	[tilespmem:$0x12A20] =	vst v63  }
0x192: {  	s29 =	sadd.s32 $0x30, s28;
	s31 =	simm.s32 $0xE598  }
0x193: {  	[hbm4b:s29+s4] =	stream.linear.scatter [tilespmem:s31], [sflag:$0x3], $0x80, $0x38;
	[tilespmem:$0x12A20] =	vst v63  }
0x194: {  	s29 =	sadd.s32 $0x40, s28;
	s31 =	simm.s32 $0xE620  }
0x195: {  	[hbm4b:s29+s4] =	stream.linear.scatter [tilespmem:s31], [sflag:$0x3], $0x80, $0x38;
	[tilespmem:$0x12A20] =	vst v63  }
0x196: {  	s29 =	sadd.s32 $0x50, s28;
	s31 =	simm.s32 $0xE6A8  }
0x197: {  	[hbm4b:s29+s4] =	stream.linear.scatter [tilespmem:s31], [sflag:$0x3], $0x80, $0x38;
	[tilespmem:$0x12A20] =	vst v63  }
0x198: {  	s29 =	sadd.s32 $0x60, s28;
	s31 =	simm.s32 $0xE730  }
0x199: {  	[hbm4b:s29+s4] =	stream.linear.scatter [tilespmem:s31], [sflag:$0x3], $0x80, $0x38;
	[tilespmem:$0x12A20] =	vst v63  }
0x19a: {  	s28 =	sadd.s32 $0x70, s28;
	s31 =	simm.s32 $0xE7B8  }
0x19b: {  	[hbm4b:s28+s4] =	stream.linear.scatter [tilespmem:s31], [sflag:$0x3], $0x80, $0x38;
	[tilespmem:$0x12A20] =	vst v63  }
0x19c: {  	s30 =	simm.s32 $0xE840;
	s28 =	sadd.s32 s15, s6  }
0x19d: {  	[hbm4b:s28+s4] =	stream.linear.scatter [tilespmem:s30], [sflag:$0x3], $0x80, $0x38;
	[tilespmem:$0x12A20] =	vst v63  }
0x19e: {  	s31 =	simm.s32 $0xE8C8;
	s29 =	sadd.s32 $0x10, s28  }
0x19f: {  	[hbm4b:s29+s4] =	stream.linear.scatter [tilespmem:s31], [sflag:$0x3], $0x80, $0x38;
	[tilespmem:$0x12A20] =	vst v63  }
0x1a0: {  	s29 =	sadd.s32 $0x20, s28;
	s31 =	simm.s32 $0xE950  }
0x1a1: {  	[hbm4b:s29+s4] =	stream.linear.scatter [tilespmem:s31], [sflag:$0x3], $0x80, $0x38;
	[tilespmem:$0x12A20] =	vst v63  }
0x1a2: {  	s29 =	sadd.s32 $0x30, s28;
	s31 =	simm.s32 $0xE9D8  }
0x1a3: {  	[hbm4b:s29+s4] =	stream.linear.scatter [tilespmem:s31], [sflag:$0x3], $0x80, $0x38;
	[tilespmem:$0x12A20] =	vst v63  }
0x1a4: {  	s29 =	sadd.s32 $0x40, s28;
	s31 =	simm.s32 $0xEA60  }
0x1a5: {  	[hbm4b:s29+s4] =	stream.linear.scatter [tilespmem:s31], [sflag:$0x3], $0x80, $0x38;
	[tilespmem:$0x12A20] =	vst v63  }
0x1a6: {  	s29 =	sadd.s32 $0x50, s28;
	s31 =	simm.s32 $0xEAE8  }
0x1a7: {  	[hbm4b:s29+s4] =	stream.linear.scatter [tilespmem:s31], [sflag:$0x3], $0x80, $0x38;
	[tilespmem:$0x12A20] =	vst v63  }
0x1a8: {  	s29 =	sadd.s32 $0x60, s28;
	s31 =	simm.s32 $0xEB70  }
0x1a9: {  	[hbm4b:s29+s4] =	stream.linear.scatter [tilespmem:s31], [sflag:$0x3], $0x80, $0x38;
	[tilespmem:$0x12A20] =	vst v63  }
0x1aa: {  	s28 =	sadd.s32 $0x70, s28;
	s31 =	simm.s32 $0xEBF8  }
0x1ab: {  	[hbm4b:s28+s4] =	stream.linear.scatter [tilespmem:s31], [sflag:$0x3], $0x80, $0x38;
	[tilespmem:$0x12A20] =	vst v63  }
0x1ac: {  	s30 =	simm.s32 $0xEC80;
	s28 =	sadd.s32 s15, s8  }
0x1ad: {  	[hbm4b:s28+s4] =	stream.linear.scatter [tilespmem:s30], [sflag:$0x3], $0x80, $0x38;
	[tilespmem:$0x12A20] =	vst v63  }
0x1ae: {  	s31 =	simm.s32 $0xED08;
	s29 =	sadd.s32 $0x10, s28  }
0x1af: {  	[hbm4b:s29+s4] =	stream.linear.scatter [tilespmem:s31], [sflag:$0x3], $0x80, $0x38;
	[tilespmem:$0x12A20] =	vst v63  }
0x1b0: {  	s29 =	sadd.s32 $0x20, s28;
	s31 =	simm.s32 $0xED90  }
0x1b1: {  	[hbm4b:s29+s4] =	stream.linear.scatter [tilespmem:s31], [sflag:$0x3], $0x80, $0x38;
	[tilespmem:$0x12A20] =	vst v63  }
0x1b2: {  	s29 =	sadd.s32 $0x30, s28;
	s31 =	simm.s32 $0xEE18  }
0x1b3: {  	[hbm4b:s29+s4] =	stream.linear.scatter [tilespmem:s31], [sflag:$0x3], $0x80, $0x38;
	[tilespmem:$0x12A20] =	vst v63  }
0x1b4: {  	s29 =	sadd.s32 $0x40, s28;
	s31 =	simm.s32 $0xEEA0  }
0x1b5: {  	[hbm4b:s29+s4] =	stream.linear.scatter [tilespmem:s31], [sflag:$0x3], $0x80, $0x38;
	[tilespmem:$0x12A20] =	vst v63  }
0x1b6: {  	s29 =	sadd.s32 $0x50, s28;
	s31 =	simm.s32 $0xEF28  }
0x1b7: {  	[hbm4b:s29+s4] =	stream.linear.scatter [tilespmem:s31], [sflag:$0x3], $0x80, $0x38;
	[tilespmem:$0x12A20] =	vst v63  }
0x1b8: {  	s29 =	sadd.s32 $0x60, s28;
	s31 =	simm.s32 $0xEFB0  }
0x1b9: {  	[hbm4b:s29+s4] =	stream.linear.scatter [tilespmem:s31], [sflag:$0x3], $0x80, $0x38;
	[tilespmem:$0x12A20] =	vst v63  }
0x1ba: {  	s28 =	sadd.s32 $0x70, s28;
	s31 =	simm.s32 $0xF038  }
0x1bb: {  	[hbm4b:s28+s4] =	stream.linear.scatter [tilespmem:s31], [sflag:$0x3], $0x80, $0x38;
	[tilespmem:$0x12A20] =	vst v63  }
0x1bc: {  	s30 =	simm.s32 $0xF0C0;
	s28 =	sadd.s32 s15, s9  }
0x1bd: {  	[hbm4b:s28+s4] =	stream.linear.scatter [tilespmem:s30], [sflag:$0x3], $0x80, $0x38;
	[tilespmem:$0x12A20] =	vst v63  }
0x1be: {  	s31 =	simm.s32 $0xF148;
	s29 =	sadd.s32 $0x10, s28  }
0x1bf: {  	[hbm4b:s29+s4] =	stream.linear.scatter [tilespmem:s31], [sflag:$0x3], $0x80, $0x38;
	[tilespmem:$0x12A20] =	vst v63  }
0x1c0: {  	s29 =	sadd.s32 $0x20, s28;
	s31 =	simm.s32 $0xF1D0  }
0x1c1: {  	[hbm4b:s29+s4] =	stream.linear.scatter [tilespmem:s31], [sflag:$0x3], $0x80, $0x38;
	[tilespmem:$0x12A20] =	vst v63  }
0x1c2: {  	s29 =	sadd.s32 $0x30, s28;
	s31 =	simm.s32 $0xF258  }
0x1c3: {  	[hbm4b:s29+s4] =	stream.linear.scatter [tilespmem:s31], [sflag:$0x3], $0x80, $0x38;
	[tilespmem:$0x12A20] =	vst v63  }
0x1c4: {  	s29 =	sadd.s32 $0x40, s28;
	s31 =	simm.s32 $0xF2E0  }
0x1c5: {  	[hbm4b:s29+s4] =	stream.linear.scatter [tilespmem:s31], [sflag:$0x3], $0x80, $0x38;
	[tilespmem:$0x12A20] =	vst v63  }
0x1c6: {  	s29 =	sadd.s32 $0x50, s28;
	s31 =	simm.s32 $0xF368  }
0x1c7: {  	[hbm4b:s29+s4] =	stream.linear.scatter [tilespmem:s31], [sflag:$0x3], $0x80, $0x38;
	[tilespmem:$0x12A20] =	vst v63  }
0x1c8: {  	s29 =	sadd.s32 $0x60, s28;
	s31 =	simm.s32 $0xF3F0  }
0x1c9: {  	[hbm4b:s29+s4] =	stream.linear.scatter [tilespmem:s31], [sflag:$0x3], $0x80, $0x38;
	[tilespmem:$0x12A20] =	vst v63  }
0x1ca: {  	s28 =	sadd.s32 $0x70, s28;
	s31 =	simm.s32 $0xF478  }
0x1cb: {  	[hbm4b:s28+s4] =	stream.linear.scatter [tilespmem:s31], [sflag:$0x3], $0x80, $0x38;
	[tilespmem:$0x12A20] =	vst v63  }
0x1cc: {  	s30 =	simm.s32 $0xF500;
	s28 =	sadd.s32 s15, s10  }
0x1cd: {  	[hbm4b:s28+s4] =	stream.linear.scatter [tilespmem:s30], [sflag:$0x3], $0x80, $0x38;
	[tilespmem:$0x12A20] =	vst v63  }
0x1ce: {  	s31 =	simm.s32 $0xF588;
	s29 =	sadd.s32 $0x10, s28  }
0x1cf: {  	[hbm4b:s29+s4] =	stream.linear.scatter [tilespmem:s31], [sflag:$0x3], $0x80, $0x38;
	[tilespmem:$0x12A20] =	vst v63  }
0x1d0: {  	s29 =	sadd.s32 $0x20, s28;
	s31 =	simm.s32 $0xF610  }
0x1d1: {  	[hbm4b:s29+s4] =	stream.linear.scatter [tilespmem:s31], [sflag:$0x3], $0x80, $0x38;
	[tilespmem:$0x12A20] =	vst v63  }
0x1d2: {  	s29 =	sadd.s32 $0x30, s28;
	s31 =	simm.s32 $0xF698  }
0x1d3: {  	[hbm4b:s29+s4] =	stream.linear.scatter [tilespmem:s31], [sflag:$0x3], $0x80, $0x38;
	[tilespmem:$0x12A20] =	vst v63  }
0x1d4: {  	s29 =	sadd.s32 $0x40, s28;
	s31 =	simm.s32 $0xF720  }
0x1d5: {  	[hbm4b:s29+s4] =	stream.linear.scatter [tilespmem:s31], [sflag:$0x3], $0x80, $0x38;
	[tilespmem:$0x12A20] =	vst v63  }
0x1d6: {  	s29 =	sadd.s32 $0x50, s28;
	s31 =	simm.s32 $0xF7A8  }
0x1d7: {  	[hbm4b:s29+s4] =	stream.linear.scatter [tilespmem:s31], [sflag:$0x3], $0x80, $0x38;
	[tilespmem:$0x12A20] =	vst v63  }
0x1d8: {  	s29 =	sadd.s32 $0x60, s28;
	s31 =	simm.s32 $0xF830  }
0x1d9: {  	[hbm4b:s29+s4] =	stream.linear.scatter [tilespmem:s31], [sflag:$0x3], $0x80, $0x38;
	[tilespmem:$0x12A20] =	vst v63  }
0x1da: {  	s28 =	sadd.s32 $0x70, s28;
	s31 =	simm.s32 $0xF8B8  }
0x1db: {  	[hbm4b:s28+s4] =	stream.linear.scatter [tilespmem:s31], [sflag:$0x3], $0x80, $0x38;
	[tilespmem:$0x12A20] =	vst v63  }
0x1dc: {  	s30 =	simm.s32 $0xF940;
	s28 =	sadd.s32 s15, s11  }
0x1dd: {  	[hbm4b:s28+s4] =	stream.linear.scatter [tilespmem:s30], [sflag:$0x3], $0x80, $0x38;
	[tilespmem:$0x12A20] =	vst v63  }
0x1de: {  	s31 =	simm.s32 $0xF9C8;
	s29 =	sadd.s32 $0x10, s28  }
0x1df: {  	[hbm4b:s29+s4] =	stream.linear.scatter [tilespmem:s31], [sflag:$0x3], $0x80, $0x38;
	[tilespmem:$0x12A20] =	vst v63  }
0x1e0: {  	s29 =	sadd.s32 $0x20, s28;
	s31 =	simm.s32 $0xFA50  }
0x1e1: {  	[hbm4b:s29+s4] =	stream.linear.scatter [tilespmem:s31], [sflag:$0x3], $0x80, $0x38;
	[tilespmem:$0x12A20] =	vst v63  }
0x1e2: {  	s29 =	sadd.s32 $0x30, s28;
	s31 =	simm.s32 $0xFAD8  }
0x1e3: {  	[hbm4b:s29+s4] =	stream.linear.scatter [tilespmem:s31], [sflag:$0x3], $0x80, $0x38;
	[tilespmem:$0x12A20] =	vst v63  }
0x1e4: {  	s29 =	sadd.s32 $0x40, s28;
	s31 =	simm.s32 $0xFB60  }
0x1e5: {  	[hbm4b:s29+s4] =	stream.linear.scatter [tilespmem:s31], [sflag:$0x3], $0x80, $0x38;
	[tilespmem:$0x12A20] =	vst v63  }
0x1e6: {  	s29 =	sadd.s32 $0x50, s28;
	s31 =	simm.s32 $0xFBE8  }
0x1e7: {  	[hbm4b:s29+s4] =	stream.linear.scatter [tilespmem:s31], [sflag:$0x3], $0x80, $0x38;
	[tilespmem:$0x12A20] =	vst v63  }
0x1e8: {  	s29 =	sadd.s32 $0x60, s28;
	s31 =	simm.s32 $0xFC70  }
0x1e9: {  	[hbm4b:s29+s4] =	stream.linear.scatter [tilespmem:s31], [sflag:$0x3], $0x80, $0x38;
	[tilespmem:$0x12A20] =	vst v63  }
0x1ea: {  	s28 =	sadd.s32 $0x70, s28;
	s31 =	simm.s32 $0xFCF8  }
0x1eb: {  	[hbm4b:s28+s4] =	stream.linear.scatter [tilespmem:s31], [sflag:$0x3], $0x80, $0x38;
	[tilespmem:$0x12A20] =	vst v63  }
0x1ec: {  	s30 =	simm.s32 $0xFD80;
	s28 =	sadd.s32 s15, s12  }
0x1ed: {  	[hbm4b:s28+s4] =	stream.linear.scatter [tilespmem:s30], [sflag:$0x3], $0x80, $0x38;
	[tilespmem:$0x12A20] =	vst v63  }
0x1ee: {  	s31 =	simm.s32 $0xFE08;
	s29 =	sadd.s32 $0x10, s28  }
0x1ef: {  	[hbm4b:s29+s4] =	stream.linear.scatter [tilespmem:s31], [sflag:$0x3], $0x80, $0x38;
	[tilespmem:$0x12A20] =	vst v63  }
0x1f0: {  	s29 =	sadd.s32 $0x20, s28;
	s31 =	simm.s32 $0xFE90  }
0x1f1: {  	[hbm4b:s29+s4] =	stream.linear.scatter [tilespmem:s31], [sflag:$0x3], $0x80, $0x38;
	[tilespmem:$0x12A20] =	vst v63  }
0x1f2: {  	s29 =	sadd.s32 $0x30, s28;
	s31 =	simm.s32 $0xFF18  }
0x1f3: {  	[hbm4b:s29+s4] =	stream.linear.scatter [tilespmem:s31], [sflag:$0x3], $0x80, $0x38;
	[tilespmem:$0x12A20] =	vst v63  }
0x1f4: {  	s29 =	sadd.s32 $0x40, s28;
	s31 =	simm.s32 $0xFFA0  }
0x1f5: {  	[hbm4b:s29+s4] =	stream.linear.scatter [tilespmem:s31], [sflag:$0x3], $0x80, $0x38;
	[tilespmem:$0x12A20] =	vst v63  }
0x1f6: {  	s29 =	sadd.s32 $0x50, s28;
	s31 =	simm.s32 $0x10028  }
0x1f7: {  	[hbm4b:s29+s4] =	stream.linear.scatter [tilespmem:s31], [sflag:$0x3], $0x80, $0x38;
	[tilespmem:$0x12A20] =	vst v63  }
0x1f8: {  	s29 =	sadd.s32 $0x60, s28;
	s31 =	simm.s32 $0x100B0  }
0x1f9: {  	[hbm4b:s29+s4] =	stream.linear.scatter [tilespmem:s31], [sflag:$0x3], $0x80, $0x38;
	[tilespmem:$0x12A20] =	vst v63  }
0x1fa: {  	s30 =	simm.s32 $0x10138;
	s28 =	sadd.s32 $0x70, s28  }
0x1fb: {  	[hbm4b:s28+s4] =	stream.linear.scatter [tilespmem:s30], [sflag:$0x3], $0x80, $0x38;
	[tilespmem:$0x12A20] =	vst v63  }
0x1fc: {  	s15 =	sadd.s32 s15, s13;
	s28 =	simm.s32 $0x101C0  }
0x1fd: {  	[hbm4b:s15+s4] =	stream.linear.scatter [tilespmem:s28], [sflag:$0x3], $0x80, $0x38;
	[tilespmem:$0x12A20] =	vst v63  }
0x1fe: {  	s31 =	simm.s32 $0x10248;
	s28 =	sadd.s32 $0x10, s15  }
0x1ff: {  	[hbm4b:s28+s4] =	stream.linear.scatter [tilespmem:s31], [sflag:$0x3], $0x80, $0x38;
	[tilespmem:$0x12A20] =	vst v63  }
0x200: {  	s30 =	simm.s32 $0x102D0;
	s28 =	sadd.s32 $0x20, s15  }
0x201: {  	[hbm4b:s28+s4] =	stream.linear.scatter [tilespmem:s30], [sflag:$0x3], $0x80, $0x38;
	[tilespmem:$0x12A20] =	vst v63  }
0x202: {  	s31 =	simm.s32 $0x10358;
	s28 =	sadd.s32 $0x30, s15  }
0x203: {  	[hbm4b:s28+s4] =	stream.linear.scatter [tilespmem:s31], [sflag:$0x3], $0x80, $0x38;
	[tilespmem:$0x12A20] =	vst v63  }
0x204: {  	s30 =	simm.s32 $0x103E0;
	s28 =	sadd.s32 $0x40, s15  }
0x205: {  	[hbm4b:s28+s4] =	stream.linear.scatter [tilespmem:s30], [sflag:$0x3], $0x80, $0x38;
	[tilespmem:$0x12A20] =	vst v63  }
0x206: {  	s31 =	simm.s32 $0x10468;
	s28 =	sadd.s32 $0x50, s15  }
0x207: {  	[hbm4b:s28+s4] =	stream.linear.scatter [tilespmem:s31], [sflag:$0x3], $0x80, $0x38;
	[tilespmem:$0x12A20] =	vst v63  }
0x208: {  	s30 =	simm.s32 $0x104F0;
	s28 =	sadd.s32 $0x60, s15  }
0x209: {  	[hbm4b:s28+s4] =	stream.linear.scatter [tilespmem:s30], [sflag:$0x3], $0x80, $0x38;
	[tilespmem:$0x12A20] =	vst v63  }
0x20a: {  	p1 =	seq.s32 s23, $0x63;
	s15 =	sadd.s32 $0x70, s15;
	s28 =	simm.s32 $0x10578  }
0x20b: {  	[hbm4b:s15+s4] =	stream.linear.scatter [tilespmem:s28], [sflag:$0x3], $0x80, $0x38;
	[tilespmem:$0x12A20] =	vst v63  }
0x20c: {  	s15 =	sshll.u32 @!p1 s26, $0x7  }
0x20d: {  	s15 =	sadd.s32 @!p1 $0x100, s15  }
0x20e: {  	s26 =	simm.s32 @!p1 $0x80;
	s28 =	simm.s32 @!p1 $0x6400;
	s15 =	sand.u32 @!p1 $0xFF00, s15  }
0x20f: {  	[tilespmem:s28], [sflag:$0x1] =	stream.indirect.gather @!p1 [hbm4b:s2+s26], $0x80, s15, s26, $0xb8;
	[tilespmem:$0x12A20] =	vst v63  }
0x210: {  	_ =	swait.ge [sflag:s16], $0x4000  }
0x211: {  	[sflag:s16] =	ssyncset.done $0x0  }
0x212: {  	[sflag:s16] =	ssyncadd.s32 $0xFFFFC000  }
0x213: {  	v60 =	vld [tilespmem:s25+$0x0];
	_ =	sdelay $0x4  }
0x214: {  	s15 =	simm.s32 $0x12900;
	vm0 =	vgt.s32 v60, $0xF423C  }
0x215: {  	s26 =	simm.s32 $0x12990;
	v0 =	vadd.s32 $0xFFF0BDC3, v60;
	[tilespmem:s15+$0x0] =	vst.msk vm0, v1  }
0x216: {  	v62 =	vsel vm0, $0x1, v13;
	[tilespmem:s26+$0x0] =	vst.msk vm0, v0  }
0x217: {  	(xrf0) =	vadd.scan.msk.s32 $0xffff, v62;
	v63 =	vld [tilespmem:s25+$0x10];
	_ =	sdelay $0x4  }
0x218: {  	vm9 =	vgt.s32 v63, $0xF423C  }
0x219: {  	v42, _, _ =	vpop (xrf0);
	v43 =	vsel vm9, $0x1, v13  }
0x21a: {  	(v2sf) =	vpush v42, $0xF;
	(xrf0) =	vadd.scan.msk.s32 $0xffff, v43;
	_ =	sdelay $0x5  }
0x21b: {  	v44, _, _ =	vpop (xrf0)  }
0x21c: {  	(v2sf) =	vpush v44, $0xF;
	_ =	sdelay $0x3  }
0x21d: {  	v45 =	vld [tilespmem:$0x1FFF0];
	_ =	sdelay $0x3  }
0x21e: {  	s28 =	spop (v2sf)  }
0x21f: {  	v0 =	vadd.s32 $0xFFF0BDC3, v63;
	[tilespmem:s28+$0x12900] =	vst.msk vm9, v45  }
0x220: {  	[tilespmem:s28+$0x12990] =	vst.msk vm9, v0  }
0x221: {  	v0 =	vld [tilespmem:s25+$0x20]  }
0x222: {  	v46 =	vld [tilespmem:$0x1FF30];
	_ =	sdelay $0x2  }
0x223: {  	s31 =	spop (v2sf)  }
0x224: {  	vm10 =	vgt.s32 v0, $0xF423C;
	s28 =	sadd.s32 s28, s31  }
0x225: {  	v0 =	vadd.s32 $0xFFF0BDC3, v0;
	v47 =	vsel vm10, $0x1, v13;
	[tilespmem:s28+$0x12900] =	vst.msk vm10, v46  }
0x226: {  	(xrf0) =	vadd.scan.msk.s32 $0xffff, v47;
	[tilespmem:s28+$0x12990] =	vst.msk vm10, v0  }
0x227: {  	v0 =	vld [tilespmem:s25+$0x30];
	_ =	sdelay $0x4  }
0x228: {  	v2, _, _ =	vpop (xrf0);
	vm11 =	vgt.s32 v0, $0xF423C  }
0x229: {  	(v2sf) =	vpush v2, $0xF;
	v48 =	vsel vm11, $0x1, v13  }
0x22a: {  	(xrf0) =	vadd.scan.msk.s32 $0xffff, v48;
	_ =	sdelay $0x5  }
0x22b: {  	v2, _, _ =	vpop (xrf0)  }
0x22c: {  	(v2sf) =	vpush v2, $0xF;
	_ =	sdelay $0x3  }
0x22d: {  	v49 =	vld [tilespmem:$0x1FF40];
	_ =	sdelay $0x2  }
0x22e: {  	s30 =	spop (v2sf)  }
0x22f: {  	s28 =	sadd.s32 s28, s30  }
0x230: {  	v0 =	vadd.s32 $0xFFF0BDC3, v0;
	[tilespmem:s28+$0x12900] =	vst.msk vm11, v49  }
0x231: {  	[tilespmem:s28+$0x12990] =	vst.msk vm11, v0  }
0x232: {  	v0 =	vld [tilespmem:s25+$0x40]  }
0x233: {  	v50 =	vld [tilespmem:$0x1FF50];
	_ =	sdelay $0x2  }
0x234: {  	s31 =	spop (v2sf)  }
0x235: {  	vm12 =	vgt.s32 v0, $0xF423C;
	s28 =	sadd.s32 s28, s31  }
0x236: {  	v0 =	vadd.s32 $0xFFF0BDC3, v0;
	v51 =	vsel vm12, $0x1, v13;
	[tilespmem:s28+$0x12900] =	vst.msk vm12, v50  }
0x237: {  	(xrf0) =	vadd.scan.msk.s32 $0xffff, v51;
	[tilespmem:s28+$0x12990] =	vst.msk vm12, v0  }
0x238: {  	v0 =	vld [tilespmem:s25+$0x50];
	_ =	sdelay $0x4  }
0x239: {  	v2, _, _ =	vpop (xrf0);
	vm13 =	vgt.s32 v0, $0xF423C  }
0x23a: {  	(v2sf) =	vpush v2, $0xF;
	v52 =	vsel vm13, $0x1, v13  }
0x23b: {  	(xrf0) =	vadd.scan.msk.s32 $0xffff, v52;
	_ =	sdelay $0x5  }
0x23c: {  	v2, _, _ =	vpop (xrf0)  }
0x23d: {  	(v2sf) =	vpush v2, $0xF;
	_ =	sdelay $0x3  }
0x23e: {  	v53 =	vld [tilespmem:$0x1FF60];
	_ =	sdelay $0x2  }
0x23f: {  	s30 =	spop (v2sf)  }
0x240: {  	s28 =	sadd.s32 s28, s30  }
0x241: {  	v0 =	vadd.s32 $0xFFF0BDC3, v0;
	[tilespmem:s28+$0x12900] =	vst.msk vm13, v53  }
0x242: {  	[tilespmem:s28+$0x12990] =	vst.msk vm13, v0  }
0x243: {  	v0 =	vld [tilespmem:s25+$0x60]  }
0x244: {  	v54 =	vld [tilespmem:$0x1FF70];
	_ =	sdelay $0x2  }
0x245: {  	s31 =	spop (v2sf)  }
0x246: {  	vm14 =	vgt.s32 v0, $0xF423C;
	s28 =	sadd.s32 s28, s31  }
0x247: {  	v0 =	vadd.s32 $0xFFF0BDC3, v0;
	[tilespmem:s28+$0x12900] =	vst.msk vm14, v54  }
0x248: {  	[tilespmem:s28+$0x12990] =	vst.msk vm14, v0  }
0x249: {  	v0 =	vld [tilespmem:s25+$0x70];
	_ =	sdelay $0x4  }
0x24a: {  	v55 =	vsel vm14, $0x1, v13;
	vm15 =	vgt.s32 v0, $0xF423C  }
0x24b: {  	(xrf0) =	vadd.scan.msk.s32 $0xffff, v55;
	v58 =	vsel vm15, $0x1, v13  }
0x24c: {  	(xrf0) =	vadd.scan.msk.s32 $0xffff, v58;
	_ =	sdelay $0x4  }
0x24d: {  	v60, _, _ =	vpop (xrf0)  }
0x24e: {  	(v2sf) =	vpush v60, $0xF;
	v62, _, _ =	vpop (xrf0)  }
0x24f: {  	(v2sf) =	vpush v62, $0xF;
	_ =	sdelay $0xd  }
0x250: {  	s30 =	spop (v2sf)  }
0x251: {  	s28 =	sadd.s32 s28, s30;
	s31 =	spop (v2sf)  }
0x252: {  	v63 =	vld [tilespmem:$0x1FF80];
	s25 =	sadd.s32 s28, s31  }
0x253: {  	p1 =	slt.s32 s25, $0x1  }
.Ltmp4:
0x254: {  	_ = 	snop;
	(pc) =	sbr.rel @p1 .LBB2_10-.Ltmp4, $3  }
0x255: {  	_ =	sdelay $0x1  }
0x256: {  	v0 =	vadd.s32 $0xFFF0BDC3, v0;
	[tilespmem:s28+$0x12900] =	vst.msk vm15, v63  }
0x257: {  	v11 =	vmovc v9;
	v56 =	vmovc v12;
	v57 =	vmov v29;
	v59 =	vmov v17;
	v61 =	vmov v21;
	[tilespmem:s28+$0x12990] =	vst.msk vm15, v0;
	s28 =	simm.s32 $0x0  }
0x258: {  	v0 =	vld [tilespmem:s26+$0x0];
	_ =	sdelay $0x4  }
0x259: {  	v2 =	vld [tilespmem:s15+$0x0];
	(v2sf) =	vpush v0, $0x0;
	_ =	sdelay $0x4  }
0x25a: {  	(v2sf) =	vpush v2, $0x0;
	_ =	sdelay $0x9  }
0x25b: {  	s29 =	spop (v2sf)  }
0x25c: {  	s29 =	sshll.u32 s29, $0x8  }
0x25d: {  	s29 =	sshra.s32 s29, $0x2  }
0x25e: {  	v63 =	vld [tilespmem:s29+$0x12800];
	_ =	sdelay $0x1  }
0x25f: {  	s30 =	spop (v2sf)  }
0x260: {  	s30 =	sshll.u32 s30, $0x9  }
0x261: {  	s30 =	sshra.s32 s30, $0x2  }
0x262: {  	[tilespmem:s30+$0xA400] =	vst v63  }
0x263: {  	v0 =	vld [tilespmem:s29+$0x12810];
	_ =	sdelay $0x4  }
0x264: {  	[tilespmem:s30+$0xA410] =	vst v0  }
0x265: {  	v0 =	vld [tilespmem:s29+$0x12820];
	_ =	sdelay $0x4  }
0x266: {  	s28 =	sadd.s32 $0x1, s28;
	[tilespmem:s30+$0xA420] =	vst v0  }
0x267: {  	p1 =	slt.s32 s28, s25;
	v0 =	vld [tilespmem:s29+$0x12830]  }
.Ltmp5:
0x268: {  	_ = 	snop;
	(pc) =	sbr.rel @!p1 .LBB2_10-.Ltmp5, $2  }
0x269: {  	_ =	sdelay $0x2  }
0x26a: {  	s26 =	sadd.s32 $0x1, s26;
	[tilespmem:s30+$0xA430] =	vst v0  }
.LBB2_9:
0x26b: {  	v0 =	vld [tilespmem:s26+$0x0];
	s28 =	sadd.s32 $0x1, s28  }
0x26c: {  	p1 =	slt.s32 s28, s25;
	_ =	sdelay $0x2  }
0x26d: {  	s15 =	sadd.s32 $0x1, s15  }
0x26e: {  	v2 =	vld [tilespmem:s15+$0x0];
	(v2sf) =	vpush v0, $0x0;
	_ =	sdelay $0x4  }
0x26f: {  	(v2sf) =	vpush v2, $0x0;
	_ =	sdelay $0x9  }
0x270: {  	s29 =	spop (v2sf)  }
0x271: {  	s29 =	sshll.u32 s29, $0x8  }
0x272: {  	s29 =	sshra.s32 s29, $0x2  }
0x273: {  	v0 =	vld [tilespmem:s29+$0x12800];
	_ =	sdelay $0x1  }
0x274: {  	s30 =	spop (v2sf)  }
0x275: {  	s30 =	sshll.u32 s30, $0x9  }
0x276: {  	s30 =	sshra.s32 s30, $0x2  }
0x277: {  	[tilespmem:s30+$0xA400] =	vst v0  }
0x278: {  	v0 =	vld [tilespmem:s29+$0x12810];
	_ =	sdelay $0x4  }
0x279: {  	[tilespmem:s30+$0xA410] =	vst v0  }
0x27a: {  	v0 =	vld [tilespmem:s29+$0x12820];
	_ =	sdelay $0x4  }
0x27b: {  	[tilespmem:s30+$0xA420] =	vst v0  }
0x27c: {  	v0 =	vld [tilespmem:s29+$0x12830]  }
.Ltmp6:
0x27d: {  	(pc) =	sbr.rel @p1 .LBB2_9-.Ltmp6, $2  }
0x27e: {  	_ =	sdelay $0x2  }
0x27f: {  	s26 =	sadd.s32 $0x1, s26;
	[tilespmem:s30+$0xA430] =	vst v0  }
.LBB2_10:
0x280: {  	s15 =	simm.s32 @!p0 $0x4  }
0x281: {  	_ =	swait.ge @!p0 [sflag:s15], $0x400  }
0x282: {  	[sflag:s15] =	ssyncset.done @!p0 $0x0  }
0x283: {  	[sflag:s15] =	ssyncadd.s32 @!p0 $0xFFFFFC00  }
0x284: {  	_ =	swait.ge @!p0 [sflag:s15], $0x400  }
0x285: {  	[sflag:s15] =	ssyncset.done @!p0 $0x0  }
0x286: {  	[sflag:s15] =	ssyncadd.s32 @!p0 $0xFFFFFC00  }
0x287: {  	_ =	swait.ge @!p0 [sflag:s15], $0x400  }
0x288: {  	[sflag:s15] =	ssyncset.done @!p0 $0x0  }
0x289: {  	[sflag:s15] =	ssyncadd.s32 @!p0 $0xFFFFFC00  }
0x28a: {  	_ =	swait.ge @!p0 [sflag:s15], $0x400  }
0x28b: {  	[sflag:s15] =	ssyncset.done @!p0 $0x0  }
0x28c: {  	[sflag:s15] =	ssyncadd.s32 @!p0 $0xFFFFFC00  }
0x28d: {  	_ =	swait.ge @!p0 [sflag:s15], $0x400  }
0x28e: {  	[sflag:s15] =	ssyncset.done @!p0 $0x0  }
0x28f: {  	[sflag:s15] =	ssyncadd.s32 @!p0 $0xFFFFFC00  }
0x290: {  	s25 =	simm.s32 $0x0;
	s29 =	simm.s32 $0x1;
	_ =	swait.ge @!p0 [sflag:s15], $0x400  }
0x291: {  	s26 =	simm.s32 $0x2;
	s28 =	simm.s32 $0x3;
	[sflag:s15] =	ssyncset.done @!p0 $0x0  }
0x292: {  	s30 =	simm.s32 $0x4;
	s31 =	simm.s32 $0x7;
	v0 =	vmov s25;
	v2 =	vmov s29;
	v3 =	vmov s26;
	[sflag:s15] =	ssyncadd.s32 @!p0 $0xFFFFFC00  }
0x293: {  	v4 =	vmov s28;
	v5 =	vmov s30;
	s28 =	simm.s32 $0x5;
	v7 =	vmov s31;
	_ =	swait.ge @!p0 [sflag:s15], $0x400  }
0x294: {  	s29 =	simm.s32 $0x6;
	v0 =	vshrl.u32 v0, $0x3;
	v8 =	vmov s28;
	v7 =	vshrl.u32 v7, $0x3;
	[sflag:s15] =	ssyncset.done @!p0 $0x0  }
0x295: {  	v45 =	vmov s29;
	v2 =	vshrl.u32 v2, $0x3;
	v3 =	vshrl.u32 v3, $0x3;
	[sflag:s15] =	ssyncadd.s32 @!p0 $0xFFFFFC00  }
0x296: {  	v4 =	vshrl.u32 v4, $0x3;
	v5 =	vshrl.u32 v5, $0x3;
	v7 =	vshll.u32 v7, v10;
	_ =	swait.ge @!p0 [sflag:s15], $0x400  }
0x297: {  	v0 =	vshll.u32 v0, v10;
	v54 =	vshll.u32 v2, v10;
	v7 =	vbroadcast v7, $0x0;
	[sflag:s15] =	ssyncset.done @!p0 $0x0  }
0x298: {  	v55 =	vshll.u32 v3, v10;
	v4 =	vshll.u32 v4, v10;
	v42 =	vbroadcast v0, $0x0;
	[sflag:s15] =	ssyncadd.s32 @!p0 $0xFFFFFC00;
	s15 =	simm.s32 $0xA7B0  }
0x299: {  	v58 =	vshll.u32 v5, v10;
	v0 =	vbroadcast v54, $0x0;
	v47 =	vadd.s32 v38, v7;
	v3 =	vld [tilespmem:s15+$0xFFFFFFD0]  }
0x29a: {  	v62 =	vshrl.u32 v8, $0x3;
	v2 =	vbroadcast v55, $0x0;
	v49 =	vadd.s32 v11, v42;
	v48 =	vld [tilespmem:s15+$0xFFFFFC50]  }
0x29b: {  	v45 =	vshrl.u32 v45, $0x3;
	v44 =	vbroadcast v4, $0x0;
	v51 =	vadd.s32 v37, v0;
	v50 =	vld [tilespmem:s15+$0xFFFFFCD0]  }
0x29c: {  	v43 =	vbroadcast v58, $0x0;
	v4 =	vshll.u32 v62, v10;
	v52 =	vadd.s32 v18, v2;
	v60 =	vld [tilespmem:s15+$0xFFFFFD50]  }
0x29d: {  	v63 =	vshll.u32 v45, v10;
	v46 =	vbroadcast v4, $0x0;
	v53 =	vadd.s32 v22, v44;
	v8 =	vld [tilespmem:s15+$0xFFFFFDD0]  }
0x29e: {  	v45 =	vbroadcast v63, $0x0;
	v55 =	vadd.s32 v26, v43;
	v54 =	vld [tilespmem:s15+$0xFFFFFE50];
	[tilespmem:v47+s19+$0x0] =	vst.idx.msk $0xffff, v3  }
0x29f: {  	v58 =	vadd.s32 v30, v46;
	v1 =	vld [tilespmem:s15+$0xFFFFFED0];
	[tilespmem:v49+s19+$0x0] =	vst.idx.msk $0xffff, v48  }
0x2a0: {  	v5 =	vld [tilespmem:s15+$0xFFFFFF50];
	[tilespmem:v51+s19+$0x0] =	vst.idx.msk $0xffff, v50;
	v49 =	vadd.s32 v34, v45  }
0x2a1: {  	v4 =	vadd.s32 v39, v7;
	[tilespmem:v52+s19+$0x0] =	vst.idx.msk $0xffff, v60;
	v3 =	vld [tilespmem:s15+$0xFFFFFFE0]  }
0x2a2: {  	v63 =	vadd.s32 v33, v0;
	[tilespmem:v53+s19+$0x0] =	vst.idx.msk $0xffff, v8;
	v50 =	vld [tilespmem:s15+$0xFFFFFCE0]  }
0x2a3: {  	v60 =	vadd.s32 v19, v2;
	[tilespmem:v55+s19+$0x0] =	vst.idx.msk $0xffff, v54;
	v8 =	vld [tilespmem:s15+$0xFFFFFD60]  }
0x2a4: {  	[tilespmem:v58+s19+$0x0] =	vst.idx.msk $0xffff, v1  }
0x2a5: {  	v53 =	vld [tilespmem:s15+$0xFFFFFDE0];
	[tilespmem:v49+s19+$0x0] =	vst.idx.msk $0xffff, v5  }
0x2a6: {  	v62 =	vadd.s32 v23, v44;
	v1 =	vld [tilespmem:s15+$0xFFFFFE60];
	[tilespmem:v4+s19+$0x0] =	vst.idx.msk $0xffff, v3  }
0x2a7: {  	v58 =	vadd.s32 v27, v43;
	v5 =	vld [tilespmem:s15+$0xFFFFFEE0];
	[tilespmem:v63+s19+$0x0] =	vst.idx.msk $0xffff, v50  }
0x2a8: {  	v49 =	vadd.s32 v31, v46;
	[tilespmem:v60+s19+$0x0] =	vst.idx.msk $0xffff, v8;
	v8 =	vld [tilespmem:s15+$0xFFFFFF60]  }
0x2a9: {  	v50 =	vadd.s32 v35, v45;
	v9 =	vld [tilespmem:$0x1FF90]  }
0x2aa: {  	v4 =	vadd.s32 v40, v7;
	v3 =	vld [tilespmem:s15+$0xFFFFFFF0]  }
0x2ab: {  	v29 =	vmov v57;
	v57 =	vadd.s32 v57, v0;
	[tilespmem:v62+s19+$0x0] =	vst.idx.msk $0xffff, v53;
	v62 =	vld [tilespmem:s15+$0xFFFFFCF0]  }
0x2ac: {  	v47 =	vadd.s32 v20, v2;
	[tilespmem:v58+s19+$0x0] =	vst.idx.msk $0xffff, v1;
	v58 =	vadd.s32 v41, v7;
	v7 =	vld [tilespmem:s15+$0xFFFFFD70]  }
0x2ad: {  	v48 =	vadd.s32 v24, v44;
	[tilespmem:v49+s19+$0x0] =	vst.idx.msk $0xffff, v5;
	v5 =	vld [tilespmem:s15+$0xFFFFFDF0]  }
0x2ae: {  	v63 =	vld [tilespmem:s15+$0xFFFFFC60];
	[tilespmem:v50+s19+$0x0] =	vst.idx.msk $0xffff, v8;
	v60 =	vadd.s32 v9, v42  }
0x2af: {  	v8 =	vld [tilespmem:s15+$0xFFFFFE70];
	[tilespmem:v4+s19+$0x0] =	vst.idx.msk $0xffff, v3;
	v9 =	vadd.s32 v28, v43  }
0x2b0: {  	[tilespmem:v57+s19+$0x0] =	vst.idx.msk $0xffff, v62;
	v3 =	vld [tilespmem:s15+$0x0]  }
0x2b1: {  	v21 =	vmov v61;
	s31 =	simm.s32 $0x9;
	s28 =	simm.s32 $0xB;
	v61 =	vadd.s32 v61, v2;
	v52 =	vadd.s32 v36, v45;
	v49 =	vld [tilespmem:s15+$0xFFFFFEF0];
	[tilespmem:v47+s19+$0x0] =	vst.idx.msk $0xffff, v7  }
0x2b2: {  	s30 =	simm.s32 $0x8;
	v53 =	vmov s28;
	v50 =	vadd.s32 v32, v46;
	v62 =	vmov s31;
	v51 =	vld [tilespmem:s15+$0xFFFFFF70];
	[tilespmem:v48+s19+$0x0] =	vst.idx.msk $0xffff, v5  }
0x2b3: {  	v17 =	vmovc v59;
	s29 =	simm.s32 $0xC;
	v57 =	vadd.s32 v56, v42;
	s31 =	simm.s32 $0xE;
	[tilespmem:v60+s19+$0x0] =	vst.idx.msk $0xffff, v63;
	v63 =	vmov s30;
	v60 =	vadd.s32 v59, v0;
	v59 =	vld [tilespmem:s15+$0xFFFFFD80]  }
0x2b4: {  	v12 =	vmovc v56;
	s26 =	simm.s32 $0xA;
	v56 =	vmov s29;
	v48 =	vmov s31;
	s30 =	simm.s32 $0xD;
	[tilespmem:v9+s19+$0x0] =	vst.idx.msk $0xffff, v8;
	v1 =	vshrl.u32 v63, $0x3;
	v55 =	vld [tilespmem:s15+$0xFFFFFC70]  }
0x2b5: {  	v13 =	vmovc v6;
	s25 =	simm.s32 $0x10;
	[tilespmem:v58+s19+$0x0] =	vst.idx.msk $0xffff, v3;
	v63 =	vmov s26;
	v47 =	vmov s30;
	v58 =	vld [tilespmem:s15+$0xFFFFFD00];
	s26 =	simm.s32 $0xF;
	v54 =	vshll.u32 v1, v10  }
.LBB2_11:
0x2b6: {  	_ =	sdelay $0x1  }
0x2b7: {  	v0 =	vshrl.u32 v62, $0x3;
	v2 =	vmov s26;
	v3 =	vld [tilespmem:s15+$0xFFFFFE00];
	v4 =	vadd.s32 v25, v44;
	[tilespmem:v50+s19+$0x0] =	vst.idx.msk $0xffff, v49  }
0x2b8: {  	v5 =	vshrl.u32 v63, $0x3;
	v7 =	vld [tilespmem:s15+$0xFFFFFE80];
	v8 =	vadd.s32 v16, v43;
	v2 =	vshrl.u32 v2, $0x3;
	[tilespmem:v52+s19+$0x0] =	vst.idx.msk $0xffff, v51  }
0x2b9: {  	v9 =	vshrl.u32 v53, $0x3;
	v46 =	vadd.s32 v15, v46;
	v2 =	vshll.u32 v2, v10;
	[tilespmem:v57+s19+$0x0] =	vst.idx.msk $0xffff, v55;
	v43 =	vld [tilespmem:s15+$0xFFFFFF00]  }
0x2ba: {  	v45 =	vadd.s32 v14, v45;
	v62 =	vadd.s32 v13, v42;
	v2 =	vbroadcast v2, $0x0;
	[tilespmem:v60+s19+$0x0] =	vst.idx.msk $0xffff, v58;
	v60 =	vld [tilespmem:s15+$0xFFFFFF80]  }
0x2bb: {  	v42 =	vbroadcast v54, $0x0;
	v0 =	vshll.u32 v0, v10;
	v5 =	vshll.u32 v5, v10;
	[tilespmem:v61+s19+$0x0] =	vst.idx.msk $0xffff, v59;
	v51 =	vld [tilespmem:s15+$0xFFFFFC80];
	s15 =	sadd.s32 $0x400, s15  }
0x2bc: {  	v9 =	vshll.u32 v9, v10;
	v0 =	vbroadcast v0, $0x0;
	v54 =	vadd.s32 v38, v2;
	[tilespmem:v4+s19+$0x0] =	vst.idx.msk $0xffff, v3;
	v53 =	vld [tilespmem:s15+$0xFFFFFFD0]  }
0x2bd: {  	v1 =	vadd.s32 v11, v42;
	v5 =	vbroadcast v5, $0x0;
	v57 =	vshrl.u32 v56, $0x3;
	[tilespmem:v8+s19+$0x0] =	vst.idx.msk $0xffff, v7;
	v63 =	vld [tilespmem:s15+$0xFFFFFC50]  }
0x2be: {  	v44 =	vbroadcast v9, $0x0;
	v8 =	vadd.s32 v37, v0;
	v9 =	vshll.u32 v57, v10;
	v7 =	vld [tilespmem:s15+$0xFFFFFCD0];
	[tilespmem:v46+s19+$0x0] =	vst.idx.msk $0xffff, v43  }
0x2bf: {  	v58 =	vadd.s32 v18, v5;
	v57 =	vld [tilespmem:s15+$0xFFFFFD50];
	v43 =	vbroadcast v9, $0x0;
	[tilespmem:v45+s19+$0x0] =	vst.idx.msk $0xffff, v60  }
0x2c0: {  	v59 =	vadd.s32 v22, v44;
	v9 =	vshrl.u32 v47, $0x3;
	v47 =	vld [tilespmem:s15+$0xFFFFFDD0];
	[tilespmem:v62+s19+$0x0] =	vst.idx.msk $0xffff, v51  }
0x2c1: {  	v61 =	vld [tilespmem:s15+$0xFFFFFE50];
	[tilespmem:v54+s19+$0x0] =	vst.idx.msk $0xffff, v53;
	v62 =	vadd.s32 v26, v43  }
0x2c2: {  	v60 =	vshrl.u32 v48, $0x3;
	v9 =	vshll.u32 v9, v10;
	[tilespmem:v1+s19+$0x0] =	vst.idx.msk $0xffff, v63;
	v63 =	vadd.s32 v39, v2;
	v3 =	vld [tilespmem:s15+$0xFFFFFFE0]  }
0x2c3: {  	[tilespmem:v8+s19+$0x0] =	vst.idx.msk $0xffff, v7;
	v1 =	vld [tilespmem:s15+$0xFFFFFED0];
	v46 =	vbroadcast v9, $0x0;
	v9 =	vshll.u32 v60, v10  }
0x2c4: {  	[tilespmem:v58+s19+$0x0] =	vst.idx.msk $0xffff, v57;
	v58 =	vadd.s32 v33, v0;
	v57 =	vld [tilespmem:s15+$0xFFFFFCE0];
	v45 =	vbroadcast v9, $0x0  }
0x2c5: {  	v9 =	vld [tilespmem:s15+$0xFFFFFF50];
	v8 =	vadd.s32 v30, v46;
	[tilespmem:v59+s19+$0x0] =	vst.idx.msk $0xffff, v47  }
0x2c6: {  	v56 =	vadd.s32 v34, v45;
	v59 =	vld [tilespmem:s15+$0xFFFFFD60];
	[tilespmem:v62+s19+$0x0] =	vst.idx.msk $0xffff, v61  }
0x2c7: {  	v60 =	vadd.s32 v19, v5;
	v61 =	vld [tilespmem:s15+$0xFFFFFDE0];
	[tilespmem:v63+s19+$0x0] =	vst.idx.msk $0xffff, v3  }
0x2c8: {  	v62 =	vadd.s32 v23, v44;
	v3 =	vld [tilespmem:s15+$0xFFFFFFF0]  }
0x2c9: {  	v4 =	vadd.s32 v40, v2;
	[tilespmem:v58+s19+$0x0] =	vst.idx.msk $0xffff, v57;
	v63 =	vld [tilespmem:s15+$0xFFFFFE60]  }
0x2ca: {  	[tilespmem:v8+s19+$0x0] =	vst.idx.msk $0xffff, v1;
	v8 =	vadd.s32 v27, v43;
	v1 =	vld [tilespmem:$0x1FF90]  }
0x2cb: {  	[tilespmem:v56+s19+$0x0] =	vst.idx.msk $0xffff, v9;
	v9 =	vld [tilespmem:s15+$0xFFFFFEE0];
	v56 =	vadd.s32 v31, v46  }
0x2cc: {  	v58 =	vadd.s32 v35, v45;
	[tilespmem:v60+s19+$0x0] =	vst.idx.msk $0xffff, v59;
	v57 =	vld [tilespmem:s15+$0xFFFFFF60]  }
0x2cd: {  	[tilespmem:v62+s19+$0x0] =	vst.idx.msk $0xffff, v61;
	v61 =	vld [tilespmem:s15+$0xFFFFFCF0];
	v62 =	vadd.s32 v29, v0  }
0x2ce: {  	v7 =	vadd.s32 v20, v5;
	[tilespmem:v4+s19+$0x0] =	vst.idx.msk $0xffff, v3;
	v4 =	vld [tilespmem:s15+$0xFFFFFD70]  }
0x2cf: {  	v59 =	vld [tilespmem:s15+$0xFFFFFC60];
	v60 =	vadd.s32 v1, v42;
	[tilespmem:v8+s19+$0x0] =	vst.idx.msk $0xffff, v63  }
0x2d0: {  	v2 =	vadd.s32 v41, v2;
	v3 =	vld [tilespmem:s15+$0x0];
	[tilespmem:v56+s19+$0x0] =	vst.idx.msk $0xffff, v9  }
0x2d1: {  	v8 =	vld [tilespmem:s15+$0xFFFFFDF0];
	v9 =	vadd.s32 v24, v44;
	[tilespmem:v58+s19+$0x0] =	vst.idx.msk $0xffff, v57  }
0x2d2: {  	p0 =	slt.u32 s25, $0x78;
	s28 =	sadd.s32 $0x3, s25;
	v6 =	vadd.s32 v28, v43;
	v1 =	vld [tilespmem:s15+$0xFFFFFE70];
	[tilespmem:v62+s19+$0x0] =	vst.idx.msk $0xffff, v61  }
.Ltmp7:
0x2d3: {  	v53 =	vmov s28;
	v63 =	vmov s25;
	v49 =	vld [tilespmem:s15+$0xFFFFFEF0];
	[tilespmem:v7+s19+$0x0] =	vst.idx.msk $0xffff, v4;
	(pc) =	sbr.rel @p0 .LBB2_11-.Ltmp7, $4  }
0x2d4: {  	s31 =	sadd.s32 $0x2, s25;
	s29 =	sadd.s32 $0x4, s25;
	v50 =	vadd.s32 v32, v46;
	v52 =	vadd.s32 v36, v45;
	v48 =	vshrl.u32 v63, $0x3;
	v51 =	vld [tilespmem:s15+$0xFFFFFF70];
	[tilespmem:v60+s19+$0x0] =	vst.idx.msk $0xffff, v59  }
0x2d5: {  	s30 =	sadd.s32 $0x1, s25;
	v63 =	vmov s31;
	v56 =	vmov s29;
	s31 =	sadd.s32 $0x6, s25;
	v57 =	vadd.s32 v12, v42;
	v58 =	vld [tilespmem:s15+$0xFFFFFD00];
	[tilespmem:v2+s19+$0x0] =	vst.idx.msk $0xffff, v3  }
0x2d6: {  	v54 =	vshll.u32 v48, v10;
	v48 =	vmov s31;
	v62 =	vmov s30;
	s30 =	sadd.s32 $0x5, s25;
	v59 =	vld [tilespmem:s15+$0xFFFFFD80];
	[tilespmem:v9+s19+$0x0] =	vst.idx.msk $0xffff, v8  }
0x2d7: {  	s26 =	sadd.s32 $0x7, s25;
	s25 =	sadd.s32 $0x8, s25;
	v61 =	vadd.s32 v21, v5;
	v47 =	vmov s30;
	v60 =	vadd.s32 v17, v0;
	v55 =	vld [tilespmem:s15+$0xFFFFFC70];
	[tilespmem:v6+s19+$0x0] =	vst.idx.msk $0xffff, v1  }
0x2d8: {  	_ =	sdelay $0x2  }
0x2d9: {  	v0 =	vshrl.u32 v62, $0x3;
	v1 =	vmov s26  }
0x2da: {  	v2 =	vld [tilespmem:s15+$0xFFFFFE00];
	v3 =	vadd.s32 v25, v44;
	[tilespmem:v50+s19+$0x0] =	vst.idx.msk $0xffff, v49;
	v4 =	vshrl.u32 v63, $0x3;
	v6 =	vadd.s32 v16, v43  }
0x2db: {  	v5 =	vld [tilespmem:s15+$0xFFFFFE80];
	v7 =	vshrl.u32 v53, $0x3;
	v9 =	vadd.s32 v15, v46;
	[tilespmem:v52+s19+$0x0] =	vst.idx.msk $0xffff, v51;
	v0 =	vshll.u32 v0, v10  }
0x2dc: {  	v1 =	vshrl.u32 v1, $0x3;
	v8 =	vld [tilespmem:s15+$0xFFFFFF00];
	v7 =	vshll.u32 v7, v10;
	[tilespmem:v60+s19+$0x0] =	vst.idx.msk $0xffff, v58;
	v0 =	vbroadcast v0, $0x0  }
0x2dd: {  	v45 =	vadd.s32 v14, v45;
	s26 =	sadd.s32 $0x400, s15;
	v1 =	vshll.u32 v1, v10;
	v63 =	vld [tilespmem:s15+$0xFFFFFF80];
	v7 =	vbroadcast v7, $0x0;
	[tilespmem:v61+s19+$0x0] =	vst.idx.msk $0xffff, v59  }
0x2de: {  	v1 =	vbroadcast v1, $0x0;
	[tilespmem:v57+s19+$0x0] =	vst.idx.msk $0xffff, v55;
	v57 =	vld [tilespmem:s26+$0xFFFFFCD0];
	v58 =	vadd.s32 v37, v0  }
0x2df: {  	v43 =	vshrl.u32 v56, $0x3;
	v46 =	vbroadcast v54, $0x0;
	v59 =	vld [tilespmem:s26+$0xFFFFFDD0];
	v60 =	vadd.s32 v22, v7;
	[tilespmem:v3+s19+$0x0] =	vst.idx.msk $0xffff, v2  }
0x2e0: {  	v47 =	vshrl.u32 v47, $0x3;
	v4 =	vshll.u32 v4, v10;
	v55 =	vld [tilespmem:s26+$0xFFFFFFD0];
	v56 =	vadd.s32 v38, v1;
	[tilespmem:v6+s19+$0x0] =	vst.idx.msk $0xffff, v5  }
0x2e1: {  	v43 =	vshll.u32 v43, v10;
	v4 =	vbroadcast v4, $0x0;
	v2 =	vld [tilespmem:s26+$0xFFFFFC50];
	v3 =	vadd.s32 v11, v46;
	[tilespmem:v9+s19+$0x0] =	vst.idx.msk $0xffff, v8  }
0x2e2: {  	v42 =	vadd.s32 v13, v42;
	v47 =	vshll.u32 v47, v10;
	v43 =	vbroadcast v43, $0x0;
	v54 =	vld [tilespmem:s15+$0xFFFFFC80];
	[tilespmem:v45+s19+$0x0] =	vst.idx.msk $0xffff, v63  }
0x2e3: {  	v47 =	vbroadcast v47, $0x0;
	v8 =	vld [tilespmem:s26+$0xFFFFFD50];
	v9 =	vadd.s32 v18, v4;
	[tilespmem:v58+s19+$0x0] =	vst.idx.msk $0xffff, v57  }
0x2e4: {  	v48 =	vshrl.u32 v48, $0x3;
	v61 =	vld [tilespmem:s26+$0xFFFFFE50];
	v63 =	vadd.s32 v26, v43;
	[tilespmem:v60+s19+$0x0] =	vst.idx.msk $0xffff, v59  }
0x2e5: {  	v48 =	vshll.u32 v48, v10;
	[tilespmem:v56+s19+$0x0] =	vst.idx.msk $0xffff, v55;
	v55 =	vld [tilespmem:s26+$0xFFFFFED0];
	v56 =	vadd.s32 v30, v47  }
0x2e6: {  	v58 =	vadd.s32 v33, v0;
	[tilespmem:v3+s19+$0x0] =	vst.idx.msk $0xffff, v2;
	v2 =	vbroadcast v48, $0x0;
	v57 =	vld [tilespmem:s26+$0xFFFFFCE0]  }
0x2e7: {  	[tilespmem:v42+s19+$0x0] =	vst.idx.msk $0xffff, v54;
	v54 =	vadd.s32 v39, v1;
	v3 =	vld [tilespmem:s26+$0xFFFFFFE0]  }
0x2e8: {  	[tilespmem:v9+s19+$0x0] =	vst.idx.msk $0xffff, v8;
	v8 =	vld [tilespmem:s26+$0xFFFFFF50];
	v9 =	vadd.s32 v34, v2  }
0x2e9: {  	v60 =	vadd.s32 v19, v4;
	v59 =	vld [tilespmem:s26+$0xFFFFFD60];
	[tilespmem:v63+s19+$0x0] =	vst.idx.msk $0xffff, v61  }
0x2ea: {  	[tilespmem:v56+s19+$0x0] =	vst.idx.msk $0xffff, v55  }
0x2eb: {  	[tilespmem:v58+s19+$0x0] =	vst.idx.msk $0xffff, v57  }
0x2ec: {  	v61 =	vld [tilespmem:s26+$0xFFFFFDE0];
	[tilespmem:v54+s19+$0x0] =	vst.idx.msk $0xffff, v3  }
0x2ed: {  	v63 =	vadd.s32 v23, v7;
	v55 =	vld [tilespmem:s26+$0xFFFFFE60];
	[tilespmem:v9+s19+$0x0] =	vst.idx.msk $0xffff, v8  }
0x2ee: {  	v56 =	vadd.s32 v27, v43;
	v3 =	vld [tilespmem:s26+$0xFFFFFFF0];
	[tilespmem:v60+s19+$0x0] =	vst.idx.msk $0xffff, v59  }
0x2ef: {  	v62 =	vmov v16;
	v54 =	vadd.s32 v40, v1;
	v16 =	vld [tilespmem:$0x1FF90]  }
0x2f0: {  	v8 =	vld [tilespmem:s26+$0xFFFFFEE0];
	v9 =	vadd.s32 v31, v47  }
0x2f1: {  	v58 =	vadd.s32 v35, v2;
	v57 =	vld [tilespmem:s26+$0xFFFFFF60]  }
0x2f2: {  	[tilespmem:v63+s19+$0x0] =	vst.idx.msk $0xffff, v61;
	v61 =	vld [tilespmem:s26+$0xFFFFFCF0];
	v63 =	vadd.s32 v29, v0  }
0x2f3: {  	v53 =	vadd.s32 v20, v4;
	v52 =	vld [tilespmem:s26+$0xFFFFFD70];
	[tilespmem:v56+s19+$0x0] =	vst.idx.msk $0xffff, v55  }
0x2f4: {  	v59 =	vld [tilespmem:s26+$0xFFFFFC60];
	[tilespmem:v54+s19+$0x0] =	vst.idx.msk $0xffff, v3;
	v60 =	vadd.s32 v16, v46  }
0x2f5: {  	v1 =	vadd.s32 v41, v1;
	[tilespmem:v9+s19+$0x0] =	vst.idx.msk $0xffff, v8;
	v3 =	vld [tilespmem:s26+$0x0]  }
0x2f6: {  	v8 =	vld [tilespmem:s26+$0xFFFFFDF0];
	v9 =	vadd.s32 v24, v7;
	[tilespmem:v58+s19+$0x0] =	vst.idx.msk $0xffff, v57  }
0x2f7: {  	v55 =	vadd.s32 v28, v43;
	v54 =	vld [tilespmem:s26+$0xFFFFFE70];
	[tilespmem:v63+s19+$0x0] =	vst.idx.msk $0xffff, v61  }
0x2f8: {  	v56 =	vld [tilespmem:s26+$0xFFFFFEF0];
	v57 =	vadd.s32 v32, v47;
	[tilespmem:v53+s19+$0x0] =	vst.idx.msk $0xffff, v52  }
0x2f9: {  	v58 =	vld [tilespmem:s26+$0xFFFFFF70];
	[tilespmem:v60+s19+$0x0] =	vst.idx.msk $0xffff, v59;
	v59 =	vadd.s32 v36, v2  }
0x2fa: {  	[tilespmem:v1+s19+$0x0] =	vst.idx.msk $0xffff, v3;
	v3 =	vadd.s32 v12, v46;
	v1 =	vld [tilespmem:s26+$0xFFFFFC70]  }
0x2fb: {  	v0 =	vadd.s32 v17, v0;
	[tilespmem:v9+s19+$0x0] =	vst.idx.msk $0xffff, v8;
	v60 =	vld [tilespmem:s26+$0xFFFFFD00]  }
0x2fc: {  	v4 =	vadd.s32 v21, v4;
	v6 =	vld [tilespmem:s26+$0xFFFFFD80];
	[tilespmem:v55+s19+$0x0] =	vst.idx.msk $0xffff, v54  }
0x2fd: {  	v7 =	vadd.s32 v25, v7;
	v8 =	vld [tilespmem:s26+$0xFFFFFE00];
	[tilespmem:v57+s19+$0x0] =	vst.idx.msk $0xffff, v56  }
0x2fe: {  	v61 =	vadd.s32 v62, v43;
	v9 =	vld [tilespmem:s26+$0xFFFFFE80];
	[tilespmem:v59+s19+$0x0] =	vst.idx.msk $0xffff, v58  }
0x2ff: {  	[tilespmem:v3+s19+$0x0] =	vst.idx.msk $0xffff, v1;
	v1 =	vld [tilespmem:s26+$0xFFFFFF00];
	v3 =	vadd.s32 v15, v47  }
0x300: {  	v2 =	vadd.s32 v14, v2;
	[tilespmem:v0+s19+$0x0] =	vst.idx.msk $0xffff, v60;
	v0 =	vld [tilespmem:s26+$0xFFFFFF80]  }
0x301: {  	v63 =	vadd.s32 v13, v46;
	[tilespmem:v4+s19+$0x0] =	vst.idx.msk $0xffff, v6;
	v62 =	vld [tilespmem:s26+$0xFFFFFC80]  }
0x302: {  	[tilespmem:v7+s19+$0x0] =	vst.idx.msk $0xffff, v8  }
0x303: {  	s28 =	sshll.u32 s24, $0x12;
	[tilespmem:v61+s19+$0x0] =	vst.idx.msk $0xffff, v9  }
0x304: {  	s15 =	sor.u32 s5, s28;
	[tilespmem:v3+s19+$0x0] =	vst.idx.msk $0xffff, v1  }
0x305: {  	s15 =	sshrl.u32 s15, $0x3;
	[tilespmem:v2+s19+$0x0] =	vst.idx.msk $0xffff, v0  }
0x306: {  	s24 =	sadd.s32 s3, s15;
	[tilespmem:v63+s19+$0x0] =	vst.idx.msk $0xffff, v62  }
0x307: {  	[hbm4b:s24+s4] =	stream.linear.scatter [tilespmem:s19], [sflag:$0x4], $0x80, $0x38;
	[tilespmem:$0x12A20] =	vst v63  }
0x308: {  	s29 =	simm.s32 $0x10688;
	s25 =	sadd.s32 $0x10, s24  }
0x309: {  	[hbm4b:s25+s4] =	stream.linear.scatter [tilespmem:s29], [sflag:$0x4], $0x80, $0x38;
	[tilespmem:$0x12A20] =	vst v63  }
0x30a: {  	s31 =	simm.s32 $0x10710;
	s30 =	sadd.s32 $0x20, s24  }
0x30b: {  	[hbm4b:s30+s4] =	stream.linear.scatter [tilespmem:s31], [sflag:$0x4], $0x80, $0x38;
	[tilespmem:$0x12A20] =	vst v63  }
0x30c: {  	s28 =	sadd.s32 $0x30, s24;
	s29 =	simm.s32 $0x10798  }
0x30d: {  	[hbm4b:s28+s4] =	stream.linear.scatter [tilespmem:s29], [sflag:$0x4], $0x80, $0x38;
	[tilespmem:$0x12A20] =	vst v63  }
0x30e: {  	s30 =	sadd.s32 $0x40, s24;
	s31 =	simm.s32 $0x10820  }
0x30f: {  	[hbm4b:s30+s4] =	stream.linear.scatter [tilespmem:s31], [sflag:$0x4], $0x80, $0x38;
	[tilespmem:$0x12A20] =	vst v63  }
0x310: {  	s26 =	sadd.s32 $0x50, s24;
	s28 =	simm.s32 $0x108A8  }
0x311: {  	[hbm4b:s26+s4] =	stream.linear.scatter [tilespmem:s28], [sflag:$0x4], $0x80, $0x38;
	[tilespmem:$0x12A20] =	vst v63  }
0x312: {  	s29 =	sadd.s32 $0x60, s24;
	s30 =	simm.s32 $0x10930  }
0x313: {  	[hbm4b:s29+s4] =	stream.linear.scatter [tilespmem:s30], [sflag:$0x4], $0x80, $0x38;
	[tilespmem:$0x12A20] =	vst v63  }
0x314: {  	s24 =	sadd.s32 $0x70, s24;
	s31 =	simm.s32 $0x109B8  }
0x315: {  	[hbm4b:s24+s4] =	stream.linear.scatter [tilespmem:s31], [sflag:$0x4], $0x80, $0x38;
	[tilespmem:$0x12A20] =	vst v63  }
0x316: {  	s26 =	simm.s32 $0x10A40;
	s24 =	sadd.s32 s15, s6  }
0x317: {  	[hbm4b:s24+s4] =	stream.linear.scatter [tilespmem:s26], [sflag:$0x4], $0x80, $0x38;
	[tilespmem:$0x12A20] =	vst v63  }
0x318: {  	s29 =	simm.s32 $0x10AC8;
	s28 =	sadd.s32 $0x10, s24  }
0x319: {  	[hbm4b:s28+s4] =	stream.linear.scatter [tilespmem:s29], [sflag:$0x4], $0x80, $0x38;
	[tilespmem:$0x12A20] =	vst v63  }
0x31a: {  	s31 =	simm.s32 $0x10B50;
	s30 =	sadd.s32 $0x20, s24  }
0x31b: {  	[hbm4b:s30+s4] =	stream.linear.scatter [tilespmem:s31], [sflag:$0x4], $0x80, $0x38;
	[tilespmem:$0x12A20] =	vst v63  }
0x31c: {  	s28 =	sadd.s32 $0x30, s24;
	s29 =	simm.s32 $0x10BD8  }
0x31d: {  	[hbm4b:s28+s4] =	stream.linear.scatter [tilespmem:s29], [sflag:$0x4], $0x80, $0x38;
	[tilespmem:$0x12A20] =	vst v63  }
0x31e: {  	s30 =	sadd.s32 $0x40, s24;
	s31 =	simm.s32 $0x10C60  }
0x31f: {  	[hbm4b:s30+s4] =	stream.linear.scatter [tilespmem:s31], [sflag:$0x4], $0x80, $0x38;
	[tilespmem:$0x12A20] =	vst v63  }
0x320: {  	s26 =	sadd.s32 $0x50, s24;
	s28 =	simm.s32 $0x10CE8  }
0x321: {  	[hbm4b:s26+s4] =	stream.linear.scatter [tilespmem:s28], [sflag:$0x4], $0x80, $0x38;
	[tilespmem:$0x12A20] =	vst v63  }
0x322: {  	s29 =	sadd.s32 $0x60, s24;
	s30 =	simm.s32 $0x10D70  }
0x323: {  	[hbm4b:s29+s4] =	stream.linear.scatter [tilespmem:s30], [sflag:$0x4], $0x80, $0x38;
	[tilespmem:$0x12A20] =	vst v63  }
0x324: {  	s24 =	sadd.s32 $0x70, s24;
	s31 =	simm.s32 $0x10DF8  }
0x325: {  	[hbm4b:s24+s4] =	stream.linear.scatter [tilespmem:s31], [sflag:$0x4], $0x80, $0x38;
	[tilespmem:$0x12A20] =	vst v63  }
0x326: {  	s26 =	simm.s32 $0x10E80;
	s24 =	sadd.s32 s15, s8  }
0x327: {  	[hbm4b:s24+s4] =	stream.linear.scatter [tilespmem:s26], [sflag:$0x4], $0x80, $0x38;
	[tilespmem:$0x12A20] =	vst v63  }
0x328: {  	s29 =	simm.s32 $0x10F08;
	s28 =	sadd.s32 $0x10, s24  }
0x329: {  	[hbm4b:s28+s4] =	stream.linear.scatter [tilespmem:s29], [sflag:$0x4], $0x80, $0x38;
	[tilespmem:$0x12A20] =	vst v63  }
0x32a: {  	s31 =	simm.s32 $0x10F90;
	s30 =	sadd.s32 $0x20, s24  }
0x32b: {  	[hbm4b:s30+s4] =	stream.linear.scatter [tilespmem:s31], [sflag:$0x4], $0x80, $0x38;
	[tilespmem:$0x12A20] =	vst v63  }
0x32c: {  	s28 =	sadd.s32 $0x30, s24;
	s29 =	simm.s32 $0x11018  }
0x32d: {  	[hbm4b:s28+s4] =	stream.linear.scatter [tilespmem:s29], [sflag:$0x4], $0x80, $0x38;
	[tilespmem:$0x12A20] =	vst v63  }
0x32e: {  	s30 =	sadd.s32 $0x40, s24;
	s31 =	simm.s32 $0x110A0  }
0x32f: {  	[hbm4b:s30+s4] =	stream.linear.scatter [tilespmem:s31], [sflag:$0x4], $0x80, $0x38;
	[tilespmem:$0x12A20] =	vst v63  }
0x330: {  	s26 =	sadd.s32 $0x50, s24;
	s28 =	simm.s32 $0x11128  }
0x331: {  	[hbm4b:s26+s4] =	stream.linear.scatter [tilespmem:s28], [sflag:$0x4], $0x80, $0x38;
	[tilespmem:$0x12A20] =	vst v63  }
0x332: {  	s29 =	sadd.s32 $0x60, s24;
	s30 =	simm.s32 $0x111B0  }
0x333: {  	[hbm4b:s29+s4] =	stream.linear.scatter [tilespmem:s30], [sflag:$0x4], $0x80, $0x38;
	[tilespmem:$0x12A20] =	vst v63  }
0x334: {  	s24 =	sadd.s32 $0x70, s24;
	s31 =	simm.s32 $0x11238  }
0x335: {  	[hbm4b:s24+s4] =	stream.linear.scatter [tilespmem:s31], [sflag:$0x4], $0x80, $0x38;
	[tilespmem:$0x12A20] =	vst v63  }
0x336: {  	s26 =	simm.s32 $0x112C0;
	s24 =	sadd.s32 s15, s9  }
0x337: {  	[hbm4b:s24+s4] =	stream.linear.scatter [tilespmem:s26], [sflag:$0x4], $0x80, $0x38;
	[tilespmem:$0x12A20] =	vst v63  }
0x338: {  	s29 =	simm.s32 $0x11348;
	s28 =	sadd.s32 $0x10, s24  }
0x339: {  	[hbm4b:s28+s4] =	stream.linear.scatter [tilespmem:s29], [sflag:$0x4], $0x80, $0x38;
	[tilespmem:$0x12A20] =	vst v63  }
0x33a: {  	s31 =	simm.s32 $0x113D0;
	s30 =	sadd.s32 $0x20, s24  }
0x33b: {  	[hbm4b:s30+s4] =	stream.linear.scatter [tilespmem:s31], [sflag:$0x4], $0x80, $0x38;
	[tilespmem:$0x12A20] =	vst v63  }
0x33c: {  	s28 =	sadd.s32 $0x30, s24;
	s29 =	simm.s32 $0x11458  }
0x33d: {  	[hbm4b:s28+s4] =	stream.linear.scatter [tilespmem:s29], [sflag:$0x4], $0x80, $0x38;
	[tilespmem:$0x12A20] =	vst v63  }
0x33e: {  	s30 =	sadd.s32 $0x40, s24;
	s31 =	simm.s32 $0x114E0  }
0x33f: {  	[hbm4b:s30+s4] =	stream.linear.scatter [tilespmem:s31], [sflag:$0x4], $0x80, $0x38;
	[tilespmem:$0x12A20] =	vst v63  }
0x340: {  	s26 =	sadd.s32 $0x50, s24;
	s28 =	simm.s32 $0x11568  }
0x341: {  	[hbm4b:s26+s4] =	stream.linear.scatter [tilespmem:s28], [sflag:$0x4], $0x80, $0x38;
	[tilespmem:$0x12A20] =	vst v63  }
0x342: {  	s29 =	sadd.s32 $0x60, s24;
	s30 =	simm.s32 $0x115F0  }
0x343: {  	[hbm4b:s29+s4] =	stream.linear.scatter [tilespmem:s30], [sflag:$0x4], $0x80, $0x38;
	[tilespmem:$0x12A20] =	vst v63  }
0x344: {  	s24 =	sadd.s32 $0x70, s24;
	s31 =	simm.s32 $0x11678  }
0x345: {  	[hbm4b:s24+s4] =	stream.linear.scatter [tilespmem:s31], [sflag:$0x4], $0x80, $0x38;
	[tilespmem:$0x12A20] =	vst v63  }
0x346: {  	s26 =	simm.s32 $0x11700;
	s24 =	sadd.s32 s15, s10  }
0x347: {  	[hbm4b:s24+s4] =	stream.linear.scatter [tilespmem:s26], [sflag:$0x4], $0x80, $0x38;
	[tilespmem:$0x12A20] =	vst v63  }
0x348: {  	s29 =	simm.s32 $0x11788;
	s28 =	sadd.s32 $0x10, s24  }
0x349: {  	[hbm4b:s28+s4] =	stream.linear.scatter [tilespmem:s29], [sflag:$0x4], $0x80, $0x38;
	[tilespmem:$0x12A20] =	vst v63  }
0x34a: {  	s31 =	simm.s32 $0x11810;
	s30 =	sadd.s32 $0x20, s24  }
0x34b: {  	[hbm4b:s30+s4] =	stream.linear.scatter [tilespmem:s31], [sflag:$0x4], $0x80, $0x38;
	[tilespmem:$0x12A20] =	vst v63  }
0x34c: {  	s28 =	sadd.s32 $0x30, s24;
	s29 =	simm.s32 $0x11898  }
0x34d: {  	[hbm4b:s28+s4] =	stream.linear.scatter [tilespmem:s29], [sflag:$0x4], $0x80, $0x38;
	[tilespmem:$0x12A20] =	vst v63  }
0x34e: {  	s30 =	sadd.s32 $0x40, s24;
	s31 =	simm.s32 $0x11920  }
0x34f: {  	[hbm4b:s30+s4] =	stream.linear.scatter [tilespmem:s31], [sflag:$0x4], $0x80, $0x38;
	[tilespmem:$0x12A20] =	vst v63  }
0x350: {  	s26 =	sadd.s32 $0x50, s24;
	s28 =	simm.s32 $0x119A8  }
0x351: {  	[hbm4b:s26+s4] =	stream.linear.scatter [tilespmem:s28], [sflag:$0x4], $0x80, $0x38;
	[tilespmem:$0x12A20] =	vst v63  }
0x352: {  	s29 =	sadd.s32 $0x60, s24;
	s30 =	simm.s32 $0x11A30  }
0x353: {  	[hbm4b:s29+s4] =	stream.linear.scatter [tilespmem:s30], [sflag:$0x4], $0x80, $0x38;
	[tilespmem:$0x12A20] =	vst v63  }
0x354: {  	s24 =	sadd.s32 $0x70, s24;
	s31 =	simm.s32 $0x11AB8  }
0x355: {  	[hbm4b:s24+s4] =	stream.linear.scatter [tilespmem:s31], [sflag:$0x4], $0x80, $0x38;
	[tilespmem:$0x12A20] =	vst v63  }
0x356: {  	s26 =	simm.s32 $0x11B40;
	s24 =	sadd.s32 s15, s11  }
0x357: {  	[hbm4b:s24+s4] =	stream.linear.scatter [tilespmem:s26], [sflag:$0x4], $0x80, $0x38;
	[tilespmem:$0x12A20] =	vst v63  }
0x358: {  	s29 =	simm.s32 $0x11BC8;
	s28 =	sadd.s32 $0x10, s24  }
0x359: {  	[hbm4b:s28+s4] =	stream.linear.scatter [tilespmem:s29], [sflag:$0x4], $0x80, $0x38;
	[tilespmem:$0x12A20] =	vst v63  }
0x35a: {  	s31 =	simm.s32 $0x11C50;
	s30 =	sadd.s32 $0x20, s24  }
0x35b: {  	[hbm4b:s30+s4] =	stream.linear.scatter [tilespmem:s31], [sflag:$0x4], $0x80, $0x38;
	[tilespmem:$0x12A20] =	vst v63  }
0x35c: {  	s28 =	sadd.s32 $0x30, s24;
	s29 =	simm.s32 $0x11CD8  }
0x35d: {  	[hbm4b:s28+s4] =	stream.linear.scatter [tilespmem:s29], [sflag:$0x4], $0x80, $0x38;
	[tilespmem:$0x12A20] =	vst v63  }
0x35e: {  	s30 =	sadd.s32 $0x40, s24;
	s31 =	simm.s32 $0x11D60  }
0x35f: {  	[hbm4b:s30+s4] =	stream.linear.scatter [tilespmem:s31], [sflag:$0x4], $0x80, $0x38;
	[tilespmem:$0x12A20] =	vst v63  }
0x360: {  	s26 =	sadd.s32 $0x50, s24;
	s28 =	simm.s32 $0x11DE8  }
0x361: {  	[hbm4b:s26+s4] =	stream.linear.scatter [tilespmem:s28], [sflag:$0x4], $0x80, $0x38;
	[tilespmem:$0x12A20] =	vst v63  }
0x362: {  	s29 =	sadd.s32 $0x60, s24;
	s30 =	simm.s32 $0x11E70  }
0x363: {  	[hbm4b:s29+s4] =	stream.linear.scatter [tilespmem:s30], [sflag:$0x4], $0x80, $0x38;
	[tilespmem:$0x12A20] =	vst v63  }
0x364: {  	s24 =	sadd.s32 $0x70, s24;
	s31 =	simm.s32 $0x11EF8  }
0x365: {  	[hbm4b:s24+s4] =	stream.linear.scatter [tilespmem:s31], [sflag:$0x4], $0x80, $0x38;
	[tilespmem:$0x12A20] =	vst v63  }
0x366: {  	s26 =	simm.s32 $0x11F80;
	s24 =	sadd.s32 s15, s12  }
0x367: {  	[hbm4b:s24+s4] =	stream.linear.scatter [tilespmem:s26], [sflag:$0x4], $0x80, $0x38;
	[tilespmem:$0x12A20] =	vst v63  }
0x368: {  	s29 =	simm.s32 $0x12008;
	s28 =	sadd.s32 $0x10, s24  }
0x369: {  	[hbm4b:s28+s4] =	stream.linear.scatter [tilespmem:s29], [sflag:$0x4], $0x80, $0x38;
	[tilespmem:$0x12A20] =	vst v63  }
0x36a: {  	s31 =	simm.s32 $0x12090;
	s30 =	sadd.s32 $0x20, s24  }
0x36b: {  	[hbm4b:s30+s4] =	stream.linear.scatter [tilespmem:s31], [sflag:$0x4], $0x80, $0x38;
	[tilespmem:$0x12A20] =	vst v63  }
0x36c: {  	s28 =	sadd.s32 $0x30, s24;
	s29 =	simm.s32 $0x12118  }
0x36d: {  	[hbm4b:s28+s4] =	stream.linear.scatter [tilespmem:s29], [sflag:$0x4], $0x80, $0x38;
	[tilespmem:$0x12A20] =	vst v63  }
0x36e: {  	s30 =	sadd.s32 $0x40, s24;
	s31 =	simm.s32 $0x121A0  }
0x36f: {  	[hbm4b:s30+s4] =	stream.linear.scatter [tilespmem:s31], [sflag:$0x4], $0x80, $0x38;
	[tilespmem:$0x12A20] =	vst v63  }
0x370: {  	s28 =	sadd.s32 $0x50, s24;
	s29 =	simm.s32 $0x12228  }
0x371: {  	[hbm4b:s28+s4] =	stream.linear.scatter [tilespmem:s29], [sflag:$0x4], $0x80, $0x38;
	[tilespmem:$0x12A20] =	vst v63  }
0x372: {  	s30 =	sadd.s32 $0x60, s24;
	s31 =	simm.s32 $0x122B0  }
0x373: {  	[hbm4b:s30+s4] =	stream.linear.scatter [tilespmem:s31], [sflag:$0x4], $0x80, $0x38;
	[tilespmem:$0x12A20] =	vst v63  }
0x374: {  	s24 =	sadd.s32 $0x70, s24;
	s28 =	simm.s32 $0x12338  }
0x375: {  	[hbm4b:s24+s4] =	stream.linear.scatter [tilespmem:s28], [sflag:$0x4], $0x80, $0x38;
	[tilespmem:$0x12A20] =	vst v63  }
0x376: {  	s15 =	sadd.s32 s15, s13;
	s29 =	simm.s32 $0x123C0  }
0x377: {  	[hbm4b:s15+s4] =	stream.linear.scatter [tilespmem:s29], [sflag:$0x4], $0x80, $0x38;
	[tilespmem:$0x12A20] =	vst v63  }
0x378: {  	s30 =	sadd.s32 $0x10, s15;
	s31 =	simm.s32 $0x12448  }
0x379: {  	[hbm4b:s30+s4] =	stream.linear.scatter [tilespmem:s31], [sflag:$0x4], $0x80, $0x38;
	[tilespmem:$0x12A20] =	vst v63  }
0x37a: {  	s26 =	sadd.s32 $0x20, s15  }
0x37b: {  	[hbm4b:s26+s4] =	stream.linear.scatter [tilespmem:s0], [sflag:$0x4], $0x80, $0x38;
	[tilespmem:$0x12A20] =	vst v63  }
0x37c: {  	s28 =	sadd.s32 $0x30, s15  }
0x37d: {  	[hbm4b:s28+s4] =	stream.linear.scatter [tilespmem:s1], [sflag:$0x4], $0x80, $0x38;
	[tilespmem:$0x12A20] =	vst v63  }
0x37e: {  	s23 =	sadd.s32 $0x1, s23;
	s29 =	sadd.s32 $0x40, s15  }
0x37f: {  	[hbm4b:s29+s4] =	stream.linear.scatter [tilespmem:s7], [sflag:$0x4], $0x80, $0x38;
	[tilespmem:$0x12A20] =	vst v63  }
0x380: {  	p0 =	sne.s32 s23, $0x64;
	s30 =	sadd.s32 $0x50, s15  }
0x381: {  	[hbm4b:s30+s4] =	stream.linear.scatter [tilespmem:s20], [sflag:$0x4], $0x80, $0x38;
	[tilespmem:$0x12A20] =	vst v63  }
.Ltmp8:
0x382: {  	_ = 	snop;
	(pc) =	sbr.rel @p0 .LBB2_2-.Ltmp8, $4  }
0x383: {  	s31 =	sadd.s32 $0x60, s15  }
0x384: {  	[hbm4b:s31+s4] =	stream.linear.scatter [tilespmem:s21], [sflag:$0x4], $0x80, $0x38;
	[tilespmem:$0x12A20] =	vst v63  }
0x385: {  	s15 =	sadd.s32 $0x70, s15  }
0x386: {  	v13 =	vimm.s32 $0x0;
	v1 =	vlaneseq.u32;
	v2 =	vld [tilespmem:$0x1FFF0];
	[hbm4b:s15+s4] =	stream.linear.scatter [tilespmem:s22], [sflag:$0x4], $0x80, $0x38  }
0x387: {  	s15 =	simm.s32 $0x3  }
0x388: {  	_ =	swait.ge [sflag:s15], $0x400  }
0x389: {  	[sflag:s15] =	ssyncset.done $0x0  }
0x38a: {  	[sflag:s15] =	ssyncadd.s32 $0xFFFFFC00  }
0x38b: {  	_ =	swait.ge [sflag:s15], $0x400  }
0x38c: {  	[sflag:s15] =	ssyncset.done $0x0  }
0x38d: {  	[sflag:s15] =	ssyncadd.s32 $0xFFFFFC00  }
0x38e: {  	_ =	swait.ge [sflag:s15], $0x400  }
0x38f: {  	[sflag:s15] =	ssyncset.done $0x0  }
0x390: {  	[sflag:s15] =	ssyncadd.s32 $0xFFFFFC00  }
0x391: {  	_ =	swait.ge [sflag:s15], $0x400  }
0x392: {  	[sflag:s15] =	ssyncset.done $0x0  }
0x393: {  	[sflag:s15] =	ssyncadd.s32 $0xFFFFFC00  }
0x394: {  	_ =	swait.ge [sflag:s15], $0x400  }
0x395: {  	[sflag:s15] =	ssyncset.done $0x0  }
0x396: {  	[sflag:s15] =	ssyncadd.s32 $0xFFFFFC00  }
0x397: {  	_ =	swait.ge [sflag:s15], $0x400  }
0x398: {  	[sflag:s15] =	ssyncset.done $0x0  }
0x399: {  	[sflag:s15] =	ssyncadd.s32 $0xFFFFFC00  }
0x39a: {  	_ =	swait.ge [sflag:s15], $0x400  }
0x39b: {  	[sflag:s15] =	ssyncset.done $0x0  }
0x39c: {  	[sflag:s15] =	ssyncadd.s32 $0xFFFFFC00  }
0x39d: {  	_ =	swait.ge [sflag:s15], $0x400  }
0x39e: {  	[sflag:s15] =	ssyncset.done $0x0  }
0x39f: {  	s23 =	simm.s32 $0x4;
	[sflag:s15] =	ssyncadd.s32 $0xFFFFFC00  }
0x3a0: {  	_ =	swait.ge [sflag:s23], $0x400  }
0x3a1: {  	[sflag:s23] =	ssyncset.done $0x0  }
0x3a2: {  	[sflag:s23] =	ssyncadd.s32 $0xFFFFFC00  }
0x3a3: {  	_ =	swait.ge [sflag:s23], $0x400  }
0x3a4: {  	[sflag:s23] =	ssyncset.done $0x0  }
0x3a5: {  	[sflag:s23] =	ssyncadd.s32 $0xFFFFFC00  }
0x3a6: {  	_ =	swait.ge [sflag:s23], $0x400  }
0x3a7: {  	[sflag:s23] =	ssyncset.done $0x0  }
0x3a8: {  	[sflag:s23] =	ssyncadd.s32 $0xFFFFFC00  }
0x3a9: {  	_ =	swait.ge [sflag:s23], $0x400  }
0x3aa: {  	[sflag:s23] =	ssyncset.done $0x0  }
0x3ab: {  	[sflag:s23] =	ssyncadd.s32 $0xFFFFFC00  }
0x3ac: {  	_ =	swait.ge [sflag:s23], $0x400  }
0x3ad: {  	[sflag:s23] =	ssyncset.done $0x0  }
0x3ae: {  	[sflag:s23] =	ssyncadd.s32 $0xFFFFFC00  }
0x3af: {  	_ =	swait.ge [sflag:s23], $0x400  }
0x3b0: {  	[sflag:s23] =	ssyncset.done $0x0  }
0x3b1: {  	[sflag:s23] =	ssyncadd.s32 $0xFFFFFC00  }
0x3b2: {  	_ =	swait.ge [sflag:s23], $0x400  }
0x3b3: {  	[sflag:s23] =	ssyncset.done $0x0  }
0x3b4: {  	[sflag:s23] =	ssyncadd.s32 $0xFFFFFC00  }
0x3b5: {  	_ =	swait.ge [sflag:s23], $0x400  }
0x3b6: {  	s24 =	sld [smem:$0x7FD];
	_ =	sdelay $0x2  }
0x3b7: {  	s31 =	rddreg [dreg:$0x18];
	s24 =	sadd.s32 $0x1, s24  }
0x3b8: {  	p0 =	sne.s32 s24, s31  }
.Ltmp9:
0x3b9: {  	_ = 	snop;
	(pc) =	sbr.rel @p0 .LBB2_1-.Ltmp9, $3  }
0x3ba: {  	_ =	sdelay $0x1  }
0x3bb: {  	[sflag:s23] =	ssyncset.done $0x0  }
0x3bc: {  	[sflag:s23] =	ssyncadd.s32 $0xFFFFFC00  }
0x3bd: {  	_ =	sfence.sel $0x180000  }
0x3be: {  	[bflag:$0x0] =	sbarrier.arrive $0xFFFF  }
0x3bf: {  	_ =	strace $0x90000047  }
0x3c0: {  	s0 =	stileid.u32;
	[bflag:$0x2] =	sbarrier.arrive $0xFFFF  }
0x3c1: {  	p0 =	sne.s32 s0, $0x0;
	s0 =	rddreg [dreg:$0x4]  }
0x3c2: {  	s0 =	sadd.s32 @!p0 $0x100000, s0  }
0x3c3: {  	[sflag:s0] =	ssyncadd.tile.s32 @!p0 $0x1;
	_ =	shalt  }
.Lfunc_end2:
_tile_overlayer_lowered:
.L_overlay_start_2:
0x3c4: {  	(tag) =	ssettag $0x2  }
0x3c5: {  	s0 =	rddreg [dreg:$0x0];
	s2 =	stileid.u32  }
0x3c6: {  	s1 =	rddreg [dreg:$0x1];
	p0 =	sne.s32 s2, $0x0  }
0x3c7: {  	s3 =	rddreg [dreg:$0x2];
	[bflag:$0x3] =	sbarrier.arrive $0xFFFF;
	s2 =	simm.s32 @!p0 $0x1C05  }
0x3c8: {  	[timem:s3], [sflag:s2] =	dma.local @!p0 [hbm:s0], s1  }
0x3c9: {  	s0 =	simm.s32 @!p0 $0x5  }
0x3ca: {  	_ =	swait.ge @!p0 [sflag:s0], s1  }
0x3cb: {  	s1 =	ssub.s32 @!p0 $0x0, s1;
	[sflag:s0] =	ssyncset.done @!p0 $0x0  }
0x3cc: {  	[sflag:s0] =	ssyncadd.s32 @!p0 s1  }
0x3cd: {  	[bflag:$0x3] =	sbarrier.arrive $0xFFFF  }
0x3ce: {  	_ =	shalt  }

</sc_bundles>
